<compile_context>
chip_gen: v7x
topology: tpu7x:2x2x1
jax: 0.10.2.dev20260603
libtpu: 0.0.44.dev20260713+nightly
codegen_flags: <defaults>
</compile_context>

<pallas_src>
import functools

import jax
import jax.numpy as jnp
from jax import lax
from jax.experimental import pallas as pl
from jax.experimental.pallas import tpu as pltpu
from jax.experimental.pallas import tpu_sc as plsc

_EPS = 0.1


def _sc_body(nw, n, c, bt, k, tt_ref, tgt_ref, lp_ref,
             mult_ref, lpt_ref, y_v, m_v, t_v, fi_v, g_v, sem):
    wid = lax.axis_index("s") * 2 + lax.axis_index("c")
    hist_per_w = n * c // nw
    rows_per_w = bt // nw

    pltpu.sync_copy(tt_ref.at[pl.ds(wid * hist_per_w, hist_per_w)], y_v)
    zeros16 = jnp.zeros((16,), jnp.float32)
    ones16 = jnp.ones((16,), jnp.float32)
    for j in range(hist_per_w // 16):
        m_v[pl.ds(j * 16, 16)] = zeros16
    for j in range(hist_per_w // 16):
        row_off = (j * 16 // c) * c
        idx = y_v[pl.ds(j * 16, 16)] + row_off
        plsc.addupdate_scatter(m_v, [idx], ones16)
    pltpu.sync_copy(m_v, mult_ref.at[pl.ds(wid * hist_per_w, hist_per_w)])

    base = wid * rows_per_w
    pltpu.sync_copy(tgt_ref.at[pl.ds(base, rows_per_w)], t_v)
    iota16 = lax.iota(jnp.int32, 16)
    for j in range(rows_per_w // 16):
        t16 = t_v[pl.ds(j * 16, 16)]
        fi_v[pl.ds(j * 16, 16)] = t16 + (base + j * 16 + iota16) * k
    pltpu.async_copy(lp_ref.at[fi_v], g_v, sem).wait()
    pltpu.sync_copy(g_v, lpt_ref.at[pl.ds(base, rows_per_w)])


def _tc_body(msk_ref, lpt_ref, lp_ref, tp_ref, mult_ref, ce_ref, mg_ref, *, k):
    @pl.when(pl.program_id(0) == 0)
    def _init():
        ce_ref[...] = jnp.zeros((1, 1), jnp.float32)
        mg_ref[...] = jnp.zeros((1, 1), jnp.float32)

    rowsum = jnp.sum(lp_ref[...], axis=1, keepdims=True)
    term = (1.0 - _EPS) * lpt_ref[...] + (_EPS / k) * rowsum
    ce_ref[...] += jnp.sum(term * msk_ref[...], axis=(0, 1), keepdims=True)

    x = tp_ref[...]
    mult = mult_ref[...]
    u = jnp.where(mult > 0, jnp.float32(-1e30), 1.0 + x)
    rp, c = x.shape
    L = 128
    nc = c // L
    x3 = x.reshape(rp, nc, L).transpose(1, 0, 2)
    u3 = u.reshape(rp, nc, L).transpose(1, 0, 2)
    m3 = mult.reshape(rp, nc, L).transpose(1, 0, 2)
    acc = jnp.zeros((nc, rp, L), jnp.float32)
    for r in range(L):
        uk = jnp.roll(u3, r, axis=2) if r else u3
        for j in range(nc):
            acc = acc + jnp.maximum(uk[j:j + 1] - x3, 0.0)
    mg_ref[...] += jnp.sum(
        acc * m3, axis=(0, 1, 2), keepdims=True
    ).reshape(1, 1)


def _sc_hist_gather(top_true, target, log_prob_flat, n, c, bt, k):
    nw = 32
    kern = functools.partial(
        pl.kernel,
        out_type=[
            jax.ShapeDtypeStruct((n * c,), jnp.float32),
            jax.ShapeDtypeStruct((bt,), jnp.float32),
        ],
        mesh=plsc.VectorSubcoreMesh(core_axis_name="c", subcore_axis_name="s"),
        compiler_params=pltpu.CompilerParams(
            needs_layout_passes=False, skip_device_barrier=True),
        scratch_types=[
            pltpu.VMEM((n * c // nw,), jnp.int32),
            pltpu.VMEM((n * c // nw,), jnp.float32),
            pltpu.VMEM((bt // nw,), jnp.int32),
            pltpu.VMEM((bt // nw,), jnp.int32),
            pltpu.VMEM((bt // nw,), jnp.float32),
            pltpu.SemaphoreType.DMA,
        ],
    )(functools.partial(_sc_body, nw, n, c, bt, k))
    return kern(top_true, target, log_prob_flat)


@jax.jit
def kernel(log_prob, target, mask, top_pred, top_true, reason_weight):
    B, T, K = log_prob.shape
    M, N, C = top_pred.shape
    BT = B * T
    GRID = 16
    R = BT // GRID
    Rp = M * N // GRID
    nmult = N // Rp

    mult_flat, lpt = _sc_hist_gather(
        top_true.reshape(N * C).astype(jnp.int32),
        target.reshape(BT).astype(jnp.int32),
        log_prob.reshape(BT * K), N, C, BT, K)

    ce_raw, mg_raw = pl.pallas_call(
        functools.partial(_tc_body, k=K),
        grid=(GRID,),
        in_specs=[
            pl.BlockSpec((R, 1), lambda i: (i, 0)),
            pl.BlockSpec((R, 1), lambda i: (i, 0)),
            pl.BlockSpec((R, K), lambda i: (i, 0)),
            pl.BlockSpec((Rp, C), lambda i: (i, 0)),
            pl.BlockSpec((Rp, C), lambda i: (i % nmult, 0)),
        ],
        out_specs=[
            pl.BlockSpec((1, 1), lambda i: (0, 0)),
            pl.BlockSpec((1, 1), lambda i: (0, 0)),
        ],
        out_shape=[
            jax.ShapeDtypeStruct((1, 1), jnp.float32),
            jax.ShapeDtypeStruct((1, 1), jnp.float32),
        ],
    )(mask.reshape(BT, 1), lpt.reshape(BT, 1), log_prob.reshape(BT, K),
      top_pred.reshape(M * N, C), mult_flat.reshape(N, C))

    rw = jnp.float32(reason_weight)
    return -ce_raw[0, 0] / B + mg_raw[0, 0] * rw / (C * N * M)

# --- scband reference (transcript-rebuilt; emitter-appended) ---
"""Pipeline reference for scband-review-net-ensemble-criterion-61735859913407 (READ-ONLY COPY).

The authoritative reference and input builder live on the scoring server;
editing this copy changes nothing except your own understanding.
"""

import jax, jax.numpy as jnp
import numpy as np

EPS = 0.1  # label_smoothing_epsilon from opt


def multilabel_margin_loss(x, y):
    # Faithful port of torch.nn.MultiLabelMarginLoss (reduction='mean').
    # x: [N, C] float scores, y: [N, C] int class indices, -1 terminates valid targets.
    N, C = x.shape
    neg = (y == -1)
    invalid = jnp.cumsum(neg.astype(jnp.int32), axis=1) > 0  # positions at/after first -1
    valid = jnp.logical_not(invalid)  # [N, C] valid target slots
    y_safe = jnp.where(valid, y, 0)
    onehot = jax.nn.one_hot(y_safe, C, dtype=jnp.float32) * valid[:, :, None].astype(jnp.float32)
    is_target = jnp.sum(onehot, axis=1) > 0  # [N, C] classes that appear among valid targets
    x_y = jnp.take_along_axis(x, y_safe, axis=1)  # [N, C] scores at target indices
    diff = 1.0 - (x_y[:, :, None] - x[:, None, :])  # [N, Cj, Ci]
    hinge = jnp.maximum(diff, 0.0)
    m = valid[:, :, None].astype(x.dtype) * jnp.logical_not(is_target)[:, None, :].astype(x.dtype)
    per_sample = jnp.sum(hinge * m, axis=(1, 2)) / C
    return jnp.mean(per_sample)


def setup_inputs(seed: int = 0):
    key = jax.random.key(seed)
    B, T, K = 64, 32, 10000
    M, Ct = 4, 512
    k1, k2, k3, k4 = jax.random.split(key, 4)
    logits = jax.random.normal(k1, (B, T, K), dtype=jnp.float32)
    log_prob = jax.nn.log_softmax(logits, axis=-1)
    target = jax.random.randint(k2, (B, T), 0, K)
    mask = jnp.ones((B, T), dtype=jnp.float32)
    top_pred = jax.random.normal(k3, (M, B, Ct), dtype=jnp.float32)
    top_true = jax.random.randint(k4, (B, Ct), 0, Ct)
    reason_weight = 1
    return {"log_prob": log_prob, "target": target, "mask": mask,
            "top_pred": top_pred, "top_true": top_true, "reason_weight": reason_weight}


def reference(log_prob, target, mask, top_pred, top_true, reason_weight):
    B, T, K = log_prob.shape
    target = target[:, :T]
    mask = mask[:, :T]
    # label smoothing branch (use_label_smoothing=True)
    one_hot = jax.nn.one_hot(target, K, dtype=log_prob.dtype)
    one_hot = one_hot * (1.0 - EPS) + EPS / K
    output = -jnp.sum(log_prob * one_hot, axis=2) * mask
    output = jnp.sum(output) / B
    n_models = top_pred.shape[0]
    disc = 0.0
    for i in range(n_models):
        disc = disc + multilabel_margin_loss(top_pred[i], top_true)
    output = output + disc * reason_weight / n_models
    return output

if __name__ == "__main__":
    import jax
    _d = setup_inputs()
    print(jax.jit(kernel)(*tuple(_d.values())))

</pallas_src>

<mosaic_0001>
#map = affine_map<(d0, d1) -> (0)>
module attributes {stable_mosaic.version = 14 : i64} {
  func.func @_sc_body(%arg0: i32, %arg1: i32, %arg2: memref<32768xi32, #tpu.memory_space<hbm>>, %arg3: memref<2048xi32, #tpu.memory_space<hbm>>, %arg4: memref<20480000xf32, #tpu.memory_space<hbm>>, %arg5: memref<32768xf32, #tpu.memory_space<hbm>>, %arg6: memref<2048xf32, #tpu.memory_space<hbm>>, %arg7: memref<1024xi32, #tpu.memory_space<vmem>>, %arg8: memref<1024xf32, #tpu.memory_space<vmem>>, %arg9: memref<64xi32, #tpu.memory_space<vmem>>, %arg10: memref<64xi32, #tpu.memory_space<vmem>>, %arg11: memref<64xf32, #tpu.memory_space<vmem>>, %arg12: memref<!tpu.dma_semaphore, #tpu.memory_space<semaphore_mem>>) attributes {dimension_semantics = [#tpu.dimension_semantics<core_parallel>, #tpu.dimension_semantics<subcore_parallel>], iteration_bounds = array<i64: 2, 16>, scalar_prefetch = 0 : i64, scratch_operands = 6 : i64, tpu.core_type = #tpu.core_type<sc_vector_subcore>, window_params = [{transform_indices = #map}, {transform_indices = #map}, {transform_indices = #map}, {transform_indices = #map}, {transform_indices = #map}]} {
    %mul3A = arith.constant 2 : i32
    %mul3A_0 = arith.muli %arg1, %mul3A : i32
    %add3A = arith.addi %mul3A_0, %arg0 : i32
    %mul3A_1 = arith.constant 1024 : i32
    %mul3A_2 = arith.muli %add3A, %mul3A_1 : i32
    "tpu.region"() ({
      %run_scoped3A = tpu.sem_alloc : memref<!tpu.dma_semaphore, #tpu.memory_space<semaphore_mem>>
      %dma_start3A_506 = tpu.memref_slice %arg2[%mul3A_2] : memref<32768xi32, #tpu.memory_space<hbm>> -> memref<1024xi32, #tpu.memory_space<hbm>>
      %dma_start3A_507 = tpu.memref_slice %arg2[%mul3A_2] : memref<32768xi32, #tpu.memory_space<hbm>> -> memref<1024xi32, #tpu.memory_space<hbm>>
      tpu.enqueue_dma source(%dma_start3A_507 : memref<1024xi32, #tpu.memory_space<hbm>>) target(%arg7 : memref<1024xi32, #tpu.memory_space<vmem>>) target_semaphore(%run_scoped3A : memref<!tpu.dma_semaphore, #tpu.memory_space<semaphore_mem>>)
      %dma_wait3A_508 = tpu.memref_slice %arg2[%mul3A_2] : memref<32768xi32, #tpu.memory_space<hbm>> -> memref<1024xi32, #tpu.memory_space<hbm>>
      %dma_wait3A_509 = tpu.memref_slice %arg2[%mul3A_2] : memref<32768xi32, #tpu.memory_space<hbm>> -> memref<1024xi32, #tpu.memory_space<hbm>>
      tpu.wait_dma2 semaphore(%run_scoped3A : memref<!tpu.dma_semaphore, #tpu.memory_space<semaphore_mem>>) src(%dma_wait3A_509 : memref<1024xi32, #tpu.memory_space<hbm>>) dst(%arg7 : memref<1024xi32, #tpu.memory_space<vmem>>)
      tpu.yield
    }) : () -> ()
    %broadcast_in_dim3A = arith.constant 0.000000e+00 : f32
    %broadcast_in_dim3A_3 = vector.broadcast %broadcast_in_dim3A : f32 to vector<16xf32>
    %broadcast_in_dim3A_4 = arith.constant 1.000000e+00 : f32
    %broadcast_in_dim3A_5 = vector.broadcast %broadcast_in_dim3A_4 : f32 to vector<16xf32>
    %swap3A = arith.constant 0 : index
    %swap3A_6 = tpu.vector_load %arg8[%swap3A] {strides = array<i32>} : memref<1024xf32, #tpu.memory_space<vmem>>, vector<16xf32>,
    tpu.vector_store %arg8[%swap3A], %broadcast_in_dim3A_3 {strides = array<i32>} : memref<1024xf32, #tpu.memory_space<vmem>>, vector<16xf32>,
    %swap3A_7 = arith.constant 16 : index
    %swap3A_8 = tpu.vector_load %arg8[%swap3A_7] {strides = array<i32>} : memref<1024xf32, #tpu.memory_space<vmem>>, vector<16xf32>,
    tpu.vector_store %arg8[%swap3A_7], %broadcast_in_dim3A_3 {strides = array<i32>} : memref<1024xf32, #tpu.memory_space<vmem>>, vector<16xf32>,
    %swap3A_9 = arith.constant 32 : index
    %swap3A_10 = tpu.vector_load %arg8[%swap3A_9] {strides = array<i32>} : memref<1024xf32, #tpu.memory_space<vmem>>, vector<16xf32>,
    tpu.vector_store %arg8[%swap3A_9], %broadcast_in_dim3A_3 {strides = array<i32>} : memref<1024xf32, #tpu.memory_space<vmem>>, vector<16xf32>,
    %swap3A_11 = arith.constant 48 : index
    %swap3A_12 = tpu.vector_load %arg8[%swap3A_11] {strides = array<i32>} : memref<1024xf32, #tpu.memory_space<vmem>>, vector<16xf32>,
    tpu.vector_store %arg8[%swap3A_11], %broadcast_in_dim3A_3 {strides = array<i32>} : memref<1024xf32, #tpu.memory_space<vmem>>, vector<16xf32>,
    %swap3A_13 = arith.constant 64 : index
    %swap3A_14 = tpu.vector_load %arg8[%swap3A_13] {strides = array<i32>} : memref<1024xf32, #tpu.memory_space<vmem>>, vector<16xf32>,
    tpu.vector_store %arg8[%swap3A_13], %broadcast_in_dim3A_3 {strides = array<i32>} : memref<1024xf32, #tpu.memory_space<vmem>>, vector<16xf32>,
    %swap3A_15 = arith.constant 80 : index
    %swap3A_16 = tpu.vector_load %arg8[%swap3A_15] {strides = array<i32>} : memref<1024xf32, #tpu.memory_space<vmem>>, vector<16xf32>,
    tpu.vector_store %arg8[%swap3A_15], %broadcast_in_dim3A_3 {strides = array<i32>} : memref<1024xf32, #tpu.memory_space<vmem>>, vector<16xf32>,
    %swap3A_17 = arith.constant 96 : index
    %swap3A_18 = tpu.vector_load %arg8[%swap3A_17] {strides = array<i32>} : memref<1024xf32, #tpu.memory_space<vmem>>, vector<16xf32>,
    tpu.vector_store %arg8[%swap3A_17], %broadcast_in_dim3A_3 {strides = array<i32>} : memref<1024xf32, #tpu.memory_space<vmem>>, vector<16xf32>,
    %swap3A_19 = arith.constant 112 : index
    %swap3A_20 = tpu.vector_load %arg8[%swap3A_19] {strides = array<i32>} : memref<1024xf32, #tpu.memory_space<vmem>>, vector<16xf32>,
    tpu.vector_store %arg8[%swap3A_19], %broadcast_in_dim3A_3 {strides = array<i32>} : memref<1024xf32, #tpu.memory_space<vmem>>, vector<16xf32>,
    %swap3A_21 = arith.constant 128 : index
    %swap3A_22 = tpu.vector_load %arg8[%swap3A_21] {strides = array<i32>} : memref<1024xf32, #tpu.memory_space<vmem>>, vector<16xf32>,
    tpu.vector_store %arg8[%swap3A_21], %broadcast_in_dim3A_3 {strides = array<i32>} : memref<1024xf32, #tpu.memory_space<vmem>>, vector<16xf32>,
    %swap3A_23 = arith.constant 144 : index
    %swap3A_24 = tpu.vector_load %arg8[%swap3A_23] {strides = array<i32>} : memref<1024xf32, #tpu.memory_space<vmem>>, vector<16xf32>,
    tpu.vector_store %arg8[%swap3A_23], %broadcast_in_dim3A_3 {strides = array<i32>} : memref<1024xf32, #tpu.memory_space<vmem>>, vector<16xf32>,
    %swap3A_25 = arith.constant 160 : index
    %swap3A_26 = tpu.vector_load %arg8[%swap3A_25] {strides = array<i32>} : memref<1024xf32, #tpu.memory_space<vmem>>, vector<16xf32>,
    tpu.vector_store %arg8[%swap3A_25], %broadcast_in_dim3A_3 {strides = array<i32>} : memref<1024xf32, #tpu.memory_space<vmem>>, vector<16xf32>,
    %swap3A_27 = arith.constant 176 : index
    %swap3A_28 = tpu.vector_load %arg8[%swap3A_27] {strides = array<i32>} : memref<1024xf32, #tpu.memory_space<vmem>>, vector<16xf32>,
    tpu.vector_store %arg8[%swap3A_27], %broadcast_in_dim3A_3 {strides = array<i32>} : memref<1024xf32, #tpu.memory_space<vmem>>, vector<16xf32>,
    %swap3A_29 = arith.constant 192 : index
    %swap3A_30 = tpu.vector_load %arg8[%swap3A_29] {strides = array<i32>} : memref<1024xf32, #tpu.memory_space<vmem>>, vector<16xf32>,
    tpu.vector_store %arg8[%swap3A_29], %broadcast_in_dim3A_3 {strides = array<i32>} : memref<1024xf32, #tpu.memory_space<vmem>>, vector<16xf32>,
    %swap3A_31 = arith.constant 208 : index
    %swap3A_32 = tpu.vector_load %arg8[%swap3A_31] {strides = array<i32>} : memref<1024xf32, #tpu.memory_space<vmem>>, vector<16xf32>,
    tpu.vector_store %arg8[%swap3A_31], %broadcast_in_dim3A_3 {strides = array<i32>} : memref<1024xf32, #tpu.memory_space<vmem>>, vector<16xf32>,
    %swap3A_33 = arith.constant 224 : index
    %swap3A_34 = tpu.vector_load %arg8[%swap3A_33] {strides = array<i32>} : memref<1024xf32, #tpu.memory_space<vmem>>, vector<16xf32>,
    tpu.vector_store %arg8[%swap3A_33], %broadcast_in_dim3A_3 {strides = array<i32>} : memref<1024xf32, #tpu.memory_space<vmem>>, vector<16xf32>,
    %swap3A_35 = arith.constant 240 : index
    %swap3A_36 = tpu.vector_load %arg8[%swap3A_35] {strides = array<i32>} : memref<1024xf32, #tpu.memory_space<vmem>>, vector<16xf32>,
    tpu.vector_store %arg8[%swap3A_35], %broadcast_in_dim3A_3 {strides = array<i32>} : memref<1024xf32, #tpu.memory_space<vmem>>, vector<16xf32>,
    %swap3A_37 = arith.constant 256 : index
    %swap3A_38 = tpu.vector_load %arg8[%swap3A_37] {strides = array<i32>} : memref<1024xf32, #tpu.memory_space<vmem>>, vector<16xf32>,
    tpu.vector_store %arg8[%swap3A_37], %broadcast_in_dim3A_3 {strides = array<i32>} : memref<1024xf32, #tpu.memory_space<vmem>>, vector<16xf32>,
    %swap3A_39 = arith.constant 272 : index
    %swap3A_40 = tpu.vector_load %arg8[%swap3A_39] {strides = array<i32>} : memref<1024xf32, #tpu.memory_space<vmem>>, vector<16xf32>,
    tpu.vector_store %arg8[%swap3A_39], %broadcast_in_dim3A_3 {strides = array<i32>} : memref<1024xf32, #tpu.memory_space<vmem>>, vector<16xf32>,
    %swap3A_41 = arith.constant 288 : index
    %swap3A_42 = tpu.vector_load %arg8[%swap3A_41] {strides = array<i32>} : memref<1024xf32, #tpu.memory_space<vmem>>, vector<16xf32>,
    tpu.vector_store %arg8[%swap3A_41], %broadcast_in_dim3A_3 {strides = array<i32>} : memref<1024xf32, #tpu.memory_space<vmem>>, vector<16xf32>,
    %swap3A_43 = arith.constant 304 : index
    %swap3A_44 = tpu.vector_load %arg8[%swap3A_43] {strides = array<i32>} : memref<1024xf32, #tpu.memory_space<vmem>>, vector<16xf32>,
    tpu.vector_store %arg8[%swap3A_43], %broadcast_in_dim3A_3 {strides = array<i32>} : memref<1024xf32, #tpu.memory_space<vmem>>, vector<16xf32>,
    %swap3A_45 = arith.constant 320 : index
    %swap3A_46 = tpu.vector_load %arg8[%swap3A_45] {strides = array<i32>} : memref<1024xf32, #tpu.memory_space<vmem>>, vector<16xf32>,
    tpu.vector_store %arg8[%swap3A_45], %broadcast_in_dim3A_3 {strides = array<i32>} : memref<1024xf32, #tpu.memory_space<vmem>>, vector<16xf32>,
    %swap3A_47 = arith.constant 336 : index
    %swap3A_48 = tpu.vector_load %arg8[%swap3A_47] {strides = array<i32>} : memref<1024xf32, #tpu.memory_space<vmem>>, vector<16xf32>,
    tpu.vector_store %arg8[%swap3A_47], %broadcast_in_dim3A_3 {strides = array<i32>} : memref<1024xf32, #tpu.memory_space<vmem>>, vector<16xf32>,
    %swap3A_49 = arith.constant 352 : index
    %swap3A_50 = tpu.vector_load %arg8[%swap3A_49] {strides = array<i32>} : memref<1024xf32, #tpu.memory_space<vmem>>, vector<16xf32>,
    tpu.vector_store %arg8[%swap3A_49], %broadcast_in_dim3A_3 {strides = array<i32>} : memref<1024xf32, #tpu.memory_space<vmem>>, vector<16xf32>,
    %swap3A_51 = arith.constant 368 : index
    %swap3A_52 = tpu.vector_load %arg8[%swap3A_51] {strides = array<i32>} : memref<1024xf32, #tpu.memory_space<vmem>>, vector<16xf32>,
    tpu.vector_store %arg8[%swap3A_51], %broadcast_in_dim3A_3 {strides = array<i32>} : memref<1024xf32, #tpu.memory_space<vmem>>, vector<16xf32>,
    %swap3A_53 = arith.constant 384 : index
    %swap3A_54 = tpu.vector_load %arg8[%swap3A_53] {strides = array<i32>} : memref<1024xf32, #tpu.memory_space<vmem>>, vector<16xf32>,
    tpu.vector_store %arg8[%swap3A_53], %broadcast_in_dim3A_3 {strides = array<i32>} : memref<1024xf32, #tpu.memory_space<vmem>>, vector<16xf32>,
    %swap3A_55 = arith.constant 400 : index
    %swap3A_56 = tpu.vector_load %arg8[%swap3A_55] {strides = array<i32>} : memref<1024xf32, #tpu.memory_space<vmem>>, vector<16xf32>,
    tpu.vector_store %arg8[%swap3A_55], %broadcast_in_dim3A_3 {strides = array<i32>} : memref<1024xf32, #tpu.memory_space<vmem>>, vector<16xf32>,
    %swap3A_57 = arith.constant 416 : index
    %swap3A_58 = tpu.vector_load %arg8[%swap3A_57] {strides = array<i32>} : memref<1024xf32, #tpu.memory_space<vmem>>, vector<16xf32>,
    tpu.vector_store %arg8[%swap3A_57], %broadcast_in_dim3A_3 {strides = array<i32>} : memref<1024xf32, #tpu.memory_space<vmem>>, vector<16xf32>,
    %swap3A_59 = arith.constant 432 : index
    %swap3A_60 = tpu.vector_load %arg8[%swap3A_59] {strides = array<i32>} : memref<1024xf32, #tpu.memory_space<vmem>>, vector<16xf32>,
    tpu.vector_store %arg8[%swap3A_59], %broadcast_in_dim3A_3 {strides = array<i32>} : memref<1024xf32, #tpu.memory_space<vmem>>, vector<16xf32>,
    %swap3A_61 = arith.constant 448 : index
    %swap3A_62 = tpu.vector_load %arg8[%swap3A_61] {strides = array<i32>} : memref<1024xf32, #tpu.memory_space<vmem>>, vector<16xf32>,
    tpu.vector_store %arg8[%swap3A_61], %broadcast_in_dim3A_3 {strides = array<i32>} : memref<1024xf32, #tpu.memory_space<vmem>>, vector<16xf32>,
    %swap3A_63 = arith.constant 464 : index
    %swap3A_64 = tpu.vector_load %arg8[%swap3A_63] {strides = array<i32>} : memref<1024xf32, #tpu.memory_space<vmem>>, vector<16xf32>,
    tpu.vector_store %arg8[%swap3A_63], %broadcast_in_dim3A_3 {strides = array<i32>} : memref<1024xf32, #tpu.memory_space<vmem>>, vector<16xf32>,
    %swap3A_65 = arith.constant 480 : index
    %swap3A_66 = tpu.vector_load %arg8[%swap3A_65] {strides = array<i32>} : memref<1024xf32, #tpu.memory_space<vmem>>, vector<16xf32>,
    tpu.vector_store %arg8[%swap3A_65], %broadcast_in_dim3A_3 {strides = array<i32>} : memref<1024xf32, #tpu.memory_space<vmem>>, vector<16xf32>,
    %swap3A_67 = arith.constant 496 : index
    %swap3A_68 = tpu.vector_load %arg8[%swap3A_67] {strides = array<i32>} : memref<1024xf32, #tpu.memory_space<vmem>>, vector<16xf32>,
    tpu.vector_store %arg8[%swap3A_67], %broadcast_in_dim3A_3 {strides = array<i32>} : memref<1024xf32, #tpu.memory_space<vmem>>, vector<16xf32>,
    %swap3A_69 = arith.constant 512 : index
    %swap3A_70 = tpu.vector_load %arg8[%swap3A_69] {strides = array<i32>} : memref<1024xf32, #tpu.memory_space<vmem>>, vector<16xf32>,
    tpu.vector_store %arg8[%swap3A_69], %broadcast_in_dim3A_3 {strides = array<i32>} : memref<1024xf32, #tpu.memory_space<vmem>>, vector<16xf32>,
    %swap3A_71 = arith.constant 528 : index
    %swap3A_72 = tpu.vector_load %arg8[%swap3A_71] {strides = array<i32>} : memref<1024xf32, #tpu.memory_space<vmem>>, vector<16xf32>,
    tpu.vector_store %arg8[%swap3A_71], %broadcast_in_dim3A_3 {strides = array<i32>} : memref<1024xf32, #tpu.memory_space<vmem>>, vector<16xf32>,
    %swap3A_73 = arith.constant 544 : index
    %swap3A_74 = tpu.vector_load %arg8[%swap3A_73] {strides = array<i32>} : memref<1024xf32, #tpu.memory_space<vmem>>, vector<16xf32>,
    tpu.vector_store %arg8[%swap3A_73], %broadcast_in_dim3A_3 {strides = array<i32>} : memref<1024xf32, #tpu.memory_space<vmem>>, vector<16xf32>,
    %swap3A_75 = arith.constant 560 : index
    %swap3A_76 = tpu.vector_load %arg8[%swap3A_75] {strides = array<i32>} : memref<1024xf32, #tpu.memory_space<vmem>>, vector<16xf32>,
    tpu.vector_store %arg8[%swap3A_75], %broadcast_in_dim3A_3 {strides = array<i32>} : memref<1024xf32, #tpu.memory_space<vmem>>, vector<16xf32>,
    %swap3A_77 = arith.constant 576 : index
    %swap3A_78 = tpu.vector_load %arg8[%swap3A_77] {strides = array<i32>} : memref<1024xf32, #tpu.memory_space<vmem>>, vector<16xf32>,
    tpu.vector_store %arg8[%swap3A_77], %broadcast_in_dim3A_3 {strides = array<i32>} : memref<1024xf32, #tpu.memory_space<vmem>>, vector<16xf32>,
    %swap3A_79 = arith.constant 592 : index
    %swap3A_80 = tpu.vector_load %arg8[%swap3A_79] {strides = array<i32>} : memref<1024xf32, #tpu.memory_space<vmem>>, vector<16xf32>,
    tpu.vector_store %arg8[%swap3A_79], %broadcast_in_dim3A_3 {strides = array<i32>} : memref<1024xf32, #tpu.memory_space<vmem>>, vector<16xf32>,
    %swap3A_81 = arith.constant 608 : index
    %swap3A_82 = tpu.vector_load %arg8[%swap3A_81] {strides = array<i32>} : memref<1024xf32, #tpu.memory_space<vmem>>, vector<16xf32>,
    tpu.vector_store %arg8[%swap3A_81], %broadcast_in_dim3A_3 {strides = array<i32>} : memref<1024xf32, #tpu.memory_space<vmem>>, vector<16xf32>,
    %swap3A_83 = arith.constant 624 : index
    %swap3A_84 = tpu.vector_load %arg8[%swap3A_83] {strides = array<i32>} : memref<1024xf32, #tpu.memory_space<vmem>>, vector<16xf32>,
    tpu.vector_store %arg8[%swap3A_83], %broadcast_in_dim3A_3 {strides = array<i32>} : memref<1024xf32, #tpu.memory_space<vmem>>, vector<16xf32>,
    %swap3A_85 = arith.constant 640 : index
    %swap3A_86 = tpu.vector_load %arg8[%swap3A_85] {strides = array<i32>} : memref<1024xf32, #tpu.memory_space<vmem>>, vector<16xf32>,
    tpu.vector_store %arg8[%swap3A_85], %broadcast_in_dim3A_3 {strides = array<i32>} : memref<1024xf32, #tpu.memory_space<vmem>>, vector<16xf32>,
    %swap3A_87 = arith.constant 656 : index
    %swap3A_88 = tpu.vector_load %arg8[%swap3A_87] {strides = array<i32>} : memref<1024xf32, #tpu.memory_space<vmem>>, vector<16xf32>,
    tpu.vector_store %arg8[%swap3A_87], %broadcast_in_dim3A_3 {strides = array<i32>} : memref<1024xf32, #tpu.memory_space<vmem>>, vector<16xf32>,
    %swap3A_89 = arith.constant 672 : index
    %swap3A_90 = tpu.vector_load %arg8[%swap3A_89] {strides = array<i32>} : memref<1024xf32, #tpu.memory_space<vmem>>, vector<16xf32>,
    tpu.vector_store %arg8[%swap3A_89], %broadcast_in_dim3A_3 {strides = array<i32>} : memref<1024xf32, #tpu.memory_space<vmem>>, vector<16xf32>,
    %swap3A_91 = arith.constant 688 : index
    %swap3A_92 = tpu.vector_load %arg8[%swap3A_91] {strides = array<i32>} : memref<1024xf32, #tpu.memory_space<vmem>>, vector<16xf32>,
    tpu.vector_store %arg8[%swap3A_91], %broadcast_in_dim3A_3 {strides = array<i32>} : memref<1024xf32, #tpu.memory_space<vmem>>, vector<16xf32>,
    %swap3A_93 = arith.constant 704 : index
    %swap3A_94 = tpu.vector_load %arg8[%swap3A_93] {strides = array<i32>} : memref<1024xf32, #tpu.memory_space<vmem>>, vector<16xf32>,
    tpu.vector_store %arg8[%swap3A_93], %broadcast_in_dim3A_3 {strides = array<i32>} : memref<1024xf32, #tpu.memory_space<vmem>>, vector<16xf32>,
    %swap3A_95 = arith.constant 720 : index
    %swap3A_96 = tpu.vector_load %arg8[%swap3A_95] {strides = array<i32>} : memref<1024xf32, #tpu.memory_space<vmem>>, vector<16xf32>,
    tpu.vector_store %arg8[%swap3A_95], %broadcast_in_dim3A_3 {strides = array<i32>} : memref<1024xf32, #tpu.memory_space<vmem>>, vector<16xf32>,
    %swap3A_97 = arith.constant 736 : index
    %swap3A_98 = tpu.vector_load %arg8[%swap3A_97] {strides = array<i32>} : memref<1024xf32, #tpu.memory_space<vmem>>, vector<16xf32>,
    tpu.vector_store %arg8[%swap3A_97], %broadcast_in_dim3A_3 {strides = array<i32>} : memref<1024xf32, #tpu.memory_space<vmem>>, vector<16xf32>,
    %swap3A_99 = arith.constant 752 : index
    %swap3A_100 = tpu.vector_load %arg8[%swap3A_99] {strides = array<i32>} : memref<1024xf32, #tpu.memory_space<vmem>>, vector<16xf32>,
    tpu.vector_store %arg8[%swap3A_99], %broadcast_in_dim3A_3 {strides = array<i32>} : memref<1024xf32, #tpu.memory_space<vmem>>, vector<16xf32>,
    %swap3A_101 = arith.constant 768 : index
    %swap3A_102 = tpu.vector_load %arg8[%swap3A_101] {strides = array<i32>} : memref<1024xf32, #tpu.memory_space<vmem>>, vector<16xf32>,
    tpu.vector_store %arg8[%swap3A_101], %broadcast_in_dim3A_3 {strides = array<i32>} : memref<1024xf32, #tpu.memory_space<vmem>>, vector<16xf32>,
    %swap3A_103 = arith.constant 784 : index
    %swap3A_104 = tpu.vector_load %arg8[%swap3A_103] {strides = array<i32>} : memref<1024xf32, #tpu.memory_space<vmem>>, vector<16xf32>,
    tpu.vector_store %arg8[%swap3A_103], %broadcast_in_dim3A_3 {strides = array<i32>} : memref<1024xf32, #tpu.memory_space<vmem>>, vector<16xf32>,
    %swap3A_105 = arith.constant 800 : index
    %swap3A_106 = tpu.vector_load %arg8[%swap3A_105] {strides = array<i32>} : memref<1024xf32, #tpu.memory_space<vmem>>, vector<16xf32>,
    tpu.vector_store %arg8[%swap3A_105], %broadcast_in_dim3A_3 {strides = array<i32>} : memref<1024xf32, #tpu.memory_space<vmem>>, vector<16xf32>,
    %swap3A_107 = arith.constant 816 : index
    %swap3A_108 = tpu.vector_load %arg8[%swap3A_107] {strides = array<i32>} : memref<1024xf32, #tpu.memory_space<vmem>>, vector<16xf32>,
    tpu.vector_store %arg8[%swap3A_107], %broadcast_in_dim3A_3 {strides = array<i32>} : memref<1024xf32, #tpu.memory_space<vmem>>, vector<16xf32>,
    %swap3A_109 = arith.constant 832 : index
    %swap3A_110 = tpu.vector_load %arg8[%swap3A_109] {strides = array<i32>} : memref<1024xf32, #tpu.memory_space<vmem>>, vector<16xf32>,
    tpu.vector_store %arg8[%swap3A_109], %broadcast_in_dim3A_3 {strides = array<i32>} : memref<1024xf32, #tpu.memory_space<vmem>>, vector<16xf32>,
    %swap3A_111 = arith.constant 848 : index
    %swap3A_112 = tpu.vector_load %arg8[%swap3A_111] {strides = array<i32>} : memref<1024xf32, #tpu.memory_space<vmem>>, vector<16xf32>,
    tpu.vector_store %arg8[%swap3A_111], %broadcast_in_dim3A_3 {strides = array<i32>} : memref<1024xf32, #tpu.memory_space<vmem>>, vector<16xf32>,
    %swap3A_113 = arith.constant 864 : index
    %swap3A_114 = tpu.vector_load %arg8[%swap3A_113] {strides = array<i32>} : memref<1024xf32, #tpu.memory_space<vmem>>, vector<16xf32>,
    tpu.vector_store %arg8[%swap3A_113], %broadcast_in_dim3A_3 {strides = array<i32>} : memref<1024xf32, #tpu.memory_space<vmem>>, vector<16xf32>,
    %swap3A_115 = arith.constant 880 : index
    %swap3A_116 = tpu.vector_load %arg8[%swap3A_115] {strides = array<i32>} : memref<1024xf32, #tpu.memory_space<vmem>>, vector<16xf32>,
    tpu.vector_store %arg8[%swap3A_115], %broadcast_in_dim3A_3 {strides = array<i32>} : memref<1024xf32, #tpu.memory_space<vmem>>, vector<16xf32>,
    %swap3A_117 = arith.constant 896 : index
    %swap3A_118 = tpu.vector_load %arg8[%swap3A_117] {strides = array<i32>} : memref<1024xf32, #tpu.memory_space<vmem>>, vector<16xf32>,
    tpu.vector_store %arg8[%swap3A_117], %broadcast_in_dim3A_3 {strides = array<i32>} : memref<1024xf32, #tpu.memory_space<vmem>>, vector<16xf32>,
    %swap3A_119 = arith.constant 912 : index
    %swap3A_120 = tpu.vector_load %arg8[%swap3A_119] {strides = array<i32>} : memref<1024xf32, #tpu.memory_space<vmem>>, vector<16xf32>,
    tpu.vector_store %arg8[%swap3A_119], %broadcast_in_dim3A_3 {strides = array<i32>} : memref<1024xf32, #tpu.memory_space<vmem>>, vector<16xf32>,
    %swap3A_121 = arith.constant 928 : index
    %swap3A_122 = tpu.vector_load %arg8[%swap3A_121] {strides = array<i32>} : memref<1024xf32, #tpu.memory_space<vmem>>, vector<16xf32>,
    tpu.vector_store %arg8[%swap3A_121], %broadcast_in_dim3A_3 {strides = array<i32>} : memref<1024xf32, #tpu.memory_space<vmem>>, vector<16xf32>,
    %swap3A_123 = arith.constant 944 : index
    %swap3A_124 = tpu.vector_load %arg8[%swap3A_123] {strides = array<i32>} : memref<1024xf32, #tpu.memory_space<vmem>>, vector<16xf32>,
    tpu.vector_store %arg8[%swap3A_123], %broadcast_in_dim3A_3 {strides = array<i32>} : memref<1024xf32, #tpu.memory_space<vmem>>, vector<16xf32>,
    %swap3A_125 = arith.constant 960 : index
    %swap3A_126 = tpu.vector_load %arg8[%swap3A_125] {strides = array<i32>} : memref<1024xf32, #tpu.memory_space<vmem>>, vector<16xf32>,
    tpu.vector_store %arg8[%swap3A_125], %broadcast_in_dim3A_3 {strides = array<i32>} : memref<1024xf32, #tpu.memory_space<vmem>>, vector<16xf32>,
    %swap3A_127 = arith.constant 976 : index
    %swap3A_128 = tpu.vector_load %arg8[%swap3A_127] {strides = array<i32>} : memref<1024xf32, #tpu.memory_space<vmem>>, vector<16xf32>,
    tpu.vector_store %arg8[%swap3A_127], %broadcast_in_dim3A_3 {strides = array<i32>} : memref<1024xf32, #tpu.memory_space<vmem>>, vector<16xf32>,
    %swap3A_129 = arith.constant 992 : index
    %swap3A_130 = tpu.vector_load %arg8[%swap3A_129] {strides = array<i32>} : memref<1024xf32, #tpu.memory_space<vmem>>, vector<16xf32>,
    tpu.vector_store %arg8[%swap3A_129], %broadcast_in_dim3A_3 {strides = array<i32>} : memref<1024xf32, #tpu.memory_space<vmem>>, vector<16xf32>,
    %swap3A_131 = arith.constant 1008 : index
    %swap3A_132 = tpu.vector_load %arg8[%swap3A_131] {strides = array<i32>} : memref<1024xf32, #tpu.memory_space<vmem>>, vector<16xf32>,
    tpu.vector_store %arg8[%swap3A_131], %broadcast_in_dim3A_3 {strides = array<i32>} : memref<1024xf32, #tpu.memory_space<vmem>>, vector<16xf32>,
    %get3A = arith.constant 0 : index
    %get3A_133 = tpu.vector_load %arg7[%get3A] {strides = array<i32>} : memref<1024xi32, #tpu.memory_space<vmem>>, vector<16xi32>,
    %add3A_134 = arith.constant 0 : i32
    %add3A_135 = vector.broadcast %add3A_134 : i32 to vector<16xi32>
    %add3A_136 = arith.addi %get3A_133, %add3A_135 : vector<16xi32>
    tpu.vector_store_idx %arg8[%add3A_136], %broadcast_in_dim3A_5 {add = true} : memref<1024xf32, #tpu.memory_space<vmem>>[vector<16xi32>], vector<16xf32>,
    %get3A_137 = arith.constant 16 : index
    %get3A_138 = tpu.vector_load %arg7[%get3A_137] {strides = array<i32>} : memref<1024xi32, #tpu.memory_space<vmem>>, vector<16xi32>,
    %add3A_139 = arith.constant 0 : i32
    %add3A_140 = vector.broadcast %add3A_139 : i32 to vector<16xi32>
    %add3A_141 = arith.addi %get3A_138, %add3A_140 : vector<16xi32>
    tpu.vector_store_idx %arg8[%add3A_141], %broadcast_in_dim3A_5 {add = true} : memref<1024xf32, #tpu.memory_space<vmem>>[vector<16xi32>], vector<16xf32>,
    %get3A_142 = arith.constant 32 : index
    %get3A_143 = tpu.vector_load %arg7[%get3A_142] {strides = array<i32>} : memref<1024xi32, #tpu.memory_space<vmem>>, vector<16xi32>,
    %add3A_144 = arith.constant 0 : i32
    %add3A_145 = vector.broadcast %add3A_144 : i32 to vector<16xi32>
    %add3A_146 = arith.addi %get3A_143, %add3A_145 : vector<16xi32>
    tpu.vector_store_idx %arg8[%add3A_146], %broadcast_in_dim3A_5 {add = true} : memref<1024xf32, #tpu.memory_space<vmem>>[vector<16xi32>], vector<16xf32>,
    %get3A_147 = arith.constant 48 : index
    %get3A_148 = tpu.vector_load %arg7[%get3A_147] {strides = array<i32>} : memref<1024xi32, #tpu.memory_space<vmem>>, vector<16xi32>,
    %add3A_149 = arith.constant 0 : i32
    %add3A_150 = vector.broadcast %add3A_149 : i32 to vector<16xi32>
    %add3A_151 = arith.addi %get3A_148, %add3A_150 : vector<16xi32>
    tpu.vector_store_idx %arg8[%add3A_151], %broadcast_in_dim3A_5 {add = true} : memref<1024xf32, #tpu.memory_space<vmem>>[vector<16xi32>], vector<16xf32>,
    %get3A_152 = arith.constant 64 : index
    %get3A_153 = tpu.vector_load %arg7[%get3A_152] {strides = array<i32>} : memref<1024xi32, #tpu.memory_space<vmem>>, vector<16xi32>,
    %add3A_154 = arith.constant 0 : i32
    %add3A_155 = vector.broadcast %add3A_154 : i32 to vector<16xi32>
    %add3A_156 = arith.addi %get3A_153, %add3A_155 : vector<16xi32>
    tpu.vector_store_idx %arg8[%add3A_156], %broadcast_in_dim3A_5 {add = true} : memref<1024xf32, #tpu.memory_space<vmem>>[vector<16xi32>], vector<16xf32>,
    %get3A_157 = arith.constant 80 : index
    %get3A_158 = tpu.vector_load %arg7[%get3A_157] {strides = array<i32>} : memref<1024xi32, #tpu.memory_space<vmem>>, vector<16xi32>,
    %add3A_159 = arith.constant 0 : i32
    %add3A_160 = vector.broadcast %add3A_159 : i32 to vector<16xi32>
    %add3A_161 = arith.addi %get3A_158, %add3A_160 : vector<16xi32>
    tpu.vector_store_idx %arg8[%add3A_161], %broadcast_in_dim3A_5 {add = true} : memref<1024xf32, #tpu.memory_space<vmem>>[vector<16xi32>], vector<16xf32>,
    %get3A_162 = arith.constant 96 : index
    %get3A_163 = tpu.vector_load %arg7[%get3A_162] {strides = array<i32>} : memref<1024xi32, #tpu.memory_space<vmem>>, vector<16xi32>,
    %add3A_164 = arith.constant 0 : i32
    %add3A_165 = vector.broadcast %add3A_164 : i32 to vector<16xi32>
    %add3A_166 = arith.addi %get3A_163, %add3A_165 : vector<16xi32>
    tpu.vector_store_idx %arg8[%add3A_166], %broadcast_in_dim3A_5 {add = true} : memref<1024xf32, #tpu.memory_space<vmem>>[vector<16xi32>], vector<16xf32>,
    %get3A_167 = arith.constant 112 : index
    %get3A_168 = tpu.vector_load %arg7[%get3A_167] {strides = array<i32>} : memref<1024xi32, #tpu.memory_space<vmem>>, vector<16xi32>,
    %add3A_169 = arith.constant 0 : i32
    %add3A_170 = vector.broadcast %add3A_169 : i32 to vector<16xi32>
    %add3A_171 = arith.addi %get3A_168, %add3A_170 : vector<16xi32>
    tpu.vector_store_idx %arg8[%add3A_171], %broadcast_in_dim3A_5 {add = true} : memref<1024xf32, #tpu.memory_space<vmem>>[vector<16xi32>], vector<16xf32>,
    %get3A_172 = arith.constant 128 : index
    %get3A_173 = tpu.vector_load %arg7[%get3A_172] {strides = array<i32>} : memref<1024xi32, #tpu.memory_space<vmem>>, vector<16xi32>,
    %add3A_174 = arith.constant 0 : i32
    %add3A_175 = vector.broadcast %add3A_174 : i32 to vector<16xi32>
    %add3A_176 = arith.addi %get3A_173, %add3A_175 : vector<16xi32>
    tpu.vector_store_idx %arg8[%add3A_176], %broadcast_in_dim3A_5 {add = true} : memref<1024xf32, #tpu.memory_space<vmem>>[vector<16xi32>], vector<16xf32>,
    %get3A_177 = arith.constant 144 : index
    %get3A_178 = tpu.vector_load %arg7[%get3A_177] {strides = array<i32>} : memref<1024xi32, #tpu.memory_space<vmem>>, vector<16xi32>,
    %add3A_179 = arith.constant 0 : i32
    %add3A_180 = vector.broadcast %add3A_179 : i32 to vector<16xi32>
    %add3A_181 = arith.addi %get3A_178, %add3A_180 : vector<16xi32>
    tpu.vector_store_idx %arg8[%add3A_181], %broadcast_in_dim3A_5 {add = true} : memref<1024xf32, #tpu.memory_space<vmem>>[vector<16xi32>], vector<16xf32>,
    %get3A_182 = arith.constant 160 : index
    %get3A_183 = tpu.vector_load %arg7[%get3A_182] {strides = array<i32>} : memref<1024xi32, #tpu.memory_space<vmem>>, vector<16xi32>,
    %add3A_184 = arith.constant 0 : i32
    %add3A_185 = vector.broadcast %add3A_184 : i32 to vector<16xi32>
    %add3A_186 = arith.addi %get3A_183, %add3A_185 : vector<16xi32>
    tpu.vector_store_idx %arg8[%add3A_186], %broadcast_in_dim3A_5 {add = true} : memref<1024xf32, #tpu.memory_space<vmem>>[vector<16xi32>], vector<16xf32>,
    %get3A_187 = arith.constant 176 : index
    %get3A_188 = tpu.vector_load %arg7[%get3A_187] {strides = array<i32>} : memref<1024xi32, #tpu.memory_space<vmem>>, vector<16xi32>,
    %add3A_189 = arith.constant 0 : i32
    %add3A_190 = vector.broadcast %add3A_189 : i32 to vector<16xi32>
    %add3A_191 = arith.addi %get3A_188, %add3A_190 : vector<16xi32>
    tpu.vector_store_idx %arg8[%add3A_191], %broadcast_in_dim3A_5 {add = true} : memref<1024xf32, #tpu.memory_space<vmem>>[vector<16xi32>], vector<16xf32>,
    %get3A_192 = arith.constant 192 : index
    %get3A_193 = tpu.vector_load %arg7[%get3A_192] {strides = array<i32>} : memref<1024xi32, #tpu.memory_space<vmem>>, vector<16xi32>,
    %add3A_194 = arith.constant 0 : i32
    %add3A_195 = vector.broadcast %add3A_194 : i32 to vector<16xi32>
    %add3A_196 = arith.addi %get3A_193, %add3A_195 : vector<16xi32>
    tpu.vector_store_idx %arg8[%add3A_196], %broadcast_in_dim3A_5 {add = true} : memref<1024xf32, #tpu.memory_space<vmem>>[vector<16xi32>], vector<16xf32>,
    %get3A_197 = arith.constant 208 : index
    %get3A_198 = tpu.vector_load %arg7[%get3A_197] {strides = array<i32>} : memref<1024xi32, #tpu.memory_space<vmem>>, vector<16xi32>,
    %add3A_199 = arith.constant 0 : i32
    %add3A_200 = vector.broadcast %add3A_199 : i32 to vector<16xi32>
    %add3A_201 = arith.addi %get3A_198, %add3A_200 : vector<16xi32>
    tpu.vector_store_idx %arg8[%add3A_201], %broadcast_in_dim3A_5 {add = true} : memref<1024xf32, #tpu.memory_space<vmem>>[vector<16xi32>], vector<16xf32>,
    %get3A_202 = arith.constant 224 : index
    %get3A_203 = tpu.vector_load %arg7[%get3A_202] {strides = array<i32>} : memref<1024xi32, #tpu.memory_space<vmem>>, vector<16xi32>,
    %add3A_204 = arith.constant 0 : i32
    %add3A_205 = vector.broadcast %add3A_204 : i32 to vector<16xi32>
    %add3A_206 = arith.addi %get3A_203, %add3A_205 : vector<16xi32>
    tpu.vector_store_idx %arg8[%add3A_206], %broadcast_in_dim3A_5 {add = true} : memref<1024xf32, #tpu.memory_space<vmem>>[vector<16xi32>], vector<16xf32>,
    %get3A_207 = arith.constant 240 : index
    %get3A_208 = tpu.vector_load %arg7[%get3A_207] {strides = array<i32>} : memref<1024xi32, #tpu.memory_space<vmem>>, vector<16xi32>,
    %add3A_209 = arith.constant 0 : i32
    %add3A_210 = vector.broadcast %add3A_209 : i32 to vector<16xi32>
    %add3A_211 = arith.addi %get3A_208, %add3A_210 : vector<16xi32>
    tpu.vector_store_idx %arg8[%add3A_211], %broadcast_in_dim3A_5 {add = true} : memref<1024xf32, #tpu.memory_space<vmem>>[vector<16xi32>], vector<16xf32>,
    %get3A_212 = arith.constant 256 : index
    %get3A_213 = tpu.vector_load %arg7[%get3A_212] {strides = array<i32>} : memref<1024xi32, #tpu.memory_space<vmem>>, vector<16xi32>,
    %add3A_214 = arith.constant 0 : i32
    %add3A_215 = vector.broadcast %add3A_214 : i32 to vector<16xi32>
    %add3A_216 = arith.addi %get3A_213, %add3A_215 : vector<16xi32>
    tpu.vector_store_idx %arg8[%add3A_216], %broadcast_in_dim3A_5 {add = true} : memref<1024xf32, #tpu.memory_space<vmem>>[vector<16xi32>], vector<16xf32>,
    %get3A_217 = arith.constant 272 : index
    %get3A_218 = tpu.vector_load %arg7[%get3A_217] {strides = array<i32>} : memref<1024xi32, #tpu.memory_space<vmem>>, vector<16xi32>,
    %add3A_219 = arith.constant 0 : i32
    %add3A_220 = vector.broadcast %add3A_219 : i32 to vector<16xi32>
    %add3A_221 = arith.addi %get3A_218, %add3A_220 : vector<16xi32>
    tpu.vector_store_idx %arg8[%add3A_221], %broadcast_in_dim3A_5 {add = true} : memref<1024xf32, #tpu.memory_space<vmem>>[vector<16xi32>], vector<16xf32>,
    %get3A_222 = arith.constant 288 : index
    %get3A_223 = tpu.vector_load %arg7[%get3A_222] {strides = array<i32>} : memref<1024xi32, #tpu.memory_space<vmem>>, vector<16xi32>,
    %add3A_224 = arith.constant 0 : i32
    %add3A_225 = vector.broadcast %add3A_224 : i32 to vector<16xi32>
    %add3A_226 = arith.addi %get3A_223, %add3A_225 : vector<16xi32>
    tpu.vector_store_idx %arg8[%add3A_226], %broadcast_in_dim3A_5 {add = true} : memref<1024xf32, #tpu.memory_space<vmem>>[vector<16xi32>], vector<16xf32>,
    %get3A_227 = arith.constant 304 : index
    %get3A_228 = tpu.vector_load %arg7[%get3A_227] {strides = array<i32>} : memref<1024xi32, #tpu.memory_space<vmem>>, vector<16xi32>,
    %add3A_229 = arith.constant 0 : i32
    %add3A_230 = vector.broadcast %add3A_229 : i32 to vector<16xi32>
    %add3A_231 = arith.addi %get3A_228, %add3A_230 : vector<16xi32>
    tpu.vector_store_idx %arg8[%add3A_231], %broadcast_in_dim3A_5 {add = true} : memref<1024xf32, #tpu.memory_space<vmem>>[vector<16xi32>], vector<16xf32>,
    %get3A_232 = arith.constant 320 : index
    %get3A_233 = tpu.vector_load %arg7[%get3A_232] {strides = array<i32>} : memref<1024xi32, #tpu.memory_space<vmem>>, vector<16xi32>,
    %add3A_234 = arith.constant 0 : i32
    %add3A_235 = vector.broadcast %add3A_234 : i32 to vector<16xi32>
    %add3A_236 = arith.addi %get3A_233, %add3A_235 : vector<16xi32>
    tpu.vector_store_idx %arg8[%add3A_236], %broadcast_in_dim3A_5 {add = true} : memref<1024xf32, #tpu.memory_space<vmem>>[vector<16xi32>], vector<16xf32>,
    %get3A_237 = arith.constant 336 : index
    %get3A_238 = tpu.vector_load %arg7[%get3A_237] {strides = array<i32>} : memref<1024xi32, #tpu.memory_space<vmem>>, vector<16xi32>,
    %add3A_239 = arith.constant 0 : i32
    %add3A_240 = vector.broadcast %add3A_239 : i32 to vector<16xi32>
    %add3A_241 = arith.addi %get3A_238, %add3A_240 : vector<16xi32>
    tpu.vector_store_idx %arg8[%add3A_241], %broadcast_in_dim3A_5 {add = true} : memref<1024xf32, #tpu.memory_space<vmem>>[vector<16xi32>], vector<16xf32>,
    %get3A_242 = arith.constant 352 : index
    %get3A_243 = tpu.vector_load %arg7[%get3A_242] {strides = array<i32>} : memref<1024xi32, #tpu.memory_space<vmem>>, vector<16xi32>,
    %add3A_244 = arith.constant 0 : i32
    %add3A_245 = vector.broadcast %add3A_244 : i32 to vector<16xi32>
    %add3A_246 = arith.addi %get3A_243, %add3A_245 : vector<16xi32>
    tpu.vector_store_idx %arg8[%add3A_246], %broadcast_in_dim3A_5 {add = true} : memref<1024xf32, #tpu.memory_space<vmem>>[vector<16xi32>], vector<16xf32>,
    %get3A_247 = arith.constant 368 : index
    %get3A_248 = tpu.vector_load %arg7[%get3A_247] {strides = array<i32>} : memref<1024xi32, #tpu.memory_space<vmem>>, vector<16xi32>,
    %add3A_249 = arith.constant 0 : i32
    %add3A_250 = vector.broadcast %add3A_249 : i32 to vector<16xi32>
    %add3A_251 = arith.addi %get3A_248, %add3A_250 : vector<16xi32>
    tpu.vector_store_idx %arg8[%add3A_251], %broadcast_in_dim3A_5 {add = true} : memref<1024xf32, #tpu.memory_space<vmem>>[vector<16xi32>], vector<16xf32>,
    %get3A_252 = arith.constant 384 : index
    %get3A_253 = tpu.vector_load %arg7[%get3A_252] {strides = array<i32>} : memref<1024xi32, #tpu.memory_space<vmem>>, vector<16xi32>,
    %add3A_254 = arith.constant 0 : i32
    %add3A_255 = vector.broadcast %add3A_254 : i32 to vector<16xi32>
    %add3A_256 = arith.addi %get3A_253, %add3A_255 : vector<16xi32>
    tpu.vector_store_idx %arg8[%add3A_256], %broadcast_in_dim3A_5 {add = true} : memref<1024xf32, #tpu.memory_space<vmem>>[vector<16xi32>], vector<16xf32>,
    %get3A_257 = arith.constant 400 : index
    %get3A_258 = tpu.vector_load %arg7[%get3A_257] {strides = array<i32>} : memref<1024xi32, #tpu.memory_space<vmem>>, vector<16xi32>,
    %add3A_259 = arith.constant 0 : i32
    %add3A_260 = vector.broadcast %add3A_259 : i32 to vector<16xi32>
    %add3A_261 = arith.addi %get3A_258, %add3A_260 : vector<16xi32>
    tpu.vector_store_idx %arg8[%add3A_261], %broadcast_in_dim3A_5 {add = true} : memref<1024xf32, #tpu.memory_space<vmem>>[vector<16xi32>], vector<16xf32>,
    %get3A_262 = arith.constant 416 : index
    %get3A_263 = tpu.vector_load %arg7[%get3A_262] {strides = array<i32>} : memref<1024xi32, #tpu.memory_space<vmem>>, vector<16xi32>,
    %add3A_264 = arith.constant 0 : i32
    %add3A_265 = vector.broadcast %add3A_264 : i32 to vector<16xi32>
    %add3A_266 = arith.addi %get3A_263, %add3A_265 : vector<16xi32>
    tpu.vector_store_idx %arg8[%add3A_266], %broadcast_in_dim3A_5 {add = true} : memref<1024xf32, #tpu.memory_space<vmem>>[vector<16xi32>], vector<16xf32>,
    %get3A_267 = arith.constant 432 : index
    %get3A_268 = tpu.vector_load %arg7[%get3A_267] {strides = array<i32>} : memref<1024xi32, #tpu.memory_space<vmem>>, vector<16xi32>,
    %add3A_269 = arith.constant 0 : i32
    %add3A_270 = vector.broadcast %add3A_269 : i32 to vector<16xi32>
    %add3A_271 = arith.addi %get3A_268, %add3A_270 : vector<16xi32>
    tpu.vector_store_idx %arg8[%add3A_271], %broadcast_in_dim3A_5 {add = true} : memref<1024xf32, #tpu.memory_space<vmem>>[vector<16xi32>], vector<16xf32>,
    %get3A_272 = arith.constant 448 : index
    %get3A_273 = tpu.vector_load %arg7[%get3A_272] {strides = array<i32>} : memref<1024xi32, #tpu.memory_space<vmem>>, vector<16xi32>,
    %add3A_274 = arith.constant 0 : i32
    %add3A_275 = vector.broadcast %add3A_274 : i32 to vector<16xi32>
    %add3A_276 = arith.addi %get3A_273, %add3A_275 : vector<16xi32>
    tpu.vector_store_idx %arg8[%add3A_276], %broadcast_in_dim3A_5 {add = true} : memref<1024xf32, #tpu.memory_space<vmem>>[vector<16xi32>], vector<16xf32>,
    %get3A_277 = arith.constant 464 : index
    %get3A_278 = tpu.vector_load %arg7[%get3A_277] {strides = array<i32>} : memref<1024xi32, #tpu.memory_space<vmem>>, vector<16xi32>,
    %add3A_279 = arith.constant 0 : i32
    %add3A_280 = vector.broadcast %add3A_279 : i32 to vector<16xi32>
    %add3A_281 = arith.addi %get3A_278, %add3A_280 : vector<16xi32>
    tpu.vector_store_idx %arg8[%add3A_281], %broadcast_in_dim3A_5 {add = true} : memref<1024xf32, #tpu.memory_space<vmem>>[vector<16xi32>], vector<16xf32>,
    %get3A_282 = arith.constant 480 : index
    %get3A_283 = tpu.vector_load %arg7[%get3A_282] {strides = array<i32>} : memref<1024xi32, #tpu.memory_space<vmem>>, vector<16xi32>,
    %add3A_284 = arith.constant 0 : i32
    %add3A_285 = vector.broadcast %add3A_284 : i32 to vector<16xi32>
    %add3A_286 = arith.addi %get3A_283, %add3A_285 : vector<16xi32>
    tpu.vector_store_idx %arg8[%add3A_286], %broadcast_in_dim3A_5 {add = true} : memref<1024xf32, #tpu.memory_space<vmem>>[vector<16xi32>], vector<16xf32>,
    %get3A_287 = arith.constant 496 : index
    %get3A_288 = tpu.vector_load %arg7[%get3A_287] {strides = array<i32>} : memref<1024xi32, #tpu.memory_space<vmem>>, vector<16xi32>,
    %add3A_289 = arith.constant 0 : i32
    %add3A_290 = vector.broadcast %add3A_289 : i32 to vector<16xi32>
    %add3A_291 = arith.addi %get3A_288, %add3A_290 : vector<16xi32>
    tpu.vector_store_idx %arg8[%add3A_291], %broadcast_in_dim3A_5 {add = true} : memref<1024xf32, #tpu.memory_space<vmem>>[vector<16xi32>], vector<16xf32>,
    %get3A_292 = arith.constant 512 : index
    %get3A_293 = tpu.vector_load %arg7[%get3A_292] {strides = array<i32>} : memref<1024xi32, #tpu.memory_space<vmem>>, vector<16xi32>,
    %add3A_294 = arith.constant 512 : i32
    %add3A_295 = vector.broadcast %add3A_294 : i32 to vector<16xi32>
    %add3A_296 = arith.addi %get3A_293, %add3A_295 : vector<16xi32>
    tpu.vector_store_idx %arg8[%add3A_296], %broadcast_in_dim3A_5 {add = true} : memref<1024xf32, #tpu.memory_space<vmem>>[vector<16xi32>], vector<16xf32>,
    %get3A_297 = arith.constant 528 : index
    %get3A_298 = tpu.vector_load %arg7[%get3A_297] {strides = array<i32>} : memref<1024xi32, #tpu.memory_space<vmem>>, vector<16xi32>,
    %add3A_299 = arith.constant 512 : i32
    %add3A_300 = vector.broadcast %add3A_299 : i32 to vector<16xi32>
    %add3A_301 = arith.addi %get3A_298, %add3A_300 : vector<16xi32>
    tpu.vector_store_idx %arg8[%add3A_301], %broadcast_in_dim3A_5 {add = true} : memref<1024xf32, #tpu.memory_space<vmem>>[vector<16xi32>], vector<16xf32>,
    %get3A_302 = arith.constant 544 : index
    %get3A_303 = tpu.vector_load %arg7[%get3A_302] {strides = array<i32>} : memref<1024xi32, #tpu.memory_space<vmem>>, vector<16xi32>,
    %add3A_304 = arith.constant 512 : i32
    %add3A_305 = vector.broadcast %add3A_304 : i32 to vector<16xi32>
    %add3A_306 = arith.addi %get3A_303, %add3A_305 : vector<16xi32>
    tpu.vector_store_idx %arg8[%add3A_306], %broadcast_in_dim3A_5 {add = true} : memref<1024xf32, #tpu.memory_space<vmem>>[vector<16xi32>], vector<16xf32>,
    %get3A_307 = arith.constant 560 : index
    %get3A_308 = tpu.vector_load %arg7[%get3A_307] {strides = array<i32>} : memref<1024xi32, #tpu.memory_space<vmem>>, vector<16xi32>,
    %add3A_309 = arith.constant 512 : i32
    %add3A_310 = vector.broadcast %add3A_309 : i32 to vector<16xi32>
    %add3A_311 = arith.addi %get3A_308, %add3A_310 : vector<16xi32>
    tpu.vector_store_idx %arg8[%add3A_311], %broadcast_in_dim3A_5 {add = true} : memref<1024xf32, #tpu.memory_space<vmem>>[vector<16xi32>], vector<16xf32>,
    %get3A_312 = arith.constant 576 : index
    %get3A_313 = tpu.vector_load %arg7[%get3A_312] {strides = array<i32>} : memref<1024xi32, #tpu.memory_space<vmem>>, vector<16xi32>,
    %add3A_314 = arith.constant 512 : i32
    %add3A_315 = vector.broadcast %add3A_314 : i32 to vector<16xi32>
    %add3A_316 = arith.addi %get3A_313, %add3A_315 : vector<16xi32>
    tpu.vector_store_idx %arg8[%add3A_316], %broadcast_in_dim3A_5 {add = true} : memref<1024xf32, #tpu.memory_space<vmem>>[vector<16xi32>], vector<16xf32>,
    %get3A_317 = arith.constant 592 : index
    %get3A_318 = tpu.vector_load %arg7[%get3A_317] {strides = array<i32>} : memref<1024xi32, #tpu.memory_space<vmem>>, vector<16xi32>,
    %add3A_319 = arith.constant 512 : i32
    %add3A_320 = vector.broadcast %add3A_319 : i32 to vector<16xi32>
    %add3A_321 = arith.addi %get3A_318, %add3A_320 : vector<16xi32>
    tpu.vector_store_idx %arg8[%add3A_321], %broadcast_in_dim3A_5 {add = true} : memref<1024xf32, #tpu.memory_space<vmem>>[vector<16xi32>], vector<16xf32>,
    %get3A_322 = arith.constant 608 : index
    %get3A_323 = tpu.vector_load %arg7[%get3A_322] {strides = array<i32>} : memref<1024xi32, #tpu.memory_space<vmem>>, vector<16xi32>,
    %add3A_324 = arith.constant 512 : i32
    %add3A_325 = vector.broadcast %add3A_324 : i32 to vector<16xi32>
    %add3A_326 = arith.addi %get3A_323, %add3A_325 : vector<16xi32>
    tpu.vector_store_idx %arg8[%add3A_326], %broadcast_in_dim3A_5 {add = true} : memref<1024xf32, #tpu.memory_space<vmem>>[vector<16xi32>], vector<16xf32>,
    %get3A_327 = arith.constant 624 : index
    %get3A_328 = tpu.vector_load %arg7[%get3A_327] {strides = array<i32>} : memref<1024xi32, #tpu.memory_space<vmem>>, vector<16xi32>,
    %add3A_329 = arith.constant 512 : i32
    %add3A_330 = vector.broadcast %add3A_329 : i32 to vector<16xi32>
    %add3A_331 = arith.addi %get3A_328, %add3A_330 : vector<16xi32>
    tpu.vector_store_idx %arg8[%add3A_331], %broadcast_in_dim3A_5 {add = true} : memref<1024xf32, #tpu.memory_space<vmem>>[vector<16xi32>], vector<16xf32>,
    %get3A_332 = arith.constant 640 : index
    %get3A_333 = tpu.vector_load %arg7[%get3A_332] {strides = array<i32>} : memref<1024xi32, #tpu.memory_space<vmem>>, vector<16xi32>,
    %add3A_334 = arith.constant 512 : i32
    %add3A_335 = vector.broadcast %add3A_334 : i32 to vector<16xi32>
    %add3A_336 = arith.addi %get3A_333, %add3A_335 : vector<16xi32>
    tpu.vector_store_idx %arg8[%add3A_336], %broadcast_in_dim3A_5 {add = true} : memref<1024xf32, #tpu.memory_space<vmem>>[vector<16xi32>], vector<16xf32>,
    %get3A_337 = arith.constant 656 : index
    %get3A_338 = tpu.vector_load %arg7[%get3A_337] {strides = array<i32>} : memref<1024xi32, #tpu.memory_space<vmem>>, vector<16xi32>,
    %add3A_339 = arith.constant 512 : i32
    %add3A_340 = vector.broadcast %add3A_339 : i32 to vector<16xi32>
    %add3A_341 = arith.addi %get3A_338, %add3A_340 : vector<16xi32>
    tpu.vector_store_idx %arg8[%add3A_341], %broadcast_in_dim3A_5 {add = true} : memref<1024xf32, #tpu.memory_space<vmem>>[vector<16xi32>], vector<16xf32>,
    %get3A_342 = arith.constant 672 : index
    %get3A_343 = tpu.vector_load %arg7[%get3A_342] {strides = array<i32>} : memref<1024xi32, #tpu.memory_space<vmem>>, vector<16xi32>,
    %add3A_344 = arith.constant 512 : i32
    %add3A_345 = vector.broadcast %add3A_344 : i32 to vector<16xi32>
    %add3A_346 = arith.addi %get3A_343, %add3A_345 : vector<16xi32>
    tpu.vector_store_idx %arg8[%add3A_346], %broadcast_in_dim3A_5 {add = true} : memref<1024xf32, #tpu.memory_space<vmem>>[vector<16xi32>], vector<16xf32>,
    %get3A_347 = arith.constant 688 : index
    %get3A_348 = tpu.vector_load %arg7[%get3A_347] {strides = array<i32>} : memref<1024xi32, #tpu.memory_space<vmem>>, vector<16xi32>,
    %add3A_349 = arith.constant 512 : i32
    %add3A_350 = vector.broadcast %add3A_349 : i32 to vector<16xi32>
    %add3A_351 = arith.addi %get3A_348, %add3A_350 : vector<16xi32>
    tpu.vector_store_idx %arg8[%add3A_351], %broadcast_in_dim3A_5 {add = true} : memref<1024xf32, #tpu.memory_space<vmem>>[vector<16xi32>], vector<16xf32>,
    %get3A_352 = arith.constant 704 : index
    %get3A_353 = tpu.vector_load %arg7[%get3A_352] {strides = array<i32>} : memref<1024xi32, #tpu.memory_space<vmem>>, vector<16xi32>,
    %add3A_354 = arith.constant 512 : i32
    %add3A_355 = vector.broadcast %add3A_354 : i32 to vector<16xi32>
    %add3A_356 = arith.addi %get3A_353, %add3A_355 : vector<16xi32>
    tpu.vector_store_idx %arg8[%add3A_356], %broadcast_in_dim3A_5 {add = true} : memref<1024xf32, #tpu.memory_space<vmem>>[vector<16xi32>], vector<16xf32>,
    %get3A_357 = arith.constant 720 : index
    %get3A_358 = tpu.vector_load %arg7[%get3A_357] {strides = array<i32>} : memref<1024xi32, #tpu.memory_space<vmem>>, vector<16xi32>,
    %add3A_359 = arith.constant 512 : i32
    %add3A_360 = vector.broadcast %add3A_359 : i32 to vector<16xi32>
    %add3A_361 = arith.addi %get3A_358, %add3A_360 : vector<16xi32>
    tpu.vector_store_idx %arg8[%add3A_361], %broadcast_in_dim3A_5 {add = true} : memref<1024xf32, #tpu.memory_space<vmem>>[vector<16xi32>], vector<16xf32>,
    %get3A_362 = arith.constant 736 : index
    %get3A_363 = tpu.vector_load %arg7[%get3A_362] {strides = array<i32>} : memref<1024xi32, #tpu.memory_space<vmem>>, vector<16xi32>,
    %add3A_364 = arith.constant 512 : i32
    %add3A_365 = vector.broadcast %add3A_364 : i32 to vector<16xi32>
    %add3A_366 = arith.addi %get3A_363, %add3A_365 : vector<16xi32>
    tpu.vector_store_idx %arg8[%add3A_366], %broadcast_in_dim3A_5 {add = true} : memref<1024xf32, #tpu.memory_space<vmem>>[vector<16xi32>], vector<16xf32>,
    %get3A_367 = arith.constant 752 : index
    %get3A_368 = tpu.vector_load %arg7[%get3A_367] {strides = array<i32>} : memref<1024xi32, #tpu.memory_space<vmem>>, vector<16xi32>,
    %add3A_369 = arith.constant 512 : i32
    %add3A_370 = vector.broadcast %add3A_369 : i32 to vector<16xi32>
    %add3A_371 = arith.addi %get3A_368, %add3A_370 : vector<16xi32>
    tpu.vector_store_idx %arg8[%add3A_371], %broadcast_in_dim3A_5 {add = true} : memref<1024xf32, #tpu.memory_space<vmem>>[vector<16xi32>], vector<16xf32>,
    %get3A_372 = arith.constant 768 : index
    %get3A_373 = tpu.vector_load %arg7[%get3A_372] {strides = array<i32>} : memref<1024xi32, #tpu.memory_space<vmem>>, vector<16xi32>,
    %add3A_374 = arith.constant 512 : i32
    %add3A_375 = vector.broadcast %add3A_374 : i32 to vector<16xi32>
    %add3A_376 = arith.addi %get3A_373, %add3A_375 : vector<16xi32>
    tpu.vector_store_idx %arg8[%add3A_376], %broadcast_in_dim3A_5 {add = true} : memref<1024xf32, #tpu.memory_space<vmem>>[vector<16xi32>], vector<16xf32>,
    %get3A_377 = arith.constant 784 : index
    %get3A_378 = tpu.vector_load %arg7[%get3A_377] {strides = array<i32>} : memref<1024xi32, #tpu.memory_space<vmem>>, vector<16xi32>,
    %add3A_379 = arith.constant 512 : i32
    %add3A_380 = vector.broadcast %add3A_379 : i32 to vector<16xi32>
    %add3A_381 = arith.addi %get3A_378, %add3A_380 : vector<16xi32>
    tpu.vector_store_idx %arg8[%add3A_381], %broadcast_in_dim3A_5 {add = true} : memref<1024xf32, #tpu.memory_space<vmem>>[vector<16xi32>], vector<16xf32>,
    %get3A_382 = arith.constant 800 : index
    %get3A_383 = tpu.vector_load %arg7[%get3A_382] {strides = array<i32>} : memref<1024xi32, #tpu.memory_space<vmem>>, vector<16xi32>,
    %add3A_384 = arith.constant 512 : i32
    %add3A_385 = vector.broadcast %add3A_384 : i32 to vector<16xi32>
    %add3A_386 = arith.addi %get3A_383, %add3A_385 : vector<16xi32>
    tpu.vector_store_idx %arg8[%add3A_386], %broadcast_in_dim3A_5 {add = true} : memref<1024xf32, #tpu.memory_space<vmem>>[vector<16xi32>], vector<16xf32>,
    %get3A_387 = arith.constant 816 : index
    %get3A_388 = tpu.vector_load %arg7[%get3A_387] {strides = array<i32>} : memref<1024xi32, #tpu.memory_space<vmem>>, vector<16xi32>,
    %add3A_389 = arith.constant 512 : i32
    %add3A_390 = vector.broadcast %add3A_389 : i32 to vector<16xi32>
    %add3A_391 = arith.addi %get3A_388, %add3A_390 : vector<16xi32>
    tpu.vector_store_idx %arg8[%add3A_391], %broadcast_in_dim3A_5 {add = true} : memref<1024xf32, #tpu.memory_space<vmem>>[vector<16xi32>], vector<16xf32>,
    %get3A_392 = arith.constant 832 : index
    %get3A_393 = tpu.vector_load %arg7[%get3A_392] {strides = array<i32>} : memref<1024xi32, #tpu.memory_space<vmem>>, vector<16xi32>,
    %add3A_394 = arith.constant 512 : i32
    %add3A_395 = vector.broadcast %add3A_394 : i32 to vector<16xi32>
    %add3A_396 = arith.addi %get3A_393, %add3A_395 : vector<16xi32>
    tpu.vector_store_idx %arg8[%add3A_396], %broadcast_in_dim3A_5 {add = true} : memref<1024xf32, #tpu.memory_space<vmem>>[vector<16xi32>], vector<16xf32>,
    %get3A_397 = arith.constant 848 : index
    %get3A_398 = tpu.vector_load %arg7[%get3A_397] {strides = array<i32>} : memref<1024xi32, #tpu.memory_space<vmem>>, vector<16xi32>,
    %add3A_399 = arith.constant 512 : i32
    %add3A_400 = vector.broadcast %add3A_399 : i32 to vector<16xi32>
    %add3A_401 = arith.addi %get3A_398, %add3A_400 : vector<16xi32>
    tpu.vector_store_idx %arg8[%add3A_401], %broadcast_in_dim3A_5 {add = true} : memref<1024xf32, #tpu.memory_space<vmem>>[vector<16xi32>], vector<16xf32>,
    %get3A_402 = arith.constant 864 : index
    %get3A_403 = tpu.vector_load %arg7[%get3A_402] {strides = array<i32>} : memref<1024xi32, #tpu.memory_space<vmem>>, vector<16xi32>,
    %add3A_404 = arith.constant 512 : i32
    %add3A_405 = vector.broadcast %add3A_404 : i32 to vector<16xi32>
    %add3A_406 = arith.addi %get3A_403, %add3A_405 : vector<16xi32>
    tpu.vector_store_idx %arg8[%add3A_406], %broadcast_in_dim3A_5 {add = true} : memref<1024xf32, #tpu.memory_space<vmem>>[vector<16xi32>], vector<16xf32>,
    %get3A_407 = arith.constant 880 : index
    %get3A_408 = tpu.vector_load %arg7[%get3A_407] {strides = array<i32>} : memref<1024xi32, #tpu.memory_space<vmem>>, vector<16xi32>,
    %add3A_409 = arith.constant 512 : i32
    %add3A_410 = vector.broadcast %add3A_409 : i32 to vector<16xi32>
    %add3A_411 = arith.addi %get3A_408, %add3A_410 : vector<16xi32>
    tpu.vector_store_idx %arg8[%add3A_411], %broadcast_in_dim3A_5 {add = true} : memref<1024xf32, #tpu.memory_space<vmem>>[vector<16xi32>], vector<16xf32>,
    %get3A_412 = arith.constant 896 : index
    %get3A_413 = tpu.vector_load %arg7[%get3A_412] {strides = array<i32>} : memref<1024xi32, #tpu.memory_space<vmem>>, vector<16xi32>,
    %add3A_414 = arith.constant 512 : i32
    %add3A_415 = vector.broadcast %add3A_414 : i32 to vector<16xi32>
    %add3A_416 = arith.addi %get3A_413, %add3A_415 : vector<16xi32>
    tpu.vector_store_idx %arg8[%add3A_416], %broadcast_in_dim3A_5 {add = true} : memref<1024xf32, #tpu.memory_space<vmem>>[vector<16xi32>], vector<16xf32>,
    %get3A_417 = arith.constant 912 : index
    %get3A_418 = tpu.vector_load %arg7[%get3A_417] {strides = array<i32>} : memref<1024xi32, #tpu.memory_space<vmem>>, vector<16xi32>,
    %add3A_419 = arith.constant 512 : i32
    %add3A_420 = vector.broadcast %add3A_419 : i32 to vector<16xi32>
    %add3A_421 = arith.addi %get3A_418, %add3A_420 : vector<16xi32>
    tpu.vector_store_idx %arg8[%add3A_421], %broadcast_in_dim3A_5 {add = true} : memref<1024xf32, #tpu.memory_space<vmem>>[vector<16xi32>], vector<16xf32>,
    %get3A_422 = arith.constant 928 : index
    %get3A_423 = tpu.vector_load %arg7[%get3A_422] {strides = array<i32>} : memref<1024xi32, #tpu.memory_space<vmem>>, vector<16xi32>,
    %add3A_424 = arith.constant 512 : i32
    %add3A_425 = vector.broadcast %add3A_424 : i32 to vector<16xi32>
    %add3A_426 = arith.addi %get3A_423, %add3A_425 : vector<16xi32>
    tpu.vector_store_idx %arg8[%add3A_426], %broadcast_in_dim3A_5 {add = true} : memref<1024xf32, #tpu.memory_space<vmem>>[vector<16xi32>], vector<16xf32>,
    %get3A_427 = arith.constant 944 : index
    %get3A_428 = tpu.vector_load %arg7[%get3A_427] {strides = array<i32>} : memref<1024xi32, #tpu.memory_space<vmem>>, vector<16xi32>,
    %add3A_429 = arith.constant 512 : i32
    %add3A_430 = vector.broadcast %add3A_429 : i32 to vector<16xi32>
    %add3A_431 = arith.addi %get3A_428, %add3A_430 : vector<16xi32>
    tpu.vector_store_idx %arg8[%add3A_431], %broadcast_in_dim3A_5 {add = true} : memref<1024xf32, #tpu.memory_space<vmem>>[vector<16xi32>], vector<16xf32>,
    %get3A_432 = arith.constant 960 : index
    %get3A_433 = tpu.vector_load %arg7[%get3A_432] {strides = array<i32>} : memref<1024xi32, #tpu.memory_space<vmem>>, vector<16xi32>,
    %add3A_434 = arith.constant 512 : i32
    %add3A_435 = vector.broadcast %add3A_434 : i32 to vector<16xi32>
    %add3A_436 = arith.addi %get3A_433, %add3A_435 : vector<16xi32>
    tpu.vector_store_idx %arg8[%add3A_436], %broadcast_in_dim3A_5 {add = true} : memref<1024xf32, #tpu.memory_space<vmem>>[vector<16xi32>], vector<16xf32>,
    %get3A_437 = arith.constant 976 : index
    %get3A_438 = tpu.vector_load %arg7[%get3A_437] {strides = array<i32>} : memref<1024xi32, #tpu.memory_space<vmem>>, vector<16xi32>,
    %add3A_439 = arith.constant 512 : i32
    %add3A_440 = vector.broadcast %add3A_439 : i32 to vector<16xi32>
    %add3A_441 = arith.addi %get3A_438, %add3A_440 : vector<16xi32>
    tpu.vector_store_idx %arg8[%add3A_441], %broadcast_in_dim3A_5 {add = true} : memref<1024xf32, #tpu.memory_space<vmem>>[vector<16xi32>], vector<16xf32>,
    %get3A_442 = arith.constant 992 : index
    %get3A_443 = tpu.vector_load %arg7[%get3A_442] {strides = array<i32>} : memref<1024xi32, #tpu.memory_space<vmem>>, vector<16xi32>,
    %add3A_444 = arith.constant 512 : i32
    %add3A_445 = vector.broadcast %add3A_444 : i32 to vector<16xi32>
    %add3A_446 = arith.addi %get3A_443, %add3A_445 : vector<16xi32>
    tpu.vector_store_idx %arg8[%add3A_446], %broadcast_in_dim3A_5 {add = true} : memref<1024xf32, #tpu.memory_space<vmem>>[vector<16xi32>], vector<16xf32>,
    %get3A_447 = arith.constant 1008 : index
    %get3A_448 = tpu.vector_load %arg7[%get3A_447] {strides = array<i32>} : memref<1024xi32, #tpu.memory_space<vmem>>, vector<16xi32>,
    %add3A_449 = arith.constant 512 : i32
    %add3A_450 = vector.broadcast %add3A_449 : i32 to vector<16xi32>
    %add3A_451 = arith.addi %get3A_448, %add3A_450 : vector<16xi32>
    tpu.vector_store_idx %arg8[%add3A_451], %broadcast_in_dim3A_5 {add = true} : memref<1024xf32, #tpu.memory_space<vmem>>[vector<16xi32>], vector<16xf32>,
    %mul3A_452 = arith.constant 1024 : i32
    %mul3A_453 = arith.muli %add3A, %mul3A_452 : i32
    "tpu.region"() ({
      %run_scoped3A = tpu.sem_alloc : memref<!tpu.dma_semaphore, #tpu.memory_space<semaphore_mem>>
      %dma_start3A_506 = tpu.memref_slice %arg5[%mul3A_453] : memref<32768xf32, #tpu.memory_space<hbm>> -> memref<1024xf32, #tpu.memory_space<hbm>>
      %dma_start3A_507 = tpu.memref_slice %arg5[%mul3A_453] : memref<32768xf32, #tpu.memory_space<hbm>> -> memref<1024xf32, #tpu.memory_space<hbm>>
      tpu.enqueue_dma source(%arg8 : memref<1024xf32, #tpu.memory_space<vmem>>) target(%dma_start3A_507 : memref<1024xf32, #tpu.memory_space<hbm>>) target_semaphore(%run_scoped3A : memref<!tpu.dma_semaphore, #tpu.memory_space<semaphore_mem>>)
      %dma_wait3A_508 = tpu.memref_slice %arg5[%mul3A_453] : memref<32768xf32, #tpu.memory_space<hbm>> -> memref<1024xf32, #tpu.memory_space<hbm>>
      %dma_wait3A_509 = tpu.memref_slice %arg5[%mul3A_453] : memref<32768xf32, #tpu.memory_space<hbm>> -> memref<1024xf32, #tpu.memory_space<hbm>>
      tpu.wait_dma2 semaphore(%run_scoped3A : memref<!tpu.dma_semaphore, #tpu.memory_space<semaphore_mem>>) src(%arg8 : memref<1024xf32, #tpu.memory_space<vmem>>) dst(%dma_wait3A_509 : memref<1024xf32, #tpu.memory_space<hbm>>)
      tpu.yield
    }) : () -> ()
    %mul3A_454 = arith.constant 64 : i32
    %mul3A_455 = arith.muli %add3A, %mul3A_454 : i32
    "tpu.region"() ({
      %run_scoped3A = tpu.sem_alloc : memref<!tpu.dma_semaphore, #tpu.memory_space<semaphore_mem>>
      %dma_start3A_506 = tpu.memref_slice %arg3[%mul3A_455] : memref<2048xi32, #tpu.memory_space<hbm>> -> memref<64xi32, #tpu.memory_space<hbm>>
      %dma_start3A_507 = tpu.memref_slice %arg3[%mul3A_455] : memref<2048xi32, #tpu.memory_space<hbm>> -> memref<64xi32, #tpu.memory_space<hbm>>
      tpu.enqueue_dma source(%dma_start3A_507 : memref<64xi32, #tpu.memory_space<hbm>>) target(%arg9 : memref<64xi32, #tpu.memory_space<vmem>>) target_semaphore(%run_scoped3A : memref<!tpu.dma_semaphore, #tpu.memory_space<semaphore_mem>>)
      %dma_wait3A_508 = tpu.memref_slice %arg3[%mul3A_455] : memref<2048xi32, #tpu.memory_space<hbm>> -> memref<64xi32, #tpu.memory_space<hbm>>
      %dma_wait3A_509 = tpu.memref_slice %arg3[%mul3A_455] : memref<2048xi32, #tpu.memory_space<hbm>> -> memref<64xi32, #tpu.memory_space<hbm>>
      tpu.wait_dma2 semaphore(%run_scoped3A : memref<!tpu.dma_semaphore, #tpu.memory_space<semaphore_mem>>) src(%dma_wait3A_509 : memref<64xi32, #tpu.memory_space<hbm>>) dst(%arg9 : memref<64xi32, #tpu.memory_space<vmem>>)
      tpu.yield
    }) : () -> ()
    %iota3A = tpu.iota {dimensions = array<i32: 0>} : vector<16xi32>
    %get3A_456 = arith.constant 0 : index
    %get3A_457 = tpu.vector_load %arg9[%get3A_456] {strides = array<i32>} : memref<64xi32, #tpu.memory_space<vmem>>, vector<16xi32>,
    %add3A_458 = arith.constant 0 : i32
    %add3A_459 = arith.addi %mul3A_455, %add3A_458 : i32
    %add3A_460 = vector.broadcast %add3A_459 : i32 to vector<16xi32>
    %add3A_461 = arith.addi %add3A_460, %iota3A : vector<16xi32>
    %mul3A_462 = arith.constant 10000 : i32
    %mul3A_463 = vector.broadcast %mul3A_462 : i32 to vector<16xi32>
    %mul3A_464 = arith.muli %add3A_461, %mul3A_463 : vector<16xi32>
    %add3A_465 = arith.addi %get3A_457, %mul3A_464 : vector<16xi32>
    %swap3A_466 = arith.constant 0 : index
    %swap3A_467 = tpu.vector_load %arg10[%swap3A_466] {strides = array<i32>} : memref<64xi32, #tpu.memory_space<vmem>>, vector<16xi32>,
    tpu.vector_store %arg10[%swap3A_466], %add3A_465 {strides = array<i32>} : memref<64xi32, #tpu.memory_space<vmem>>, vector<16xi32>,
    %get3A_468 = arith.constant 16 : index
    %get3A_469 = tpu.vector_load %arg9[%get3A_468] {strides = array<i32>} : memref<64xi32, #tpu.memory_space<vmem>>, vector<16xi32>,
    %add3A_470 = arith.constant 16 : i32
    %add3A_471 = arith.addi %mul3A_455, %add3A_470 : i32
    %add3A_472 = vector.broadcast %add3A_471 : i32 to vector<16xi32>
    %add3A_473 = arith.addi %add3A_472, %iota3A : vector<16xi32>
    %mul3A_474 = arith.constant 10000 : i32
    %mul3A_475 = vector.broadcast %mul3A_474 : i32 to vector<16xi32>
    %mul3A_476 = arith.muli %add3A_473, %mul3A_475 : vector<16xi32>
    %add3A_477 = arith.addi %get3A_469, %mul3A_476 : vector<16xi32>
    %swap3A_478 = arith.constant 16 : index
    %swap3A_479 = tpu.vector_load %arg10[%swap3A_478] {strides = array<i32>} : memref<64xi32, #tpu.memory_space<vmem>>, vector<16xi32>,
    tpu.vector_store %arg10[%swap3A_478], %add3A_477 {strides = array<i32>} : memref<64xi32, #tpu.memory_space<vmem>>, vector<16xi32>,
    %get3A_480 = arith.constant 32 : index
    %get3A_481 = tpu.vector_load %arg9[%get3A_480] {strides = array<i32>} : memref<64xi32, #tpu.memory_space<vmem>>, vector<16xi32>,
    %add3A_482 = arith.constant 32 : i32
    %add3A_483 = arith.addi %mul3A_455, %add3A_482 : i32
    %add3A_484 = vector.broadcast %add3A_483 : i32 to vector<16xi32>
    %add3A_485 = arith.addi %add3A_484, %iota3A : vector<16xi32>
    %mul3A_486 = arith.constant 10000 : i32
    %mul3A_487 = vector.broadcast %mul3A_486 : i32 to vector<16xi32>
    %mul3A_488 = arith.muli %add3A_485, %mul3A_487 : vector<16xi32>
    %add3A_489 = arith.addi %get3A_481, %mul3A_488 : vector<16xi32>
    %swap3A_490 = arith.constant 32 : index
    %swap3A_491 = tpu.vector_load %arg10[%swap3A_490] {strides = array<i32>} : memref<64xi32, #tpu.memory_space<vmem>>, vector<16xi32>,
    tpu.vector_store %arg10[%swap3A_490], %add3A_489 {strides = array<i32>} : memref<64xi32, #tpu.memory_space<vmem>>, vector<16xi32>,
    %get3A_492 = arith.constant 48 : index
    %get3A_493 = tpu.vector_load %arg9[%get3A_492] {strides = array<i32>} : memref<64xi32, #tpu.memory_space<vmem>>, vector<16xi32>,
    %add3A_494 = arith.constant 48 : i32
    %add3A_495 = arith.addi %mul3A_455, %add3A_494 : i32
    %add3A_496 = vector.broadcast %add3A_495 : i32 to vector<16xi32>
    %add3A_497 = arith.addi %add3A_496, %iota3A : vector<16xi32>
    %mul3A_498 = arith.constant 10000 : i32
    %mul3A_499 = vector.broadcast %mul3A_498 : i32 to vector<16xi32>
    %mul3A_500 = arith.muli %add3A_497, %mul3A_499 : vector<16xi32>
    %add3A_501 = arith.addi %get3A_493, %mul3A_500 : vector<16xi32>
    %swap3A_502 = arith.constant 48 : index
    %swap3A_503 = tpu.vector_load %arg10[%swap3A_502] {strides = array<i32>} : memref<64xi32, #tpu.memory_space<vmem>>, vector<16xi32>,
    tpu.vector_store %arg10[%swap3A_502], %add3A_501 {strides = array<i32>} : memref<64xi32, #tpu.memory_space<vmem>>, vector<16xi32>,
    %dma_start3A = arith.constant 0 : i32
    %dma_start3A_504 = tpu.memref_slice %arg4[%dma_start3A] : memref<20480000xf32, #tpu.memory_space<hbm>> -> memref<20480000xf32, #tpu.memory_space<hbm>>
    tpu.enqueue_indirect_dma source(%dma_start3A_504 : memref<20480000xf32, #tpu.memory_space<hbm>>) target(%arg11 : memref<64xf32, #tpu.memory_space<vmem>>) offsets(%arg10 : memref<64xi32, #tpu.memory_space<vmem>>) semaphore(%arg12 : memref<!tpu.dma_semaphore, #tpu.memory_space<semaphore_mem>>)
    %dma_wait3A = arith.constant 0 : i32
    %dma_wait3A_505 = tpu.memref_slice %arg4[%dma_wait3A] : memref<20480000xf32, #tpu.memory_space<hbm>> -> memref<20480000xf32, #tpu.memory_space<hbm>>
    tpu.wait_indirect_dma semaphore(%arg12 : memref<!tpu.dma_semaphore, #tpu.memory_space<semaphore_mem>>) src(%dma_wait3A_505 : memref<20480000xf32, #tpu.memory_space<hbm>>) dst(%arg11 : memref<64xf32, #tpu.memory_space<vmem>>)
    "tpu.region"() ({
      %run_scoped3A = tpu.sem_alloc : memref<!tpu.dma_semaphore, #tpu.memory_space<semaphore_mem>>
      %dma_start3A_506 = tpu.memref_slice %arg6[%mul3A_455] : memref<2048xf32, #tpu.memory_space<hbm>> -> memref<64xf32, #tpu.memory_space<hbm>>
      %dma_start3A_507 = tpu.memref_slice %arg6[%mul3A_455] : memref<2048xf32, #tpu.memory_space<hbm>> -> memref<64xf32, #tpu.memory_space<hbm>>
      tpu.enqueue_dma source(%arg11 : memref<64xf32, #tpu.memory_space<vmem>>) target(%dma_start3A_507 : memref<64xf32, #tpu.memory_space<hbm>>) target_semaphore(%run_scoped3A : memref<!tpu.dma_semaphore, #tpu.memory_space<semaphore_mem>>)
      %dma_wait3A_508 = tpu.memref_slice %arg6[%mul3A_455] : memref<2048xf32, #tpu.memory_space<hbm>> -> memref<64xf32, #tpu.memory_space<hbm>>
      %dma_wait3A_509 = tpu.memref_slice %arg6[%mul3A_455] : memref<2048xf32, #tpu.memory_space<hbm>> -> memref<64xf32, #tpu.memory_space<hbm>>
      tpu.wait_dma2 semaphore(%run_scoped3A : memref<!tpu.dma_semaphore, #tpu.memory_space<semaphore_mem>>) src(%arg11 : memref<64xf32, #tpu.memory_space<vmem>>) dst(%dma_wait3A_509 : memref<64xf32, #tpu.memory_space<hbm>>)
      tpu.yield
    }) : () -> ()
    return
  }
}

module attributes {stable_mosaic.version = 14 : i64} {
  func.func @_tc_body(%arg0: i32, %arg1: memref<128x1xf32, #tpu.memory_space<vmem>>, %arg2: memref<128x1xf32, #tpu.memory_space<vmem>>, %arg3: memref<128x10000xf32, #tpu.memory_space<vmem>>, %arg4: memref<16x512xf32, #tpu.memory_space<vmem>>, %arg5: memref<16x512xf32, #tpu.memory_space<vmem>>, %arg6: memref<1x1xf32, #tpu.memory_space<vmem>>, %arg7: memref<1x1xf32, #tpu.memory_space<vmem>>) attributes {dimension_semantics = [#tpu.dimension_semantics<arbitrary>], iteration_bounds = array<i64: 16>, scalar_prefetch = 0 : i64, scratch_operands = 0 : i64, tpu.core_type = #tpu.core_type<tc>, window_params = [{transform_indices = @transform_0, window_bounds = array<i64: 128, 1>}, {transform_indices = @transform_1, window_bounds = array<i64: 128, 1>}, {transform_indices = @transform_2, window_bounds = array<i64: 128, 10000>}, {transform_indices = @transform_3, window_bounds = array<i64: 16, 512>}, {transform_indices = @transform_4, window_bounds = array<i64: 16, 512>}, {pipeline_mode = #tpu.pipeline_mode<synchronous>, transform_indices = @transform_5, window_bounds = array<i64: 1, 1>}, {pipeline_mode = #tpu.pipeline_mode<synchronous>, transform_indices = @transform_6, window_bounds = array<i64: 1, 1>}]} {
    %eq3A = arith.constant 0 : i32
    %eq3A_0 = arith.cmpi eq, %arg0, %eq3A : i32
    %convert_element_type3A = arith.extui %eq3A_0 : i1 to i32
    %cond3A = arith.constant 0 : i32
    %cond3A_1 = arith.cmpi ne, %convert_element_type3A, %cond3A : i32
    scf.if %cond3A_1 {
      %broadcast_in_dim3A_4023 = arith.constant 0.000000e+00 : f32
      %broadcast_in_dim3A_4024 = vector.broadcast %broadcast_in_dim3A_4023 : f32 to vector<1x1xf32>
      %swap3A_4025 = arith.constant 0 : index
      %swap3A_4026 = arith.constant 0 : index
      %swap3A_4027 = vector.load %arg6[%swap3A_4025, %swap3A_4026] : memref<1x1xf32, #tpu.memory_space<vmem>>, vector<1x1xf32>
      tpu.vector_store %arg6[%swap3A_4025, %swap3A_4026], %broadcast_in_dim3A_4024 {strides = array<i32>} : memref<1x1xf32, #tpu.memory_space<vmem>>, vector<1x1xf32>,
      %broadcast_in_dim3A_4028 = arith.constant 0.000000e+00 : f32
      %broadcast_in_dim3A_4029 = vector.broadcast %broadcast_in_dim3A_4028 : f32 to vector<1x1xf32>
      %swap3A_4030 = arith.constant 0 : index
      %swap3A_4031 = arith.constant 0 : index
      %swap3A_4032 = vector.load %arg7[%swap3A_4030, %swap3A_4031] : memref<1x1xf32, #tpu.memory_space<vmem>>, vector<1x1xf32>
      tpu.vector_store %arg7[%swap3A_4030, %swap3A_4031], %broadcast_in_dim3A_4029 {strides = array<i32>} : memref<1x1xf32, #tpu.memory_space<vmem>>, vector<1x1xf32>,
    } else {
    }
    %get3A = arith.constant 0 : index
    %get3A_2 = arith.constant 0 : index
    %get3A_3 = vector.load %arg3[%get3A, %get3A_2] : memref<128x10000xf32, #tpu.memory_space<vmem>>, vector<128x10000xf32>
    %reduce_sum3A = arith.constant dense<0.000000e+00> : vector<128xf32>
    %reduce_sum3A_4 = vector.multi_reduction <add>, %get3A_3, %reduce_sum3A [1] : vector<128x10000xf32> to vector<128xf32>
    %broadcast_in_dim3A = vector.shape_cast %reduce_sum3A_4 : vector<128xf32> to vector<128x1xf32>
    %get3A_5 = arith.constant 0 : index
    %get3A_6 = arith.constant 0 : index
    %get3A_7 = vector.load %arg2[%get3A_5, %get3A_6] : memref<128x1xf32, #tpu.memory_space<vmem>>, vector<128x1xf32>
    %mul3A = arith.constant 0.899999976 : f32
    %mul3A_8 = vector.broadcast %mul3A : f32 to vector<128x1xf32>
    %mul3A_9 = arith.mulf %mul3A_8, %get3A_7 : vector<128x1xf32>
    %mul3A_10 = arith.constant 9.99999974E-6 : f32
    %mul3A_11 = vector.broadcast %mul3A_10 : f32 to vector<128x1xf32>
    %mul3A_12 = arith.mulf %mul3A_11, %broadcast_in_dim3A : vector<128x1xf32>
    %add3A = arith.addf %mul3A_9, %mul3A_12 : vector<128x1xf32>
    %get3A_13 = arith.constant 0 : index
    %get3A_14 = arith.constant 0 : index
    %get3A_15 = vector.load %arg6[%get3A_13, %get3A_14] : memref<1x1xf32, #tpu.memory_space<vmem>>, vector<1x1xf32>
    %get3A_16 = arith.constant 0 : index
    %get3A_17 = arith.constant 0 : index
    %get3A_18 = vector.load %arg1[%get3A_16, %get3A_17] : memref<128x1xf32, #tpu.memory_space<vmem>>, vector<128x1xf32>
    %mul3A_19 = arith.mulf %add3A, %get3A_18 : vector<128x1xf32>
    %reduce_sum3A_20 = vector.shape_cast %mul3A_19 : vector<128x1xf32> to vector<1x128x1xf32>
    %reduce_sum3A_21 = arith.constant dense<0.000000e+00> : vector<1xf32>
    %reduce_sum3A_22 = vector.multi_reduction <add>, %reduce_sum3A_20, %reduce_sum3A_21 [1, 2] : vector<1x128x1xf32> to vector<1xf32>
    %reduce_sum3A_23 = vector.shape_cast %reduce_sum3A_22 : vector<1xf32> to vector<1x1x1xf32>
    %reduce_sum3A_24 = vector.extract %reduce_sum3A_23[0, 0, 0] : f32 from vector<1x1x1xf32>
    %broadcast_in_dim3A_25 = vector.broadcast %reduce_sum3A_24 : f32 to vector<1x1xf32>
    %add3A_26 = arith.addf %get3A_15, %broadcast_in_dim3A_25 : vector<1x1xf32>
    %swap3A = arith.constant 0 : index
    %swap3A_27 = arith.constant 0 : index
    %swap3A_28 = vector.load %arg6[%swap3A, %swap3A_27] : memref<1x1xf32, #tpu.memory_space<vmem>>, vector<1x1xf32>
    tpu.vector_store %arg6[%swap3A, %swap3A_27], %add3A_26 {strides = array<i32>} : memref<1x1xf32, #tpu.memory_space<vmem>>, vector<1x1xf32>,
    %get3A_29 = arith.constant 0 : index
    %get3A_30 = arith.constant 0 : index
    %get3A_31 = vector.load %arg4[%get3A_29, %get3A_30] : memref<16x512xf32, #tpu.memory_space<vmem>>, vector<16x512xf32>
    %get3A_32 = arith.constant 0 : index
    %get3A_33 = arith.constant 0 : index
    %get3A_34 = vector.load %arg5[%get3A_32, %get3A_33] : memref<16x512xf32, #tpu.memory_space<vmem>>, vector<16x512xf32>
    %gt3A = arith.constant 0.000000e+00 : f32
    %gt3A_35 = vector.broadcast %gt3A : f32 to vector<16x512xf32>
    %gt3A_36 = arith.cmpf ogt, %get3A_34, %gt3A_35 : vector<16x512xf32>
    %add3A_37 = arith.constant 1.000000e+00 : f32
    %add3A_38 = vector.broadcast %add3A_37 : f32 to vector<16x512xf32>
    %add3A_39 = arith.addf %add3A_38, %get3A_31 : vector<16x512xf32>
    %jit3A = arith.constant -1.000000e+30 : f32
    %broadcast_in_dim3A_40 = vector.broadcast %jit3A : f32 to vector<16x512xf32>
    %select_n3A = arith.select %gt3A_36, %broadcast_in_dim3A_40, %add3A_39 : vector<16x512xi1>, vector<16x512xf32>
    %reshape3A = vector.shape_cast %get3A_31 : vector<16x512xf32> to vector<16x4x128xf32>
    %transpose3A = tpu.transpose %reshape3A, [1, 0, 2] : vector<16x4x128xf32> -> vector<4x16x128xf32>
    %reshape3A_41 = vector.shape_cast %select_n3A : vector<16x512xf32> to vector<16x4x128xf32>
    %transpose3A_42 = tpu.transpose %reshape3A_41, [1, 0, 2] : vector<16x4x128xf32> -> vector<4x16x128xf32>
    %reshape3A_43 = vector.shape_cast %get3A_34 : vector<16x512xf32> to vector<16x4x128xf32>
    %transpose3A_44 = tpu.transpose %reshape3A_43, [1, 0, 2] : vector<16x4x128xf32> -> vector<4x16x128xf32>
    %broadcast_in_dim3A_45 = arith.constant 0.000000e+00 : f32
    %broadcast_in_dim3A_46 = vector.broadcast %broadcast_in_dim3A_45 : f32 to vector<4x16x128xf32>
    %slice3A = vector.extract_strided_slice %transpose3A_42 {offsets = [0, 0, 0], sizes = [1, 16, 128], strides = [1, 1, 1]} : vector<4x16x128xf32> to vector<1x16x128xf32>
    %sub3A = vector.broadcast %slice3A : vector<1x16x128xf32> to vector<4x16x128xf32>
    %sub3A_47 = arith.subf %sub3A, %transpose3A : vector<4x16x128xf32>
    %max3A = arith.constant 0.000000e+00 : f32
    %max3A_48 = vector.broadcast %max3A : f32 to vector<4x16x128xf32>
    %max3A_49 = arith.maximumf %sub3A_47, %max3A_48 : vector<4x16x128xf32>
    %add3A_50 = arith.addf %broadcast_in_dim3A_46, %max3A_49 : vector<4x16x128xf32>
    %slice3A_51 = vector.extract_strided_slice %transpose3A_42 {offsets = [1, 0, 0], sizes = [1, 16, 128], strides = [1, 1, 1]} : vector<4x16x128xf32> to vector<1x16x128xf32>
    %sub3A_52 = vector.broadcast %slice3A_51 : vector<1x16x128xf32> to vector<4x16x128xf32>
    %sub3A_53 = arith.subf %sub3A_52, %transpose3A : vector<4x16x128xf32>
    %max3A_54 = arith.constant 0.000000e+00 : f32
    %max3A_55 = vector.broadcast %max3A_54 : f32 to vector<4x16x128xf32>
    %max3A_56 = arith.maximumf %sub3A_53, %max3A_55 : vector<4x16x128xf32>
    %add3A_57 = arith.addf %add3A_50, %max3A_56 : vector<4x16x128xf32>
    %slice3A_58 = vector.extract_strided_slice %transpose3A_42 {offsets = [2, 0, 0], sizes = [1, 16, 128], strides = [1, 1, 1]} : vector<4x16x128xf32> to vector<1x16x128xf32>
    %sub3A_59 = vector.broadcast %slice3A_58 : vector<1x16x128xf32> to vector<4x16x128xf32>
    %sub3A_60 = arith.subf %sub3A_59, %transpose3A : vector<4x16x128xf32>
    %max3A_61 = arith.constant 0.000000e+00 : f32
    %max3A_62 = vector.broadcast %max3A_61 : f32 to vector<4x16x128xf32>
    %max3A_63 = arith.maximumf %sub3A_60, %max3A_62 : vector<4x16x128xf32>
    %add3A_64 = arith.addf %add3A_57, %max3A_63 : vector<4x16x128xf32>
    %slice3A_65 = vector.extract_strided_slice %transpose3A_42 {offsets = [3, 0, 0], sizes = [1, 16, 128], strides = [1, 1, 1]} : vector<4x16x128xf32> to vector<1x16x128xf32>
    %sub3A_66 = vector.broadcast %slice3A_65 : vector<1x16x128xf32> to vector<4x16x128xf32>
    %sub3A_67 = arith.subf %sub3A_66, %transpose3A : vector<4x16x128xf32>
    %max3A_68 = arith.constant 0.000000e+00 : f32
    %max3A_69 = vector.broadcast %max3A_68 : f32 to vector<4x16x128xf32>
    %max3A_70 = arith.maximumf %sub3A_67, %max3A_69 : vector<4x16x128xf32>
    %add3A_71 = arith.addf %add3A_64, %max3A_70 : vector<4x16x128xf32>
    %slice3A_72 = vector.extract_strided_slice %transpose3A_42 {offsets = [0, 0, 127], sizes = [4, 16, 1], strides = [1, 1, 1]} : vector<4x16x128xf32> to vector<4x16x1xf32>
    %slice3A_73 = vector.extract_strided_slice %transpose3A_42 {offsets = [0, 0, 0], sizes = [4, 16, 127], strides = [1, 1, 1]} : vector<4x16x128xf32> to vector<4x16x127xf32>
    %concatenate3A = tpu.concatenate %slice3A_72, %slice3A_73 in 2 : vector<4x16x1xf32>, vector<4x16x127xf32> -> vector<4x16x128xf32>
    %slice3A_74 = vector.extract_strided_slice %concatenate3A {offsets = [0, 0, 0], sizes = [1, 16, 128], strides = [1, 1, 1]} : vector<4x16x128xf32> to vector<1x16x128xf32>
    %sub3A_75 = vector.broadcast %slice3A_74 : vector<1x16x128xf32> to vector<4x16x128xf32>
    %sub3A_76 = arith.subf %sub3A_75, %transpose3A : vector<4x16x128xf32>
    %max3A_77 = arith.constant 0.000000e+00 : f32
    %max3A_78 = vector.broadcast %max3A_77 : f32 to vector<4x16x128xf32>
    %max3A_79 = arith.maximumf %sub3A_76, %max3A_78 : vector<4x16x128xf32>
    %add3A_80 = arith.addf %add3A_71, %max3A_79 : vector<4x16x128xf32>
    %slice3A_81 = vector.extract_strided_slice %concatenate3A {offsets = [1, 0, 0], sizes = [1, 16, 128], strides = [1, 1, 1]} : vector<4x16x128xf32> to vector<1x16x128xf32>
    %sub3A_82 = vector.broadcast %slice3A_81 : vector<1x16x128xf32> to vector<4x16x128xf32>
    %sub3A_83 = arith.subf %sub3A_82, %transpose3A : vector<4x16x128xf32>
    %max3A_84 = arith.constant 0.000000e+00 : f32
    %max3A_85 = vector.broadcast %max3A_84 : f32 to vector<4x16x128xf32>
    %max3A_86 = arith.maximumf %sub3A_83, %max3A_85 : vector<4x16x128xf32>
    %add3A_87 = arith.addf %add3A_80, %max3A_86 : vector<4x16x128xf32>
    %slice3A_88 = vector.extract_strided_slice %concatenate3A {offsets = [2, 0, 0], sizes = [1, 16, 128], strides = [1, 1, 1]} : vector<4x16x128xf32> to vector<1x16x128xf32>
    %sub3A_89 = vector.broadcast %slice3A_88 : vector<1x16x128xf32> to vector<4x16x128xf32>
    %sub3A_90 = arith.subf %sub3A_89, %transpose3A : vector<4x16x128xf32>
    %max3A_91 = arith.constant 0.000000e+00 : f32
    %max3A_92 = vector.broadcast %max3A_91 : f32 to vector<4x16x128xf32>
    %max3A_93 = arith.maximumf %sub3A_90, %max3A_92 : vector<4x16x128xf32>
    %add3A_94 = arith.addf %add3A_87, %max3A_93 : vector<4x16x128xf32>
    %slice3A_95 = vector.extract_strided_slice %concatenate3A {offsets = [3, 0, 0], sizes = [1, 16, 128], strides = [1, 1, 1]} : vector<4x16x128xf32> to vector<1x16x128xf32>
    %sub3A_96 = vector.broadcast %slice3A_95 : vector<1x16x128xf32> to vector<4x16x128xf32>
    %sub3A_97 = arith.subf %sub3A_96, %transpose3A : vector<4x16x128xf32>
    %max3A_98 = arith.constant 0.000000e+00 : f32
    %max3A_99 = vector.broadcast %max3A_98 : f32 to vector<4x16x128xf32>
    %max3A_100 = arith.maximumf %sub3A_97, %max3A_99 : vector<4x16x128xf32>
    %add3A_101 = arith.addf %add3A_94, %max3A_100 : vector<4x16x128xf32>
    %slice3A_102 = vector.extract_strided_slice %transpose3A_42 {offsets = [0, 0, 126], sizes = [4, 16, 2], strides = [1, 1, 1]} : vector<4x16x128xf32> to vector<4x16x2xf32>
    %slice3A_103 = vector.extract_strided_slice %transpose3A_42 {offsets = [0, 0, 0], sizes = [4, 16, 126], strides = [1, 1, 1]} : vector<4x16x128xf32> to vector<4x16x126xf32>
    %concatenate3A_104 = tpu.concatenate %slice3A_102, %slice3A_103 in 2 : vector<4x16x2xf32>, vector<4x16x126xf32> -> vector<4x16x128xf32>
    %slice3A_105 = vector.extract_strided_slice %concatenate3A_104 {offsets = [0, 0, 0], sizes = [1, 16, 128], strides = [1, 1, 1]} : vector<4x16x128xf32> to vector<1x16x128xf32>
    %sub3A_106 = vector.broadcast %slice3A_105 : vector<1x16x128xf32> to vector<4x16x128xf32>
    %sub3A_107 = arith.subf %sub3A_106, %transpose3A : vector<4x16x128xf32>
    %max3A_108 = arith.constant 0.000000e+00 : f32
    %max3A_109 = vector.broadcast %max3A_108 : f32 to vector<4x16x128xf32>
    %max3A_110 = arith.maximumf %sub3A_107, %max3A_109 : vector<4x16x128xf32>
    %add3A_111 = arith.addf %add3A_101, %max3A_110 : vector<4x16x128xf32>
    %slice3A_112 = vector.extract_strided_slice %concatenate3A_104 {offsets = [1, 0, 0], sizes = [1, 16, 128], strides = [1, 1, 1]} : vector<4x16x128xf32> to vector<1x16x128xf32>
    %sub3A_113 = vector.broadcast %slice3A_112 : vector<1x16x128xf32> to vector<4x16x128xf32>
    %sub3A_114 = arith.subf %sub3A_113, %transpose3A : vector<4x16x128xf32>
    %max3A_115 = arith.constant 0.000000e+00 : f32
    %max3A_116 = vector.broadcast %max3A_115 : f32 to vector<4x16x128xf32>
    %max3A_117 = arith.maximumf %sub3A_114, %max3A_116 : vector<4x16x128xf32>
    %add3A_118 = arith.addf %add3A_111, %max3A_117 : vector<4x16x128xf32>
    %slice3A_119 = vector.extract_strided_slice %concatenate3A_104 {offsets = [2, 0, 0], sizes = [1, 16, 128], strides = [1, 1, 1]} : vector<4x16x128xf32> to vector<1x16x128xf32>
    %sub3A_120 = vector.broadcast %slice3A_119 : vector<1x16x128xf32> to vector<4x16x128xf32>
    %sub3A_121 = arith.subf %sub3A_120, %transpose3A : vector<4x16x128xf32>
    %max3A_122 = arith.constant 0.000000e+00 : f32
    %max3A_123 = vector.broadcast %max3A_122 : f32 to vector<4x16x128xf32>
    %max3A_124 = arith.maximumf %sub3A_121, %max3A_123 : vector<4x16x128xf32>
    %add3A_125 = arith.addf %add3A_118, %max3A_124 : vector<4x16x128xf32>
    %slice3A_126 = vector.extract_strided_slice %concatenate3A_104 {offsets = [3, 0, 0], sizes = [1, 16, 128], strides = [1, 1, 1]} : vector<4x16x128xf32> to vector<1x16x128xf32>
    %sub3A_127 = vector.broadcast %slice3A_126 : vector<1x16x128xf32> to vector<4x16x128xf32>
    %sub3A_128 = arith.subf %sub3A_127, %transpose3A : vector<4x16x128xf32>
    %max3A_129 = arith.constant 0.000000e+00 : f32
    %max3A_130 = vector.broadcast %max3A_129 : f32 to vector<4x16x128xf32>
    %max3A_131 = arith.maximumf %sub3A_128, %max3A_130 : vector<4x16x128xf32>
    %add3A_132 = arith.addf %add3A_125, %max3A_131 : vector<4x16x128xf32>
    %slice3A_133 = vector.extract_strided_slice %transpose3A_42 {offsets = [0, 0, 125], sizes = [4, 16, 3], strides = [1, 1, 1]} : vector<4x16x128xf32> to vector<4x16x3xf32>
    %slice3A_134 = vector.extract_strided_slice %transpose3A_42 {offsets = [0, 0, 0], sizes = [4, 16, 125], strides = [1, 1, 1]} : vector<4x16x128xf32> to vector<4x16x125xf32>
    %concatenate3A_135 = tpu.concatenate %slice3A_133, %slice3A_134 in 2 : vector<4x16x3xf32>, vector<4x16x125xf32> -> vector<4x16x128xf32>
    %slice3A_136 = vector.extract_strided_slice %concatenate3A_135 {offsets = [0, 0, 0], sizes = [1, 16, 128], strides = [1, 1, 1]} : vector<4x16x128xf32> to vector<1x16x128xf32>
    %sub3A_137 = vector.broadcast %slice3A_136 : vector<1x16x128xf32> to vector<4x16x128xf32>
    %sub3A_138 = arith.subf %sub3A_137, %transpose3A : vector<4x16x128xf32>
    %max3A_139 = arith.constant 0.000000e+00 : f32
    %max3A_140 = vector.broadcast %max3A_139 : f32 to vector<4x16x128xf32>
    %max3A_141 = arith.maximumf %sub3A_138, %max3A_140 : vector<4x16x128xf32>
    %add3A_142 = arith.addf %add3A_132, %max3A_141 : vector<4x16x128xf32>
    %slice3A_143 = vector.extract_strided_slice %concatenate3A_135 {offsets = [1, 0, 0], sizes = [1, 16, 128], strides = [1, 1, 1]} : vector<4x16x128xf32> to vector<1x16x128xf32>
    %sub3A_144 = vector.broadcast %slice3A_143 : vector<1x16x128xf32> to vector<4x16x128xf32>
    %sub3A_145 = arith.subf %sub3A_144, %transpose3A : vector<4x16x128xf32>
    %max3A_146 = arith.constant 0.000000e+00 : f32
    %max3A_147 = vector.broadcast %max3A_146 : f32 to vector<4x16x128xf32>
    %max3A_148 = arith.maximumf %sub3A_145, %max3A_147 : vector<4x16x128xf32>
    %add3A_149 = arith.addf %add3A_142, %max3A_148 : vector<4x16x128xf32>
    %slice3A_150 = vector.extract_strided_slice %concatenate3A_135 {offsets = [2, 0, 0], sizes = [1, 16, 128], strides = [1, 1, 1]} : vector<4x16x128xf32> to vector<1x16x128xf32>
    %sub3A_151 = vector.broadcast %slice3A_150 : vector<1x16x128xf32> to vector<4x16x128xf32>
    %sub3A_152 = arith.subf %sub3A_151, %transpose3A : vector<4x16x128xf32>
    %max3A_153 = arith.constant 0.000000e+00 : f32
    %max3A_154 = vector.broadcast %max3A_153 : f32 to vector<4x16x128xf32>
    %max3A_155 = arith.maximumf %sub3A_152, %max3A_154 : vector<4x16x128xf32>
    %add3A_156 = arith.addf %add3A_149, %max3A_155 : vector<4x16x128xf32>
    %slice3A_157 = vector.extract_strided_slice %concatenate3A_135 {offsets = [3, 0, 0], sizes = [1, 16, 128], strides = [1, 1, 1]} : vector<4x16x128xf32> to vector<1x16x128xf32>
    %sub3A_158 = vector.broadcast %slice3A_157 : vector<1x16x128xf32> to vector<4x16x128xf32>
    %sub3A_159 = arith.subf %sub3A_158, %transpose3A : vector<4x16x128xf32>
    %max3A_160 = arith.constant 0.000000e+00 : f32
    %max3A_161 = vector.broadcast %max3A_160 : f32 to vector<4x16x128xf32>
    %max3A_162 = arith.maximumf %sub3A_159, %max3A_161 : vector<4x16x128xf32>
    %add3A_163 = arith.addf %add3A_156, %max3A_162 : vector<4x16x128xf32>
    %slice3A_164 = vector.extract_strided_slice %transpose3A_42 {offsets = [0, 0, 124], sizes = [4, 16, 4], strides = [1, 1, 1]} : vector<4x16x128xf32> to vector<4x16x4xf32>
    %slice3A_165 = vector.extract_strided_slice %transpose3A_42 {offsets = [0, 0, 0], sizes = [4, 16, 124], strides = [1, 1, 1]} : vector<4x16x128xf32> to vector<4x16x124xf32>
    %concatenate3A_166 = tpu.concatenate %slice3A_164, %slice3A_165 in 2 : vector<4x16x4xf32>, vector<4x16x124xf32> -> vector<4x16x128xf32>
    %slice3A_167 = vector.extract_strided_slice %concatenate3A_166 {offsets = [0, 0, 0], sizes = [1, 16, 128], strides = [1, 1, 1]} : vector<4x16x128xf32> to vector<1x16x128xf32>
    %sub3A_168 = vector.broadcast %slice3A_167 : vector<1x16x128xf32> to vector<4x16x128xf32>
    %sub3A_169 = arith.subf %sub3A_168, %transpose3A : vector<4x16x128xf32>
    %max3A_170 = arith.constant 0.000000e+00 : f32
    %max3A_171 = vector.broadcast %max3A_170 : f32 to vector<4x16x128xf32>
    %max3A_172 = arith.maximumf %sub3A_169, %max3A_171 : vector<4x16x128xf32>
    %add3A_173 = arith.addf %add3A_163, %max3A_172 : vector<4x16x128xf32>
    %slice3A_174 = vector.extract_strided_slice %concatenate3A_166 {offsets = [1, 0, 0], sizes = [1, 16, 128], strides = [1, 1, 1]} : vector<4x16x128xf32> to vector<1x16x128xf32>
    %sub3A_175 = vector.broadcast %slice3A_174 : vector<1x16x128xf32> to vector<4x16x128xf32>
    %sub3A_176 = arith.subf %sub3A_175, %transpose3A : vector<4x16x128xf32>
    %max3A_177 = arith.constant 0.000000e+00 : f32
    %max3A_178 = vector.broadcast %max3A_177 : f32 to vector<4x16x128xf32>
    %max3A_179 = arith.maximumf %sub3A_176, %max3A_178 : vector<4x16x128xf32>
    %add3A_180 = arith.addf %add3A_173, %max3A_179 : vector<4x16x128xf32>
    %slice3A_181 = vector.extract_strided_slice %concatenate3A_166 {offsets = [2, 0, 0], sizes = [1, 16, 128], strides = [1, 1, 1]} : vector<4x16x128xf32> to vector<1x16x128xf32>
    %sub3A_182 = vector.broadcast %slice3A_181 : vector<1x16x128xf32> to vector<4x16x128xf32>
    %sub3A_183 = arith.subf %sub3A_182, %transpose3A : vector<4x16x128xf32>
    %max3A_184 = arith.constant 0.000000e+00 : f32
    %max3A_185 = vector.broadcast %max3A_184 : f32 to vector<4x16x128xf32>
    %max3A_186 = arith.maximumf %sub3A_183, %max3A_185 : vector<4x16x128xf32>
    %add3A_187 = arith.addf %add3A_180, %max3A_186 : vector<4x16x128xf32>
    %slice3A_188 = vector.extract_strided_slice %concatenate3A_166 {offsets = [3, 0, 0], sizes = [1, 16, 128], strides = [1, 1, 1]} : vector<4x16x128xf32> to vector<1x16x128xf32>
    %sub3A_189 = vector.broadcast %slice3A_188 : vector<1x16x128xf32> to vector<4x16x128xf32>
    %sub3A_190 = arith.subf %sub3A_189, %transpose3A : vector<4x16x128xf32>
    %max3A_191 = arith.constant 0.000000e+00 : f32
    %max3A_192 = vector.broadcast %max3A_191 : f32 to vector<4x16x128xf32>
    %max3A_193 = arith.maximumf %sub3A_190, %max3A_192 : vector<4x16x128xf32>
    %add3A_194 = arith.addf %add3A_187, %max3A_193 : vector<4x16x128xf32>
    %slice3A_195 = vector.extract_strided_slice %transpose3A_42 {offsets = [0, 0, 123], sizes = [4, 16, 5], strides = [1, 1, 1]} : vector<4x16x128xf32> to vector<4x16x5xf32>
    %slice3A_196 = vector.extract_strided_slice %transpose3A_42 {offsets = [0, 0, 0], sizes = [4, 16, 123], strides = [1, 1, 1]} : vector<4x16x128xf32> to vector<4x16x123xf32>
    %concatenate3A_197 = tpu.concatenate %slice3A_195, %slice3A_196 in 2 : vector<4x16x5xf32>, vector<4x16x123xf32> -> vector<4x16x128xf32>
    %slice3A_198 = vector.extract_strided_slice %concatenate3A_197 {offsets = [0, 0, 0], sizes = [1, 16, 128], strides = [1, 1, 1]} : vector<4x16x128xf32> to vector<1x16x128xf32>
    %sub3A_199 = vector.broadcast %slice3A_198 : vector<1x16x128xf32> to vector<4x16x128xf32>
    %sub3A_200 = arith.subf %sub3A_199, %transpose3A : vector<4x16x128xf32>
    %max3A_201 = arith.constant 0.000000e+00 : f32
    %max3A_202 = vector.broadcast %max3A_201 : f32 to vector<4x16x128xf32>
    %max3A_203 = arith.maximumf %sub3A_200, %max3A_202 : vector<4x16x128xf32>
    %add3A_204 = arith.addf %add3A_194, %max3A_203 : vector<4x16x128xf32>
    %slice3A_205 = vector.extract_strided_slice %concatenate3A_197 {offsets = [1, 0, 0], sizes = [1, 16, 128], strides = [1, 1, 1]} : vector<4x16x128xf32> to vector<1x16x128xf32>
    %sub3A_206 = vector.broadcast %slice3A_205 : vector<1x16x128xf32> to vector<4x16x128xf32>
    %sub3A_207 = arith.subf %sub3A_206, %transpose3A : vector<4x16x128xf32>
    %max3A_208 = arith.constant 0.000000e+00 : f32
    %max3A_209 = vector.broadcast %max3A_208 : f32 to vector<4x16x128xf32>
    %max3A_210 = arith.maximumf %sub3A_207, %max3A_209 : vector<4x16x128xf32>
    %add3A_211 = arith.addf %add3A_204, %max3A_210 : vector<4x16x128xf32>
    %slice3A_212 = vector.extract_strided_slice %concatenate3A_197 {offsets = [2, 0, 0], sizes = [1, 16, 128], strides = [1, 1, 1]} : vector<4x16x128xf32> to vector<1x16x128xf32>
    %sub3A_213 = vector.broadcast %slice3A_212 : vector<1x16x128xf32> to vector<4x16x128xf32>
    %sub3A_214 = arith.subf %sub3A_213, %transpose3A : vector<4x16x128xf32>
    %max3A_215 = arith.constant 0.000000e+00 : f32
    %max3A_216 = vector.broadcast %max3A_215 : f32 to vector<4x16x128xf32>
    %max3A_217 = arith.maximumf %sub3A_214, %max3A_216 : vector<4x16x128xf32>
    %add3A_218 = arith.addf %add3A_211, %max3A_217 : vector<4x16x128xf32>
    %slice3A_219 = vector.extract_strided_slice %concatenate3A_197 {offsets = [3, 0, 0], sizes = [1, 16, 128], strides = [1, 1, 1]} : vector<4x16x128xf32> to vector<1x16x128xf32>
    %sub3A_220 = vector.broadcast %slice3A_219 : vector<1x16x128xf32> to vector<4x16x128xf32>
    %sub3A_221 = arith.subf %sub3A_220, %transpose3A : vector<4x16x128xf32>
    %max3A_222 = arith.constant 0.000000e+00 : f32
    %max3A_223 = vector.broadcast %max3A_222 : f32 to vector<4x16x128xf32>
    %max3A_224 = arith.maximumf %sub3A_221, %max3A_223 : vector<4x16x128xf32>
    %add3A_225 = arith.addf %add3A_218, %max3A_224 : vector<4x16x128xf32>
    %slice3A_226 = vector.extract_strided_slice %transpose3A_42 {offsets = [0, 0, 122], sizes = [4, 16, 6], strides = [1, 1, 1]} : vector<4x16x128xf32> to vector<4x16x6xf32>
    %slice3A_227 = vector.extract_strided_slice %transpose3A_42 {offsets = [0, 0, 0], sizes = [4, 16, 122], strides = [1, 1, 1]} : vector<4x16x128xf32> to vector<4x16x122xf32>
    %concatenate3A_228 = tpu.concatenate %slice3A_226, %slice3A_227 in 2 : vector<4x16x6xf32>, vector<4x16x122xf32> -> vector<4x16x128xf32>
    %slice3A_229 = vector.extract_strided_slice %concatenate3A_228 {offsets = [0, 0, 0], sizes = [1, 16, 128], strides = [1, 1, 1]} : vector<4x16x128xf32> to vector<1x16x128xf32>
    %sub3A_230 = vector.broadcast %slice3A_229 : vector<1x16x128xf32> to vector<4x16x128xf32>
    %sub3A_231 = arith.subf %sub3A_230, %transpose3A : vector<4x16x128xf32>
    %max3A_232 = arith.constant 0.000000e+00 : f32
    %max3A_233 = vector.broadcast %max3A_232 : f32 to vector<4x16x128xf32>
    %max3A_234 = arith.maximumf %sub3A_231, %max3A_233 : vector<4x16x128xf32>
    %add3A_235 = arith.addf %add3A_225, %max3A_234 : vector<4x16x128xf32>
    %slice3A_236 = vector.extract_strided_slice %concatenate3A_228 {offsets = [1, 0, 0], sizes = [1, 16, 128], strides = [1, 1, 1]} : vector<4x16x128xf32> to vector<1x16x128xf32>
    %sub3A_237 = vector.broadcast %slice3A_236 : vector<1x16x128xf32> to vector<4x16x128xf32>
    %sub3A_238 = arith.subf %sub3A_237, %transpose3A : vector<4x16x128xf32>
    %max3A_239 = arith.constant 0.000000e+00 : f32
    %max3A_240 = vector.broadcast %max3A_239 : f32 to vector<4x16x128xf32>
    %max3A_241 = arith.maximumf %sub3A_238, %max3A_240 : vector<4x16x128xf32>
    %add3A_242 = arith.addf %add3A_235, %max3A_241 : vector<4x16x128xf32>
    %slice3A_243 = vector.extract_strided_slice %concatenate3A_228 {offsets = [2, 0, 0], sizes = [1, 16, 128], strides = [1, 1, 1]} : vector<4x16x128xf32> to vector<1x16x128xf32>
    %sub3A_244 = vector.broadcast %slice3A_243 : vector<1x16x128xf32> to vector<4x16x128xf32>
    %sub3A_245 = arith.subf %sub3A_244, %transpose3A : vector<4x16x128xf32>
    %max3A_246 = arith.constant 0.000000e+00 : f32
    %max3A_247 = vector.broadcast %max3A_246 : f32 to vector<4x16x128xf32>
    %max3A_248 = arith.maximumf %sub3A_245, %max3A_247 : vector<4x16x128xf32>
    %add3A_249 = arith.addf %add3A_242, %max3A_248 : vector<4x16x128xf32>
    %slice3A_250 = vector.extract_strided_slice %concatenate3A_228 {offsets = [3, 0, 0], sizes = [1, 16, 128], strides = [1, 1, 1]} : vector<4x16x128xf32> to vector<1x16x128xf32>
    %sub3A_251 = vector.broadcast %slice3A_250 : vector<1x16x128xf32> to vector<4x16x128xf32>
    %sub3A_252 = arith.subf %sub3A_251, %transpose3A : vector<4x16x128xf32>
    %max3A_253 = arith.constant 0.000000e+00 : f32
    %max3A_254 = vector.broadcast %max3A_253 : f32 to vector<4x16x128xf32>
    %max3A_255 = arith.maximumf %sub3A_252, %max3A_254 : vector<4x16x128xf32>
    %add3A_256 = arith.addf %add3A_249, %max3A_255 : vector<4x16x128xf32>
    %slice3A_257 = vector.extract_strided_slice %transpose3A_42 {offsets = [0, 0, 121], sizes = [4, 16, 7], strides = [1, 1, 1]} : vector<4x16x128xf32> to vector<4x16x7xf32>
    %slice3A_258 = vector.extract_strided_slice %transpose3A_42 {offsets = [0, 0, 0], sizes = [4, 16, 121], strides = [1, 1, 1]} : vector<4x16x128xf32> to vector<4x16x121xf32>
    %concatenate3A_259 = tpu.concatenate %slice3A_257, %slice3A_258 in 2 : vector<4x16x7xf32>, vector<4x16x121xf32> -> vector<4x16x128xf32>
    %slice3A_260 = vector.extract_strided_slice %concatenate3A_259 {offsets = [0, 0, 0], sizes = [1, 16, 128], strides = [1, 1, 1]} : vector<4x16x128xf32> to vector<1x16x128xf32>
    %sub3A_261 = vector.broadcast %slice3A_260 : vector<1x16x128xf32> to vector<4x16x128xf32>
    %sub3A_262 = arith.subf %sub3A_261, %transpose3A : vector<4x16x128xf32>
    %max3A_263 = arith.constant 0.000000e+00 : f32
    %max3A_264 = vector.broadcast %max3A_263 : f32 to vector<4x16x128xf32>
    %max3A_265 = arith.maximumf %sub3A_262, %max3A_264 : vector<4x16x128xf32>
    %add3A_266 = arith.addf %add3A_256, %max3A_265 : vector<4x16x128xf32>
    %slice3A_267 = vector.extract_strided_slice %concatenate3A_259 {offsets = [1, 0, 0], sizes = [1, 16, 128], strides = [1, 1, 1]} : vector<4x16x128xf32> to vector<1x16x128xf32>
    %sub3A_268 = vector.broadcast %slice3A_267 : vector<1x16x128xf32> to vector<4x16x128xf32>
    %sub3A_269 = arith.subf %sub3A_268, %transpose3A : vector<4x16x128xf32>
    %max3A_270 = arith.constant 0.000000e+00 : f32
    %max3A_271 = vector.broadcast %max3A_270 : f32 to vector<4x16x128xf32>
    %max3A_272 = arith.maximumf %sub3A_269, %max3A_271 : vector<4x16x128xf32>
    %add3A_273 = arith.addf %add3A_266, %max3A_272 : vector<4x16x128xf32>
    %slice3A_274 = vector.extract_strided_slice %concatenate3A_259 {offsets = [2, 0, 0], sizes = [1, 16, 128], strides = [1, 1, 1]} : vector<4x16x128xf32> to vector<1x16x128xf32>
    %sub3A_275 = vector.broadcast %slice3A_274 : vector<1x16x128xf32> to vector<4x16x128xf32>
    %sub3A_276 = arith.subf %sub3A_275, %transpose3A : vector<4x16x128xf32>
    %max3A_277 = arith.constant 0.000000e+00 : f32
    %max3A_278 = vector.broadcast %max3A_277 : f32 to vector<4x16x128xf32>
    %max3A_279 = arith.maximumf %sub3A_276, %max3A_278 : vector<4x16x128xf32>
    %add3A_280 = arith.addf %add3A_273, %max3A_279 : vector<4x16x128xf32>
    %slice3A_281 = vector.extract_strided_slice %concatenate3A_259 {offsets = [3, 0, 0], sizes = [1, 16, 128], strides = [1, 1, 1]} : vector<4x16x128xf32> to vector<1x16x128xf32>
    %sub3A_282 = vector.broadcast %slice3A_281 : vector<1x16x128xf32> to vector<4x16x128xf32>
    %sub3A_283 = arith.subf %sub3A_282, %transpose3A : vector<4x16x128xf32>
    %max3A_284 = arith.constant 0.000000e+00 : f32
    %max3A_285 = vector.broadcast %max3A_284 : f32 to vector<4x16x128xf32>
    %max3A_286 = arith.maximumf %sub3A_283, %max3A_285 : vector<4x16x128xf32>
    %add3A_287 = arith.addf %add3A_280, %max3A_286 : vector<4x16x128xf32>
    %slice3A_288 = vector.extract_strided_slice %transpose3A_42 {offsets = [0, 0, 120], sizes = [4, 16, 8], strides = [1, 1, 1]} : vector<4x16x128xf32> to vector<4x16x8xf32>
    %slice3A_289 = vector.extract_strided_slice %transpose3A_42 {offsets = [0, 0, 0], sizes = [4, 16, 120], strides = [1, 1, 1]} : vector<4x16x128xf32> to vector<4x16x120xf32>
    %concatenate3A_290 = tpu.concatenate %slice3A_288, %slice3A_289 in 2 : vector<4x16x8xf32>, vector<4x16x120xf32> -> vector<4x16x128xf32>
    %slice3A_291 = vector.extract_strided_slice %concatenate3A_290 {offsets = [0, 0, 0], sizes = [1, 16, 128], strides = [1, 1, 1]} : vector<4x16x128xf32> to vector<1x16x128xf32>
    %sub3A_292 = vector.broadcast %slice3A_291 : vector<1x16x128xf32> to vector<4x16x128xf32>
    %sub3A_293 = arith.subf %sub3A_292, %transpose3A : vector<4x16x128xf32>
    %max3A_294 = arith.constant 0.000000e+00 : f32
    %max3A_295 = vector.broadcast %max3A_294 : f32 to vector<4x16x128xf32>
    %max3A_296 = arith.maximumf %sub3A_293, %max3A_295 : vector<4x16x128xf32>
    %add3A_297 = arith.addf %add3A_287, %max3A_296 : vector<4x16x128xf32>
    %slice3A_298 = vector.extract_strided_slice %concatenate3A_290 {offsets = [1, 0, 0], sizes = [1, 16, 128], strides = [1, 1, 1]} : vector<4x16x128xf32> to vector<1x16x128xf32>
    %sub3A_299 = vector.broadcast %slice3A_298 : vector<1x16x128xf32> to vector<4x16x128xf32>
    %sub3A_300 = arith.subf %sub3A_299, %transpose3A : vector<4x16x128xf32>
    %max3A_301 = arith.constant 0.000000e+00 : f32
    %max3A_302 = vector.broadcast %max3A_301 : f32 to vector<4x16x128xf32>
    %max3A_303 = arith.maximumf %sub3A_300, %max3A_302 : vector<4x16x128xf32>
    %add3A_304 = arith.addf %add3A_297, %max3A_303 : vector<4x16x128xf32>
    %slice3A_305 = vector.extract_strided_slice %concatenate3A_290 {offsets = [2, 0, 0], sizes = [1, 16, 128], strides = [1, 1, 1]} : vector<4x16x128xf32> to vector<1x16x128xf32>
    %sub3A_306 = vector.broadcast %slice3A_305 : vector<1x16x128xf32> to vector<4x16x128xf32>
    %sub3A_307 = arith.subf %sub3A_306, %transpose3A : vector<4x16x128xf32>
    %max3A_308 = arith.constant 0.000000e+00 : f32
    %max3A_309 = vector.broadcast %max3A_308 : f32 to vector<4x16x128xf32>
    %max3A_310 = arith.maximumf %sub3A_307, %max3A_309 : vector<4x16x128xf32>
    %add3A_311 = arith.addf %add3A_304, %max3A_310 : vector<4x16x128xf32>
    %slice3A_312 = vector.extract_strided_slice %concatenate3A_290 {offsets = [3, 0, 0], sizes = [1, 16, 128], strides = [1, 1, 1]} : vector<4x16x128xf32> to vector<1x16x128xf32>
    %sub3A_313 = vector.broadcast %slice3A_312 : vector<1x16x128xf32> to vector<4x16x128xf32>
    %sub3A_314 = arith.subf %sub3A_313, %transpose3A : vector<4x16x128xf32>
    %max3A_315 = arith.constant 0.000000e+00 : f32
    %max3A_316 = vector.broadcast %max3A_315 : f32 to vector<4x16x128xf32>
    %max3A_317 = arith.maximumf %sub3A_314, %max3A_316 : vector<4x16x128xf32>
    %add3A_318 = arith.addf %add3A_311, %max3A_317 : vector<4x16x128xf32>
    %slice3A_319 = vector.extract_strided_slice %transpose3A_42 {offsets = [0, 0, 119], sizes = [4, 16, 9], strides = [1, 1, 1]} : vector<4x16x128xf32> to vector<4x16x9xf32>
    %slice3A_320 = vector.extract_strided_slice %transpose3A_42 {offsets = [0, 0, 0], sizes = [4, 16, 119], strides = [1, 1, 1]} : vector<4x16x128xf32> to vector<4x16x119xf32>
    %concatenate3A_321 = tpu.concatenate %slice3A_319, %slice3A_320 in 2 : vector<4x16x9xf32>, vector<4x16x119xf32> -> vector<4x16x128xf32>
    %slice3A_322 = vector.extract_strided_slice %concatenate3A_321 {offsets = [0, 0, 0], sizes = [1, 16, 128], strides = [1, 1, 1]} : vector<4x16x128xf32> to vector<1x16x128xf32>
    %sub3A_323 = vector.broadcast %slice3A_322 : vector<1x16x128xf32> to vector<4x16x128xf32>
    %sub3A_324 = arith.subf %sub3A_323, %transpose3A : vector<4x16x128xf32>
    %max3A_325 = arith.constant 0.000000e+00 : f32
    %max3A_326 = vector.broadcast %max3A_325 : f32 to vector<4x16x128xf32>
    %max3A_327 = arith.maximumf %sub3A_324, %max3A_326 : vector<4x16x128xf32>
    %add3A_328 = arith.addf %add3A_318, %max3A_327 : vector<4x16x128xf32>
    %slice3A_329 = vector.extract_strided_slice %concatenate3A_321 {offsets = [1, 0, 0], sizes = [1, 16, 128], strides = [1, 1, 1]} : vector<4x16x128xf32> to vector<1x16x128xf32>
    %sub3A_330 = vector.broadcast %slice3A_329 : vector<1x16x128xf32> to vector<4x16x128xf32>
    %sub3A_331 = arith.subf %sub3A_330, %transpose3A : vector<4x16x128xf32>
    %max3A_332 = arith.constant 0.000000e+00 : f32
    %max3A_333 = vector.broadcast %max3A_332 : f32 to vector<4x16x128xf32>
    %max3A_334 = arith.maximumf %sub3A_331, %max3A_333 : vector<4x16x128xf32>
    %add3A_335 = arith.addf %add3A_328, %max3A_334 : vector<4x16x128xf32>
    %slice3A_336 = vector.extract_strided_slice %concatenate3A_321 {offsets = [2, 0, 0], sizes = [1, 16, 128], strides = [1, 1, 1]} : vector<4x16x128xf32> to vector<1x16x128xf32>
    %sub3A_337 = vector.broadcast %slice3A_336 : vector<1x16x128xf32> to vector<4x16x128xf32>
    %sub3A_338 = arith.subf %sub3A_337, %transpose3A : vector<4x16x128xf32>
    %max3A_339 = arith.constant 0.000000e+00 : f32
    %max3A_340 = vector.broadcast %max3A_339 : f32 to vector<4x16x128xf32>
    %max3A_341 = arith.maximumf %sub3A_338, %max3A_340 : vector<4x16x128xf32>
    %add3A_342 = arith.addf %add3A_335, %max3A_341 : vector<4x16x128xf32>
    %slice3A_343 = vector.extract_strided_slice %concatenate3A_321 {offsets = [3, 0, 0], sizes = [1, 16, 128], strides = [1, 1, 1]} : vector<4x16x128xf32> to vector<1x16x128xf32>
    %sub3A_344 = vector.broadcast %slice3A_343 : vector<1x16x128xf32> to vector<4x16x128xf32>
    %sub3A_345 = arith.subf %sub3A_344, %transpose3A : vector<4x16x128xf32>
    %max3A_346 = arith.constant 0.000000e+00 : f32
    %max3A_347 = vector.broadcast %max3A_346 : f32 to vector<4x16x128xf32>
    %max3A_348 = arith.maximumf %sub3A_345, %max3A_347 : vector<4x16x128xf32>
    %add3A_349 = arith.addf %add3A_342, %max3A_348 : vector<4x16x128xf32>
    %slice3A_350 = vector.extract_strided_slice %transpose3A_42 {offsets = [0, 0, 118], sizes = [4, 16, 10], strides = [1, 1, 1]} : vector<4x16x128xf32> to vector<4x16x10xf32>
    %slice3A_351 = vector.extract_strided_slice %transpose3A_42 {offsets = [0, 0, 0], sizes = [4, 16, 118], strides = [1, 1, 1]} : vector<4x16x128xf32> to vector<4x16x118xf32>
    %concatenate3A_352 = tpu.concatenate %slice3A_350, %slice3A_351 in 2 : vector<4x16x10xf32>, vector<4x16x118xf32> -> vector<4x16x128xf32>
    %slice3A_353 = vector.extract_strided_slice %concatenate3A_352 {offsets = [0, 0, 0], sizes = [1, 16, 128], strides = [1, 1, 1]} : vector<4x16x128xf32> to vector<1x16x128xf32>
    %sub3A_354 = vector.broadcast %slice3A_353 : vector<1x16x128xf32> to vector<4x16x128xf32>
    %sub3A_355 = arith.subf %sub3A_354, %transpose3A : vector<4x16x128xf32>
    %max3A_356 = arith.constant 0.000000e+00 : f32
    %max3A_357 = vector.broadcast %max3A_356 : f32 to vector<4x16x128xf32>
    %max3A_358 = arith.maximumf %sub3A_355, %max3A_357 : vector<4x16x128xf32>
    %add3A_359 = arith.addf %add3A_349, %max3A_358 : vector<4x16x128xf32>
    %slice3A_360 = vector.extract_strided_slice %concatenate3A_352 {offsets = [1, 0, 0], sizes = [1, 16, 128], strides = [1, 1, 1]} : vector<4x16x128xf32> to vector<1x16x128xf32>
    %sub3A_361 = vector.broadcast %slice3A_360 : vector<1x16x128xf32> to vector<4x16x128xf32>
    %sub3A_362 = arith.subf %sub3A_361, %transpose3A : vector<4x16x128xf32>
    %max3A_363 = arith.constant 0.000000e+00 : f32
    %max3A_364 = vector.broadcast %max3A_363 : f32 to vector<4x16x128xf32>
    %max3A_365 = arith.maximumf %sub3A_362, %max3A_364 : vector<4x16x128xf32>
    %add3A_366 = arith.addf %add3A_359, %max3A_365 : vector<4x16x128xf32>
    %slice3A_367 = vector.extract_strided_slice %concatenate3A_352 {offsets = [2, 0, 0], sizes = [1, 16, 128], strides = [1, 1, 1]} : vector<4x16x128xf32> to vector<1x16x128xf32>
    %sub3A_368 = vector.broadcast %slice3A_367 : vector<1x16x128xf32> to vector<4x16x128xf32>
    %sub3A_369 = arith.subf %sub3A_368, %transpose3A : vector<4x16x128xf32>
    %max3A_370 = arith.constant 0.000000e+00 : f32
    %max3A_371 = vector.broadcast %max3A_370 : f32 to vector<4x16x128xf32>
    %max3A_372 = arith.maximumf %sub3A_369, %max3A_371 : vector<4x16x128xf32>
    %add3A_373 = arith.addf %add3A_366, %max3A_372 : vector<4x16x128xf32>
    %slice3A_374 = vector.extract_strided_slice %concatenate3A_352 {offsets = [3, 0, 0], sizes = [1, 16, 128], strides = [1, 1, 1]} : vector<4x16x128xf32> to vector<1x16x128xf32>
    %sub3A_375 = vector.broadcast %slice3A_374 : vector<1x16x128xf32> to vector<4x16x128xf32>
    %sub3A_376 = arith.subf %sub3A_375, %transpose3A : vector<4x16x128xf32>
    %max3A_377 = arith.constant 0.000000e+00 : f32
    %max3A_378 = vector.broadcast %max3A_377 : f32 to vector<4x16x128xf32>
    %max3A_379 = arith.maximumf %sub3A_376, %max3A_378 : vector<4x16x128xf32>
    %add3A_380 = arith.addf %add3A_373, %max3A_379 : vector<4x16x128xf32>
    %slice3A_381 = vector.extract_strided_slice %transpose3A_42 {offsets = [0, 0, 117], sizes = [4, 16, 11], strides = [1, 1, 1]} : vector<4x16x128xf32> to vector<4x16x11xf32>
    %slice3A_382 = vector.extract_strided_slice %transpose3A_42 {offsets = [0, 0, 0], sizes = [4, 16, 117], strides = [1, 1, 1]} : vector<4x16x128xf32> to vector<4x16x117xf32>
    %concatenate3A_383 = tpu.concatenate %slice3A_381, %slice3A_382 in 2 : vector<4x16x11xf32>, vector<4x16x117xf32> -> vector<4x16x128xf32>
    %slice3A_384 = vector.extract_strided_slice %concatenate3A_383 {offsets = [0, 0, 0], sizes = [1, 16, 128], strides = [1, 1, 1]} : vector<4x16x128xf32> to vector<1x16x128xf32>
    %sub3A_385 = vector.broadcast %slice3A_384 : vector<1x16x128xf32> to vector<4x16x128xf32>
    %sub3A_386 = arith.subf %sub3A_385, %transpose3A : vector<4x16x128xf32>
    %max3A_387 = arith.constant 0.000000e+00 : f32
    %max3A_388 = vector.broadcast %max3A_387 : f32 to vector<4x16x128xf32>
    %max3A_389 = arith.maximumf %sub3A_386, %max3A_388 : vector<4x16x128xf32>
    %add3A_390 = arith.addf %add3A_380, %max3A_389 : vector<4x16x128xf32>
    %slice3A_391 = vector.extract_strided_slice %concatenate3A_383 {offsets = [1, 0, 0], sizes = [1, 16, 128], strides = [1, 1, 1]} : vector<4x16x128xf32> to vector<1x16x128xf32>
    %sub3A_392 = vector.broadcast %slice3A_391 : vector<1x16x128xf32> to vector<4x16x128xf32>
    %sub3A_393 = arith.subf %sub3A_392, %transpose3A : vector<4x16x128xf32>
    %max3A_394 = arith.constant 0.000000e+00 : f32
    %max3A_395 = vector.broadcast %max3A_394 : f32 to vector<4x16x128xf32>
    %max3A_396 = arith.maximumf %sub3A_393, %max3A_395 : vector<4x16x128xf32>
    %add3A_397 = arith.addf %add3A_390, %max3A_396 : vector<4x16x128xf32>
    %slice3A_398 = vector.extract_strided_slice %concatenate3A_383 {offsets = [2, 0, 0], sizes = [1, 16, 128], strides = [1, 1, 1]} : vector<4x16x128xf32> to vector<1x16x128xf32>
    %sub3A_399 = vector.broadcast %slice3A_398 : vector<1x16x128xf32> to vector<4x16x128xf32>
    %sub3A_400 = arith.subf %sub3A_399, %transpose3A : vector<4x16x128xf32>
    %max3A_401 = arith.constant 0.000000e+00 : f32
    %max3A_402 = vector.broadcast %max3A_401 : f32 to vector<4x16x128xf32>
    %max3A_403 = arith.maximumf %sub3A_400, %max3A_402 : vector<4x16x128xf32>
    %add3A_404 = arith.addf %add3A_397, %max3A_403 : vector<4x16x128xf32>
    %slice3A_405 = vector.extract_strided_slice %concatenate3A_383 {offsets = [3, 0, 0], sizes = [1, 16, 128], strides = [1, 1, 1]} : vector<4x16x128xf32> to vector<1x16x128xf32>
    %sub3A_406 = vector.broadcast %slice3A_405 : vector<1x16x128xf32> to vector<4x16x128xf32>
    %sub3A_407 = arith.subf %sub3A_406, %transpose3A : vector<4x16x128xf32>
    %max3A_408 = arith.constant 0.000000e+00 : f32
    %max3A_409 = vector.broadcast %max3A_408 : f32 to vector<4x16x128xf32>
    %max3A_410 = arith.maximumf %sub3A_407, %max3A_409 : vector<4x16x128xf32>
    %add3A_411 = arith.addf %add3A_404, %max3A_410 : vector<4x16x128xf32>
    %slice3A_412 = vector.extract_strided_slice %transpose3A_42 {offsets = [0, 0, 116], sizes = [4, 16, 12], strides = [1, 1, 1]} : vector<4x16x128xf32> to vector<4x16x12xf32>
    %slice3A_413 = vector.extract_strided_slice %transpose3A_42 {offsets = [0, 0, 0], sizes = [4, 16, 116], strides = [1, 1, 1]} : vector<4x16x128xf32> to vector<4x16x116xf32>
    %concatenate3A_414 = tpu.concatenate %slice3A_412, %slice3A_413 in 2 : vector<4x16x12xf32>, vector<4x16x116xf32> -> vector<4x16x128xf32>
    %slice3A_415 = vector.extract_strided_slice %concatenate3A_414 {offsets = [0, 0, 0], sizes = [1, 16, 128], strides = [1, 1, 1]} : vector<4x16x128xf32> to vector<1x16x128xf32>
    %sub3A_416 = vector.broadcast %slice3A_415 : vector<1x16x128xf32> to vector<4x16x128xf32>
    %sub3A_417 = arith.subf %sub3A_416, %transpose3A : vector<4x16x128xf32>
    %max3A_418 = arith.constant 0.000000e+00 : f32
    %max3A_419 = vector.broadcast %max3A_418 : f32 to vector<4x16x128xf32>
    %max3A_420 = arith.maximumf %sub3A_417, %max3A_419 : vector<4x16x128xf32>
    %add3A_421 = arith.addf %add3A_411, %max3A_420 : vector<4x16x128xf32>
    %slice3A_422 = vector.extract_strided_slice %concatenate3A_414 {offsets = [1, 0, 0], sizes = [1, 16, 128], strides = [1, 1, 1]} : vector<4x16x128xf32> to vector<1x16x128xf32>
    %sub3A_423 = vector.broadcast %slice3A_422 : vector<1x16x128xf32> to vector<4x16x128xf32>
    %sub3A_424 = arith.subf %sub3A_423, %transpose3A : vector<4x16x128xf32>
    %max3A_425 = arith.constant 0.000000e+00 : f32
    %max3A_426 = vector.broadcast %max3A_425 : f32 to vector<4x16x128xf32>
    %max3A_427 = arith.maximumf %sub3A_424, %max3A_426 : vector<4x16x128xf32>
    %add3A_428 = arith.addf %add3A_421, %max3A_427 : vector<4x16x128xf32>
    %slice3A_429 = vector.extract_strided_slice %concatenate3A_414 {offsets = [2, 0, 0], sizes = [1, 16, 128], strides = [1, 1, 1]} : vector<4x16x128xf32> to vector<1x16x128xf32>
    %sub3A_430 = vector.broadcast %slice3A_429 : vector<1x16x128xf32> to vector<4x16x128xf32>
    %sub3A_431 = arith.subf %sub3A_430, %transpose3A : vector<4x16x128xf32>
    %max3A_432 = arith.constant 0.000000e+00 : f32
    %max3A_433 = vector.broadcast %max3A_432 : f32 to vector<4x16x128xf32>
    %max3A_434 = arith.maximumf %sub3A_431, %max3A_433 : vector<4x16x128xf32>
    %add3A_435 = arith.addf %add3A_428, %max3A_434 : vector<4x16x128xf32>
    %slice3A_436 = vector.extract_strided_slice %concatenate3A_414 {offsets = [3, 0, 0], sizes = [1, 16, 128], strides = [1, 1, 1]} : vector<4x16x128xf32> to vector<1x16x128xf32>
    %sub3A_437 = vector.broadcast %slice3A_436 : vector<1x16x128xf32> to vector<4x16x128xf32>
    %sub3A_438 = arith.subf %sub3A_437, %transpose3A : vector<4x16x128xf32>
    %max3A_439 = arith.constant 0.000000e+00 : f32
    %max3A_440 = vector.broadcast %max3A_439 : f32 to vector<4x16x128xf32>
    %max3A_441 = arith.maximumf %sub3A_438, %max3A_440 : vector<4x16x128xf32>
    %add3A_442 = arith.addf %add3A_435, %max3A_441 : vector<4x16x128xf32>
    %slice3A_443 = vector.extract_strided_slice %transpose3A_42 {offsets = [0, 0, 115], sizes = [4, 16, 13], strides = [1, 1, 1]} : vector<4x16x128xf32> to vector<4x16x13xf32>
    %slice3A_444 = vector.extract_strided_slice %transpose3A_42 {offsets = [0, 0, 0], sizes = [4, 16, 115], strides = [1, 1, 1]} : vector<4x16x128xf32> to vector<4x16x115xf32>
    %concatenate3A_445 = tpu.concatenate %slice3A_443, %slice3A_444 in 2 : vector<4x16x13xf32>, vector<4x16x115xf32> -> vector<4x16x128xf32>
    %slice3A_446 = vector.extract_strided_slice %concatenate3A_445 {offsets = [0, 0, 0], sizes = [1, 16, 128], strides = [1, 1, 1]} : vector<4x16x128xf32> to vector<1x16x128xf32>
    %sub3A_447 = vector.broadcast %slice3A_446 : vector<1x16x128xf32> to vector<4x16x128xf32>
    %sub3A_448 = arith.subf %sub3A_447, %transpose3A : vector<4x16x128xf32>
    %max3A_449 = arith.constant 0.000000e+00 : f32
    %max3A_450 = vector.broadcast %max3A_449 : f32 to vector<4x16x128xf32>
    %max3A_451 = arith.maximumf %sub3A_448, %max3A_450 : vector<4x16x128xf32>
    %add3A_452 = arith.addf %add3A_442, %max3A_451 : vector<4x16x128xf32>
    %slice3A_453 = vector.extract_strided_slice %concatenate3A_445 {offsets = [1, 0, 0], sizes = [1, 16, 128], strides = [1, 1, 1]} : vector<4x16x128xf32> to vector<1x16x128xf32>
    %sub3A_454 = vector.broadcast %slice3A_453 : vector<1x16x128xf32> to vector<4x16x128xf32>
    %sub3A_455 = arith.subf %sub3A_454, %transpose3A : vector<4x16x128xf32>
    %max3A_456 = arith.constant 0.000000e+00 : f32
    %max3A_457 = vector.broadcast %max3A_456 : f32 to vector<4x16x128xf32>
    %max3A_458 = arith.maximumf %sub3A_455, %max3A_457 : vector<4x16x128xf32>
    %add3A_459 = arith.addf %add3A_452, %max3A_458 : vector<4x16x128xf32>
    %slice3A_460 = vector.extract_strided_slice %concatenate3A_445 {offsets = [2, 0, 0], sizes = [1, 16, 128], strides = [1, 1, 1]} : vector<4x16x128xf32> to vector<1x16x128xf32>
    %sub3A_461 = vector.broadcast %slice3A_460 : vector<1x16x128xf32> to vector<4x16x128xf32>
    %sub3A_462 = arith.subf %sub3A_461, %transpose3A : vector<4x16x128xf32>
    %max3A_463 = arith.constant 0.000000e+00 : f32
    %max3A_464 = vector.broadcast %max3A_463 : f32 to vector<4x16x128xf32>
    %max3A_465 = arith.maximumf %sub3A_462, %max3A_464 : vector<4x16x128xf32>
    %add3A_466 = arith.addf %add3A_459, %max3A_465 : vector<4x16x128xf32>
    %slice3A_467 = vector.extract_strided_slice %concatenate3A_445 {offsets = [3, 0, 0], sizes = [1, 16, 128], strides = [1, 1, 1]} : vector<4x16x128xf32> to vector<1x16x128xf32>
    %sub3A_468 = vector.broadcast %slice3A_467 : vector<1x16x128xf32> to vector<4x16x128xf32>
    %sub3A_469 = arith.subf %sub3A_468, %transpose3A : vector<4x16x128xf32>
    %max3A_470 = arith.constant 0.000000e+00 : f32
    %max3A_471 = vector.broadcast %max3A_470 : f32 to vector<4x16x128xf32>
    %max3A_472 = arith.maximumf %sub3A_469, %max3A_471 : vector<4x16x128xf32>
    %add3A_473 = arith.addf %add3A_466, %max3A_472 : vector<4x16x128xf32>
    %slice3A_474 = vector.extract_strided_slice %transpose3A_42 {offsets = [0, 0, 114], sizes = [4, 16, 14], strides = [1, 1, 1]} : vector<4x16x128xf32> to vector<4x16x14xf32>
    %slice3A_475 = vector.extract_strided_slice %transpose3A_42 {offsets = [0, 0, 0], sizes = [4, 16, 114], strides = [1, 1, 1]} : vector<4x16x128xf32> to vector<4x16x114xf32>
    %concatenate3A_476 = tpu.concatenate %slice3A_474, %slice3A_475 in 2 : vector<4x16x14xf32>, vector<4x16x114xf32> -> vector<4x16x128xf32>
    %slice3A_477 = vector.extract_strided_slice %concatenate3A_476 {offsets = [0, 0, 0], sizes = [1, 16, 128], strides = [1, 1, 1]} : vector<4x16x128xf32> to vector<1x16x128xf32>
    %sub3A_478 = vector.broadcast %slice3A_477 : vector<1x16x128xf32> to vector<4x16x128xf32>
    %sub3A_479 = arith.subf %sub3A_478, %transpose3A : vector<4x16x128xf32>
    %max3A_480 = arith.constant 0.000000e+00 : f32
    %max3A_481 = vector.broadcast %max3A_480 : f32 to vector<4x16x128xf32>
    %max3A_482 = arith.maximumf %sub3A_479, %max3A_481 : vector<4x16x128xf32>
    %add3A_483 = arith.addf %add3A_473, %max3A_482 : vector<4x16x128xf32>
    %slice3A_484 = vector.extract_strided_slice %concatenate3A_476 {offsets = [1, 0, 0], sizes = [1, 16, 128], strides = [1, 1, 1]} : vector<4x16x128xf32> to vector<1x16x128xf32>
    %sub3A_485 = vector.broadcast %slice3A_484 : vector<1x16x128xf32> to vector<4x16x128xf32>
    %sub3A_486 = arith.subf %sub3A_485, %transpose3A : vector<4x16x128xf32>
    %max3A_487 = arith.constant 0.000000e+00 : f32
    %max3A_488 = vector.broadcast %max3A_487 : f32 to vector<4x16x128xf32>
    %max3A_489 = arith.maximumf %sub3A_486, %max3A_488 : vector<4x16x128xf32>
    %add3A_490 = arith.addf %add3A_483, %max3A_489 : vector<4x16x128xf32>
    %slice3A_491 = vector.extract_strided_slice %concatenate3A_476 {offsets = [2, 0, 0], sizes = [1, 16, 128], strides = [1, 1, 1]} : vector<4x16x128xf32> to vector<1x16x128xf32>
    %sub3A_492 = vector.broadcast %slice3A_491 : vector<1x16x128xf32> to vector<4x16x128xf32>
    %sub3A_493 = arith.subf %sub3A_492, %transpose3A : vector<4x16x128xf32>
    %max3A_494 = arith.constant 0.000000e+00 : f32
    %max3A_495 = vector.broadcast %max3A_494 : f32 to vector<4x16x128xf32>
    %max3A_496 = arith.maximumf %sub3A_493, %max3A_495 : vector<4x16x128xf32>
    %add3A_497 = arith.addf %add3A_490, %max3A_496 : vector<4x16x128xf32>
    %slice3A_498 = vector.extract_strided_slice %concatenate3A_476 {offsets = [3, 0, 0], sizes = [1, 16, 128], strides = [1, 1, 1]} : vector<4x16x128xf32> to vector<1x16x128xf32>
    %sub3A_499 = vector.broadcast %slice3A_498 : vector<1x16x128xf32> to vector<4x16x128xf32>
    %sub3A_500 = arith.subf %sub3A_499, %transpose3A : vector<4x16x128xf32>
    %max3A_501 = arith.constant 0.000000e+00 : f32
    %max3A_502 = vector.broadcast %max3A_501 : f32 to vector<4x16x128xf32>
    %max3A_503 = arith.maximumf %sub3A_500, %max3A_502 : vector<4x16x128xf32>
    %add3A_504 = arith.addf %add3A_497, %max3A_503 : vector<4x16x128xf32>
    %slice3A_505 = vector.extract_strided_slice %transpose3A_42 {offsets = [0, 0, 113], sizes = [4, 16, 15], strides = [1, 1, 1]} : vector<4x16x128xf32> to vector<4x16x15xf32>
    %slice3A_506 = vector.extract_strided_slice %transpose3A_42 {offsets = [0, 0, 0], sizes = [4, 16, 113], strides = [1, 1, 1]} : vector<4x16x128xf32> to vector<4x16x113xf32>
    %concatenate3A_507 = tpu.concatenate %slice3A_505, %slice3A_506 in 2 : vector<4x16x15xf32>, vector<4x16x113xf32> -> vector<4x16x128xf32>
    %slice3A_508 = vector.extract_strided_slice %concatenate3A_507 {offsets = [0, 0, 0], sizes = [1, 16, 128], strides = [1, 1, 1]} : vector<4x16x128xf32> to vector<1x16x128xf32>
    %sub3A_509 = vector.broadcast %slice3A_508 : vector<1x16x128xf32> to vector<4x16x128xf32>
    %sub3A_510 = arith.subf %sub3A_509, %transpose3A : vector<4x16x128xf32>
    %max3A_511 = arith.constant 0.000000e+00 : f32
    %max3A_512 = vector.broadcast %max3A_511 : f32 to vector<4x16x128xf32>
    %max3A_513 = arith.maximumf %sub3A_510, %max3A_512 : vector<4x16x128xf32>
    %add3A_514 = arith.addf %add3A_504, %max3A_513 : vector<4x16x128xf32>
    %slice3A_515 = vector.extract_strided_slice %concatenate3A_507 {offsets = [1, 0, 0], sizes = [1, 16, 128], strides = [1, 1, 1]} : vector<4x16x128xf32> to vector<1x16x128xf32>
    %sub3A_516 = vector.broadcast %slice3A_515 : vector<1x16x128xf32> to vector<4x16x128xf32>
    %sub3A_517 = arith.subf %sub3A_516, %transpose3A : vector<4x16x128xf32>
    %max3A_518 = arith.constant 0.000000e+00 : f32
    %max3A_519 = vector.broadcast %max3A_518 : f32 to vector<4x16x128xf32>
    %max3A_520 = arith.maximumf %sub3A_517, %max3A_519 : vector<4x16x128xf32>
    %add3A_521 = arith.addf %add3A_514, %max3A_520 : vector<4x16x128xf32>
    %slice3A_522 = vector.extract_strided_slice %concatenate3A_507 {offsets = [2, 0, 0], sizes = [1, 16, 128], strides = [1, 1, 1]} : vector<4x16x128xf32> to vector<1x16x128xf32>
    %sub3A_523 = vector.broadcast %slice3A_522 : vector<1x16x128xf32> to vector<4x16x128xf32>
    %sub3A_524 = arith.subf %sub3A_523, %transpose3A : vector<4x16x128xf32>
    %max3A_525 = arith.constant 0.000000e+00 : f32
    %max3A_526 = vector.broadcast %max3A_525 : f32 to vector<4x16x128xf32>
    %max3A_527 = arith.maximumf %sub3A_524, %max3A_526 : vector<4x16x128xf32>
    %add3A_528 = arith.addf %add3A_521, %max3A_527 : vector<4x16x128xf32>
    %slice3A_529 = vector.extract_strided_slice %concatenate3A_507 {offsets = [3, 0, 0], sizes = [1, 16, 128], strides = [1, 1, 1]} : vector<4x16x128xf32> to vector<1x16x128xf32>
    %sub3A_530 = vector.broadcast %slice3A_529 : vector<1x16x128xf32> to vector<4x16x128xf32>
    %sub3A_531 = arith.subf %sub3A_530, %transpose3A : vector<4x16x128xf32>
    %max3A_532 = arith.constant 0.000000e+00 : f32
    %max3A_533 = vector.broadcast %max3A_532 : f32 to vector<4x16x128xf32>
    %max3A_534 = arith.maximumf %sub3A_531, %max3A_533 : vector<4x16x128xf32>
    %add3A_535 = arith.addf %add3A_528, %max3A_534 : vector<4x16x128xf32>
    %slice3A_536 = vector.extract_strided_slice %transpose3A_42 {offsets = [0, 0, 112], sizes = [4, 16, 16], strides = [1, 1, 1]} : vector<4x16x128xf32> to vector<4x16x16xf32>
    %slice3A_537 = vector.extract_strided_slice %transpose3A_42 {offsets = [0, 0, 0], sizes = [4, 16, 112], strides = [1, 1, 1]} : vector<4x16x128xf32> to vector<4x16x112xf32>
    %concatenate3A_538 = tpu.concatenate %slice3A_536, %slice3A_537 in 2 : vector<4x16x16xf32>, vector<4x16x112xf32> -> vector<4x16x128xf32>
    %slice3A_539 = vector.extract_strided_slice %concatenate3A_538 {offsets = [0, 0, 0], sizes = [1, 16, 128], strides = [1, 1, 1]} : vector<4x16x128xf32> to vector<1x16x128xf32>
    %sub3A_540 = vector.broadcast %slice3A_539 : vector<1x16x128xf32> to vector<4x16x128xf32>
    %sub3A_541 = arith.subf %sub3A_540, %transpose3A : vector<4x16x128xf32>
    %max3A_542 = arith.constant 0.000000e+00 : f32
    %max3A_543 = vector.broadcast %max3A_542 : f32 to vector<4x16x128xf32>
    %max3A_544 = arith.maximumf %sub3A_541, %max3A_543 : vector<4x16x128xf32>
    %add3A_545 = arith.addf %add3A_535, %max3A_544 : vector<4x16x128xf32>
    %slice3A_546 = vector.extract_strided_slice %concatenate3A_538 {offsets = [1, 0, 0], sizes = [1, 16, 128], strides = [1, 1, 1]} : vector<4x16x128xf32> to vector<1x16x128xf32>
    %sub3A_547 = vector.broadcast %slice3A_546 : vector<1x16x128xf32> to vector<4x16x128xf32>
    %sub3A_548 = arith.subf %sub3A_547, %transpose3A : vector<4x16x128xf32>
    %max3A_549 = arith.constant 0.000000e+00 : f32
    %max3A_550 = vector.broadcast %max3A_549 : f32 to vector<4x16x128xf32>
    %max3A_551 = arith.maximumf %sub3A_548, %max3A_550 : vector<4x16x128xf32>
    %add3A_552 = arith.addf %add3A_545, %max3A_551 : vector<4x16x128xf32>
    %slice3A_553 = vector.extract_strided_slice %concatenate3A_538 {offsets = [2, 0, 0], sizes = [1, 16, 128], strides = [1, 1, 1]} : vector<4x16x128xf32> to vector<1x16x128xf32>
    %sub3A_554 = vector.broadcast %slice3A_553 : vector<1x16x128xf32> to vector<4x16x128xf32>
    %sub3A_555 = arith.subf %sub3A_554, %transpose3A : vector<4x16x128xf32>
    %max3A_556 = arith.constant 0.000000e+00 : f32
    %max3A_557 = vector.broadcast %max3A_556 : f32 to vector<4x16x128xf32>
    %max3A_558 = arith.maximumf %sub3A_555, %max3A_557 : vector<4x16x128xf32>
    %add3A_559 = arith.addf %add3A_552, %max3A_558 : vector<4x16x128xf32>
    %slice3A_560 = vector.extract_strided_slice %concatenate3A_538 {offsets = [3, 0, 0], sizes = [1, 16, 128], strides = [1, 1, 1]} : vector<4x16x128xf32> to vector<1x16x128xf32>
    %sub3A_561 = vector.broadcast %slice3A_560 : vector<1x16x128xf32> to vector<4x16x128xf32>
    %sub3A_562 = arith.subf %sub3A_561, %transpose3A : vector<4x16x128xf32>
    %max3A_563 = arith.constant 0.000000e+00 : f32
    %max3A_564 = vector.broadcast %max3A_563 : f32 to vector<4x16x128xf32>
    %max3A_565 = arith.maximumf %sub3A_562, %max3A_564 : vector<4x16x128xf32>
    %add3A_566 = arith.addf %add3A_559, %max3A_565 : vector<4x16x128xf32>
    %slice3A_567 = vector.extract_strided_slice %transpose3A_42 {offsets = [0, 0, 111], sizes = [4, 16, 17], strides = [1, 1, 1]} : vector<4x16x128xf32> to vector<4x16x17xf32>
    %slice3A_568 = vector.extract_strided_slice %transpose3A_42 {offsets = [0, 0, 0], sizes = [4, 16, 111], strides = [1, 1, 1]} : vector<4x16x128xf32> to vector<4x16x111xf32>
    %concatenate3A_569 = tpu.concatenate %slice3A_567, %slice3A_568 in 2 : vector<4x16x17xf32>, vector<4x16x111xf32> -> vector<4x16x128xf32>
    %slice3A_570 = vector.extract_strided_slice %concatenate3A_569 {offsets = [0, 0, 0], sizes = [1, 16, 128], strides = [1, 1, 1]} : vector<4x16x128xf32> to vector<1x16x128xf32>
    %sub3A_571 = vector.broadcast %slice3A_570 : vector<1x16x128xf32> to vector<4x16x128xf32>
    %sub3A_572 = arith.subf %sub3A_571, %transpose3A : vector<4x16x128xf32>
    %max3A_573 = arith.constant 0.000000e+00 : f32
    %max3A_574 = vector.broadcast %max3A_573 : f32 to vector<4x16x128xf32>
    %max3A_575 = arith.maximumf %sub3A_572, %max3A_574 : vector<4x16x128xf32>
    %add3A_576 = arith.addf %add3A_566, %max3A_575 : vector<4x16x128xf32>
    %slice3A_577 = vector.extract_strided_slice %concatenate3A_569 {offsets = [1, 0, 0], sizes = [1, 16, 128], strides = [1, 1, 1]} : vector<4x16x128xf32> to vector<1x16x128xf32>
    %sub3A_578 = vector.broadcast %slice3A_577 : vector<1x16x128xf32> to vector<4x16x128xf32>
    %sub3A_579 = arith.subf %sub3A_578, %transpose3A : vector<4x16x128xf32>
    %max3A_580 = arith.constant 0.000000e+00 : f32
    %max3A_581 = vector.broadcast %max3A_580 : f32 to vector<4x16x128xf32>
    %max3A_582 = arith.maximumf %sub3A_579, %max3A_581 : vector<4x16x128xf32>
    %add3A_583 = arith.addf %add3A_576, %max3A_582 : vector<4x16x128xf32>
    %slice3A_584 = vector.extract_strided_slice %concatenate3A_569 {offsets = [2, 0, 0], sizes = [1, 16, 128], strides = [1, 1, 1]} : vector<4x16x128xf32> to vector<1x16x128xf32>
    %sub3A_585 = vector.broadcast %slice3A_584 : vector<1x16x128xf32> to vector<4x16x128xf32>
    %sub3A_586 = arith.subf %sub3A_585, %transpose3A : vector<4x16x128xf32>
    %max3A_587 = arith.constant 0.000000e+00 : f32
    %max3A_588 = vector.broadcast %max3A_587 : f32 to vector<4x16x128xf32>
    %max3A_589 = arith.maximumf %sub3A_586, %max3A_588 : vector<4x16x128xf32>
    %add3A_590 = arith.addf %add3A_583, %max3A_589 : vector<4x16x128xf32>
    %slice3A_591 = vector.extract_strided_slice %concatenate3A_569 {offsets = [3, 0, 0], sizes = [1, 16, 128], strides = [1, 1, 1]} : vector<4x16x128xf32> to vector<1x16x128xf32>
    %sub3A_592 = vector.broadcast %slice3A_591 : vector<1x16x128xf32> to vector<4x16x128xf32>
    %sub3A_593 = arith.subf %sub3A_592, %transpose3A : vector<4x16x128xf32>
    %max3A_594 = arith.constant 0.000000e+00 : f32
    %max3A_595 = vector.broadcast %max3A_594 : f32 to vector<4x16x128xf32>
    %max3A_596 = arith.maximumf %sub3A_593, %max3A_595 : vector<4x16x128xf32>
    %add3A_597 = arith.addf %add3A_590, %max3A_596 : vector<4x16x128xf32>
    %slice3A_598 = vector.extract_strided_slice %transpose3A_42 {offsets = [0, 0, 110], sizes = [4, 16, 18], strides = [1, 1, 1]} : vector<4x16x128xf32> to vector<4x16x18xf32>
    %slice3A_599 = vector.extract_strided_slice %transpose3A_42 {offsets = [0, 0, 0], sizes = [4, 16, 110], strides = [1, 1, 1]} : vector<4x16x128xf32> to vector<4x16x110xf32>
    %concatenate3A_600 = tpu.concatenate %slice3A_598, %slice3A_599 in 2 : vector<4x16x18xf32>, vector<4x16x110xf32> -> vector<4x16x128xf32>
    %slice3A_601 = vector.extract_strided_slice %concatenate3A_600 {offsets = [0, 0, 0], sizes = [1, 16, 128], strides = [1, 1, 1]} : vector<4x16x128xf32> to vector<1x16x128xf32>
    %sub3A_602 = vector.broadcast %slice3A_601 : vector<1x16x128xf32> to vector<4x16x128xf32>
    %sub3A_603 = arith.subf %sub3A_602, %transpose3A : vector<4x16x128xf32>
    %max3A_604 = arith.constant 0.000000e+00 : f32
    %max3A_605 = vector.broadcast %max3A_604 : f32 to vector<4x16x128xf32>
    %max3A_606 = arith.maximumf %sub3A_603, %max3A_605 : vector<4x16x128xf32>
    %add3A_607 = arith.addf %add3A_597, %max3A_606 : vector<4x16x128xf32>
    %slice3A_608 = vector.extract_strided_slice %concatenate3A_600 {offsets = [1, 0, 0], sizes = [1, 16, 128], strides = [1, 1, 1]} : vector<4x16x128xf32> to vector<1x16x128xf32>
    %sub3A_609 = vector.broadcast %slice3A_608 : vector<1x16x128xf32> to vector<4x16x128xf32>
    %sub3A_610 = arith.subf %sub3A_609, %transpose3A : vector<4x16x128xf32>
    %max3A_611 = arith.constant 0.000000e+00 : f32
    %max3A_612 = vector.broadcast %max3A_611 : f32 to vector<4x16x128xf32>
    %max3A_613 = arith.maximumf %sub3A_610, %max3A_612 : vector<4x16x128xf32>
    %add3A_614 = arith.addf %add3A_607, %max3A_613 : vector<4x16x128xf32>
    %slice3A_615 = vector.extract_strided_slice %concatenate3A_600 {offsets = [2, 0, 0], sizes = [1, 16, 128], strides = [1, 1, 1]} : vector<4x16x128xf32> to vector<1x16x128xf32>
    %sub3A_616 = vector.broadcast %slice3A_615 : vector<1x16x128xf32> to vector<4x16x128xf32>
    %sub3A_617 = arith.subf %sub3A_616, %transpose3A : vector<4x16x128xf32>
    %max3A_618 = arith.constant 0.000000e+00 : f32
    %max3A_619 = vector.broadcast %max3A_618 : f32 to vector<4x16x128xf32>
    %max3A_620 = arith.maximumf %sub3A_617, %max3A_619 : vector<4x16x128xf32>
    %add3A_621 = arith.addf %add3A_614, %max3A_620 : vector<4x16x128xf32>
    %slice3A_622 = vector.extract_strided_slice %concatenate3A_600 {offsets = [3, 0, 0], sizes = [1, 16, 128], strides = [1, 1, 1]} : vector<4x16x128xf32> to vector<1x16x128xf32>
    %sub3A_623 = vector.broadcast %slice3A_622 : vector<1x16x128xf32> to vector<4x16x128xf32>
    %sub3A_624 = arith.subf %sub3A_623, %transpose3A : vector<4x16x128xf32>
    %max3A_625 = arith.constant 0.000000e+00 : f32
    %max3A_626 = vector.broadcast %max3A_625 : f32 to vector<4x16x128xf32>
    %max3A_627 = arith.maximumf %sub3A_624, %max3A_626 : vector<4x16x128xf32>
    %add3A_628 = arith.addf %add3A_621, %max3A_627 : vector<4x16x128xf32>
    %slice3A_629 = vector.extract_strided_slice %transpose3A_42 {offsets = [0, 0, 109], sizes = [4, 16, 19], strides = [1, 1, 1]} : vector<4x16x128xf32> to vector<4x16x19xf32>
    %slice3A_630 = vector.extract_strided_slice %transpose3A_42 {offsets = [0, 0, 0], sizes = [4, 16, 109], strides = [1, 1, 1]} : vector<4x16x128xf32> to vector<4x16x109xf32>
    %concatenate3A_631 = tpu.concatenate %slice3A_629, %slice3A_630 in 2 : vector<4x16x19xf32>, vector<4x16x109xf32> -> vector<4x16x128xf32>
    %slice3A_632 = vector.extract_strided_slice %concatenate3A_631 {offsets = [0, 0, 0], sizes = [1, 16, 128], strides = [1, 1, 1]} : vector<4x16x128xf32> to vector<1x16x128xf32>
    %sub3A_633 = vector.broadcast %slice3A_632 : vector<1x16x128xf32> to vector<4x16x128xf32>
    %sub3A_634 = arith.subf %sub3A_633, %transpose3A : vector<4x16x128xf32>
    %max3A_635 = arith.constant 0.000000e+00 : f32
    %max3A_636 = vector.broadcast %max3A_635 : f32 to vector<4x16x128xf32>
    %max3A_637 = arith.maximumf %sub3A_634, %max3A_636 : vector<4x16x128xf32>
    %add3A_638 = arith.addf %add3A_628, %max3A_637 : vector<4x16x128xf32>
    %slice3A_639 = vector.extract_strided_slice %concatenate3A_631 {offsets = [1, 0, 0], sizes = [1, 16, 128], strides = [1, 1, 1]} : vector<4x16x128xf32> to vector<1x16x128xf32>
    %sub3A_640 = vector.broadcast %slice3A_639 : vector<1x16x128xf32> to vector<4x16x128xf32>
    %sub3A_641 = arith.subf %sub3A_640, %transpose3A : vector<4x16x128xf32>
    %max3A_642 = arith.constant 0.000000e+00 : f32
    %max3A_643 = vector.broadcast %max3A_642 : f32 to vector<4x16x128xf32>
    %max3A_644 = arith.maximumf %sub3A_641, %max3A_643 : vector<4x16x128xf32>
    %add3A_645 = arith.addf %add3A_638, %max3A_644 : vector<4x16x128xf32>
    %slice3A_646 = vector.extract_strided_slice %concatenate3A_631 {offsets = [2, 0, 0], sizes = [1, 16, 128], strides = [1, 1, 1]} : vector<4x16x128xf32> to vector<1x16x128xf32>
    %sub3A_647 = vector.broadcast %slice3A_646 : vector<1x16x128xf32> to vector<4x16x128xf32>
    %sub3A_648 = arith.subf %sub3A_647, %transpose3A : vector<4x16x128xf32>
    %max3A_649 = arith.constant 0.000000e+00 : f32
    %max3A_650 = vector.broadcast %max3A_649 : f32 to vector<4x16x128xf32>
    %max3A_651 = arith.maximumf %sub3A_648, %max3A_650 : vector<4x16x128xf32>
    %add3A_652 = arith.addf %add3A_645, %max3A_651 : vector<4x16x128xf32>
    %slice3A_653 = vector.extract_strided_slice %concatenate3A_631 {offsets = [3, 0, 0], sizes = [1, 16, 128], strides = [1, 1, 1]} : vector<4x16x128xf32> to vector<1x16x128xf32>
    %sub3A_654 = vector.broadcast %slice3A_653 : vector<1x16x128xf32> to vector<4x16x128xf32>
    %sub3A_655 = arith.subf %sub3A_654, %transpose3A : vector<4x16x128xf32>
    %max3A_656 = arith.constant 0.000000e+00 : f32
    %max3A_657 = vector.broadcast %max3A_656 : f32 to vector<4x16x128xf32>
    %max3A_658 = arith.maximumf %sub3A_655, %max3A_657 : vector<4x16x128xf32>
    %add3A_659 = arith.addf %add3A_652, %max3A_658 : vector<4x16x128xf32>
    %slice3A_660 = vector.extract_strided_slice %transpose3A_42 {offsets = [0, 0, 108], sizes = [4, 16, 20], strides = [1, 1, 1]} : vector<4x16x128xf32> to vector<4x16x20xf32>
    %slice3A_661 = vector.extract_strided_slice %transpose3A_42 {offsets = [0, 0, 0], sizes = [4, 16, 108], strides = [1, 1, 1]} : vector<4x16x128xf32> to vector<4x16x108xf32>
    %concatenate3A_662 = tpu.concatenate %slice3A_660, %slice3A_661 in 2 : vector<4x16x20xf32>, vector<4x16x108xf32> -> vector<4x16x128xf32>
    %slice3A_663 = vector.extract_strided_slice %concatenate3A_662 {offsets = [0, 0, 0], sizes = [1, 16, 128], strides = [1, 1, 1]} : vector<4x16x128xf32> to vector<1x16x128xf32>
    %sub3A_664 = vector.broadcast %slice3A_663 : vector<1x16x128xf32> to vector<4x16x128xf32>
    %sub3A_665 = arith.subf %sub3A_664, %transpose3A : vector<4x16x128xf32>
    %max3A_666 = arith.constant 0.000000e+00 : f32
    %max3A_667 = vector.broadcast %max3A_666 : f32 to vector<4x16x128xf32>
    %max3A_668 = arith.maximumf %sub3A_665, %max3A_667 : vector<4x16x128xf32>
    %add3A_669 = arith.addf %add3A_659, %max3A_668 : vector<4x16x128xf32>
    %slice3A_670 = vector.extract_strided_slice %concatenate3A_662 {offsets = [1, 0, 0], sizes = [1, 16, 128], strides = [1, 1, 1]} : vector<4x16x128xf32> to vector<1x16x128xf32>
    %sub3A_671 = vector.broadcast %slice3A_670 : vector<1x16x128xf32> to vector<4x16x128xf32>
    %sub3A_672 = arith.subf %sub3A_671, %transpose3A : vector<4x16x128xf32>
    %max3A_673 = arith.constant 0.000000e+00 : f32
    %max3A_674 = vector.broadcast %max3A_673 : f32 to vector<4x16x128xf32>
    %max3A_675 = arith.maximumf %sub3A_672, %max3A_674 : vector<4x16x128xf32>
    %add3A_676 = arith.addf %add3A_669, %max3A_675 : vector<4x16x128xf32>
    %slice3A_677 = vector.extract_strided_slice %concatenate3A_662 {offsets = [2, 0, 0], sizes = [1, 16, 128], strides = [1, 1, 1]} : vector<4x16x128xf32> to vector<1x16x128xf32>
    %sub3A_678 = vector.broadcast %slice3A_677 : vector<1x16x128xf32> to vector<4x16x128xf32>
    %sub3A_679 = arith.subf %sub3A_678, %transpose3A : vector<4x16x128xf32>
    %max3A_680 = arith.constant 0.000000e+00 : f32
    %max3A_681 = vector.broadcast %max3A_680 : f32 to vector<4x16x128xf32>
    %max3A_682 = arith.maximumf %sub3A_679, %max3A_681 : vector<4x16x128xf32>
    %add3A_683 = arith.addf %add3A_676, %max3A_682 : vector<4x16x128xf32>
    %slice3A_684 = vector.extract_strided_slice %concatenate3A_662 {offsets = [3, 0, 0], sizes = [1, 16, 128], strides = [1, 1, 1]} : vector<4x16x128xf32> to vector<1x16x128xf32>
    %sub3A_685 = vector.broadcast %slice3A_684 : vector<1x16x128xf32> to vector<4x16x128xf32>
    %sub3A_686 = arith.subf %sub3A_685, %transpose3A : vector<4x16x128xf32>
    %max3A_687 = arith.constant 0.000000e+00 : f32
    %max3A_688 = vector.broadcast %max3A_687 : f32 to vector<4x16x128xf32>
    %max3A_689 = arith.maximumf %sub3A_686, %max3A_688 : vector<4x16x128xf32>
    %add3A_690 = arith.addf %add3A_683, %max3A_689 : vector<4x16x128xf32>
    %slice3A_691 = vector.extract_strided_slice %transpose3A_42 {offsets = [0, 0, 107], sizes = [4, 16, 21], strides = [1, 1, 1]} : vector<4x16x128xf32> to vector<4x16x21xf32>
    %slice3A_692 = vector.extract_strided_slice %transpose3A_42 {offsets = [0, 0, 0], sizes = [4, 16, 107], strides = [1, 1, 1]} : vector<4x16x128xf32> to vector<4x16x107xf32>
    %concatenate3A_693 = tpu.concatenate %slice3A_691, %slice3A_692 in 2 : vector<4x16x21xf32>, vector<4x16x107xf32> -> vector<4x16x128xf32>
    %slice3A_694 = vector.extract_strided_slice %concatenate3A_693 {offsets = [0, 0, 0], sizes = [1, 16, 128], strides = [1, 1, 1]} : vector<4x16x128xf32> to vector<1x16x128xf32>
    %sub3A_695 = vector.broadcast %slice3A_694 : vector<1x16x128xf32> to vector<4x16x128xf32>
    %sub3A_696 = arith.subf %sub3A_695, %transpose3A : vector<4x16x128xf32>
    %max3A_697 = arith.constant 0.000000e+00 : f32
    %max3A_698 = vector.broadcast %max3A_697 : f32 to vector<4x16x128xf32>
    %max3A_699 = arith.maximumf %sub3A_696, %max3A_698 : vector<4x16x128xf32>
    %add3A_700 = arith.addf %add3A_690, %max3A_699 : vector<4x16x128xf32>
    %slice3A_701 = vector.extract_strided_slice %concatenate3A_693 {offsets = [1, 0, 0], sizes = [1, 16, 128], strides = [1, 1, 1]} : vector<4x16x128xf32> to vector<1x16x128xf32>
    %sub3A_702 = vector.broadcast %slice3A_701 : vector<1x16x128xf32> to vector<4x16x128xf32>
    %sub3A_703 = arith.subf %sub3A_702, %transpose3A : vector<4x16x128xf32>
    %max3A_704 = arith.constant 0.000000e+00 : f32
    %max3A_705 = vector.broadcast %max3A_704 : f32 to vector<4x16x128xf32>
    %max3A_706 = arith.maximumf %sub3A_703, %max3A_705 : vector<4x16x128xf32>
    %add3A_707 = arith.addf %add3A_700, %max3A_706 : vector<4x16x128xf32>
    %slice3A_708 = vector.extract_strided_slice %concatenate3A_693 {offsets = [2, 0, 0], sizes = [1, 16, 128], strides = [1, 1, 1]} : vector<4x16x128xf32> to vector<1x16x128xf32>
    %sub3A_709 = vector.broadcast %slice3A_708 : vector<1x16x128xf32> to vector<4x16x128xf32>
    %sub3A_710 = arith.subf %sub3A_709, %transpose3A : vector<4x16x128xf32>
    %max3A_711 = arith.constant 0.000000e+00 : f32
    %max3A_712 = vector.broadcast %max3A_711 : f32 to vector<4x16x128xf32>
    %max3A_713 = arith.maximumf %sub3A_710, %max3A_712 : vector<4x16x128xf32>
    %add3A_714 = arith.addf %add3A_707, %max3A_713 : vector<4x16x128xf32>
    %slice3A_715 = vector.extract_strided_slice %concatenate3A_693 {offsets = [3, 0, 0], sizes = [1, 16, 128], strides = [1, 1, 1]} : vector<4x16x128xf32> to vector<1x16x128xf32>
    %sub3A_716 = vector.broadcast %slice3A_715 : vector<1x16x128xf32> to vector<4x16x128xf32>
    %sub3A_717 = arith.subf %sub3A_716, %transpose3A : vector<4x16x128xf32>
    %max3A_718 = arith.constant 0.000000e+00 : f32
    %max3A_719 = vector.broadcast %max3A_718 : f32 to vector<4x16x128xf32>
    %max3A_720 = arith.maximumf %sub3A_717, %max3A_719 : vector<4x16x128xf32>
    %add3A_721 = arith.addf %add3A_714, %max3A_720 : vector<4x16x128xf32>
    %slice3A_722 = vector.extract_strided_slice %transpose3A_42 {offsets = [0, 0, 106], sizes = [4, 16, 22], strides = [1, 1, 1]} : vector<4x16x128xf32> to vector<4x16x22xf32>
    %slice3A_723 = vector.extract_strided_slice %transpose3A_42 {offsets = [0, 0, 0], sizes = [4, 16, 106], strides = [1, 1, 1]} : vector<4x16x128xf32> to vector<4x16x106xf32>
    %concatenate3A_724 = tpu.concatenate %slice3A_722, %slice3A_723 in 2 : vector<4x16x22xf32>, vector<4x16x106xf32> -> vector<4x16x128xf32>
    %slice3A_725 = vector.extract_strided_slice %concatenate3A_724 {offsets = [0, 0, 0], sizes = [1, 16, 128], strides = [1, 1, 1]} : vector<4x16x128xf32> to vector<1x16x128xf32>
    %sub3A_726 = vector.broadcast %slice3A_725 : vector<1x16x128xf32> to vector<4x16x128xf32>
    %sub3A_727 = arith.subf %sub3A_726, %transpose3A : vector<4x16x128xf32>
    %max3A_728 = arith.constant 0.000000e+00 : f32
    %max3A_729 = vector.broadcast %max3A_728 : f32 to vector<4x16x128xf32>
    %max3A_730 = arith.maximumf %sub3A_727, %max3A_729 : vector<4x16x128xf32>
    %add3A_731 = arith.addf %add3A_721, %max3A_730 : vector<4x16x128xf32>
    %slice3A_732 = vector.extract_strided_slice %concatenate3A_724 {offsets = [1, 0, 0], sizes = [1, 16, 128], strides = [1, 1, 1]} : vector<4x16x128xf32> to vector<1x16x128xf32>
    %sub3A_733 = vector.broadcast %slice3A_732 : vector<1x16x128xf32> to vector<4x16x128xf32>
    %sub3A_734 = arith.subf %sub3A_733, %transpose3A : vector<4x16x128xf32>
    %max3A_735 = arith.constant 0.000000e+00 : f32
    %max3A_736 = vector.broadcast %max3A_735 : f32 to vector<4x16x128xf32>
    %max3A_737 = arith.maximumf %sub3A_734, %max3A_736 : vector<4x16x128xf32>
    %add3A_738 = arith.addf %add3A_731, %max3A_737 : vector<4x16x128xf32>
    %slice3A_739 = vector.extract_strided_slice %concatenate3A_724 {offsets = [2, 0, 0], sizes = [1, 16, 128], strides = [1, 1, 1]} : vector<4x16x128xf32> to vector<1x16x128xf32>
    %sub3A_740 = vector.broadcast %slice3A_739 : vector<1x16x128xf32> to vector<4x16x128xf32>
    %sub3A_741 = arith.subf %sub3A_740, %transpose3A : vector<4x16x128xf32>
    %max3A_742 = arith.constant 0.000000e+00 : f32
    %max3A_743 = vector.broadcast %max3A_742 : f32 to vector<4x16x128xf32>
    %max3A_744 = arith.maximumf %sub3A_741, %max3A_743 : vector<4x16x128xf32>
    %add3A_745 = arith.addf %add3A_738, %max3A_744 : vector<4x16x128xf32>
    %slice3A_746 = vector.extract_strided_slice %concatenate3A_724 {offsets = [3, 0, 0], sizes = [1, 16, 128], strides = [1, 1, 1]} : vector<4x16x128xf32> to vector<1x16x128xf32>
    %sub3A_747 = vector.broadcast %slice3A_746 : vector<1x16x128xf32> to vector<4x16x128xf32>
    %sub3A_748 = arith.subf %sub3A_747, %transpose3A : vector<4x16x128xf32>
    %max3A_749 = arith.constant 0.000000e+00 : f32
    %max3A_750 = vector.broadcast %max3A_749 : f32 to vector<4x16x128xf32>
    %max3A_751 = arith.maximumf %sub3A_748, %max3A_750 : vector<4x16x128xf32>
    %add3A_752 = arith.addf %add3A_745, %max3A_751 : vector<4x16x128xf32>
    %slice3A_753 = vector.extract_strided_slice %transpose3A_42 {offsets = [0, 0, 105], sizes = [4, 16, 23], strides = [1, 1, 1]} : vector<4x16x128xf32> to vector<4x16x23xf32>
    %slice3A_754 = vector.extract_strided_slice %transpose3A_42 {offsets = [0, 0, 0], sizes = [4, 16, 105], strides = [1, 1, 1]} : vector<4x16x128xf32> to vector<4x16x105xf32>
    %concatenate3A_755 = tpu.concatenate %slice3A_753, %slice3A_754 in 2 : vector<4x16x23xf32>, vector<4x16x105xf32> -> vector<4x16x128xf32>
    %slice3A_756 = vector.extract_strided_slice %concatenate3A_755 {offsets = [0, 0, 0], sizes = [1, 16, 128], strides = [1, 1, 1]} : vector<4x16x128xf32> to vector<1x16x128xf32>
    %sub3A_757 = vector.broadcast %slice3A_756 : vector<1x16x128xf32> to vector<4x16x128xf32>
    %sub3A_758 = arith.subf %sub3A_757, %transpose3A : vector<4x16x128xf32>
    %max3A_759 = arith.constant 0.000000e+00 : f32
    %max3A_760 = vector.broadcast %max3A_759 : f32 to vector<4x16x128xf32>
    %max3A_761 = arith.maximumf %sub3A_758, %max3A_760 : vector<4x16x128xf32>
    %add3A_762 = arith.addf %add3A_752, %max3A_761 : vector<4x16x128xf32>
    %slice3A_763 = vector.extract_strided_slice %concatenate3A_755 {offsets = [1, 0, 0], sizes = [1, 16, 128], strides = [1, 1, 1]} : vector<4x16x128xf32> to vector<1x16x128xf32>
    %sub3A_764 = vector.broadcast %slice3A_763 : vector<1x16x128xf32> to vector<4x16x128xf32>
    %sub3A_765 = arith.subf %sub3A_764, %transpose3A : vector<4x16x128xf32>
    %max3A_766 = arith.constant 0.000000e+00 : f32
    %max3A_767 = vector.broadcast %max3A_766 : f32 to vector<4x16x128xf32>
    %max3A_768 = arith.maximumf %sub3A_765, %max3A_767 : vector<4x16x128xf32>
    %add3A_769 = arith.addf %add3A_762, %max3A_768 : vector<4x16x128xf32>
    %slice3A_770 = vector.extract_strided_slice %concatenate3A_755 {offsets = [2, 0, 0], sizes = [1, 16, 128], strides = [1, 1, 1]} : vector<4x16x128xf32> to vector<1x16x128xf32>
    %sub3A_771 = vector.broadcast %slice3A_770 : vector<1x16x128xf32> to vector<4x16x128xf32>
    %sub3A_772 = arith.subf %sub3A_771, %transpose3A : vector<4x16x128xf32>
    %max3A_773 = arith.constant 0.000000e+00 : f32
    %max3A_774 = vector.broadcast %max3A_773 : f32 to vector<4x16x128xf32>
    %max3A_775 = arith.maximumf %sub3A_772, %max3A_774 : vector<4x16x128xf32>
    %add3A_776 = arith.addf %add3A_769, %max3A_775 : vector<4x16x128xf32>
    %slice3A_777 = vector.extract_strided_slice %concatenate3A_755 {offsets = [3, 0, 0], sizes = [1, 16, 128], strides = [1, 1, 1]} : vector<4x16x128xf32> to vector<1x16x128xf32>
    %sub3A_778 = vector.broadcast %slice3A_777 : vector<1x16x128xf32> to vector<4x16x128xf32>
    %sub3A_779 = arith.subf %sub3A_778, %transpose3A : vector<4x16x128xf32>
    %max3A_780 = arith.constant 0.000000e+00 : f32
    %max3A_781 = vector.broadcast %max3A_780 : f32 to vector<4x16x128xf32>
    %max3A_782 = arith.maximumf %sub3A_779, %max3A_781 : vector<4x16x128xf32>
    %add3A_783 = arith.addf %add3A_776, %max3A_782 : vector<4x16x128xf32>
    %slice3A_784 = vector.extract_strided_slice %transpose3A_42 {offsets = [0, 0, 104], sizes = [4, 16, 24], strides = [1, 1, 1]} : vector<4x16x128xf32> to vector<4x16x24xf32>
    %slice3A_785 = vector.extract_strided_slice %transpose3A_42 {offsets = [0, 0, 0], sizes = [4, 16, 104], strides = [1, 1, 1]} : vector<4x16x128xf32> to vector<4x16x104xf32>
    %concatenate3A_786 = tpu.concatenate %slice3A_784, %slice3A_785 in 2 : vector<4x16x24xf32>, vector<4x16x104xf32> -> vector<4x16x128xf32>
    %slice3A_787 = vector.extract_strided_slice %concatenate3A_786 {offsets = [0, 0, 0], sizes = [1, 16, 128], strides = [1, 1, 1]} : vector<4x16x128xf32> to vector<1x16x128xf32>
    %sub3A_788 = vector.broadcast %slice3A_787 : vector<1x16x128xf32> to vector<4x16x128xf32>
    %sub3A_789 = arith.subf %sub3A_788, %transpose3A : vector<4x16x128xf32>
    %max3A_790 = arith.constant 0.000000e+00 : f32
    %max3A_791 = vector.broadcast %max3A_790 : f32 to vector<4x16x128xf32>
    %max3A_792 = arith.maximumf %sub3A_789, %max3A_791 : vector<4x16x128xf32>
    %add3A_793 = arith.addf %add3A_783, %max3A_792 : vector<4x16x128xf32>
    %slice3A_794 = vector.extract_strided_slice %concatenate3A_786 {offsets = [1, 0, 0], sizes = [1, 16, 128], strides = [1, 1, 1]} : vector<4x16x128xf32> to vector<1x16x128xf32>
    %sub3A_795 = vector.broadcast %slice3A_794 : vector<1x16x128xf32> to vector<4x16x128xf32>
    %sub3A_796 = arith.subf %sub3A_795, %transpose3A : vector<4x16x128xf32>
    %max3A_797 = arith.constant 0.000000e+00 : f32
    %max3A_798 = vector.broadcast %max3A_797 : f32 to vector<4x16x128xf32>
    %max3A_799 = arith.maximumf %sub3A_796, %max3A_798 : vector<4x16x128xf32>
    %add3A_800 = arith.addf %add3A_793, %max3A_799 : vector<4x16x128xf32>
    %slice3A_801 = vector.extract_strided_slice %concatenate3A_786 {offsets = [2, 0, 0], sizes = [1, 16, 128], strides = [1, 1, 1]} : vector<4x16x128xf32> to vector<1x16x128xf32>
    %sub3A_802 = vector.broadcast %slice3A_801 : vector<1x16x128xf32> to vector<4x16x128xf32>
    %sub3A_803 = arith.subf %sub3A_802, %transpose3A : vector<4x16x128xf32>
    %max3A_804 = arith.constant 0.000000e+00 : f32
    %max3A_805 = vector.broadcast %max3A_804 : f32 to vector<4x16x128xf32>
    %max3A_806 = arith.maximumf %sub3A_803, %max3A_805 : vector<4x16x128xf32>
    %add3A_807 = arith.addf %add3A_800, %max3A_806 : vector<4x16x128xf32>
    %slice3A_808 = vector.extract_strided_slice %concatenate3A_786 {offsets = [3, 0, 0], sizes = [1, 16, 128], strides = [1, 1, 1]} : vector<4x16x128xf32> to vector<1x16x128xf32>
    %sub3A_809 = vector.broadcast %slice3A_808 : vector<1x16x128xf32> to vector<4x16x128xf32>
    %sub3A_810 = arith.subf %sub3A_809, %transpose3A : vector<4x16x128xf32>
    %max3A_811 = arith.constant 0.000000e+00 : f32
    %max3A_812 = vector.broadcast %max3A_811 : f32 to vector<4x16x128xf32>
    %max3A_813 = arith.maximumf %sub3A_810, %max3A_812 : vector<4x16x128xf32>
    %add3A_814 = arith.addf %add3A_807, %max3A_813 : vector<4x16x128xf32>
    %slice3A_815 = vector.extract_strided_slice %transpose3A_42 {offsets = [0, 0, 103], sizes = [4, 16, 25], strides = [1, 1, 1]} : vector<4x16x128xf32> to vector<4x16x25xf32>
    %slice3A_816 = vector.extract_strided_slice %transpose3A_42 {offsets = [0, 0, 0], sizes = [4, 16, 103], strides = [1, 1, 1]} : vector<4x16x128xf32> to vector<4x16x103xf32>
    %concatenate3A_817 = tpu.concatenate %slice3A_815, %slice3A_816 in 2 : vector<4x16x25xf32>, vector<4x16x103xf32> -> vector<4x16x128xf32>
    %slice3A_818 = vector.extract_strided_slice %concatenate3A_817 {offsets = [0, 0, 0], sizes = [1, 16, 128], strides = [1, 1, 1]} : vector<4x16x128xf32> to vector<1x16x128xf32>
    %sub3A_819 = vector.broadcast %slice3A_818 : vector<1x16x128xf32> to vector<4x16x128xf32>
    %sub3A_820 = arith.subf %sub3A_819, %transpose3A : vector<4x16x128xf32>
    %max3A_821 = arith.constant 0.000000e+00 : f32
    %max3A_822 = vector.broadcast %max3A_821 : f32 to vector<4x16x128xf32>
    %max3A_823 = arith.maximumf %sub3A_820, %max3A_822 : vector<4x16x128xf32>
    %add3A_824 = arith.addf %add3A_814, %max3A_823 : vector<4x16x128xf32>
    %slice3A_825 = vector.extract_strided_slice %concatenate3A_817 {offsets = [1, 0, 0], sizes = [1, 16, 128], strides = [1, 1, 1]} : vector<4x16x128xf32> to vector<1x16x128xf32>
    %sub3A_826 = vector.broadcast %slice3A_825 : vector<1x16x128xf32> to vector<4x16x128xf32>
    %sub3A_827 = arith.subf %sub3A_826, %transpose3A : vector<4x16x128xf32>
    %max3A_828 = arith.constant 0.000000e+00 : f32
    %max3A_829 = vector.broadcast %max3A_828 : f32 to vector<4x16x128xf32>
    %max3A_830 = arith.maximumf %sub3A_827, %max3A_829 : vector<4x16x128xf32>
    %add3A_831 = arith.addf %add3A_824, %max3A_830 : vector<4x16x128xf32>
    %slice3A_832 = vector.extract_strided_slice %concatenate3A_817 {offsets = [2, 0, 0], sizes = [1, 16, 128], strides = [1, 1, 1]} : vector<4x16x128xf32> to vector<1x16x128xf32>
    %sub3A_833 = vector.broadcast %slice3A_832 : vector<1x16x128xf32> to vector<4x16x128xf32>
    %sub3A_834 = arith.subf %sub3A_833, %transpose3A : vector<4x16x128xf32>
    %max3A_835 = arith.constant 0.000000e+00 : f32
    %max3A_836 = vector.broadcast %max3A_835 : f32 to vector<4x16x128xf32>
    %max3A_837 = arith.maximumf %sub3A_834, %max3A_836 : vector<4x16x128xf32>
    %add3A_838 = arith.addf %add3A_831, %max3A_837 : vector<4x16x128xf32>
    %slice3A_839 = vector.extract_strided_slice %concatenate3A_817 {offsets = [3, 0, 0], sizes = [1, 16, 128], strides = [1, 1, 1]} : vector<4x16x128xf32> to vector<1x16x128xf32>
    %sub3A_840 = vector.broadcast %slice3A_839 : vector<1x16x128xf32> to vector<4x16x128xf32>
    %sub3A_841 = arith.subf %sub3A_840, %transpose3A : vector<4x16x128xf32>
    %max3A_842 = arith.constant 0.000000e+00 : f32
    %max3A_843 = vector.broadcast %max3A_842 : f32 to vector<4x16x128xf32>
    %max3A_844 = arith.maximumf %sub3A_841, %max3A_843 : vector<4x16x128xf32>
    %add3A_845 = arith.addf %add3A_838, %max3A_844 : vector<4x16x128xf32>
    %slice3A_846 = vector.extract_strided_slice %transpose3A_42 {offsets = [0, 0, 102], sizes = [4, 16, 26], strides = [1, 1, 1]} : vector<4x16x128xf32> to vector<4x16x26xf32>
    %slice3A_847 = vector.extract_strided_slice %transpose3A_42 {offsets = [0, 0, 0], sizes = [4, 16, 102], strides = [1, 1, 1]} : vector<4x16x128xf32> to vector<4x16x102xf32>
    %concatenate3A_848 = tpu.concatenate %slice3A_846, %slice3A_847 in 2 : vector<4x16x26xf32>, vector<4x16x102xf32> -> vector<4x16x128xf32>
    %slice3A_849 = vector.extract_strided_slice %concatenate3A_848 {offsets = [0, 0, 0], sizes = [1, 16, 128], strides = [1, 1, 1]} : vector<4x16x128xf32> to vector<1x16x128xf32>
    %sub3A_850 = vector.broadcast %slice3A_849 : vector<1x16x128xf32> to vector<4x16x128xf32>
    %sub3A_851 = arith.subf %sub3A_850, %transpose3A : vector<4x16x128xf32>
    %max3A_852 = arith.constant 0.000000e+00 : f32
    %max3A_853 = vector.broadcast %max3A_852 : f32 to vector<4x16x128xf32>
    %max3A_854 = arith.maximumf %sub3A_851, %max3A_853 : vector<4x16x128xf32>
    %add3A_855 = arith.addf %add3A_845, %max3A_854 : vector<4x16x128xf32>
    %slice3A_856 = vector.extract_strided_slice %concatenate3A_848 {offsets = [1, 0, 0], sizes = [1, 16, 128], strides = [1, 1, 1]} : vector<4x16x128xf32> to vector<1x16x128xf32>
    %sub3A_857 = vector.broadcast %slice3A_856 : vector<1x16x128xf32> to vector<4x16x128xf32>
    %sub3A_858 = arith.subf %sub3A_857, %transpose3A : vector<4x16x128xf32>
    %max3A_859 = arith.constant 0.000000e+00 : f32
    %max3A_860 = vector.broadcast %max3A_859 : f32 to vector<4x16x128xf32>
    %max3A_861 = arith.maximumf %sub3A_858, %max3A_860 : vector<4x16x128xf32>
    %add3A_862 = arith.addf %add3A_855, %max3A_861 : vector<4x16x128xf32>
    %slice3A_863 = vector.extract_strided_slice %concatenate3A_848 {offsets = [2, 0, 0], sizes = [1, 16, 128], strides = [1, 1, 1]} : vector<4x16x128xf32> to vector<1x16x128xf32>
    %sub3A_864 = vector.broadcast %slice3A_863 : vector<1x16x128xf32> to vector<4x16x128xf32>
    %sub3A_865 = arith.subf %sub3A_864, %transpose3A : vector<4x16x128xf32>
    %max3A_866 = arith.constant 0.000000e+00 : f32
    %max3A_867 = vector.broadcast %max3A_866 : f32 to vector<4x16x128xf32>
    %max3A_868 = arith.maximumf %sub3A_865, %max3A_867 : vector<4x16x128xf32>
    %add3A_869 = arith.addf %add3A_862, %max3A_868 : vector<4x16x128xf32>
    %slice3A_870 = vector.extract_strided_slice %concatenate3A_848 {offsets = [3, 0, 0], sizes = [1, 16, 128], strides = [1, 1, 1]} : vector<4x16x128xf32> to vector<1x16x128xf32>
    %sub3A_871 = vector.broadcast %slice3A_870 : vector<1x16x128xf32> to vector<4x16x128xf32>
    %sub3A_872 = arith.subf %sub3A_871, %transpose3A : vector<4x16x128xf32>
    %max3A_873 = arith.constant 0.000000e+00 : f32
    %max3A_874 = vector.broadcast %max3A_873 : f32 to vector<4x16x128xf32>
    %max3A_875 = arith.maximumf %sub3A_872, %max3A_874 : vector<4x16x128xf32>
    %add3A_876 = arith.addf %add3A_869, %max3A_875 : vector<4x16x128xf32>
    %slice3A_877 = vector.extract_strided_slice %transpose3A_42 {offsets = [0, 0, 101], sizes = [4, 16, 27], strides = [1, 1, 1]} : vector<4x16x128xf32> to vector<4x16x27xf32>
    %slice3A_878 = vector.extract_strided_slice %transpose3A_42 {offsets = [0, 0, 0], sizes = [4, 16, 101], strides = [1, 1, 1]} : vector<4x16x128xf32> to vector<4x16x101xf32>
    %concatenate3A_879 = tpu.concatenate %slice3A_877, %slice3A_878 in 2 : vector<4x16x27xf32>, vector<4x16x101xf32> -> vector<4x16x128xf32>
    %slice3A_880 = vector.extract_strided_slice %concatenate3A_879 {offsets = [0, 0, 0], sizes = [1, 16, 128], strides = [1, 1, 1]} : vector<4x16x128xf32> to vector<1x16x128xf32>
    %sub3A_881 = vector.broadcast %slice3A_880 : vector<1x16x128xf32> to vector<4x16x128xf32>
    %sub3A_882 = arith.subf %sub3A_881, %transpose3A : vector<4x16x128xf32>
    %max3A_883 = arith.constant 0.000000e+00 : f32
    %max3A_884 = vector.broadcast %max3A_883 : f32 to vector<4x16x128xf32>
    %max3A_885 = arith.maximumf %sub3A_882, %max3A_884 : vector<4x16x128xf32>
    %add3A_886 = arith.addf %add3A_876, %max3A_885 : vector<4x16x128xf32>
    %slice3A_887 = vector.extract_strided_slice %concatenate3A_879 {offsets = [1, 0, 0], sizes = [1, 16, 128], strides = [1, 1, 1]} : vector<4x16x128xf32> to vector<1x16x128xf32>
    %sub3A_888 = vector.broadcast %slice3A_887 : vector<1x16x128xf32> to vector<4x16x128xf32>
    %sub3A_889 = arith.subf %sub3A_888, %transpose3A : vector<4x16x128xf32>
    %max3A_890 = arith.constant 0.000000e+00 : f32
    %max3A_891 = vector.broadcast %max3A_890 : f32 to vector<4x16x128xf32>
    %max3A_892 = arith.maximumf %sub3A_889, %max3A_891 : vector<4x16x128xf32>
    %add3A_893 = arith.addf %add3A_886, %max3A_892 : vector<4x16x128xf32>
    %slice3A_894 = vector.extract_strided_slice %concatenate3A_879 {offsets = [2, 0, 0], sizes = [1, 16, 128], strides = [1, 1, 1]} : vector<4x16x128xf32> to vector<1x16x128xf32>
    %sub3A_895 = vector.broadcast %slice3A_894 : vector<1x16x128xf32> to vector<4x16x128xf32>
    %sub3A_896 = arith.subf %sub3A_895, %transpose3A : vector<4x16x128xf32>
    %max3A_897 = arith.constant 0.000000e+00 : f32
    %max3A_898 = vector.broadcast %max3A_897 : f32 to vector<4x16x128xf32>
    %max3A_899 = arith.maximumf %sub3A_896, %max3A_898 : vector<4x16x128xf32>
    %add3A_900 = arith.addf %add3A_893, %max3A_899 : vector<4x16x128xf32>
    %slice3A_901 = vector.extract_strided_slice %concatenate3A_879 {offsets = [3, 0, 0], sizes = [1, 16, 128], strides = [1, 1, 1]} : vector<4x16x128xf32> to vector<1x16x128xf32>
    %sub3A_902 = vector.broadcast %slice3A_901 : vector<1x16x128xf32> to vector<4x16x128xf32>
    %sub3A_903 = arith.subf %sub3A_902, %transpose3A : vector<4x16x128xf32>
    %max3A_904 = arith.constant 0.000000e+00 : f32
    %max3A_905 = vector.broadcast %max3A_904 : f32 to vector<4x16x128xf32>
    %max3A_906 = arith.maximumf %sub3A_903, %max3A_905 : vector<4x16x128xf32>
    %add3A_907 = arith.addf %add3A_900, %max3A_906 : vector<4x16x128xf32>
    %slice3A_908 = vector.extract_strided_slice %transpose3A_42 {offsets = [0, 0, 100], sizes = [4, 16, 28], strides = [1, 1, 1]} : vector<4x16x128xf32> to vector<4x16x28xf32>
    %slice3A_909 = vector.extract_strided_slice %transpose3A_42 {offsets = [0, 0, 0], sizes = [4, 16, 100], strides = [1, 1, 1]} : vector<4x16x128xf32> to vector<4x16x100xf32>
    %concatenate3A_910 = tpu.concatenate %slice3A_908, %slice3A_909 in 2 : vector<4x16x28xf32>, vector<4x16x100xf32> -> vector<4x16x128xf32>
    %slice3A_911 = vector.extract_strided_slice %concatenate3A_910 {offsets = [0, 0, 0], sizes = [1, 16, 128], strides = [1, 1, 1]} : vector<4x16x128xf32> to vector<1x16x128xf32>
    %sub3A_912 = vector.broadcast %slice3A_911 : vector<1x16x128xf32> to vector<4x16x128xf32>
    %sub3A_913 = arith.subf %sub3A_912, %transpose3A : vector<4x16x128xf32>
    %max3A_914 = arith.constant 0.000000e+00 : f32
    %max3A_915 = vector.broadcast %max3A_914 : f32 to vector<4x16x128xf32>
    %max3A_916 = arith.maximumf %sub3A_913, %max3A_915 : vector<4x16x128xf32>
    %add3A_917 = arith.addf %add3A_907, %max3A_916 : vector<4x16x128xf32>
    %slice3A_918 = vector.extract_strided_slice %concatenate3A_910 {offsets = [1, 0, 0], sizes = [1, 16, 128], strides = [1, 1, 1]} : vector<4x16x128xf32> to vector<1x16x128xf32>
    %sub3A_919 = vector.broadcast %slice3A_918 : vector<1x16x128xf32> to vector<4x16x128xf32>
    %sub3A_920 = arith.subf %sub3A_919, %transpose3A : vector<4x16x128xf32>
    %max3A_921 = arith.constant 0.000000e+00 : f32
    %max3A_922 = vector.broadcast %max3A_921 : f32 to vector<4x16x128xf32>
    %max3A_923 = arith.maximumf %sub3A_920, %max3A_922 : vector<4x16x128xf32>
    %add3A_924 = arith.addf %add3A_917, %max3A_923 : vector<4x16x128xf32>
    %slice3A_925 = vector.extract_strided_slice %concatenate3A_910 {offsets = [2, 0, 0], sizes = [1, 16, 128], strides = [1, 1, 1]} : vector<4x16x128xf32> to vector<1x16x128xf32>
    %sub3A_926 = vector.broadcast %slice3A_925 : vector<1x16x128xf32> to vector<4x16x128xf32>
    %sub3A_927 = arith.subf %sub3A_926, %transpose3A : vector<4x16x128xf32>
    %max3A_928 = arith.constant 0.000000e+00 : f32
    %max3A_929 = vector.broadcast %max3A_928 : f32 to vector<4x16x128xf32>
    %max3A_930 = arith.maximumf %sub3A_927, %max3A_929 : vector<4x16x128xf32>
    %add3A_931 = arith.addf %add3A_924, %max3A_930 : vector<4x16x128xf32>
    %slice3A_932 = vector.extract_strided_slice %concatenate3A_910 {offsets = [3, 0, 0], sizes = [1, 16, 128], strides = [1, 1, 1]} : vector<4x16x128xf32> to vector<1x16x128xf32>
    %sub3A_933 = vector.broadcast %slice3A_932 : vector<1x16x128xf32> to vector<4x16x128xf32>
    %sub3A_934 = arith.subf %sub3A_933, %transpose3A : vector<4x16x128xf32>
    %max3A_935 = arith.constant 0.000000e+00 : f32
    %max3A_936 = vector.broadcast %max3A_935 : f32 to vector<4x16x128xf32>
    %max3A_937 = arith.maximumf %sub3A_934, %max3A_936 : vector<4x16x128xf32>
    %add3A_938 = arith.addf %add3A_931, %max3A_937 : vector<4x16x128xf32>
    %slice3A_939 = vector.extract_strided_slice %transpose3A_42 {offsets = [0, 0, 99], sizes = [4, 16, 29], strides = [1, 1, 1]} : vector<4x16x128xf32> to vector<4x16x29xf32>
    %slice3A_940 = vector.extract_strided_slice %transpose3A_42 {offsets = [0, 0, 0], sizes = [4, 16, 99], strides = [1, 1, 1]} : vector<4x16x128xf32> to vector<4x16x99xf32>
    %concatenate3A_941 = tpu.concatenate %slice3A_939, %slice3A_940 in 2 : vector<4x16x29xf32>, vector<4x16x99xf32> -> vector<4x16x128xf32>
    %slice3A_942 = vector.extract_strided_slice %concatenate3A_941 {offsets = [0, 0, 0], sizes = [1, 16, 128], strides = [1, 1, 1]} : vector<4x16x128xf32> to vector<1x16x128xf32>
    %sub3A_943 = vector.broadcast %slice3A_942 : vector<1x16x128xf32> to vector<4x16x128xf32>
    %sub3A_944 = arith.subf %sub3A_943, %transpose3A : vector<4x16x128xf32>
    %max3A_945 = arith.constant 0.000000e+00 : f32
    %max3A_946 = vector.broadcast %max3A_945 : f32 to vector<4x16x128xf32>
    %max3A_947 = arith.maximumf %sub3A_944, %max3A_946 : vector<4x16x128xf32>
    %add3A_948 = arith.addf %add3A_938, %max3A_947 : vector<4x16x128xf32>
    %slice3A_949 = vector.extract_strided_slice %concatenate3A_941 {offsets = [1, 0, 0], sizes = [1, 16, 128], strides = [1, 1, 1]} : vector<4x16x128xf32> to vector<1x16x128xf32>
    %sub3A_950 = vector.broadcast %slice3A_949 : vector<1x16x128xf32> to vector<4x16x128xf32>
    %sub3A_951 = arith.subf %sub3A_950, %transpose3A : vector<4x16x128xf32>
    %max3A_952 = arith.constant 0.000000e+00 : f32
    %max3A_953 = vector.broadcast %max3A_952 : f32 to vector<4x16x128xf32>
    %max3A_954 = arith.maximumf %sub3A_951, %max3A_953 : vector<4x16x128xf32>
    %add3A_955 = arith.addf %add3A_948, %max3A_954 : vector<4x16x128xf32>
    %slice3A_956 = vector.extract_strided_slice %concatenate3A_941 {offsets = [2, 0, 0], sizes = [1, 16, 128], strides = [1, 1, 1]} : vector<4x16x128xf32> to vector<1x16x128xf32>
    %sub3A_957 = vector.broadcast %slice3A_956 : vector<1x16x128xf32> to vector<4x16x128xf32>
    %sub3A_958 = arith.subf %sub3A_957, %transpose3A : vector<4x16x128xf32>
    %max3A_959 = arith.constant 0.000000e+00 : f32
    %max3A_960 = vector.broadcast %max3A_959 : f32 to vector<4x16x128xf32>
    %max3A_961 = arith.maximumf %sub3A_958, %max3A_960 : vector<4x16x128xf32>
    %add3A_962 = arith.addf %add3A_955, %max3A_961 : vector<4x16x128xf32>
    %slice3A_963 = vector.extract_strided_slice %concatenate3A_941 {offsets = [3, 0, 0], sizes = [1, 16, 128], strides = [1, 1, 1]} : vector<4x16x128xf32> to vector<1x16x128xf32>
    %sub3A_964 = vector.broadcast %slice3A_963 : vector<1x16x128xf32> to vector<4x16x128xf32>
    %sub3A_965 = arith.subf %sub3A_964, %transpose3A : vector<4x16x128xf32>
    %max3A_966 = arith.constant 0.000000e+00 : f32
    %max3A_967 = vector.broadcast %max3A_966 : f32 to vector<4x16x128xf32>
    %max3A_968 = arith.maximumf %sub3A_965, %max3A_967 : vector<4x16x128xf32>
    %add3A_969 = arith.addf %add3A_962, %max3A_968 : vector<4x16x128xf32>
    %slice3A_970 = vector.extract_strided_slice %transpose3A_42 {offsets = [0, 0, 98], sizes = [4, 16, 30], strides = [1, 1, 1]} : vector<4x16x128xf32> to vector<4x16x30xf32>
    %slice3A_971 = vector.extract_strided_slice %transpose3A_42 {offsets = [0, 0, 0], sizes = [4, 16, 98], strides = [1, 1, 1]} : vector<4x16x128xf32> to vector<4x16x98xf32>
    %concatenate3A_972 = tpu.concatenate %slice3A_970, %slice3A_971 in 2 : vector<4x16x30xf32>, vector<4x16x98xf32> -> vector<4x16x128xf32>
    %slice3A_973 = vector.extract_strided_slice %concatenate3A_972 {offsets = [0, 0, 0], sizes = [1, 16, 128], strides = [1, 1, 1]} : vector<4x16x128xf32> to vector<1x16x128xf32>
    %sub3A_974 = vector.broadcast %slice3A_973 : vector<1x16x128xf32> to vector<4x16x128xf32>
    %sub3A_975 = arith.subf %sub3A_974, %transpose3A : vector<4x16x128xf32>
    %max3A_976 = arith.constant 0.000000e+00 : f32
    %max3A_977 = vector.broadcast %max3A_976 : f32 to vector<4x16x128xf32>
    %max3A_978 = arith.maximumf %sub3A_975, %max3A_977 : vector<4x16x128xf32>
    %add3A_979 = arith.addf %add3A_969, %max3A_978 : vector<4x16x128xf32>
    %slice3A_980 = vector.extract_strided_slice %concatenate3A_972 {offsets = [1, 0, 0], sizes = [1, 16, 128], strides = [1, 1, 1]} : vector<4x16x128xf32> to vector<1x16x128xf32>
    %sub3A_981 = vector.broadcast %slice3A_980 : vector<1x16x128xf32> to vector<4x16x128xf32>
    %sub3A_982 = arith.subf %sub3A_981, %transpose3A : vector<4x16x128xf32>
    %max3A_983 = arith.constant 0.000000e+00 : f32
    %max3A_984 = vector.broadcast %max3A_983 : f32 to vector<4x16x128xf32>
    %max3A_985 = arith.maximumf %sub3A_982, %max3A_984 : vector<4x16x128xf32>
    %add3A_986 = arith.addf %add3A_979, %max3A_985 : vector<4x16x128xf32>
    %slice3A_987 = vector.extract_strided_slice %concatenate3A_972 {offsets = [2, 0, 0], sizes = [1, 16, 128], strides = [1, 1, 1]} : vector<4x16x128xf32> to vector<1x16x128xf32>
    %sub3A_988 = vector.broadcast %slice3A_987 : vector<1x16x128xf32> to vector<4x16x128xf32>
    %sub3A_989 = arith.subf %sub3A_988, %transpose3A : vector<4x16x128xf32>
    %max3A_990 = arith.constant 0.000000e+00 : f32
    %max3A_991 = vector.broadcast %max3A_990 : f32 to vector<4x16x128xf32>
    %max3A_992 = arith.maximumf %sub3A_989, %max3A_991 : vector<4x16x128xf32>
    %add3A_993 = arith.addf %add3A_986, %max3A_992 : vector<4x16x128xf32>
    %slice3A_994 = vector.extract_strided_slice %concatenate3A_972 {offsets = [3, 0, 0], sizes = [1, 16, 128], strides = [1, 1, 1]} : vector<4x16x128xf32> to vector<1x16x128xf32>
    %sub3A_995 = vector.broadcast %slice3A_994 : vector<1x16x128xf32> to vector<4x16x128xf32>
    %sub3A_996 = arith.subf %sub3A_995, %transpose3A : vector<4x16x128xf32>
    %max3A_997 = arith.constant 0.000000e+00 : f32
    %max3A_998 = vector.broadcast %max3A_997 : f32 to vector<4x16x128xf32>
    %max3A_999 = arith.maximumf %sub3A_996, %max3A_998 : vector<4x16x128xf32>
    %add3A_1000 = arith.addf %add3A_993, %max3A_999 : vector<4x16x128xf32>
    %slice3A_1001 = vector.extract_strided_slice %transpose3A_42 {offsets = [0, 0, 97], sizes = [4, 16, 31], strides = [1, 1, 1]} : vector<4x16x128xf32> to vector<4x16x31xf32>
    %slice3A_1002 = vector.extract_strided_slice %transpose3A_42 {offsets = [0, 0, 0], sizes = [4, 16, 97], strides = [1, 1, 1]} : vector<4x16x128xf32> to vector<4x16x97xf32>
    %concatenate3A_1003 = tpu.concatenate %slice3A_1001, %slice3A_1002 in 2 : vector<4x16x31xf32>, vector<4x16x97xf32> -> vector<4x16x128xf32>
    %slice3A_1004 = vector.extract_strided_slice %concatenate3A_1003 {offsets = [0, 0, 0], sizes = [1, 16, 128], strides = [1, 1, 1]} : vector<4x16x128xf32> to vector<1x16x128xf32>
    %sub3A_1005 = vector.broadcast %slice3A_1004 : vector<1x16x128xf32> to vector<4x16x128xf32>
    %sub3A_1006 = arith.subf %sub3A_1005, %transpose3A : vector<4x16x128xf32>
    %max3A_1007 = arith.constant 0.000000e+00 : f32
    %max3A_1008 = vector.broadcast %max3A_1007 : f32 to vector<4x16x128xf32>
    %max3A_1009 = arith.maximumf %sub3A_1006, %max3A_1008 : vector<4x16x128xf32>
    %add3A_1010 = arith.addf %add3A_1000, %max3A_1009 : vector<4x16x128xf32>
    %slice3A_1011 = vector.extract_strided_slice %concatenate3A_1003 {offsets = [1, 0, 0], sizes = [1, 16, 128], strides = [1, 1, 1]} : vector<4x16x128xf32> to vector<1x16x128xf32>
    %sub3A_1012 = vector.broadcast %slice3A_1011 : vector<1x16x128xf32> to vector<4x16x128xf32>
    %sub3A_1013 = arith.subf %sub3A_1012, %transpose3A : vector<4x16x128xf32>
    %max3A_1014 = arith.constant 0.000000e+00 : f32
    %max3A_1015 = vector.broadcast %max3A_1014 : f32 to vector<4x16x128xf32>
    %max3A_1016 = arith.maximumf %sub3A_1013, %max3A_1015 : vector<4x16x128xf32>
    %add3A_1017 = arith.addf %add3A_1010, %max3A_1016 : vector<4x16x128xf32>
    %slice3A_1018 = vector.extract_strided_slice %concatenate3A_1003 {offsets = [2, 0, 0], sizes = [1, 16, 128], strides = [1, 1, 1]} : vector<4x16x128xf32> to vector<1x16x128xf32>
    %sub3A_1019 = vector.broadcast %slice3A_1018 : vector<1x16x128xf32> to vector<4x16x128xf32>
    %sub3A_1020 = arith.subf %sub3A_1019, %transpose3A : vector<4x16x128xf32>
    %max3A_1021 = arith.constant 0.000000e+00 : f32
    %max3A_1022 = vector.broadcast %max3A_1021 : f32 to vector<4x16x128xf32>
    %max3A_1023 = arith.maximumf %sub3A_1020, %max3A_1022 : vector<4x16x128xf32>
    %add3A_1024 = arith.addf %add3A_1017, %max3A_1023 : vector<4x16x128xf32>
    %slice3A_1025 = vector.extract_strided_slice %concatenate3A_1003 {offsets = [3, 0, 0], sizes = [1, 16, 128], strides = [1, 1, 1]} : vector<4x16x128xf32> to vector<1x16x128xf32>
    %sub3A_1026 = vector.broadcast %slice3A_1025 : vector<1x16x128xf32> to vector<4x16x128xf32>
    %sub3A_1027 = arith.subf %sub3A_1026, %transpose3A : vector<4x16x128xf32>
    %max3A_1028 = arith.constant 0.000000e+00 : f32
    %max3A_1029 = vector.broadcast %max3A_1028 : f32 to vector<4x16x128xf32>
    %max3A_1030 = arith.maximumf %sub3A_1027, %max3A_1029 : vector<4x16x128xf32>
    %add3A_1031 = arith.addf %add3A_1024, %max3A_1030 : vector<4x16x128xf32>
    %slice3A_1032 = vector.extract_strided_slice %transpose3A_42 {offsets = [0, 0, 96], sizes = [4, 16, 32], strides = [1, 1, 1]} : vector<4x16x128xf32> to vector<4x16x32xf32>
    %slice3A_1033 = vector.extract_strided_slice %transpose3A_42 {offsets = [0, 0, 0], sizes = [4, 16, 96], strides = [1, 1, 1]} : vector<4x16x128xf32> to vector<4x16x96xf32>
    %concatenate3A_1034 = tpu.concatenate %slice3A_1032, %slice3A_1033 in 2 : vector<4x16x32xf32>, vector<4x16x96xf32> -> vector<4x16x128xf32>
    %slice3A_1035 = vector.extract_strided_slice %concatenate3A_1034 {offsets = [0, 0, 0], sizes = [1, 16, 128], strides = [1, 1, 1]} : vector<4x16x128xf32> to vector<1x16x128xf32>
    %sub3A_1036 = vector.broadcast %slice3A_1035 : vector<1x16x128xf32> to vector<4x16x128xf32>
    %sub3A_1037 = arith.subf %sub3A_1036, %transpose3A : vector<4x16x128xf32>
    %max3A_1038 = arith.constant 0.000000e+00 : f32
    %max3A_1039 = vector.broadcast %max3A_1038 : f32 to vector<4x16x128xf32>
    %max3A_1040 = arith.maximumf %sub3A_1037, %max3A_1039 : vector<4x16x128xf32>
    %add3A_1041 = arith.addf %add3A_1031, %max3A_1040 : vector<4x16x128xf32>
    %slice3A_1042 = vector.extract_strided_slice %concatenate3A_1034 {offsets = [1, 0, 0], sizes = [1, 16, 128], strides = [1, 1, 1]} : vector<4x16x128xf32> to vector<1x16x128xf32>
    %sub3A_1043 = vector.broadcast %slice3A_1042 : vector<1x16x128xf32> to vector<4x16x128xf32>
    %sub3A_1044 = arith.subf %sub3A_1043, %transpose3A : vector<4x16x128xf32>
    %max3A_1045 = arith.constant 0.000000e+00 : f32
    %max3A_1046 = vector.broadcast %max3A_1045 : f32 to vector<4x16x128xf32>
    %max3A_1047 = arith.maximumf %sub3A_1044, %max3A_1046 : vector<4x16x128xf32>
    %add3A_1048 = arith.addf %add3A_1041, %max3A_1047 : vector<4x16x128xf32>
    %slice3A_1049 = vector.extract_strided_slice %concatenate3A_1034 {offsets = [2, 0, 0], sizes = [1, 16, 128], strides = [1, 1, 1]} : vector<4x16x128xf32> to vector<1x16x128xf32>
    %sub3A_1050 = vector.broadcast %slice3A_1049 : vector<1x16x128xf32> to vector<4x16x128xf32>
    %sub3A_1051 = arith.subf %sub3A_1050, %transpose3A : vector<4x16x128xf32>
    %max3A_1052 = arith.constant 0.000000e+00 : f32
    %max3A_1053 = vector.broadcast %max3A_1052 : f32 to vector<4x16x128xf32>
    %max3A_1054 = arith.maximumf %sub3A_1051, %max3A_1053 : vector<4x16x128xf32>
    %add3A_1055 = arith.addf %add3A_1048, %max3A_1054 : vector<4x16x128xf32>
    %slice3A_1056 = vector.extract_strided_slice %concatenate3A_1034 {offsets = [3, 0, 0], sizes = [1, 16, 128], strides = [1, 1, 1]} : vector<4x16x128xf32> to vector<1x16x128xf32>
    %sub3A_1057 = vector.broadcast %slice3A_1056 : vector<1x16x128xf32> to vector<4x16x128xf32>
    %sub3A_1058 = arith.subf %sub3A_1057, %transpose3A : vector<4x16x128xf32>
    %max3A_1059 = arith.constant 0.000000e+00 : f32
    %max3A_1060 = vector.broadcast %max3A_1059 : f32 to vector<4x16x128xf32>
    %max3A_1061 = arith.maximumf %sub3A_1058, %max3A_1060 : vector<4x16x128xf32>
    %add3A_1062 = arith.addf %add3A_1055, %max3A_1061 : vector<4x16x128xf32>
    %slice3A_1063 = vector.extract_strided_slice %transpose3A_42 {offsets = [0, 0, 95], sizes = [4, 16, 33], strides = [1, 1, 1]} : vector<4x16x128xf32> to vector<4x16x33xf32>
    %slice3A_1064 = vector.extract_strided_slice %transpose3A_42 {offsets = [0, 0, 0], sizes = [4, 16, 95], strides = [1, 1, 1]} : vector<4x16x128xf32> to vector<4x16x95xf32>
    %concatenate3A_1065 = tpu.concatenate %slice3A_1063, %slice3A_1064 in 2 : vector<4x16x33xf32>, vector<4x16x95xf32> -> vector<4x16x128xf32>
    %slice3A_1066 = vector.extract_strided_slice %concatenate3A_1065 {offsets = [0, 0, 0], sizes = [1, 16, 128], strides = [1, 1, 1]} : vector<4x16x128xf32> to vector<1x16x128xf32>
    %sub3A_1067 = vector.broadcast %slice3A_1066 : vector<1x16x128xf32> to vector<4x16x128xf32>
    %sub3A_1068 = arith.subf %sub3A_1067, %transpose3A : vector<4x16x128xf32>
    %max3A_1069 = arith.constant 0.000000e+00 : f32
    %max3A_1070 = vector.broadcast %max3A_1069 : f32 to vector<4x16x128xf32>
    %max3A_1071 = arith.maximumf %sub3A_1068, %max3A_1070 : vector<4x16x128xf32>
    %add3A_1072 = arith.addf %add3A_1062, %max3A_1071 : vector<4x16x128xf32>
    %slice3A_1073 = vector.extract_strided_slice %concatenate3A_1065 {offsets = [1, 0, 0], sizes = [1, 16, 128], strides = [1, 1, 1]} : vector<4x16x128xf32> to vector<1x16x128xf32>
    %sub3A_1074 = vector.broadcast %slice3A_1073 : vector<1x16x128xf32> to vector<4x16x128xf32>
    %sub3A_1075 = arith.subf %sub3A_1074, %transpose3A : vector<4x16x128xf32>
    %max3A_1076 = arith.constant 0.000000e+00 : f32
    %max3A_1077 = vector.broadcast %max3A_1076 : f32 to vector<4x16x128xf32>
    %max3A_1078 = arith.maximumf %sub3A_1075, %max3A_1077 : vector<4x16x128xf32>
    %add3A_1079 = arith.addf %add3A_1072, %max3A_1078 : vector<4x16x128xf32>
    %slice3A_1080 = vector.extract_strided_slice %concatenate3A_1065 {offsets = [2, 0, 0], sizes = [1, 16, 128], strides = [1, 1, 1]} : vector<4x16x128xf32> to vector<1x16x128xf32>
    %sub3A_1081 = vector.broadcast %slice3A_1080 : vector<1x16x128xf32> to vector<4x16x128xf32>
    %sub3A_1082 = arith.subf %sub3A_1081, %transpose3A : vector<4x16x128xf32>
    %max3A_1083 = arith.constant 0.000000e+00 : f32
    %max3A_1084 = vector.broadcast %max3A_1083 : f32 to vector<4x16x128xf32>
    %max3A_1085 = arith.maximumf %sub3A_1082, %max3A_1084 : vector<4x16x128xf32>
    %add3A_1086 = arith.addf %add3A_1079, %max3A_1085 : vector<4x16x128xf32>
    %slice3A_1087 = vector.extract_strided_slice %concatenate3A_1065 {offsets = [3, 0, 0], sizes = [1, 16, 128], strides = [1, 1, 1]} : vector<4x16x128xf32> to vector<1x16x128xf32>
    %sub3A_1088 = vector.broadcast %slice3A_1087 : vector<1x16x128xf32> to vector<4x16x128xf32>
    %sub3A_1089 = arith.subf %sub3A_1088, %transpose3A : vector<4x16x128xf32>
    %max3A_1090 = arith.constant 0.000000e+00 : f32
    %max3A_1091 = vector.broadcast %max3A_1090 : f32 to vector<4x16x128xf32>
    %max3A_1092 = arith.maximumf %sub3A_1089, %max3A_1091 : vector<4x16x128xf32>
    %add3A_1093 = arith.addf %add3A_1086, %max3A_1092 : vector<4x16x128xf32>
    %slice3A_1094 = vector.extract_strided_slice %transpose3A_42 {offsets = [0, 0, 94], sizes = [4, 16, 34], strides = [1, 1, 1]} : vector<4x16x128xf32> to vector<4x16x34xf32>
    %slice3A_1095 = vector.extract_strided_slice %transpose3A_42 {offsets = [0, 0, 0], sizes = [4, 16, 94], strides = [1, 1, 1]} : vector<4x16x128xf32> to vector<4x16x94xf32>
    %concatenate3A_1096 = tpu.concatenate %slice3A_1094, %slice3A_1095 in 2 : vector<4x16x34xf32>, vector<4x16x94xf32> -> vector<4x16x128xf32>
    %slice3A_1097 = vector.extract_strided_slice %concatenate3A_1096 {offsets = [0, 0, 0], sizes = [1, 16, 128], strides = [1, 1, 1]} : vector<4x16x128xf32> to vector<1x16x128xf32>
    %sub3A_1098 = vector.broadcast %slice3A_1097 : vector<1x16x128xf32> to vector<4x16x128xf32>
    %sub3A_1099 = arith.subf %sub3A_1098, %transpose3A : vector<4x16x128xf32>
    %max3A_1100 = arith.constant 0.000000e+00 : f32
    %max3A_1101 = vector.broadcast %max3A_1100 : f32 to vector<4x16x128xf32>
    %max3A_1102 = arith.maximumf %sub3A_1099, %max3A_1101 : vector<4x16x128xf32>
    %add3A_1103 = arith.addf %add3A_1093, %max3A_1102 : vector<4x16x128xf32>
    %slice3A_1104 = vector.extract_strided_slice %concatenate3A_1096 {offsets = [1, 0, 0], sizes = [1, 16, 128], strides = [1, 1, 1]} : vector<4x16x128xf32> to vector<1x16x128xf32>
    %sub3A_1105 = vector.broadcast %slice3A_1104 : vector<1x16x128xf32> to vector<4x16x128xf32>
    %sub3A_1106 = arith.subf %sub3A_1105, %transpose3A : vector<4x16x128xf32>
    %max3A_1107 = arith.constant 0.000000e+00 : f32
    %max3A_1108 = vector.broadcast %max3A_1107 : f32 to vector<4x16x128xf32>
    %max3A_1109 = arith.maximumf %sub3A_1106, %max3A_1108 : vector<4x16x128xf32>
    %add3A_1110 = arith.addf %add3A_1103, %max3A_1109 : vector<4x16x128xf32>
    %slice3A_1111 = vector.extract_strided_slice %concatenate3A_1096 {offsets = [2, 0, 0], sizes = [1, 16, 128], strides = [1, 1, 1]} : vector<4x16x128xf32> to vector<1x16x128xf32>
    %sub3A_1112 = vector.broadcast %slice3A_1111 : vector<1x16x128xf32> to vector<4x16x128xf32>
    %sub3A_1113 = arith.subf %sub3A_1112, %transpose3A : vector<4x16x128xf32>
    %max3A_1114 = arith.constant 0.000000e+00 : f32
    %max3A_1115 = vector.broadcast %max3A_1114 : f32 to vector<4x16x128xf32>
    %max3A_1116 = arith.maximumf %sub3A_1113, %max3A_1115 : vector<4x16x128xf32>
    %add3A_1117 = arith.addf %add3A_1110, %max3A_1116 : vector<4x16x128xf32>
    %slice3A_1118 = vector.extract_strided_slice %concatenate3A_1096 {offsets = [3, 0, 0], sizes = [1, 16, 128], strides = [1, 1, 1]} : vector<4x16x128xf32> to vector<1x16x128xf32>
    %sub3A_1119 = vector.broadcast %slice3A_1118 : vector<1x16x128xf32> to vector<4x16x128xf32>
    %sub3A_1120 = arith.subf %sub3A_1119, %transpose3A : vector<4x16x128xf32>
    %max3A_1121 = arith.constant 0.000000e+00 : f32
    %max3A_1122 = vector.broadcast %max3A_1121 : f32 to vector<4x16x128xf32>
    %max3A_1123 = arith.maximumf %sub3A_1120, %max3A_1122 : vector<4x16x128xf32>
    %add3A_1124 = arith.addf %add3A_1117, %max3A_1123 : vector<4x16x128xf32>
    %slice3A_1125 = vector.extract_strided_slice %transpose3A_42 {offsets = [0, 0, 93], sizes = [4, 16, 35], strides = [1, 1, 1]} : vector<4x16x128xf32> to vector<4x16x35xf32>
    %slice3A_1126 = vector.extract_strided_slice %transpose3A_42 {offsets = [0, 0, 0], sizes = [4, 16, 93], strides = [1, 1, 1]} : vector<4x16x128xf32> to vector<4x16x93xf32>
    %concatenate3A_1127 = tpu.concatenate %slice3A_1125, %slice3A_1126 in 2 : vector<4x16x35xf32>, vector<4x16x93xf32> -> vector<4x16x128xf32>
    %slice3A_1128 = vector.extract_strided_slice %concatenate3A_1127 {offsets = [0, 0, 0], sizes = [1, 16, 128], strides = [1, 1, 1]} : vector<4x16x128xf32> to vector<1x16x128xf32>
    %sub3A_1129 = vector.broadcast %slice3A_1128 : vector<1x16x128xf32> to vector<4x16x128xf32>
    %sub3A_1130 = arith.subf %sub3A_1129, %transpose3A : vector<4x16x128xf32>
    %max3A_1131 = arith.constant 0.000000e+00 : f32
    %max3A_1132 = vector.broadcast %max3A_1131 : f32 to vector<4x16x128xf32>
    %max3A_1133 = arith.maximumf %sub3A_1130, %max3A_1132 : vector<4x16x128xf32>
    %add3A_1134 = arith.addf %add3A_1124, %max3A_1133 : vector<4x16x128xf32>
    %slice3A_1135 = vector.extract_strided_slice %concatenate3A_1127 {offsets = [1, 0, 0], sizes = [1, 16, 128], strides = [1, 1, 1]} : vector<4x16x128xf32> to vector<1x16x128xf32>
    %sub3A_1136 = vector.broadcast %slice3A_1135 : vector<1x16x128xf32> to vector<4x16x128xf32>
    %sub3A_1137 = arith.subf %sub3A_1136, %transpose3A : vector<4x16x128xf32>
    %max3A_1138 = arith.constant 0.000000e+00 : f32
    %max3A_1139 = vector.broadcast %max3A_1138 : f32 to vector<4x16x128xf32>
    %max3A_1140 = arith.maximumf %sub3A_1137, %max3A_1139 : vector<4x16x128xf32>
    %add3A_1141 = arith.addf %add3A_1134, %max3A_1140 : vector<4x16x128xf32>
    %slice3A_1142 = vector.extract_strided_slice %concatenate3A_1127 {offsets = [2, 0, 0], sizes = [1, 16, 128], strides = [1, 1, 1]} : vector<4x16x128xf32> to vector<1x16x128xf32>
    %sub3A_1143 = vector.broadcast %slice3A_1142 : vector<1x16x128xf32> to vector<4x16x128xf32>
    %sub3A_1144 = arith.subf %sub3A_1143, %transpose3A : vector<4x16x128xf32>
    %max3A_1145 = arith.constant 0.000000e+00 : f32
    %max3A_1146 = vector.broadcast %max3A_1145 : f32 to vector<4x16x128xf32>
    %max3A_1147 = arith.maximumf %sub3A_1144, %max3A_1146 : vector<4x16x128xf32>
    %add3A_1148 = arith.addf %add3A_1141, %max3A_1147 : vector<4x16x128xf32>
    %slice3A_1149 = vector.extract_strided_slice %concatenate3A_1127 {offsets = [3, 0, 0], sizes = [1, 16, 128], strides = [1, 1, 1]} : vector<4x16x128xf32> to vector<1x16x128xf32>
    %sub3A_1150 = vector.broadcast %slice3A_1149 : vector<1x16x128xf32> to vector<4x16x128xf32>
    %sub3A_1151 = arith.subf %sub3A_1150, %transpose3A : vector<4x16x128xf32>
    %max3A_1152 = arith.constant 0.000000e+00 : f32
    %max3A_1153 = vector.broadcast %max3A_1152 : f32 to vector<4x16x128xf32>
    %max3A_1154 = arith.maximumf %sub3A_1151, %max3A_1153 : vector<4x16x128xf32>
    %add3A_1155 = arith.addf %add3A_1148, %max3A_1154 : vector<4x16x128xf32>
    %slice3A_1156 = vector.extract_strided_slice %transpose3A_42 {offsets = [0, 0, 92], sizes = [4, 16, 36], strides = [1, 1, 1]} : vector<4x16x128xf32> to vector<4x16x36xf32>
    %slice3A_1157 = vector.extract_strided_slice %transpose3A_42 {offsets = [0, 0, 0], sizes = [4, 16, 92], strides = [1, 1, 1]} : vector<4x16x128xf32> to vector<4x16x92xf32>
    %concatenate3A_1158 = tpu.concatenate %slice3A_1156, %slice3A_1157 in 2 : vector<4x16x36xf32>, vector<4x16x92xf32> -> vector<4x16x128xf32>
    %slice3A_1159 = vector.extract_strided_slice %concatenate3A_1158 {offsets = [0, 0, 0], sizes = [1, 16, 128], strides = [1, 1, 1]} : vector<4x16x128xf32> to vector<1x16x128xf32>
    %sub3A_1160 = vector.broadcast %slice3A_1159 : vector<1x16x128xf32> to vector<4x16x128xf32>
    %sub3A_1161 = arith.subf %sub3A_1160, %transpose3A : vector<4x16x128xf32>
    %max3A_1162 = arith.constant 0.000000e+00 : f32
    %max3A_1163 = vector.broadcast %max3A_1162 : f32 to vector<4x16x128xf32>
    %max3A_1164 = arith.maximumf %sub3A_1161, %max3A_1163 : vector<4x16x128xf32>
    %add3A_1165 = arith.addf %add3A_1155, %max3A_1164 : vector<4x16x128xf32>
    %slice3A_1166 = vector.extract_strided_slice %concatenate3A_1158 {offsets = [1, 0, 0], sizes = [1, 16, 128], strides = [1, 1, 1]} : vector<4x16x128xf32> to vector<1x16x128xf32>
    %sub3A_1167 = vector.broadcast %slice3A_1166 : vector<1x16x128xf32> to vector<4x16x128xf32>
    %sub3A_1168 = arith.subf %sub3A_1167, %transpose3A : vector<4x16x128xf32>
    %max3A_1169 = arith.constant 0.000000e+00 : f32
    %max3A_1170 = vector.broadcast %max3A_1169 : f32 to vector<4x16x128xf32>
    %max3A_1171 = arith.maximumf %sub3A_1168, %max3A_1170 : vector<4x16x128xf32>
    %add3A_1172 = arith.addf %add3A_1165, %max3A_1171 : vector<4x16x128xf32>
    %slice3A_1173 = vector.extract_strided_slice %concatenate3A_1158 {offsets = [2, 0, 0], sizes = [1, 16, 128], strides = [1, 1, 1]} : vector<4x16x128xf32> to vector<1x16x128xf32>
    %sub3A_1174 = vector.broadcast %slice3A_1173 : vector<1x16x128xf32> to vector<4x16x128xf32>
    %sub3A_1175 = arith.subf %sub3A_1174, %transpose3A : vector<4x16x128xf32>
    %max3A_1176 = arith.constant 0.000000e+00 : f32
    %max3A_1177 = vector.broadcast %max3A_1176 : f32 to vector<4x16x128xf32>
    %max3A_1178 = arith.maximumf %sub3A_1175, %max3A_1177 : vector<4x16x128xf32>
    %add3A_1179 = arith.addf %add3A_1172, %max3A_1178 : vector<4x16x128xf32>
    %slice3A_1180 = vector.extract_strided_slice %concatenate3A_1158 {offsets = [3, 0, 0], sizes = [1, 16, 128], strides = [1, 1, 1]} : vector<4x16x128xf32> to vector<1x16x128xf32>
    %sub3A_1181 = vector.broadcast %slice3A_1180 : vector<1x16x128xf32> to vector<4x16x128xf32>
    %sub3A_1182 = arith.subf %sub3A_1181, %transpose3A : vector<4x16x128xf32>
    %max3A_1183 = arith.constant 0.000000e+00 : f32
    %max3A_1184 = vector.broadcast %max3A_1183 : f32 to vector<4x16x128xf32>
    %max3A_1185 = arith.maximumf %sub3A_1182, %max3A_1184 : vector<4x16x128xf32>
    %add3A_1186 = arith.addf %add3A_1179, %max3A_1185 : vector<4x16x128xf32>
    %slice3A_1187 = vector.extract_strided_slice %transpose3A_42 {offsets = [0, 0, 91], sizes = [4, 16, 37], strides = [1, 1, 1]} : vector<4x16x128xf32> to vector<4x16x37xf32>
    %slice3A_1188 = vector.extract_strided_slice %transpose3A_42 {offsets = [0, 0, 0], sizes = [4, 16, 91], strides = [1, 1, 1]} : vector<4x16x128xf32> to vector<4x16x91xf32>
    %concatenate3A_1189 = tpu.concatenate %slice3A_1187, %slice3A_1188 in 2 : vector<4x16x37xf32>, vector<4x16x91xf32> -> vector<4x16x128xf32>
    %slice3A_1190 = vector.extract_strided_slice %concatenate3A_1189 {offsets = [0, 0, 0], sizes = [1, 16, 128], strides = [1, 1, 1]} : vector<4x16x128xf32> to vector<1x16x128xf32>
    %sub3A_1191 = vector.broadcast %slice3A_1190 : vector<1x16x128xf32> to vector<4x16x128xf32>
    %sub3A_1192 = arith.subf %sub3A_1191, %transpose3A : vector<4x16x128xf32>
    %max3A_1193 = arith.constant 0.000000e+00 : f32
    %max3A_1194 = vector.broadcast %max3A_1193 : f32 to vector<4x16x128xf32>
    %max3A_1195 = arith.maximumf %sub3A_1192, %max3A_1194 : vector<4x16x128xf32>
    %add3A_1196 = arith.addf %add3A_1186, %max3A_1195 : vector<4x16x128xf32>
    %slice3A_1197 = vector.extract_strided_slice %concatenate3A_1189 {offsets = [1, 0, 0], sizes = [1, 16, 128], strides = [1, 1, 1]} : vector<4x16x128xf32> to vector<1x16x128xf32>
    %sub3A_1198 = vector.broadcast %slice3A_1197 : vector<1x16x128xf32> to vector<4x16x128xf32>
    %sub3A_1199 = arith.subf %sub3A_1198, %transpose3A : vector<4x16x128xf32>
    %max3A_1200 = arith.constant 0.000000e+00 : f32
    %max3A_1201 = vector.broadcast %max3A_1200 : f32 to vector<4x16x128xf32>
    %max3A_1202 = arith.maximumf %sub3A_1199, %max3A_1201 : vector<4x16x128xf32>
    %add3A_1203 = arith.addf %add3A_1196, %max3A_1202 : vector<4x16x128xf32>
    %slice3A_1204 = vector.extract_strided_slice %concatenate3A_1189 {offsets = [2, 0, 0], sizes = [1, 16, 128], strides = [1, 1, 1]} : vector<4x16x128xf32> to vector<1x16x128xf32>
    %sub3A_1205 = vector.broadcast %slice3A_1204 : vector<1x16x128xf32> to vector<4x16x128xf32>
    %sub3A_1206 = arith.subf %sub3A_1205, %transpose3A : vector<4x16x128xf32>
    %max3A_1207 = arith.constant 0.000000e+00 : f32
    %max3A_1208 = vector.broadcast %max3A_1207 : f32 to vector<4x16x128xf32>
    %max3A_1209 = arith.maximumf %sub3A_1206, %max3A_1208 : vector<4x16x128xf32>
    %add3A_1210 = arith.addf %add3A_1203, %max3A_1209 : vector<4x16x128xf32>
    %slice3A_1211 = vector.extract_strided_slice %concatenate3A_1189 {offsets = [3, 0, 0], sizes = [1, 16, 128], strides = [1, 1, 1]} : vector<4x16x128xf32> to vector<1x16x128xf32>
    %sub3A_1212 = vector.broadcast %slice3A_1211 : vector<1x16x128xf32> to vector<4x16x128xf32>
    %sub3A_1213 = arith.subf %sub3A_1212, %transpose3A : vector<4x16x128xf32>
    %max3A_1214 = arith.constant 0.000000e+00 : f32
    %max3A_1215 = vector.broadcast %max3A_1214 : f32 to vector<4x16x128xf32>
    %max3A_1216 = arith.maximumf %sub3A_1213, %max3A_1215 : vector<4x16x128xf32>
    %add3A_1217 = arith.addf %add3A_1210, %max3A_1216 : vector<4x16x128xf32>
    %slice3A_1218 = vector.extract_strided_slice %transpose3A_42 {offsets = [0, 0, 90], sizes = [4, 16, 38], strides = [1, 1, 1]} : vector<4x16x128xf32> to vector<4x16x38xf32>
    %slice3A_1219 = vector.extract_strided_slice %transpose3A_42 {offsets = [0, 0, 0], sizes = [4, 16, 90], strides = [1, 1, 1]} : vector<4x16x128xf32> to vector<4x16x90xf32>
    %concatenate3A_1220 = tpu.concatenate %slice3A_1218, %slice3A_1219 in 2 : vector<4x16x38xf32>, vector<4x16x90xf32> -> vector<4x16x128xf32>
    %slice3A_1221 = vector.extract_strided_slice %concatenate3A_1220 {offsets = [0, 0, 0], sizes = [1, 16, 128], strides = [1, 1, 1]} : vector<4x16x128xf32> to vector<1x16x128xf32>
    %sub3A_1222 = vector.broadcast %slice3A_1221 : vector<1x16x128xf32> to vector<4x16x128xf32>
    %sub3A_1223 = arith.subf %sub3A_1222, %transpose3A : vector<4x16x128xf32>
    %max3A_1224 = arith.constant 0.000000e+00 : f32
    %max3A_1225 = vector.broadcast %max3A_1224 : f32 to vector<4x16x128xf32>
    %max3A_1226 = arith.maximumf %sub3A_1223, %max3A_1225 : vector<4x16x128xf32>
    %add3A_1227 = arith.addf %add3A_1217, %max3A_1226 : vector<4x16x128xf32>
    %slice3A_1228 = vector.extract_strided_slice %concatenate3A_1220 {offsets = [1, 0, 0], sizes = [1, 16, 128], strides = [1, 1, 1]} : vector<4x16x128xf32> to vector<1x16x128xf32>
    %sub3A_1229 = vector.broadcast %slice3A_1228 : vector<1x16x128xf32> to vector<4x16x128xf32>
    %sub3A_1230 = arith.subf %sub3A_1229, %transpose3A : vector<4x16x128xf32>
    %max3A_1231 = arith.constant 0.000000e+00 : f32
    %max3A_1232 = vector.broadcast %max3A_1231 : f32 to vector<4x16x128xf32>
    %max3A_1233 = arith.maximumf %sub3A_1230, %max3A_1232 : vector<4x16x128xf32>
    %add3A_1234 = arith.addf %add3A_1227, %max3A_1233 : vector<4x16x128xf32>
    %slice3A_1235 = vector.extract_strided_slice %concatenate3A_1220 {offsets = [2, 0, 0], sizes = [1, 16, 128], strides = [1, 1, 1]} : vector<4x16x128xf32> to vector<1x16x128xf32>
    %sub3A_1236 = vector.broadcast %slice3A_1235 : vector<1x16x128xf32> to vector<4x16x128xf32>
    %sub3A_1237 = arith.subf %sub3A_1236, %transpose3A : vector<4x16x128xf32>
    %max3A_1238 = arith.constant 0.000000e+00 : f32
    %max3A_1239 = vector.broadcast %max3A_1238 : f32 to vector<4x16x128xf32>
    %max3A_1240 = arith.maximumf %sub3A_1237, %max3A_1239 : vector<4x16x128xf32>
    %add3A_1241 = arith.addf %add3A_1234, %max3A_1240 : vector<4x16x128xf32>
    %slice3A_1242 = vector.extract_strided_slice %concatenate3A_1220 {offsets = [3, 0, 0], sizes = [1, 16, 128], strides = [1, 1, 1]} : vector<4x16x128xf32> to vector<1x16x128xf32>
    %sub3A_1243 = vector.broadcast %slice3A_1242 : vector<1x16x128xf32> to vector<4x16x128xf32>
    %sub3A_1244 = arith.subf %sub3A_1243, %transpose3A : vector<4x16x128xf32>
    %max3A_1245 = arith.constant 0.000000e+00 : f32
    %max3A_1246 = vector.broadcast %max3A_1245 : f32 to vector<4x16x128xf32>
    %max3A_1247 = arith.maximumf %sub3A_1244, %max3A_1246 : vector<4x16x128xf32>
    %add3A_1248 = arith.addf %add3A_1241, %max3A_1247 : vector<4x16x128xf32>
    %slice3A_1249 = vector.extract_strided_slice %transpose3A_42 {offsets = [0, 0, 89], sizes = [4, 16, 39], strides = [1, 1, 1]} : vector<4x16x128xf32> to vector<4x16x39xf32>
    %slice3A_1250 = vector.extract_strided_slice %transpose3A_42 {offsets = [0, 0, 0], sizes = [4, 16, 89], strides = [1, 1, 1]} : vector<4x16x128xf32> to vector<4x16x89xf32>
    %concatenate3A_1251 = tpu.concatenate %slice3A_1249, %slice3A_1250 in 2 : vector<4x16x39xf32>, vector<4x16x89xf32> -> vector<4x16x128xf32>
    %slice3A_1252 = vector.extract_strided_slice %concatenate3A_1251 {offsets = [0, 0, 0], sizes = [1, 16, 128], strides = [1, 1, 1]} : vector<4x16x128xf32> to vector<1x16x128xf32>
    %sub3A_1253 = vector.broadcast %slice3A_1252 : vector<1x16x128xf32> to vector<4x16x128xf32>
    %sub3A_1254 = arith.subf %sub3A_1253, %transpose3A : vector<4x16x128xf32>
    %max3A_1255 = arith.constant 0.000000e+00 : f32
    %max3A_1256 = vector.broadcast %max3A_1255 : f32 to vector<4x16x128xf32>
    %max3A_1257 = arith.maximumf %sub3A_1254, %max3A_1256 : vector<4x16x128xf32>
    %add3A_1258 = arith.addf %add3A_1248, %max3A_1257 : vector<4x16x128xf32>
    %slice3A_1259 = vector.extract_strided_slice %concatenate3A_1251 {offsets = [1, 0, 0], sizes = [1, 16, 128], strides = [1, 1, 1]} : vector<4x16x128xf32> to vector<1x16x128xf32>
    %sub3A_1260 = vector.broadcast %slice3A_1259 : vector<1x16x128xf32> to vector<4x16x128xf32>
    %sub3A_1261 = arith.subf %sub3A_1260, %transpose3A : vector<4x16x128xf32>
    %max3A_1262 = arith.constant 0.000000e+00 : f32
    %max3A_1263 = vector.broadcast %max3A_1262 : f32 to vector<4x16x128xf32>
    %max3A_1264 = arith.maximumf %sub3A_1261, %max3A_1263 : vector<4x16x128xf32>
    %add3A_1265 = arith.addf %add3A_1258, %max3A_1264 : vector<4x16x128xf32>
    %slice3A_1266 = vector.extract_strided_slice %concatenate3A_1251 {offsets = [2, 0, 0], sizes = [1, 16, 128], strides = [1, 1, 1]} : vector<4x16x128xf32> to vector<1x16x128xf32>
    %sub3A_1267 = vector.broadcast %slice3A_1266 : vector<1x16x128xf32> to vector<4x16x128xf32>
    %sub3A_1268 = arith.subf %sub3A_1267, %transpose3A : vector<4x16x128xf32>
    %max3A_1269 = arith.constant 0.000000e+00 : f32
    %max3A_1270 = vector.broadcast %max3A_1269 : f32 to vector<4x16x128xf32>
    %max3A_1271 = arith.maximumf %sub3A_1268, %max3A_1270 : vector<4x16x128xf32>
    %add3A_1272 = arith.addf %add3A_1265, %max3A_1271 : vector<4x16x128xf32>
    %slice3A_1273 = vector.extract_strided_slice %concatenate3A_1251 {offsets = [3, 0, 0], sizes = [1, 16, 128], strides = [1, 1, 1]} : vector<4x16x128xf32> to vector<1x16x128xf32>
    %sub3A_1274 = vector.broadcast %slice3A_1273 : vector<1x16x128xf32> to vector<4x16x128xf32>
    %sub3A_1275 = arith.subf %sub3A_1274, %transpose3A : vector<4x16x128xf32>
    %max3A_1276 = arith.constant 0.000000e+00 : f32
    %max3A_1277 = vector.broadcast %max3A_1276 : f32 to vector<4x16x128xf32>
    %max3A_1278 = arith.maximumf %sub3A_1275, %max3A_1277 : vector<4x16x128xf32>
    %add3A_1279 = arith.addf %add3A_1272, %max3A_1278 : vector<4x16x128xf32>
    %slice3A_1280 = vector.extract_strided_slice %transpose3A_42 {offsets = [0, 0, 88], sizes = [4, 16, 40], strides = [1, 1, 1]} : vector<4x16x128xf32> to vector<4x16x40xf32>
    %slice3A_1281 = vector.extract_strided_slice %transpose3A_42 {offsets = [0, 0, 0], sizes = [4, 16, 88], strides = [1, 1, 1]} : vector<4x16x128xf32> to vector<4x16x88xf32>
    %concatenate3A_1282 = tpu.concatenate %slice3A_1280, %slice3A_1281 in 2 : vector<4x16x40xf32>, vector<4x16x88xf32> -> vector<4x16x128xf32>
    %slice3A_1283 = vector.extract_strided_slice %concatenate3A_1282 {offsets = [0, 0, 0], sizes = [1, 16, 128], strides = [1, 1, 1]} : vector<4x16x128xf32> to vector<1x16x128xf32>
    %sub3A_1284 = vector.broadcast %slice3A_1283 : vector<1x16x128xf32> to vector<4x16x128xf32>
    %sub3A_1285 = arith.subf %sub3A_1284, %transpose3A : vector<4x16x128xf32>
    %max3A_1286 = arith.constant 0.000000e+00 : f32
    %max3A_1287 = vector.broadcast %max3A_1286 : f32 to vector<4x16x128xf32>
    %max3A_1288 = arith.maximumf %sub3A_1285, %max3A_1287 : vector<4x16x128xf32>
    %add3A_1289 = arith.addf %add3A_1279, %max3A_1288 : vector<4x16x128xf32>
    %slice3A_1290 = vector.extract_strided_slice %concatenate3A_1282 {offsets = [1, 0, 0], sizes = [1, 16, 128], strides = [1, 1, 1]} : vector<4x16x128xf32> to vector<1x16x128xf32>
    %sub3A_1291 = vector.broadcast %slice3A_1290 : vector<1x16x128xf32> to vector<4x16x128xf32>
    %sub3A_1292 = arith.subf %sub3A_1291, %transpose3A : vector<4x16x128xf32>
    %max3A_1293 = arith.constant 0.000000e+00 : f32
    %max3A_1294 = vector.broadcast %max3A_1293 : f32 to vector<4x16x128xf32>
    %max3A_1295 = arith.maximumf %sub3A_1292, %max3A_1294 : vector<4x16x128xf32>
    %add3A_1296 = arith.addf %add3A_1289, %max3A_1295 : vector<4x16x128xf32>
    %slice3A_1297 = vector.extract_strided_slice %concatenate3A_1282 {offsets = [2, 0, 0], sizes = [1, 16, 128], strides = [1, 1, 1]} : vector<4x16x128xf32> to vector<1x16x128xf32>
    %sub3A_1298 = vector.broadcast %slice3A_1297 : vector<1x16x128xf32> to vector<4x16x128xf32>
    %sub3A_1299 = arith.subf %sub3A_1298, %transpose3A : vector<4x16x128xf32>
    %max3A_1300 = arith.constant 0.000000e+00 : f32
    %max3A_1301 = vector.broadcast %max3A_1300 : f32 to vector<4x16x128xf32>
    %max3A_1302 = arith.maximumf %sub3A_1299, %max3A_1301 : vector<4x16x128xf32>
    %add3A_1303 = arith.addf %add3A_1296, %max3A_1302 : vector<4x16x128xf32>
    %slice3A_1304 = vector.extract_strided_slice %concatenate3A_1282 {offsets = [3, 0, 0], sizes = [1, 16, 128], strides = [1, 1, 1]} : vector<4x16x128xf32> to vector<1x16x128xf32>
    %sub3A_1305 = vector.broadcast %slice3A_1304 : vector<1x16x128xf32> to vector<4x16x128xf32>
    %sub3A_1306 = arith.subf %sub3A_1305, %transpose3A : vector<4x16x128xf32>
    %max3A_1307 = arith.constant 0.000000e+00 : f32
    %max3A_1308 = vector.broadcast %max3A_1307 : f32 to vector<4x16x128xf32>
    %max3A_1309 = arith.maximumf %sub3A_1306, %max3A_1308 : vector<4x16x128xf32>
    %add3A_1310 = arith.addf %add3A_1303, %max3A_1309 : vector<4x16x128xf32>
    %slice3A_1311 = vector.extract_strided_slice %transpose3A_42 {offsets = [0, 0, 87], sizes = [4, 16, 41], strides = [1, 1, 1]} : vector<4x16x128xf32> to vector<4x16x41xf32>
    %slice3A_1312 = vector.extract_strided_slice %transpose3A_42 {offsets = [0, 0, 0], sizes = [4, 16, 87], strides = [1, 1, 1]} : vector<4x16x128xf32> to vector<4x16x87xf32>
    %concatenate3A_1313 = tpu.concatenate %slice3A_1311, %slice3A_1312 in 2 : vector<4x16x41xf32>, vector<4x16x87xf32> -> vector<4x16x128xf32>
    %slice3A_1314 = vector.extract_strided_slice %concatenate3A_1313 {offsets = [0, 0, 0], sizes = [1, 16, 128], strides = [1, 1, 1]} : vector<4x16x128xf32> to vector<1x16x128xf32>
    %sub3A_1315 = vector.broadcast %slice3A_1314 : vector<1x16x128xf32> to vector<4x16x128xf32>
    %sub3A_1316 = arith.subf %sub3A_1315, %transpose3A : vector<4x16x128xf32>
    %max3A_1317 = arith.constant 0.000000e+00 : f32
    %max3A_1318 = vector.broadcast %max3A_1317 : f32 to vector<4x16x128xf32>
    %max3A_1319 = arith.maximumf %sub3A_1316, %max3A_1318 : vector<4x16x128xf32>
    %add3A_1320 = arith.addf %add3A_1310, %max3A_1319 : vector<4x16x128xf32>
    %slice3A_1321 = vector.extract_strided_slice %concatenate3A_1313 {offsets = [1, 0, 0], sizes = [1, 16, 128], strides = [1, 1, 1]} : vector<4x16x128xf32> to vector<1x16x128xf32>
    %sub3A_1322 = vector.broadcast %slice3A_1321 : vector<1x16x128xf32> to vector<4x16x128xf32>
    %sub3A_1323 = arith.subf %sub3A_1322, %transpose3A : vector<4x16x128xf32>
    %max3A_1324 = arith.constant 0.000000e+00 : f32
    %max3A_1325 = vector.broadcast %max3A_1324 : f32 to vector<4x16x128xf32>
    %max3A_1326 = arith.maximumf %sub3A_1323, %max3A_1325 : vector<4x16x128xf32>
    %add3A_1327 = arith.addf %add3A_1320, %max3A_1326 : vector<4x16x128xf32>
    %slice3A_1328 = vector.extract_strided_slice %concatenate3A_1313 {offsets = [2, 0, 0], sizes = [1, 16, 128], strides = [1, 1, 1]} : vector<4x16x128xf32> to vector<1x16x128xf32>
    %sub3A_1329 = vector.broadcast %slice3A_1328 : vector<1x16x128xf32> to vector<4x16x128xf32>
    %sub3A_1330 = arith.subf %sub3A_1329, %transpose3A : vector<4x16x128xf32>
    %max3A_1331 = arith.constant 0.000000e+00 : f32
    %max3A_1332 = vector.broadcast %max3A_1331 : f32 to vector<4x16x128xf32>
    %max3A_1333 = arith.maximumf %sub3A_1330, %max3A_1332 : vector<4x16x128xf32>
    %add3A_1334 = arith.addf %add3A_1327, %max3A_1333 : vector<4x16x128xf32>
    %slice3A_1335 = vector.extract_strided_slice %concatenate3A_1313 {offsets = [3, 0, 0], sizes = [1, 16, 128], strides = [1, 1, 1]} : vector<4x16x128xf32> to vector<1x16x128xf32>
    %sub3A_1336 = vector.broadcast %slice3A_1335 : vector<1x16x128xf32> to vector<4x16x128xf32>
    %sub3A_1337 = arith.subf %sub3A_1336, %transpose3A : vector<4x16x128xf32>
    %max3A_1338 = arith.constant 0.000000e+00 : f32
    %max3A_1339 = vector.broadcast %max3A_1338 : f32 to vector<4x16x128xf32>
    %max3A_1340 = arith.maximumf %sub3A_1337, %max3A_1339 : vector<4x16x128xf32>
    %add3A_1341 = arith.addf %add3A_1334, %max3A_1340 : vector<4x16x128xf32>
    %slice3A_1342 = vector.extract_strided_slice %transpose3A_42 {offsets = [0, 0, 86], sizes = [4, 16, 42], strides = [1, 1, 1]} : vector<4x16x128xf32> to vector<4x16x42xf32>
    %slice3A_1343 = vector.extract_strided_slice %transpose3A_42 {offsets = [0, 0, 0], sizes = [4, 16, 86], strides = [1, 1, 1]} : vector<4x16x128xf32> to vector<4x16x86xf32>
    %concatenate3A_1344 = tpu.concatenate %slice3A_1342, %slice3A_1343 in 2 : vector<4x16x42xf32>, vector<4x16x86xf32> -> vector<4x16x128xf32>
    %slice3A_1345 = vector.extract_strided_slice %concatenate3A_1344 {offsets = [0, 0, 0], sizes = [1, 16, 128], strides = [1, 1, 1]} : vector<4x16x128xf32> to vector<1x16x128xf32>
    %sub3A_1346 = vector.broadcast %slice3A_1345 : vector<1x16x128xf32> to vector<4x16x128xf32>
    %sub3A_1347 = arith.subf %sub3A_1346, %transpose3A : vector<4x16x128xf32>
    %max3A_1348 = arith.constant 0.000000e+00 : f32
    %max3A_1349 = vector.broadcast %max3A_1348 : f32 to vector<4x16x128xf32>
    %max3A_1350 = arith.maximumf %sub3A_1347, %max3A_1349 : vector<4x16x128xf32>
    %add3A_1351 = arith.addf %add3A_1341, %max3A_1350 : vector<4x16x128xf32>
    %slice3A_1352 = vector.extract_strided_slice %concatenate3A_1344 {offsets = [1, 0, 0], sizes = [1, 16, 128], strides = [1, 1, 1]} : vector<4x16x128xf32> to vector<1x16x128xf32>
    %sub3A_1353 = vector.broadcast %slice3A_1352 : vector<1x16x128xf32> to vector<4x16x128xf32>
    %sub3A_1354 = arith.subf %sub3A_1353, %transpose3A : vector<4x16x128xf32>
    %max3A_1355 = arith.constant 0.000000e+00 : f32
    %max3A_1356 = vector.broadcast %max3A_1355 : f32 to vector<4x16x128xf32>
    %max3A_1357 = arith.maximumf %sub3A_1354, %max3A_1356 : vector<4x16x128xf32>
    %add3A_1358 = arith.addf %add3A_1351, %max3A_1357 : vector<4x16x128xf32>
    %slice3A_1359 = vector.extract_strided_slice %concatenate3A_1344 {offsets = [2, 0, 0], sizes = [1, 16, 128], strides = [1, 1, 1]} : vector<4x16x128xf32> to vector<1x16x128xf32>
    %sub3A_1360 = vector.broadcast %slice3A_1359 : vector<1x16x128xf32> to vector<4x16x128xf32>
    %sub3A_1361 = arith.subf %sub3A_1360, %transpose3A : vector<4x16x128xf32>
    %max3A_1362 = arith.constant 0.000000e+00 : f32
    %max3A_1363 = vector.broadcast %max3A_1362 : f32 to vector<4x16x128xf32>
    %max3A_1364 = arith.maximumf %sub3A_1361, %max3A_1363 : vector<4x16x128xf32>
    %add3A_1365 = arith.addf %add3A_1358, %max3A_1364 : vector<4x16x128xf32>
    %slice3A_1366 = vector.extract_strided_slice %concatenate3A_1344 {offsets = [3, 0, 0], sizes = [1, 16, 128], strides = [1, 1, 1]} : vector<4x16x128xf32> to vector<1x16x128xf32>
    %sub3A_1367 = vector.broadcast %slice3A_1366 : vector<1x16x128xf32> to vector<4x16x128xf32>
    %sub3A_1368 = arith.subf %sub3A_1367, %transpose3A : vector<4x16x128xf32>
    %max3A_1369 = arith.constant 0.000000e+00 : f32
    %max3A_1370 = vector.broadcast %max3A_1369 : f32 to vector<4x16x128xf32>
    %max3A_1371 = arith.maximumf %sub3A_1368, %max3A_1370 : vector<4x16x128xf32>
    %add3A_1372 = arith.addf %add3A_1365, %max3A_1371 : vector<4x16x128xf32>
    %slice3A_1373 = vector.extract_strided_slice %transpose3A_42 {offsets = [0, 0, 85], sizes = [4, 16, 43], strides = [1, 1, 1]} : vector<4x16x128xf32> to vector<4x16x43xf32>
    %slice3A_1374 = vector.extract_strided_slice %transpose3A_42 {offsets = [0, 0, 0], sizes = [4, 16, 85], strides = [1, 1, 1]} : vector<4x16x128xf32> to vector<4x16x85xf32>
    %concatenate3A_1375 = tpu.concatenate %slice3A_1373, %slice3A_1374 in 2 : vector<4x16x43xf32>, vector<4x16x85xf32> -> vector<4x16x128xf32>
    %slice3A_1376 = vector.extract_strided_slice %concatenate3A_1375 {offsets = [0, 0, 0], sizes = [1, 16, 128], strides = [1, 1, 1]} : vector<4x16x128xf32> to vector<1x16x128xf32>
    %sub3A_1377 = vector.broadcast %slice3A_1376 : vector<1x16x128xf32> to vector<4x16x128xf32>
    %sub3A_1378 = arith.subf %sub3A_1377, %transpose3A : vector<4x16x128xf32>
    %max3A_1379 = arith.constant 0.000000e+00 : f32
    %max3A_1380 = vector.broadcast %max3A_1379 : f32 to vector<4x16x128xf32>
    %max3A_1381 = arith.maximumf %sub3A_1378, %max3A_1380 : vector<4x16x128xf32>
    %add3A_1382 = arith.addf %add3A_1372, %max3A_1381 : vector<4x16x128xf32>
    %slice3A_1383 = vector.extract_strided_slice %concatenate3A_1375 {offsets = [1, 0, 0], sizes = [1, 16, 128], strides = [1, 1, 1]} : vector<4x16x128xf32> to vector<1x16x128xf32>
    %sub3A_1384 = vector.broadcast %slice3A_1383 : vector<1x16x128xf32> to vector<4x16x128xf32>
    %sub3A_1385 = arith.subf %sub3A_1384, %transpose3A : vector<4x16x128xf32>
    %max3A_1386 = arith.constant 0.000000e+00 : f32
    %max3A_1387 = vector.broadcast %max3A_1386 : f32 to vector<4x16x128xf32>
    %max3A_1388 = arith.maximumf %sub3A_1385, %max3A_1387 : vector<4x16x128xf32>
    %add3A_1389 = arith.addf %add3A_1382, %max3A_1388 : vector<4x16x128xf32>
    %slice3A_1390 = vector.extract_strided_slice %concatenate3A_1375 {offsets = [2, 0, 0], sizes = [1, 16, 128], strides = [1, 1, 1]} : vector<4x16x128xf32> to vector<1x16x128xf32>
    %sub3A_1391 = vector.broadcast %slice3A_1390 : vector<1x16x128xf32> to vector<4x16x128xf32>
    %sub3A_1392 = arith.subf %sub3A_1391, %transpose3A : vector<4x16x128xf32>
    %max3A_1393 = arith.constant 0.000000e+00 : f32
    %max3A_1394 = vector.broadcast %max3A_1393 : f32 to vector<4x16x128xf32>
    %max3A_1395 = arith.maximumf %sub3A_1392, %max3A_1394 : vector<4x16x128xf32>
    %add3A_1396 = arith.addf %add3A_1389, %max3A_1395 : vector<4x16x128xf32>
    %slice3A_1397 = vector.extract_strided_slice %concatenate3A_1375 {offsets = [3, 0, 0], sizes = [1, 16, 128], strides = [1, 1, 1]} : vector<4x16x128xf32> to vector<1x16x128xf32>
    %sub3A_1398 = vector.broadcast %slice3A_1397 : vector<1x16x128xf32> to vector<4x16x128xf32>
    %sub3A_1399 = arith.subf %sub3A_1398, %transpose3A : vector<4x16x128xf32>
    %max3A_1400 = arith.constant 0.000000e+00 : f32
    %max3A_1401 = vector.broadcast %max3A_1400 : f32 to vector<4x16x128xf32>
    %max3A_1402 = arith.maximumf %sub3A_1399, %max3A_1401 : vector<4x16x128xf32>
    %add3A_1403 = arith.addf %add3A_1396, %max3A_1402 : vector<4x16x128xf32>
    %slice3A_1404 = vector.extract_strided_slice %transpose3A_42 {offsets = [0, 0, 84], sizes = [4, 16, 44], strides = [1, 1, 1]} : vector<4x16x128xf32> to vector<4x16x44xf32>
    %slice3A_1405 = vector.extract_strided_slice %transpose3A_42 {offsets = [0, 0, 0], sizes = [4, 16, 84], strides = [1, 1, 1]} : vector<4x16x128xf32> to vector<4x16x84xf32>
    %concatenate3A_1406 = tpu.concatenate %slice3A_1404, %slice3A_1405 in 2 : vector<4x16x44xf32>, vector<4x16x84xf32> -> vector<4x16x128xf32>
    %slice3A_1407 = vector.extract_strided_slice %concatenate3A_1406 {offsets = [0, 0, 0], sizes = [1, 16, 128], strides = [1, 1, 1]} : vector<4x16x128xf32> to vector<1x16x128xf32>
    %sub3A_1408 = vector.broadcast %slice3A_1407 : vector<1x16x128xf32> to vector<4x16x128xf32>
    %sub3A_1409 = arith.subf %sub3A_1408, %transpose3A : vector<4x16x128xf32>
    %max3A_1410 = arith.constant 0.000000e+00 : f32
    %max3A_1411 = vector.broadcast %max3A_1410 : f32 to vector<4x16x128xf32>
    %max3A_1412 = arith.maximumf %sub3A_1409, %max3A_1411 : vector<4x16x128xf32>
    %add3A_1413 = arith.addf %add3A_1403, %max3A_1412 : vector<4x16x128xf32>
    %slice3A_1414 = vector.extract_strided_slice %concatenate3A_1406 {offsets = [1, 0, 0], sizes = [1, 16, 128], strides = [1, 1, 1]} : vector<4x16x128xf32> to vector<1x16x128xf32>
    %sub3A_1415 = vector.broadcast %slice3A_1414 : vector<1x16x128xf32> to vector<4x16x128xf32>
    %sub3A_1416 = arith.subf %sub3A_1415, %transpose3A : vector<4x16x128xf32>
    %max3A_1417 = arith.constant 0.000000e+00 : f32
    %max3A_1418 = vector.broadcast %max3A_1417 : f32 to vector<4x16x128xf32>
    %max3A_1419 = arith.maximumf %sub3A_1416, %max3A_1418 : vector<4x16x128xf32>
    %add3A_1420 = arith.addf %add3A_1413, %max3A_1419 : vector<4x16x128xf32>
    %slice3A_1421 = vector.extract_strided_slice %concatenate3A_1406 {offsets = [2, 0, 0], sizes = [1, 16, 128], strides = [1, 1, 1]} : vector<4x16x128xf32> to vector<1x16x128xf32>
    %sub3A_1422 = vector.broadcast %slice3A_1421 : vector<1x16x128xf32> to vector<4x16x128xf32>
    %sub3A_1423 = arith.subf %sub3A_1422, %transpose3A : vector<4x16x128xf32>
    %max3A_1424 = arith.constant 0.000000e+00 : f32
    %max3A_1425 = vector.broadcast %max3A_1424 : f32 to vector<4x16x128xf32>
    %max3A_1426 = arith.maximumf %sub3A_1423, %max3A_1425 : vector<4x16x128xf32>
    %add3A_1427 = arith.addf %add3A_1420, %max3A_1426 : vector<4x16x128xf32>
    %slice3A_1428 = vector.extract_strided_slice %concatenate3A_1406 {offsets = [3, 0, 0], sizes = [1, 16, 128], strides = [1, 1, 1]} : vector<4x16x128xf32> to vector<1x16x128xf32>
    %sub3A_1429 = vector.broadcast %slice3A_1428 : vector<1x16x128xf32> to vector<4x16x128xf32>
    %sub3A_1430 = arith.subf %sub3A_1429, %transpose3A : vector<4x16x128xf32>
    %max3A_1431 = arith.constant 0.000000e+00 : f32
    %max3A_1432 = vector.broadcast %max3A_1431 : f32 to vector<4x16x128xf32>
    %max3A_1433 = arith.maximumf %sub3A_1430, %max3A_1432 : vector<4x16x128xf32>
    %add3A_1434 = arith.addf %add3A_1427, %max3A_1433 : vector<4x16x128xf32>
    %slice3A_1435 = vector.extract_strided_slice %transpose3A_42 {offsets = [0, 0, 83], sizes = [4, 16, 45], strides = [1, 1, 1]} : vector<4x16x128xf32> to vector<4x16x45xf32>
    %slice3A_1436 = vector.extract_strided_slice %transpose3A_42 {offsets = [0, 0, 0], sizes = [4, 16, 83], strides = [1, 1, 1]} : vector<4x16x128xf32> to vector<4x16x83xf32>
    %concatenate3A_1437 = tpu.concatenate %slice3A_1435, %slice3A_1436 in 2 : vector<4x16x45xf32>, vector<4x16x83xf32> -> vector<4x16x128xf32>
    %slice3A_1438 = vector.extract_strided_slice %concatenate3A_1437 {offsets = [0, 0, 0], sizes = [1, 16, 128], strides = [1, 1, 1]} : vector<4x16x128xf32> to vector<1x16x128xf32>
    %sub3A_1439 = vector.broadcast %slice3A_1438 : vector<1x16x128xf32> to vector<4x16x128xf32>
    %sub3A_1440 = arith.subf %sub3A_1439, %transpose3A : vector<4x16x128xf32>
    %max3A_1441 = arith.constant 0.000000e+00 : f32
    %max3A_1442 = vector.broadcast %max3A_1441 : f32 to vector<4x16x128xf32>
    %max3A_1443 = arith.maximumf %sub3A_1440, %max3A_1442 : vector<4x16x128xf32>
    %add3A_1444 = arith.addf %add3A_1434, %max3A_1443 : vector<4x16x128xf32>
    %slice3A_1445 = vector.extract_strided_slice %concatenate3A_1437 {offsets = [1, 0, 0], sizes = [1, 16, 128], strides = [1, 1, 1]} : vector<4x16x128xf32> to vector<1x16x128xf32>
    %sub3A_1446 = vector.broadcast %slice3A_1445 : vector<1x16x128xf32> to vector<4x16x128xf32>
    %sub3A_1447 = arith.subf %sub3A_1446, %transpose3A : vector<4x16x128xf32>
    %max3A_1448 = arith.constant 0.000000e+00 : f32
    %max3A_1449 = vector.broadcast %max3A_1448 : f32 to vector<4x16x128xf32>
    %max3A_1450 = arith.maximumf %sub3A_1447, %max3A_1449 : vector<4x16x128xf32>
    %add3A_1451 = arith.addf %add3A_1444, %max3A_1450 : vector<4x16x128xf32>
    %slice3A_1452 = vector.extract_strided_slice %concatenate3A_1437 {offsets = [2, 0, 0], sizes = [1, 16, 128], strides = [1, 1, 1]} : vector<4x16x128xf32> to vector<1x16x128xf32>
    %sub3A_1453 = vector.broadcast %slice3A_1452 : vector<1x16x128xf32> to vector<4x16x128xf32>
    %sub3A_1454 = arith.subf %sub3A_1453, %transpose3A : vector<4x16x128xf32>
    %max3A_1455 = arith.constant 0.000000e+00 : f32
    %max3A_1456 = vector.broadcast %max3A_1455 : f32 to vector<4x16x128xf32>
    %max3A_1457 = arith.maximumf %sub3A_1454, %max3A_1456 : vector<4x16x128xf32>
    %add3A_1458 = arith.addf %add3A_1451, %max3A_1457 : vector<4x16x128xf32>
    %slice3A_1459 = vector.extract_strided_slice %concatenate3A_1437 {offsets = [3, 0, 0], sizes = [1, 16, 128], strides = [1, 1, 1]} : vector<4x16x128xf32> to vector<1x16x128xf32>
    %sub3A_1460 = vector.broadcast %slice3A_1459 : vector<1x16x128xf32> to vector<4x16x128xf32>
    %sub3A_1461 = arith.subf %sub3A_1460, %transpose3A : vector<4x16x128xf32>
    %max3A_1462 = arith.constant 0.000000e+00 : f32
    %max3A_1463 = vector.broadcast %max3A_1462 : f32 to vector<4x16x128xf32>
    %max3A_1464 = arith.maximumf %sub3A_1461, %max3A_1463 : vector<4x16x128xf32>
    %add3A_1465 = arith.addf %add3A_1458, %max3A_1464 : vector<4x16x128xf32>
    %slice3A_1466 = vector.extract_strided_slice %transpose3A_42 {offsets = [0, 0, 82], sizes = [4, 16, 46], strides = [1, 1, 1]} : vector<4x16x128xf32> to vector<4x16x46xf32>
    %slice3A_1467 = vector.extract_strided_slice %transpose3A_42 {offsets = [0, 0, 0], sizes = [4, 16, 82], strides = [1, 1, 1]} : vector<4x16x128xf32> to vector<4x16x82xf32>
    %concatenate3A_1468 = tpu.concatenate %slice3A_1466, %slice3A_1467 in 2 : vector<4x16x46xf32>, vector<4x16x82xf32> -> vector<4x16x128xf32>
    %slice3A_1469 = vector.extract_strided_slice %concatenate3A_1468 {offsets = [0, 0, 0], sizes = [1, 16, 128], strides = [1, 1, 1]} : vector<4x16x128xf32> to vector<1x16x128xf32>
    %sub3A_1470 = vector.broadcast %slice3A_1469 : vector<1x16x128xf32> to vector<4x16x128xf32>
    %sub3A_1471 = arith.subf %sub3A_1470, %transpose3A : vector<4x16x128xf32>
    %max3A_1472 = arith.constant 0.000000e+00 : f32
    %max3A_1473 = vector.broadcast %max3A_1472 : f32 to vector<4x16x128xf32>
    %max3A_1474 = arith.maximumf %sub3A_1471, %max3A_1473 : vector<4x16x128xf32>
    %add3A_1475 = arith.addf %add3A_1465, %max3A_1474 : vector<4x16x128xf32>
    %slice3A_1476 = vector.extract_strided_slice %concatenate3A_1468 {offsets = [1, 0, 0], sizes = [1, 16, 128], strides = [1, 1, 1]} : vector<4x16x128xf32> to vector<1x16x128xf32>
    %sub3A_1477 = vector.broadcast %slice3A_1476 : vector<1x16x128xf32> to vector<4x16x128xf32>
    %sub3A_1478 = arith.subf %sub3A_1477, %transpose3A : vector<4x16x128xf32>
    %max3A_1479 = arith.constant 0.000000e+00 : f32
    %max3A_1480 = vector.broadcast %max3A_1479 : f32 to vector<4x16x128xf32>
    %max3A_1481 = arith.maximumf %sub3A_1478, %max3A_1480 : vector<4x16x128xf32>
    %add3A_1482 = arith.addf %add3A_1475, %max3A_1481 : vector<4x16x128xf32>
    %slice3A_1483 = vector.extract_strided_slice %concatenate3A_1468 {offsets = [2, 0, 0], sizes = [1, 16, 128], strides = [1, 1, 1]} : vector<4x16x128xf32> to vector<1x16x128xf32>
    %sub3A_1484 = vector.broadcast %slice3A_1483 : vector<1x16x128xf32> to vector<4x16x128xf32>
    %sub3A_1485 = arith.subf %sub3A_1484, %transpose3A : vector<4x16x128xf32>
    %max3A_1486 = arith.constant 0.000000e+00 : f32
    %max3A_1487 = vector.broadcast %max3A_1486 : f32 to vector<4x16x128xf32>
    %max3A_1488 = arith.maximumf %sub3A_1485, %max3A_1487 : vector<4x16x128xf32>
    %add3A_1489 = arith.addf %add3A_1482, %max3A_1488 : vector<4x16x128xf32>
    %slice3A_1490 = vector.extract_strided_slice %concatenate3A_1468 {offsets = [3, 0, 0], sizes = [1, 16, 128], strides = [1, 1, 1]} : vector<4x16x128xf32> to vector<1x16x128xf32>
    %sub3A_1491 = vector.broadcast %slice3A_1490 : vector<1x16x128xf32> to vector<4x16x128xf32>
    %sub3A_1492 = arith.subf %sub3A_1491, %transpose3A : vector<4x16x128xf32>
    %max3A_1493 = arith.constant 0.000000e+00 : f32
    %max3A_1494 = vector.broadcast %max3A_1493 : f32 to vector<4x16x128xf32>
    %max3A_1495 = arith.maximumf %sub3A_1492, %max3A_1494 : vector<4x16x128xf32>
    %add3A_1496 = arith.addf %add3A_1489, %max3A_1495 : vector<4x16x128xf32>
    %slice3A_1497 = vector.extract_strided_slice %transpose3A_42 {offsets = [0, 0, 81], sizes = [4, 16, 47], strides = [1, 1, 1]} : vector<4x16x128xf32> to vector<4x16x47xf32>
    %slice3A_1498 = vector.extract_strided_slice %transpose3A_42 {offsets = [0, 0, 0], sizes = [4, 16, 81], strides = [1, 1, 1]} : vector<4x16x128xf32> to vector<4x16x81xf32>
    %concatenate3A_1499 = tpu.concatenate %slice3A_1497, %slice3A_1498 in 2 : vector<4x16x47xf32>, vector<4x16x81xf32> -> vector<4x16x128xf32>
    %slice3A_1500 = vector.extract_strided_slice %concatenate3A_1499 {offsets = [0, 0, 0], sizes = [1, 16, 128], strides = [1, 1, 1]} : vector<4x16x128xf32> to vector<1x16x128xf32>
    %sub3A_1501 = vector.broadcast %slice3A_1500 : vector<1x16x128xf32> to vector<4x16x128xf32>
    %sub3A_1502 = arith.subf %sub3A_1501, %transpose3A : vector<4x16x128xf32>
    %max3A_1503 = arith.constant 0.000000e+00 : f32
    %max3A_1504 = vector.broadcast %max3A_1503 : f32 to vector<4x16x128xf32>
    %max3A_1505 = arith.maximumf %sub3A_1502, %max3A_1504 : vector<4x16x128xf32>
    %add3A_1506 = arith.addf %add3A_1496, %max3A_1505 : vector<4x16x128xf32>
    %slice3A_1507 = vector.extract_strided_slice %concatenate3A_1499 {offsets = [1, 0, 0], sizes = [1, 16, 128], strides = [1, 1, 1]} : vector<4x16x128xf32> to vector<1x16x128xf32>
    %sub3A_1508 = vector.broadcast %slice3A_1507 : vector<1x16x128xf32> to vector<4x16x128xf32>
    %sub3A_1509 = arith.subf %sub3A_1508, %transpose3A : vector<4x16x128xf32>
    %max3A_1510 = arith.constant 0.000000e+00 : f32
    %max3A_1511 = vector.broadcast %max3A_1510 : f32 to vector<4x16x128xf32>
    %max3A_1512 = arith.maximumf %sub3A_1509, %max3A_1511 : vector<4x16x128xf32>
    %add3A_1513 = arith.addf %add3A_1506, %max3A_1512 : vector<4x16x128xf32>
    %slice3A_1514 = vector.extract_strided_slice %concatenate3A_1499 {offsets = [2, 0, 0], sizes = [1, 16, 128], strides = [1, 1, 1]} : vector<4x16x128xf32> to vector<1x16x128xf32>
    %sub3A_1515 = vector.broadcast %slice3A_1514 : vector<1x16x128xf32> to vector<4x16x128xf32>
    %sub3A_1516 = arith.subf %sub3A_1515, %transpose3A : vector<4x16x128xf32>
    %max3A_1517 = arith.constant 0.000000e+00 : f32
    %max3A_1518 = vector.broadcast %max3A_1517 : f32 to vector<4x16x128xf32>
    %max3A_1519 = arith.maximumf %sub3A_1516, %max3A_1518 : vector<4x16x128xf32>
    %add3A_1520 = arith.addf %add3A_1513, %max3A_1519 : vector<4x16x128xf32>
    %slice3A_1521 = vector.extract_strided_slice %concatenate3A_1499 {offsets = [3, 0, 0], sizes = [1, 16, 128], strides = [1, 1, 1]} : vector<4x16x128xf32> to vector<1x16x128xf32>
    %sub3A_1522 = vector.broadcast %slice3A_1521 : vector<1x16x128xf32> to vector<4x16x128xf32>
    %sub3A_1523 = arith.subf %sub3A_1522, %transpose3A : vector<4x16x128xf32>
    %max3A_1524 = arith.constant 0.000000e+00 : f32
    %max3A_1525 = vector.broadcast %max3A_1524 : f32 to vector<4x16x128xf32>
    %max3A_1526 = arith.maximumf %sub3A_1523, %max3A_1525 : vector<4x16x128xf32>
    %add3A_1527 = arith.addf %add3A_1520, %max3A_1526 : vector<4x16x128xf32>
    %slice3A_1528 = vector.extract_strided_slice %transpose3A_42 {offsets = [0, 0, 80], sizes = [4, 16, 48], strides = [1, 1, 1]} : vector<4x16x128xf32> to vector<4x16x48xf32>
    %slice3A_1529 = vector.extract_strided_slice %transpose3A_42 {offsets = [0, 0, 0], sizes = [4, 16, 80], strides = [1, 1, 1]} : vector<4x16x128xf32> to vector<4x16x80xf32>
    %concatenate3A_1530 = tpu.concatenate %slice3A_1528, %slice3A_1529 in 2 : vector<4x16x48xf32>, vector<4x16x80xf32> -> vector<4x16x128xf32>
    %slice3A_1531 = vector.extract_strided_slice %concatenate3A_1530 {offsets = [0, 0, 0], sizes = [1, 16, 128], strides = [1, 1, 1]} : vector<4x16x128xf32> to vector<1x16x128xf32>
    %sub3A_1532 = vector.broadcast %slice3A_1531 : vector<1x16x128xf32> to vector<4x16x128xf32>
    %sub3A_1533 = arith.subf %sub3A_1532, %transpose3A : vector<4x16x128xf32>
    %max3A_1534 = arith.constant 0.000000e+00 : f32
    %max3A_1535 = vector.broadcast %max3A_1534 : f32 to vector<4x16x128xf32>
    %max3A_1536 = arith.maximumf %sub3A_1533, %max3A_1535 : vector<4x16x128xf32>
    %add3A_1537 = arith.addf %add3A_1527, %max3A_1536 : vector<4x16x128xf32>
    %slice3A_1538 = vector.extract_strided_slice %concatenate3A_1530 {offsets = [1, 0, 0], sizes = [1, 16, 128], strides = [1, 1, 1]} : vector<4x16x128xf32> to vector<1x16x128xf32>
    %sub3A_1539 = vector.broadcast %slice3A_1538 : vector<1x16x128xf32> to vector<4x16x128xf32>
    %sub3A_1540 = arith.subf %sub3A_1539, %transpose3A : vector<4x16x128xf32>
    %max3A_1541 = arith.constant 0.000000e+00 : f32
    %max3A_1542 = vector.broadcast %max3A_1541 : f32 to vector<4x16x128xf32>
    %max3A_1543 = arith.maximumf %sub3A_1540, %max3A_1542 : vector<4x16x128xf32>
    %add3A_1544 = arith.addf %add3A_1537, %max3A_1543 : vector<4x16x128xf32>
    %slice3A_1545 = vector.extract_strided_slice %concatenate3A_1530 {offsets = [2, 0, 0], sizes = [1, 16, 128], strides = [1, 1, 1]} : vector<4x16x128xf32> to vector<1x16x128xf32>
    %sub3A_1546 = vector.broadcast %slice3A_1545 : vector<1x16x128xf32> to vector<4x16x128xf32>
    %sub3A_1547 = arith.subf %sub3A_1546, %transpose3A : vector<4x16x128xf32>
    %max3A_1548 = arith.constant 0.000000e+00 : f32
    %max3A_1549 = vector.broadcast %max3A_1548 : f32 to vector<4x16x128xf32>
    %max3A_1550 = arith.maximumf %sub3A_1547, %max3A_1549 : vector<4x16x128xf32>
    %add3A_1551 = arith.addf %add3A_1544, %max3A_1550 : vector<4x16x128xf32>
    %slice3A_1552 = vector.extract_strided_slice %concatenate3A_1530 {offsets = [3, 0, 0], sizes = [1, 16, 128], strides = [1, 1, 1]} : vector<4x16x128xf32> to vector<1x16x128xf32>
    %sub3A_1553 = vector.broadcast %slice3A_1552 : vector<1x16x128xf32> to vector<4x16x128xf32>
    %sub3A_1554 = arith.subf %sub3A_1553, %transpose3A : vector<4x16x128xf32>
    %max3A_1555 = arith.constant 0.000000e+00 : f32
    %max3A_1556 = vector.broadcast %max3A_1555 : f32 to vector<4x16x128xf32>
    %max3A_1557 = arith.maximumf %sub3A_1554, %max3A_1556 : vector<4x16x128xf32>
    %add3A_1558 = arith.addf %add3A_1551, %max3A_1557 : vector<4x16x128xf32>
    %slice3A_1559 = vector.extract_strided_slice %transpose3A_42 {offsets = [0, 0, 79], sizes = [4, 16, 49], strides = [1, 1, 1]} : vector<4x16x128xf32> to vector<4x16x49xf32>
    %slice3A_1560 = vector.extract_strided_slice %transpose3A_42 {offsets = [0, 0, 0], sizes = [4, 16, 79], strides = [1, 1, 1]} : vector<4x16x128xf32> to vector<4x16x79xf32>
    %concatenate3A_1561 = tpu.concatenate %slice3A_1559, %slice3A_1560 in 2 : vector<4x16x49xf32>, vector<4x16x79xf32> -> vector<4x16x128xf32>
    %slice3A_1562 = vector.extract_strided_slice %concatenate3A_1561 {offsets = [0, 0, 0], sizes = [1, 16, 128], strides = [1, 1, 1]} : vector<4x16x128xf32> to vector<1x16x128xf32>
    %sub3A_1563 = vector.broadcast %slice3A_1562 : vector<1x16x128xf32> to vector<4x16x128xf32>
    %sub3A_1564 = arith.subf %sub3A_1563, %transpose3A : vector<4x16x128xf32>
    %max3A_1565 = arith.constant 0.000000e+00 : f32
    %max3A_1566 = vector.broadcast %max3A_1565 : f32 to vector<4x16x128xf32>
    %max3A_1567 = arith.maximumf %sub3A_1564, %max3A_1566 : vector<4x16x128xf32>
    %add3A_1568 = arith.addf %add3A_1558, %max3A_1567 : vector<4x16x128xf32>
    %slice3A_1569 = vector.extract_strided_slice %concatenate3A_1561 {offsets = [1, 0, 0], sizes = [1, 16, 128], strides = [1, 1, 1]} : vector<4x16x128xf32> to vector<1x16x128xf32>
    %sub3A_1570 = vector.broadcast %slice3A_1569 : vector<1x16x128xf32> to vector<4x16x128xf32>
    %sub3A_1571 = arith.subf %sub3A_1570, %transpose3A : vector<4x16x128xf32>
    %max3A_1572 = arith.constant 0.000000e+00 : f32
    %max3A_1573 = vector.broadcast %max3A_1572 : f32 to vector<4x16x128xf32>
    %max3A_1574 = arith.maximumf %sub3A_1571, %max3A_1573 : vector<4x16x128xf32>
    %add3A_1575 = arith.addf %add3A_1568, %max3A_1574 : vector<4x16x128xf32>
    %slice3A_1576 = vector.extract_strided_slice %concatenate3A_1561 {offsets = [2, 0, 0], sizes = [1, 16, 128], strides = [1, 1, 1]} : vector<4x16x128xf32> to vector<1x16x128xf32>
    %sub3A_1577 = vector.broadcast %slice3A_1576 : vector<1x16x128xf32> to vector<4x16x128xf32>
    %sub3A_1578 = arith.subf %sub3A_1577, %transpose3A : vector<4x16x128xf32>
    %max3A_1579 = arith.constant 0.000000e+00 : f32
    %max3A_1580 = vector.broadcast %max3A_1579 : f32 to vector<4x16x128xf32>
    %max3A_1581 = arith.maximumf %sub3A_1578, %max3A_1580 : vector<4x16x128xf32>
    %add3A_1582 = arith.addf %add3A_1575, %max3A_1581 : vector<4x16x128xf32>
    %slice3A_1583 = vector.extract_strided_slice %concatenate3A_1561 {offsets = [3, 0, 0], sizes = [1, 16, 128], strides = [1, 1, 1]} : vector<4x16x128xf32> to vector<1x16x128xf32>
    %sub3A_1584 = vector.broadcast %slice3A_1583 : vector<1x16x128xf32> to vector<4x16x128xf32>
    %sub3A_1585 = arith.subf %sub3A_1584, %transpose3A : vector<4x16x128xf32>
    %max3A_1586 = arith.constant 0.000000e+00 : f32
    %max3A_1587 = vector.broadcast %max3A_1586 : f32 to vector<4x16x128xf32>
    %max3A_1588 = arith.maximumf %sub3A_1585, %max3A_1587 : vector<4x16x128xf32>
    %add3A_1589 = arith.addf %add3A_1582, %max3A_1588 : vector<4x16x128xf32>
    %slice3A_1590 = vector.extract_strided_slice %transpose3A_42 {offsets = [0, 0, 78], sizes = [4, 16, 50], strides = [1, 1, 1]} : vector<4x16x128xf32> to vector<4x16x50xf32>
    %slice3A_1591 = vector.extract_strided_slice %transpose3A_42 {offsets = [0, 0, 0], sizes = [4, 16, 78], strides = [1, 1, 1]} : vector<4x16x128xf32> to vector<4x16x78xf32>
    %concatenate3A_1592 = tpu.concatenate %slice3A_1590, %slice3A_1591 in 2 : vector<4x16x50xf32>, vector<4x16x78xf32> -> vector<4x16x128xf32>
    %slice3A_1593 = vector.extract_strided_slice %concatenate3A_1592 {offsets = [0, 0, 0], sizes = [1, 16, 128], strides = [1, 1, 1]} : vector<4x16x128xf32> to vector<1x16x128xf32>
    %sub3A_1594 = vector.broadcast %slice3A_1593 : vector<1x16x128xf32> to vector<4x16x128xf32>
    %sub3A_1595 = arith.subf %sub3A_1594, %transpose3A : vector<4x16x128xf32>
    %max3A_1596 = arith.constant 0.000000e+00 : f32
    %max3A_1597 = vector.broadcast %max3A_1596 : f32 to vector<4x16x128xf32>
    %max3A_1598 = arith.maximumf %sub3A_1595, %max3A_1597 : vector<4x16x128xf32>
    %add3A_1599 = arith.addf %add3A_1589, %max3A_1598 : vector<4x16x128xf32>
    %slice3A_1600 = vector.extract_strided_slice %concatenate3A_1592 {offsets = [1, 0, 0], sizes = [1, 16, 128], strides = [1, 1, 1]} : vector<4x16x128xf32> to vector<1x16x128xf32>
    %sub3A_1601 = vector.broadcast %slice3A_1600 : vector<1x16x128xf32> to vector<4x16x128xf32>
    %sub3A_1602 = arith.subf %sub3A_1601, %transpose3A : vector<4x16x128xf32>
    %max3A_1603 = arith.constant 0.000000e+00 : f32
    %max3A_1604 = vector.broadcast %max3A_1603 : f32 to vector<4x16x128xf32>
    %max3A_1605 = arith.maximumf %sub3A_1602, %max3A_1604 : vector<4x16x128xf32>
    %add3A_1606 = arith.addf %add3A_1599, %max3A_1605 : vector<4x16x128xf32>
    %slice3A_1607 = vector.extract_strided_slice %concatenate3A_1592 {offsets = [2, 0, 0], sizes = [1, 16, 128], strides = [1, 1, 1]} : vector<4x16x128xf32> to vector<1x16x128xf32>
    %sub3A_1608 = vector.broadcast %slice3A_1607 : vector<1x16x128xf32> to vector<4x16x128xf32>
    %sub3A_1609 = arith.subf %sub3A_1608, %transpose3A : vector<4x16x128xf32>
    %max3A_1610 = arith.constant 0.000000e+00 : f32
    %max3A_1611 = vector.broadcast %max3A_1610 : f32 to vector<4x16x128xf32>
    %max3A_1612 = arith.maximumf %sub3A_1609, %max3A_1611 : vector<4x16x128xf32>
    %add3A_1613 = arith.addf %add3A_1606, %max3A_1612 : vector<4x16x128xf32>
    %slice3A_1614 = vector.extract_strided_slice %concatenate3A_1592 {offsets = [3, 0, 0], sizes = [1, 16, 128], strides = [1, 1, 1]} : vector<4x16x128xf32> to vector<1x16x128xf32>
    %sub3A_1615 = vector.broadcast %slice3A_1614 : vector<1x16x128xf32> to vector<4x16x128xf32>
    %sub3A_1616 = arith.subf %sub3A_1615, %transpose3A : vector<4x16x128xf32>
    %max3A_1617 = arith.constant 0.000000e+00 : f32
    %max3A_1618 = vector.broadcast %max3A_1617 : f32 to vector<4x16x128xf32>
    %max3A_1619 = arith.maximumf %sub3A_1616, %max3A_1618 : vector<4x16x128xf32>
    %add3A_1620 = arith.addf %add3A_1613, %max3A_1619 : vector<4x16x128xf32>
    %slice3A_1621 = vector.extract_strided_slice %transpose3A_42 {offsets = [0, 0, 77], sizes = [4, 16, 51], strides = [1, 1, 1]} : vector<4x16x128xf32> to vector<4x16x51xf32>
    %slice3A_1622 = vector.extract_strided_slice %transpose3A_42 {offsets = [0, 0, 0], sizes = [4, 16, 77], strides = [1, 1, 1]} : vector<4x16x128xf32> to vector<4x16x77xf32>
    %concatenate3A_1623 = tpu.concatenate %slice3A_1621, %slice3A_1622 in 2 : vector<4x16x51xf32>, vector<4x16x77xf32> -> vector<4x16x128xf32>
    %slice3A_1624 = vector.extract_strided_slice %concatenate3A_1623 {offsets = [0, 0, 0], sizes = [1, 16, 128], strides = [1, 1, 1]} : vector<4x16x128xf32> to vector<1x16x128xf32>
    %sub3A_1625 = vector.broadcast %slice3A_1624 : vector<1x16x128xf32> to vector<4x16x128xf32>
    %sub3A_1626 = arith.subf %sub3A_1625, %transpose3A : vector<4x16x128xf32>
    %max3A_1627 = arith.constant 0.000000e+00 : f32
    %max3A_1628 = vector.broadcast %max3A_1627 : f32 to vector<4x16x128xf32>
    %max3A_1629 = arith.maximumf %sub3A_1626, %max3A_1628 : vector<4x16x128xf32>
    %add3A_1630 = arith.addf %add3A_1620, %max3A_1629 : vector<4x16x128xf32>
    %slice3A_1631 = vector.extract_strided_slice %concatenate3A_1623 {offsets = [1, 0, 0], sizes = [1, 16, 128], strides = [1, 1, 1]} : vector<4x16x128xf32> to vector<1x16x128xf32>
    %sub3A_1632 = vector.broadcast %slice3A_1631 : vector<1x16x128xf32> to vector<4x16x128xf32>
    %sub3A_1633 = arith.subf %sub3A_1632, %transpose3A : vector<4x16x128xf32>
    %max3A_1634 = arith.constant 0.000000e+00 : f32
    %max3A_1635 = vector.broadcast %max3A_1634 : f32 to vector<4x16x128xf32>
    %max3A_1636 = arith.maximumf %sub3A_1633, %max3A_1635 : vector<4x16x128xf32>
    %add3A_1637 = arith.addf %add3A_1630, %max3A_1636 : vector<4x16x128xf32>
    %slice3A_1638 = vector.extract_strided_slice %concatenate3A_1623 {offsets = [2, 0, 0], sizes = [1, 16, 128], strides = [1, 1, 1]} : vector<4x16x128xf32> to vector<1x16x128xf32>
    %sub3A_1639 = vector.broadcast %slice3A_1638 : vector<1x16x128xf32> to vector<4x16x128xf32>
    %sub3A_1640 = arith.subf %sub3A_1639, %transpose3A : vector<4x16x128xf32>
    %max3A_1641 = arith.constant 0.000000e+00 : f32
    %max3A_1642 = vector.broadcast %max3A_1641 : f32 to vector<4x16x128xf32>
    %max3A_1643 = arith.maximumf %sub3A_1640, %max3A_1642 : vector<4x16x128xf32>
    %add3A_1644 = arith.addf %add3A_1637, %max3A_1643 : vector<4x16x128xf32>
    %slice3A_1645 = vector.extract_strided_slice %concatenate3A_1623 {offsets = [3, 0, 0], sizes = [1, 16, 128], strides = [1, 1, 1]} : vector<4x16x128xf32> to vector<1x16x128xf32>
    %sub3A_1646 = vector.broadcast %slice3A_1645 : vector<1x16x128xf32> to vector<4x16x128xf32>
    %sub3A_1647 = arith.subf %sub3A_1646, %transpose3A : vector<4x16x128xf32>
    %max3A_1648 = arith.constant 0.000000e+00 : f32
    %max3A_1649 = vector.broadcast %max3A_1648 : f32 to vector<4x16x128xf32>
    %max3A_1650 = arith.maximumf %sub3A_1647, %max3A_1649 : vector<4x16x128xf32>
    %add3A_1651 = arith.addf %add3A_1644, %max3A_1650 : vector<4x16x128xf32>
    %slice3A_1652 = vector.extract_strided_slice %transpose3A_42 {offsets = [0, 0, 76], sizes = [4, 16, 52], strides = [1, 1, 1]} : vector<4x16x128xf32> to vector<4x16x52xf32>
    %slice3A_1653 = vector.extract_strided_slice %transpose3A_42 {offsets = [0, 0, 0], sizes = [4, 16, 76], strides = [1, 1, 1]} : vector<4x16x128xf32> to vector<4x16x76xf32>
    %concatenate3A_1654 = tpu.concatenate %slice3A_1652, %slice3A_1653 in 2 : vector<4x16x52xf32>, vector<4x16x76xf32> -> vector<4x16x128xf32>
    %slice3A_1655 = vector.extract_strided_slice %concatenate3A_1654 {offsets = [0, 0, 0], sizes = [1, 16, 128], strides = [1, 1, 1]} : vector<4x16x128xf32> to vector<1x16x128xf32>
    %sub3A_1656 = vector.broadcast %slice3A_1655 : vector<1x16x128xf32> to vector<4x16x128xf32>
    %sub3A_1657 = arith.subf %sub3A_1656, %transpose3A : vector<4x16x128xf32>
    %max3A_1658 = arith.constant 0.000000e+00 : f32
    %max3A_1659 = vector.broadcast %max3A_1658 : f32 to vector<4x16x128xf32>
    %max3A_1660 = arith.maximumf %sub3A_1657, %max3A_1659 : vector<4x16x128xf32>
    %add3A_1661 = arith.addf %add3A_1651, %max3A_1660 : vector<4x16x128xf32>
    %slice3A_1662 = vector.extract_strided_slice %concatenate3A_1654 {offsets = [1, 0, 0], sizes = [1, 16, 128], strides = [1, 1, 1]} : vector<4x16x128xf32> to vector<1x16x128xf32>
    %sub3A_1663 = vector.broadcast %slice3A_1662 : vector<1x16x128xf32> to vector<4x16x128xf32>
    %sub3A_1664 = arith.subf %sub3A_1663, %transpose3A : vector<4x16x128xf32>
    %max3A_1665 = arith.constant 0.000000e+00 : f32
    %max3A_1666 = vector.broadcast %max3A_1665 : f32 to vector<4x16x128xf32>
    %max3A_1667 = arith.maximumf %sub3A_1664, %max3A_1666 : vector<4x16x128xf32>
    %add3A_1668 = arith.addf %add3A_1661, %max3A_1667 : vector<4x16x128xf32>
    %slice3A_1669 = vector.extract_strided_slice %concatenate3A_1654 {offsets = [2, 0, 0], sizes = [1, 16, 128], strides = [1, 1, 1]} : vector<4x16x128xf32> to vector<1x16x128xf32>
    %sub3A_1670 = vector.broadcast %slice3A_1669 : vector<1x16x128xf32> to vector<4x16x128xf32>
    %sub3A_1671 = arith.subf %sub3A_1670, %transpose3A : vector<4x16x128xf32>
    %max3A_1672 = arith.constant 0.000000e+00 : f32
    %max3A_1673 = vector.broadcast %max3A_1672 : f32 to vector<4x16x128xf32>
    %max3A_1674 = arith.maximumf %sub3A_1671, %max3A_1673 : vector<4x16x128xf32>
    %add3A_1675 = arith.addf %add3A_1668, %max3A_1674 : vector<4x16x128xf32>
    %slice3A_1676 = vector.extract_strided_slice %concatenate3A_1654 {offsets = [3, 0, 0], sizes = [1, 16, 128], strides = [1, 1, 1]} : vector<4x16x128xf32> to vector<1x16x128xf32>
    %sub3A_1677 = vector.broadcast %slice3A_1676 : vector<1x16x128xf32> to vector<4x16x128xf32>
    %sub3A_1678 = arith.subf %sub3A_1677, %transpose3A : vector<4x16x128xf32>
    %max3A_1679 = arith.constant 0.000000e+00 : f32
    %max3A_1680 = vector.broadcast %max3A_1679 : f32 to vector<4x16x128xf32>
    %max3A_1681 = arith.maximumf %sub3A_1678, %max3A_1680 : vector<4x16x128xf32>
    %add3A_1682 = arith.addf %add3A_1675, %max3A_1681 : vector<4x16x128xf32>
    %slice3A_1683 = vector.extract_strided_slice %transpose3A_42 {offsets = [0, 0, 75], sizes = [4, 16, 53], strides = [1, 1, 1]} : vector<4x16x128xf32> to vector<4x16x53xf32>
    %slice3A_1684 = vector.extract_strided_slice %transpose3A_42 {offsets = [0, 0, 0], sizes = [4, 16, 75], strides = [1, 1, 1]} : vector<4x16x128xf32> to vector<4x16x75xf32>
    %concatenate3A_1685 = tpu.concatenate %slice3A_1683, %slice3A_1684 in 2 : vector<4x16x53xf32>, vector<4x16x75xf32> -> vector<4x16x128xf32>
    %slice3A_1686 = vector.extract_strided_slice %concatenate3A_1685 {offsets = [0, 0, 0], sizes = [1, 16, 128], strides = [1, 1, 1]} : vector<4x16x128xf32> to vector<1x16x128xf32>
    %sub3A_1687 = vector.broadcast %slice3A_1686 : vector<1x16x128xf32> to vector<4x16x128xf32>
    %sub3A_1688 = arith.subf %sub3A_1687, %transpose3A : vector<4x16x128xf32>
    %max3A_1689 = arith.constant 0.000000e+00 : f32
    %max3A_1690 = vector.broadcast %max3A_1689 : f32 to vector<4x16x128xf32>
    %max3A_1691 = arith.maximumf %sub3A_1688, %max3A_1690 : vector<4x16x128xf32>
    %add3A_1692 = arith.addf %add3A_1682, %max3A_1691 : vector<4x16x128xf32>
    %slice3A_1693 = vector.extract_strided_slice %concatenate3A_1685 {offsets = [1, 0, 0], sizes = [1, 16, 128], strides = [1, 1, 1]} : vector<4x16x128xf32> to vector<1x16x128xf32>
    %sub3A_1694 = vector.broadcast %slice3A_1693 : vector<1x16x128xf32> to vector<4x16x128xf32>
    %sub3A_1695 = arith.subf %sub3A_1694, %transpose3A : vector<4x16x128xf32>
    %max3A_1696 = arith.constant 0.000000e+00 : f32
    %max3A_1697 = vector.broadcast %max3A_1696 : f32 to vector<4x16x128xf32>
    %max3A_1698 = arith.maximumf %sub3A_1695, %max3A_1697 : vector<4x16x128xf32>
    %add3A_1699 = arith.addf %add3A_1692, %max3A_1698 : vector<4x16x128xf32>
    %slice3A_1700 = vector.extract_strided_slice %concatenate3A_1685 {offsets = [2, 0, 0], sizes = [1, 16, 128], strides = [1, 1, 1]} : vector<4x16x128xf32> to vector<1x16x128xf32>
    %sub3A_1701 = vector.broadcast %slice3A_1700 : vector<1x16x128xf32> to vector<4x16x128xf32>
    %sub3A_1702 = arith.subf %sub3A_1701, %transpose3A : vector<4x16x128xf32>
    %max3A_1703 = arith.constant 0.000000e+00 : f32
    %max3A_1704 = vector.broadcast %max3A_1703 : f32 to vector<4x16x128xf32>
    %max3A_1705 = arith.maximumf %sub3A_1702, %max3A_1704 : vector<4x16x128xf32>
    %add3A_1706 = arith.addf %add3A_1699, %max3A_1705 : vector<4x16x128xf32>
    %slice3A_1707 = vector.extract_strided_slice %concatenate3A_1685 {offsets = [3, 0, 0], sizes = [1, 16, 128], strides = [1, 1, 1]} : vector<4x16x128xf32> to vector<1x16x128xf32>
    %sub3A_1708 = vector.broadcast %slice3A_1707 : vector<1x16x128xf32> to vector<4x16x128xf32>
    %sub3A_1709 = arith.subf %sub3A_1708, %transpose3A : vector<4x16x128xf32>
    %max3A_1710 = arith.constant 0.000000e+00 : f32
    %max3A_1711 = vector.broadcast %max3A_1710 : f32 to vector<4x16x128xf32>
    %max3A_1712 = arith.maximumf %sub3A_1709, %max3A_1711 : vector<4x16x128xf32>
    %add3A_1713 = arith.addf %add3A_1706, %max3A_1712 : vector<4x16x128xf32>
    %slice3A_1714 = vector.extract_strided_slice %transpose3A_42 {offsets = [0, 0, 74], sizes = [4, 16, 54], strides = [1, 1, 1]} : vector<4x16x128xf32> to vector<4x16x54xf32>
    %slice3A_1715 = vector.extract_strided_slice %transpose3A_42 {offsets = [0, 0, 0], sizes = [4, 16, 74], strides = [1, 1, 1]} : vector<4x16x128xf32> to vector<4x16x74xf32>
    %concatenate3A_1716 = tpu.concatenate %slice3A_1714, %slice3A_1715 in 2 : vector<4x16x54xf32>, vector<4x16x74xf32> -> vector<4x16x128xf32>
    %slice3A_1717 = vector.extract_strided_slice %concatenate3A_1716 {offsets = [0, 0, 0], sizes = [1, 16, 128], strides = [1, 1, 1]} : vector<4x16x128xf32> to vector<1x16x128xf32>
    %sub3A_1718 = vector.broadcast %slice3A_1717 : vector<1x16x128xf32> to vector<4x16x128xf32>
    %sub3A_1719 = arith.subf %sub3A_1718, %transpose3A : vector<4x16x128xf32>
    %max3A_1720 = arith.constant 0.000000e+00 : f32
    %max3A_1721 = vector.broadcast %max3A_1720 : f32 to vector<4x16x128xf32>
    %max3A_1722 = arith.maximumf %sub3A_1719, %max3A_1721 : vector<4x16x128xf32>
    %add3A_1723 = arith.addf %add3A_1713, %max3A_1722 : vector<4x16x128xf32>
    %slice3A_1724 = vector.extract_strided_slice %concatenate3A_1716 {offsets = [1, 0, 0], sizes = [1, 16, 128], strides = [1, 1, 1]} : vector<4x16x128xf32> to vector<1x16x128xf32>
    %sub3A_1725 = vector.broadcast %slice3A_1724 : vector<1x16x128xf32> to vector<4x16x128xf32>
    %sub3A_1726 = arith.subf %sub3A_1725, %transpose3A : vector<4x16x128xf32>
    %max3A_1727 = arith.constant 0.000000e+00 : f32
    %max3A_1728 = vector.broadcast %max3A_1727 : f32 to vector<4x16x128xf32>
    %max3A_1729 = arith.maximumf %sub3A_1726, %max3A_1728 : vector<4x16x128xf32>
    %add3A_1730 = arith.addf %add3A_1723, %max3A_1729 : vector<4x16x128xf32>
    %slice3A_1731 = vector.extract_strided_slice %concatenate3A_1716 {offsets = [2, 0, 0], sizes = [1, 16, 128], strides = [1, 1, 1]} : vector<4x16x128xf32> to vector<1x16x128xf32>
    %sub3A_1732 = vector.broadcast %slice3A_1731 : vector<1x16x128xf32> to vector<4x16x128xf32>
    %sub3A_1733 = arith.subf %sub3A_1732, %transpose3A : vector<4x16x128xf32>
    %max3A_1734 = arith.constant 0.000000e+00 : f32
    %max3A_1735 = vector.broadcast %max3A_1734 : f32 to vector<4x16x128xf32>
    %max3A_1736 = arith.maximumf %sub3A_1733, %max3A_1735 : vector<4x16x128xf32>
    %add3A_1737 = arith.addf %add3A_1730, %max3A_1736 : vector<4x16x128xf32>
    %slice3A_1738 = vector.extract_strided_slice %concatenate3A_1716 {offsets = [3, 0, 0], sizes = [1, 16, 128], strides = [1, 1, 1]} : vector<4x16x128xf32> to vector<1x16x128xf32>
    %sub3A_1739 = vector.broadcast %slice3A_1738 : vector<1x16x128xf32> to vector<4x16x128xf32>
    %sub3A_1740 = arith.subf %sub3A_1739, %transpose3A : vector<4x16x128xf32>
    %max3A_1741 = arith.constant 0.000000e+00 : f32
    %max3A_1742 = vector.broadcast %max3A_1741 : f32 to vector<4x16x128xf32>
    %max3A_1743 = arith.maximumf %sub3A_1740, %max3A_1742 : vector<4x16x128xf32>
    %add3A_1744 = arith.addf %add3A_1737, %max3A_1743 : vector<4x16x128xf32>
    %slice3A_1745 = vector.extract_strided_slice %transpose3A_42 {offsets = [0, 0, 73], sizes = [4, 16, 55], strides = [1, 1, 1]} : vector<4x16x128xf32> to vector<4x16x55xf32>
    %slice3A_1746 = vector.extract_strided_slice %transpose3A_42 {offsets = [0, 0, 0], sizes = [4, 16, 73], strides = [1, 1, 1]} : vector<4x16x128xf32> to vector<4x16x73xf32>
    %concatenate3A_1747 = tpu.concatenate %slice3A_1745, %slice3A_1746 in 2 : vector<4x16x55xf32>, vector<4x16x73xf32> -> vector<4x16x128xf32>
    %slice3A_1748 = vector.extract_strided_slice %concatenate3A_1747 {offsets = [0, 0, 0], sizes = [1, 16, 128], strides = [1, 1, 1]} : vector<4x16x128xf32> to vector<1x16x128xf32>
    %sub3A_1749 = vector.broadcast %slice3A_1748 : vector<1x16x128xf32> to vector<4x16x128xf32>
    %sub3A_1750 = arith.subf %sub3A_1749, %transpose3A : vector<4x16x128xf32>
    %max3A_1751 = arith.constant 0.000000e+00 : f32
    %max3A_1752 = vector.broadcast %max3A_1751 : f32 to vector<4x16x128xf32>
    %max3A_1753 = arith.maximumf %sub3A_1750, %max3A_1752 : vector<4x16x128xf32>
    %add3A_1754 = arith.addf %add3A_1744, %max3A_1753 : vector<4x16x128xf32>
    %slice3A_1755 = vector.extract_strided_slice %concatenate3A_1747 {offsets = [1, 0, 0], sizes = [1, 16, 128], strides = [1, 1, 1]} : vector<4x16x128xf32> to vector<1x16x128xf32>
    %sub3A_1756 = vector.broadcast %slice3A_1755 : vector<1x16x128xf32> to vector<4x16x128xf32>
    %sub3A_1757 = arith.subf %sub3A_1756, %transpose3A : vector<4x16x128xf32>
    %max3A_1758 = arith.constant 0.000000e+00 : f32
    %max3A_1759 = vector.broadcast %max3A_1758 : f32 to vector<4x16x128xf32>
    %max3A_1760 = arith.maximumf %sub3A_1757, %max3A_1759 : vector<4x16x128xf32>
    %add3A_1761 = arith.addf %add3A_1754, %max3A_1760 : vector<4x16x128xf32>
    %slice3A_1762 = vector.extract_strided_slice %concatenate3A_1747 {offsets = [2, 0, 0], sizes = [1, 16, 128], strides = [1, 1, 1]} : vector<4x16x128xf32> to vector<1x16x128xf32>
    %sub3A_1763 = vector.broadcast %slice3A_1762 : vector<1x16x128xf32> to vector<4x16x128xf32>
    %sub3A_1764 = arith.subf %sub3A_1763, %transpose3A : vector<4x16x128xf32>
    %max3A_1765 = arith.constant 0.000000e+00 : f32
    %max3A_1766 = vector.broadcast %max3A_1765 : f32 to vector<4x16x128xf32>
    %max3A_1767 = arith.maximumf %sub3A_1764, %max3A_1766 : vector<4x16x128xf32>
    %add3A_1768 = arith.addf %add3A_1761, %max3A_1767 : vector<4x16x128xf32>
    %slice3A_1769 = vector.extract_strided_slice %concatenate3A_1747 {offsets = [3, 0, 0], sizes = [1, 16, 128], strides = [1, 1, 1]} : vector<4x16x128xf32> to vector<1x16x128xf32>
    %sub3A_1770 = vector.broadcast %slice3A_1769 : vector<1x16x128xf32> to vector<4x16x128xf32>
    %sub3A_1771 = arith.subf %sub3A_1770, %transpose3A : vector<4x16x128xf32>
    %max3A_1772 = arith.constant 0.000000e+00 : f32
    %max3A_1773 = vector.broadcast %max3A_1772 : f32 to vector<4x16x128xf32>
    %max3A_1774 = arith.maximumf %sub3A_1771, %max3A_1773 : vector<4x16x128xf32>
    %add3A_1775 = arith.addf %add3A_1768, %max3A_1774 : vector<4x16x128xf32>
    %slice3A_1776 = vector.extract_strided_slice %transpose3A_42 {offsets = [0, 0, 72], sizes = [4, 16, 56], strides = [1, 1, 1]} : vector<4x16x128xf32> to vector<4x16x56xf32>
    %slice3A_1777 = vector.extract_strided_slice %transpose3A_42 {offsets = [0, 0, 0], sizes = [4, 16, 72], strides = [1, 1, 1]} : vector<4x16x128xf32> to vector<4x16x72xf32>
    %concatenate3A_1778 = tpu.concatenate %slice3A_1776, %slice3A_1777 in 2 : vector<4x16x56xf32>, vector<4x16x72xf32> -> vector<4x16x128xf32>
    %slice3A_1779 = vector.extract_strided_slice %concatenate3A_1778 {offsets = [0, 0, 0], sizes = [1, 16, 128], strides = [1, 1, 1]} : vector<4x16x128xf32> to vector<1x16x128xf32>
    %sub3A_1780 = vector.broadcast %slice3A_1779 : vector<1x16x128xf32> to vector<4x16x128xf32>
    %sub3A_1781 = arith.subf %sub3A_1780, %transpose3A : vector<4x16x128xf32>
    %max3A_1782 = arith.constant 0.000000e+00 : f32
    %max3A_1783 = vector.broadcast %max3A_1782 : f32 to vector<4x16x128xf32>
    %max3A_1784 = arith.maximumf %sub3A_1781, %max3A_1783 : vector<4x16x128xf32>
    %add3A_1785 = arith.addf %add3A_1775, %max3A_1784 : vector<4x16x128xf32>
    %slice3A_1786 = vector.extract_strided_slice %concatenate3A_1778 {offsets = [1, 0, 0], sizes = [1, 16, 128], strides = [1, 1, 1]} : vector<4x16x128xf32> to vector<1x16x128xf32>
    %sub3A_1787 = vector.broadcast %slice3A_1786 : vector<1x16x128xf32> to vector<4x16x128xf32>
    %sub3A_1788 = arith.subf %sub3A_1787, %transpose3A : vector<4x16x128xf32>
    %max3A_1789 = arith.constant 0.000000e+00 : f32
    %max3A_1790 = vector.broadcast %max3A_1789 : f32 to vector<4x16x128xf32>
    %max3A_1791 = arith.maximumf %sub3A_1788, %max3A_1790 : vector<4x16x128xf32>
    %add3A_1792 = arith.addf %add3A_1785, %max3A_1791 : vector<4x16x128xf32>
    %slice3A_1793 = vector.extract_strided_slice %concatenate3A_1778 {offsets = [2, 0, 0], sizes = [1, 16, 128], strides = [1, 1, 1]} : vector<4x16x128xf32> to vector<1x16x128xf32>
    %sub3A_1794 = vector.broadcast %slice3A_1793 : vector<1x16x128xf32> to vector<4x16x128xf32>
    %sub3A_1795 = arith.subf %sub3A_1794, %transpose3A : vector<4x16x128xf32>
    %max3A_1796 = arith.constant 0.000000e+00 : f32
    %max3A_1797 = vector.broadcast %max3A_1796 : f32 to vector<4x16x128xf32>
    %max3A_1798 = arith.maximumf %sub3A_1795, %max3A_1797 : vector<4x16x128xf32>
    %add3A_1799 = arith.addf %add3A_1792, %max3A_1798 : vector<4x16x128xf32>
    %slice3A_1800 = vector.extract_strided_slice %concatenate3A_1778 {offsets = [3, 0, 0], sizes = [1, 16, 128], strides = [1, 1, 1]} : vector<4x16x128xf32> to vector<1x16x128xf32>
    %sub3A_1801 = vector.broadcast %slice3A_1800 : vector<1x16x128xf32> to vector<4x16x128xf32>
    %sub3A_1802 = arith.subf %sub3A_1801, %transpose3A : vector<4x16x128xf32>
    %max3A_1803 = arith.constant 0.000000e+00 : f32
    %max3A_1804 = vector.broadcast %max3A_1803 : f32 to vector<4x16x128xf32>
    %max3A_1805 = arith.maximumf %sub3A_1802, %max3A_1804 : vector<4x16x128xf32>
    %add3A_1806 = arith.addf %add3A_1799, %max3A_1805 : vector<4x16x128xf32>
    %slice3A_1807 = vector.extract_strided_slice %transpose3A_42 {offsets = [0, 0, 71], sizes = [4, 16, 57], strides = [1, 1, 1]} : vector<4x16x128xf32> to vector<4x16x57xf32>
    %slice3A_1808 = vector.extract_strided_slice %transpose3A_42 {offsets = [0, 0, 0], sizes = [4, 16, 71], strides = [1, 1, 1]} : vector<4x16x128xf32> to vector<4x16x71xf32>
    %concatenate3A_1809 = tpu.concatenate %slice3A_1807, %slice3A_1808 in 2 : vector<4x16x57xf32>, vector<4x16x71xf32> -> vector<4x16x128xf32>
    %slice3A_1810 = vector.extract_strided_slice %concatenate3A_1809 {offsets = [0, 0, 0], sizes = [1, 16, 128], strides = [1, 1, 1]} : vector<4x16x128xf32> to vector<1x16x128xf32>
    %sub3A_1811 = vector.broadcast %slice3A_1810 : vector<1x16x128xf32> to vector<4x16x128xf32>
    %sub3A_1812 = arith.subf %sub3A_1811, %transpose3A : vector<4x16x128xf32>
    %max3A_1813 = arith.constant 0.000000e+00 : f32
    %max3A_1814 = vector.broadcast %max3A_1813 : f32 to vector<4x16x128xf32>
    %max3A_1815 = arith.maximumf %sub3A_1812, %max3A_1814 : vector<4x16x128xf32>
    %add3A_1816 = arith.addf %add3A_1806, %max3A_1815 : vector<4x16x128xf32>
    %slice3A_1817 = vector.extract_strided_slice %concatenate3A_1809 {offsets = [1, 0, 0], sizes = [1, 16, 128], strides = [1, 1, 1]} : vector<4x16x128xf32> to vector<1x16x128xf32>
    %sub3A_1818 = vector.broadcast %slice3A_1817 : vector<1x16x128xf32> to vector<4x16x128xf32>
    %sub3A_1819 = arith.subf %sub3A_1818, %transpose3A : vector<4x16x128xf32>
    %max3A_1820 = arith.constant 0.000000e+00 : f32
    %max3A_1821 = vector.broadcast %max3A_1820 : f32 to vector<4x16x128xf32>
    %max3A_1822 = arith.maximumf %sub3A_1819, %max3A_1821 : vector<4x16x128xf32>
    %add3A_1823 = arith.addf %add3A_1816, %max3A_1822 : vector<4x16x128xf32>
    %slice3A_1824 = vector.extract_strided_slice %concatenate3A_1809 {offsets = [2, 0, 0], sizes = [1, 16, 128], strides = [1, 1, 1]} : vector<4x16x128xf32> to vector<1x16x128xf32>
    %sub3A_1825 = vector.broadcast %slice3A_1824 : vector<1x16x128xf32> to vector<4x16x128xf32>
    %sub3A_1826 = arith.subf %sub3A_1825, %transpose3A : vector<4x16x128xf32>
    %max3A_1827 = arith.constant 0.000000e+00 : f32
    %max3A_1828 = vector.broadcast %max3A_1827 : f32 to vector<4x16x128xf32>
    %max3A_1829 = arith.maximumf %sub3A_1826, %max3A_1828 : vector<4x16x128xf32>
    %add3A_1830 = arith.addf %add3A_1823, %max3A_1829 : vector<4x16x128xf32>
    %slice3A_1831 = vector.extract_strided_slice %concatenate3A_1809 {offsets = [3, 0, 0], sizes = [1, 16, 128], strides = [1, 1, 1]} : vector<4x16x128xf32> to vector<1x16x128xf32>
    %sub3A_1832 = vector.broadcast %slice3A_1831 : vector<1x16x128xf32> to vector<4x16x128xf32>
    %sub3A_1833 = arith.subf %sub3A_1832, %transpose3A : vector<4x16x128xf32>
    %max3A_1834 = arith.constant 0.000000e+00 : f32
    %max3A_1835 = vector.broadcast %max3A_1834 : f32 to vector<4x16x128xf32>
    %max3A_1836 = arith.maximumf %sub3A_1833, %max3A_1835 : vector<4x16x128xf32>
    %add3A_1837 = arith.addf %add3A_1830, %max3A_1836 : vector<4x16x128xf32>
    %slice3A_1838 = vector.extract_strided_slice %transpose3A_42 {offsets = [0, 0, 70], sizes = [4, 16, 58], strides = [1, 1, 1]} : vector<4x16x128xf32> to vector<4x16x58xf32>
    %slice3A_1839 = vector.extract_strided_slice %transpose3A_42 {offsets = [0, 0, 0], sizes = [4, 16, 70], strides = [1, 1, 1]} : vector<4x16x128xf32> to vector<4x16x70xf32>
    %concatenate3A_1840 = tpu.concatenate %slice3A_1838, %slice3A_1839 in 2 : vector<4x16x58xf32>, vector<4x16x70xf32> -> vector<4x16x128xf32>
    %slice3A_1841 = vector.extract_strided_slice %concatenate3A_1840 {offsets = [0, 0, 0], sizes = [1, 16, 128], strides = [1, 1, 1]} : vector<4x16x128xf32> to vector<1x16x128xf32>
    %sub3A_1842 = vector.broadcast %slice3A_1841 : vector<1x16x128xf32> to vector<4x16x128xf32>
    %sub3A_1843 = arith.subf %sub3A_1842, %transpose3A : vector<4x16x128xf32>
    %max3A_1844 = arith.constant 0.000000e+00 : f32
    %max3A_1845 = vector.broadcast %max3A_1844 : f32 to vector<4x16x128xf32>
    %max3A_1846 = arith.maximumf %sub3A_1843, %max3A_1845 : vector<4x16x128xf32>
    %add3A_1847 = arith.addf %add3A_1837, %max3A_1846 : vector<4x16x128xf32>
    %slice3A_1848 = vector.extract_strided_slice %concatenate3A_1840 {offsets = [1, 0, 0], sizes = [1, 16, 128], strides = [1, 1, 1]} : vector<4x16x128xf32> to vector<1x16x128xf32>
    %sub3A_1849 = vector.broadcast %slice3A_1848 : vector<1x16x128xf32> to vector<4x16x128xf32>
    %sub3A_1850 = arith.subf %sub3A_1849, %transpose3A : vector<4x16x128xf32>
    %max3A_1851 = arith.constant 0.000000e+00 : f32
    %max3A_1852 = vector.broadcast %max3A_1851 : f32 to vector<4x16x128xf32>
    %max3A_1853 = arith.maximumf %sub3A_1850, %max3A_1852 : vector<4x16x128xf32>
    %add3A_1854 = arith.addf %add3A_1847, %max3A_1853 : vector<4x16x128xf32>
    %slice3A_1855 = vector.extract_strided_slice %concatenate3A_1840 {offsets = [2, 0, 0], sizes = [1, 16, 128], strides = [1, 1, 1]} : vector<4x16x128xf32> to vector<1x16x128xf32>
    %sub3A_1856 = vector.broadcast %slice3A_1855 : vector<1x16x128xf32> to vector<4x16x128xf32>
    %sub3A_1857 = arith.subf %sub3A_1856, %transpose3A : vector<4x16x128xf32>
    %max3A_1858 = arith.constant 0.000000e+00 : f32
    %max3A_1859 = vector.broadcast %max3A_1858 : f32 to vector<4x16x128xf32>
    %max3A_1860 = arith.maximumf %sub3A_1857, %max3A_1859 : vector<4x16x128xf32>
    %add3A_1861 = arith.addf %add3A_1854, %max3A_1860 : vector<4x16x128xf32>
    %slice3A_1862 = vector.extract_strided_slice %concatenate3A_1840 {offsets = [3, 0, 0], sizes = [1, 16, 128], strides = [1, 1, 1]} : vector<4x16x128xf32> to vector<1x16x128xf32>
    %sub3A_1863 = vector.broadcast %slice3A_1862 : vector<1x16x128xf32> to vector<4x16x128xf32>
    %sub3A_1864 = arith.subf %sub3A_1863, %transpose3A : vector<4x16x128xf32>
    %max3A_1865 = arith.constant 0.000000e+00 : f32
    %max3A_1866 = vector.broadcast %max3A_1865 : f32 to vector<4x16x128xf32>
    %max3A_1867 = arith.maximumf %sub3A_1864, %max3A_1866 : vector<4x16x128xf32>
    %add3A_1868 = arith.addf %add3A_1861, %max3A_1867 : vector<4x16x128xf32>
    %slice3A_1869 = vector.extract_strided_slice %transpose3A_42 {offsets = [0, 0, 69], sizes = [4, 16, 59], strides = [1, 1, 1]} : vector<4x16x128xf32> to vector<4x16x59xf32>
    %slice3A_1870 = vector.extract_strided_slice %transpose3A_42 {offsets = [0, 0, 0], sizes = [4, 16, 69], strides = [1, 1, 1]} : vector<4x16x128xf32> to vector<4x16x69xf32>
    %concatenate3A_1871 = tpu.concatenate %slice3A_1869, %slice3A_1870 in 2 : vector<4x16x59xf32>, vector<4x16x69xf32> -> vector<4x16x128xf32>
    %slice3A_1872 = vector.extract_strided_slice %concatenate3A_1871 {offsets = [0, 0, 0], sizes = [1, 16, 128], strides = [1, 1, 1]} : vector<4x16x128xf32> to vector<1x16x128xf32>
    %sub3A_1873 = vector.broadcast %slice3A_1872 : vector<1x16x128xf32> to vector<4x16x128xf32>
    %sub3A_1874 = arith.subf %sub3A_1873, %transpose3A : vector<4x16x128xf32>
    %max3A_1875 = arith.constant 0.000000e+00 : f32
    %max3A_1876 = vector.broadcast %max3A_1875 : f32 to vector<4x16x128xf32>
    %max3A_1877 = arith.maximumf %sub3A_1874, %max3A_1876 : vector<4x16x128xf32>
    %add3A_1878 = arith.addf %add3A_1868, %max3A_1877 : vector<4x16x128xf32>
    %slice3A_1879 = vector.extract_strided_slice %concatenate3A_1871 {offsets = [1, 0, 0], sizes = [1, 16, 128], strides = [1, 1, 1]} : vector<4x16x128xf32> to vector<1x16x128xf32>
    %sub3A_1880 = vector.broadcast %slice3A_1879 : vector<1x16x128xf32> to vector<4x16x128xf32>
    %sub3A_1881 = arith.subf %sub3A_1880, %transpose3A : vector<4x16x128xf32>
    %max3A_1882 = arith.constant 0.000000e+00 : f32
    %max3A_1883 = vector.broadcast %max3A_1882 : f32 to vector<4x16x128xf32>
    %max3A_1884 = arith.maximumf %sub3A_1881, %max3A_1883 : vector<4x16x128xf32>
    %add3A_1885 = arith.addf %add3A_1878, %max3A_1884 : vector<4x16x128xf32>
    %slice3A_1886 = vector.extract_strided_slice %concatenate3A_1871 {offsets = [2, 0, 0], sizes = [1, 16, 128], strides = [1, 1, 1]} : vector<4x16x128xf32> to vector<1x16x128xf32>
    %sub3A_1887 = vector.broadcast %slice3A_1886 : vector<1x16x128xf32> to vector<4x16x128xf32>
    %sub3A_1888 = arith.subf %sub3A_1887, %transpose3A : vector<4x16x128xf32>
    %max3A_1889 = arith.constant 0.000000e+00 : f32
    %max3A_1890 = vector.broadcast %max3A_1889 : f32 to vector<4x16x128xf32>
    %max3A_1891 = arith.maximumf %sub3A_1888, %max3A_1890 : vector<4x16x128xf32>
    %add3A_1892 = arith.addf %add3A_1885, %max3A_1891 : vector<4x16x128xf32>
    %slice3A_1893 = vector.extract_strided_slice %concatenate3A_1871 {offsets = [3, 0, 0], sizes = [1, 16, 128], strides = [1, 1, 1]} : vector<4x16x128xf32> to vector<1x16x128xf32>
    %sub3A_1894 = vector.broadcast %slice3A_1893 : vector<1x16x128xf32> to vector<4x16x128xf32>
    %sub3A_1895 = arith.subf %sub3A_1894, %transpose3A : vector<4x16x128xf32>
    %max3A_1896 = arith.constant 0.000000e+00 : f32
    %max3A_1897 = vector.broadcast %max3A_1896 : f32 to vector<4x16x128xf32>
    %max3A_1898 = arith.maximumf %sub3A_1895, %max3A_1897 : vector<4x16x128xf32>
    %add3A_1899 = arith.addf %add3A_1892, %max3A_1898 : vector<4x16x128xf32>
    %slice3A_1900 = vector.extract_strided_slice %transpose3A_42 {offsets = [0, 0, 68], sizes = [4, 16, 60], strides = [1, 1, 1]} : vector<4x16x128xf32> to vector<4x16x60xf32>
    %slice3A_1901 = vector.extract_strided_slice %transpose3A_42 {offsets = [0, 0, 0], sizes = [4, 16, 68], strides = [1, 1, 1]} : vector<4x16x128xf32> to vector<4x16x68xf32>
    %concatenate3A_1902 = tpu.concatenate %slice3A_1900, %slice3A_1901 in 2 : vector<4x16x60xf32>, vector<4x16x68xf32> -> vector<4x16x128xf32>
    %slice3A_1903 = vector.extract_strided_slice %concatenate3A_1902 {offsets = [0, 0, 0], sizes = [1, 16, 128], strides = [1, 1, 1]} : vector<4x16x128xf32> to vector<1x16x128xf32>
    %sub3A_1904 = vector.broadcast %slice3A_1903 : vector<1x16x128xf32> to vector<4x16x128xf32>
    %sub3A_1905 = arith.subf %sub3A_1904, %transpose3A : vector<4x16x128xf32>
    %max3A_1906 = arith.constant 0.000000e+00 : f32
    %max3A_1907 = vector.broadcast %max3A_1906 : f32 to vector<4x16x128xf32>
    %max3A_1908 = arith.maximumf %sub3A_1905, %max3A_1907 : vector<4x16x128xf32>
    %add3A_1909 = arith.addf %add3A_1899, %max3A_1908 : vector<4x16x128xf32>
    %slice3A_1910 = vector.extract_strided_slice %concatenate3A_1902 {offsets = [1, 0, 0], sizes = [1, 16, 128], strides = [1, 1, 1]} : vector<4x16x128xf32> to vector<1x16x128xf32>
    %sub3A_1911 = vector.broadcast %slice3A_1910 : vector<1x16x128xf32> to vector<4x16x128xf32>
    %sub3A_1912 = arith.subf %sub3A_1911, %transpose3A : vector<4x16x128xf32>
    %max3A_1913 = arith.constant 0.000000e+00 : f32
    %max3A_1914 = vector.broadcast %max3A_1913 : f32 to vector<4x16x128xf32>
    %max3A_1915 = arith.maximumf %sub3A_1912, %max3A_1914 : vector<4x16x128xf32>
    %add3A_1916 = arith.addf %add3A_1909, %max3A_1915 : vector<4x16x128xf32>
    %slice3A_1917 = vector.extract_strided_slice %concatenate3A_1902 {offsets = [2, 0, 0], sizes = [1, 16, 128], strides = [1, 1, 1]} : vector<4x16x128xf32> to vector<1x16x128xf32>
    %sub3A_1918 = vector.broadcast %slice3A_1917 : vector<1x16x128xf32> to vector<4x16x128xf32>
    %sub3A_1919 = arith.subf %sub3A_1918, %transpose3A : vector<4x16x128xf32>
    %max3A_1920 = arith.constant 0.000000e+00 : f32
    %max3A_1921 = vector.broadcast %max3A_1920 : f32 to vector<4x16x128xf32>
    %max3A_1922 = arith.maximumf %sub3A_1919, %max3A_1921 : vector<4x16x128xf32>
    %add3A_1923 = arith.addf %add3A_1916, %max3A_1922 : vector<4x16x128xf32>
    %slice3A_1924 = vector.extract_strided_slice %concatenate3A_1902 {offsets = [3, 0, 0], sizes = [1, 16, 128], strides = [1, 1, 1]} : vector<4x16x128xf32> to vector<1x16x128xf32>
    %sub3A_1925 = vector.broadcast %slice3A_1924 : vector<1x16x128xf32> to vector<4x16x128xf32>
    %sub3A_1926 = arith.subf %sub3A_1925, %transpose3A : vector<4x16x128xf32>
    %max3A_1927 = arith.constant 0.000000e+00 : f32
    %max3A_1928 = vector.broadcast %max3A_1927 : f32 to vector<4x16x128xf32>
    %max3A_1929 = arith.maximumf %sub3A_1926, %max3A_1928 : vector<4x16x128xf32>
    %add3A_1930 = arith.addf %add3A_1923, %max3A_1929 : vector<4x16x128xf32>
    %slice3A_1931 = vector.extract_strided_slice %transpose3A_42 {offsets = [0, 0, 67], sizes = [4, 16, 61], strides = [1, 1, 1]} : vector<4x16x128xf32> to vector<4x16x61xf32>
    %slice3A_1932 = vector.extract_strided_slice %transpose3A_42 {offsets = [0, 0, 0], sizes = [4, 16, 67], strides = [1, 1, 1]} : vector<4x16x128xf32> to vector<4x16x67xf32>
    %concatenate3A_1933 = tpu.concatenate %slice3A_1931, %slice3A_1932 in 2 : vector<4x16x61xf32>, vector<4x16x67xf32> -> vector<4x16x128xf32>
    %slice3A_1934 = vector.extract_strided_slice %concatenate3A_1933 {offsets = [0, 0, 0], sizes = [1, 16, 128], strides = [1, 1, 1]} : vector<4x16x128xf32> to vector<1x16x128xf32>
    %sub3A_1935 = vector.broadcast %slice3A_1934 : vector<1x16x128xf32> to vector<4x16x128xf32>
    %sub3A_1936 = arith.subf %sub3A_1935, %transpose3A : vector<4x16x128xf32>
    %max3A_1937 = arith.constant 0.000000e+00 : f32
    %max3A_1938 = vector.broadcast %max3A_1937 : f32 to vector<4x16x128xf32>
    %max3A_1939 = arith.maximumf %sub3A_1936, %max3A_1938 : vector<4x16x128xf32>
    %add3A_1940 = arith.addf %add3A_1930, %max3A_1939 : vector<4x16x128xf32>
    %slice3A_1941 = vector.extract_strided_slice %concatenate3A_1933 {offsets = [1, 0, 0], sizes = [1, 16, 128], strides = [1, 1, 1]} : vector<4x16x128xf32> to vector<1x16x128xf32>
    %sub3A_1942 = vector.broadcast %slice3A_1941 : vector<1x16x128xf32> to vector<4x16x128xf32>
    %sub3A_1943 = arith.subf %sub3A_1942, %transpose3A : vector<4x16x128xf32>
    %max3A_1944 = arith.constant 0.000000e+00 : f32
    %max3A_1945 = vector.broadcast %max3A_1944 : f32 to vector<4x16x128xf32>
    %max3A_1946 = arith.maximumf %sub3A_1943, %max3A_1945 : vector<4x16x128xf32>
    %add3A_1947 = arith.addf %add3A_1940, %max3A_1946 : vector<4x16x128xf32>
    %slice3A_1948 = vector.extract_strided_slice %concatenate3A_1933 {offsets = [2, 0, 0], sizes = [1, 16, 128], strides = [1, 1, 1]} : vector<4x16x128xf32> to vector<1x16x128xf32>
    %sub3A_1949 = vector.broadcast %slice3A_1948 : vector<1x16x128xf32> to vector<4x16x128xf32>
    %sub3A_1950 = arith.subf %sub3A_1949, %transpose3A : vector<4x16x128xf32>
    %max3A_1951 = arith.constant 0.000000e+00 : f32
    %max3A_1952 = vector.broadcast %max3A_1951 : f32 to vector<4x16x128xf32>
    %max3A_1953 = arith.maximumf %sub3A_1950, %max3A_1952 : vector<4x16x128xf32>
    %add3A_1954 = arith.addf %add3A_1947, %max3A_1953 : vector<4x16x128xf32>
    %slice3A_1955 = vector.extract_strided_slice %concatenate3A_1933 {offsets = [3, 0, 0], sizes = [1, 16, 128], strides = [1, 1, 1]} : vector<4x16x128xf32> to vector<1x16x128xf32>
    %sub3A_1956 = vector.broadcast %slice3A_1955 : vector<1x16x128xf32> to vector<4x16x128xf32>
    %sub3A_1957 = arith.subf %sub3A_1956, %transpose3A : vector<4x16x128xf32>
    %max3A_1958 = arith.constant 0.000000e+00 : f32
    %max3A_1959 = vector.broadcast %max3A_1958 : f32 to vector<4x16x128xf32>
    %max3A_1960 = arith.maximumf %sub3A_1957, %max3A_1959 : vector<4x16x128xf32>
    %add3A_1961 = arith.addf %add3A_1954, %max3A_1960 : vector<4x16x128xf32>
    %slice3A_1962 = vector.extract_strided_slice %transpose3A_42 {offsets = [0, 0, 66], sizes = [4, 16, 62], strides = [1, 1, 1]} : vector<4x16x128xf32> to vector<4x16x62xf32>
    %slice3A_1963 = vector.extract_strided_slice %transpose3A_42 {offsets = [0, 0, 0], sizes = [4, 16, 66], strides = [1, 1, 1]} : vector<4x16x128xf32> to vector<4x16x66xf32>
    %concatenate3A_1964 = tpu.concatenate %slice3A_1962, %slice3A_1963 in 2 : vector<4x16x62xf32>, vector<4x16x66xf32> -> vector<4x16x128xf32>
    %slice3A_1965 = vector.extract_strided_slice %concatenate3A_1964 {offsets = [0, 0, 0], sizes = [1, 16, 128], strides = [1, 1, 1]} : vector<4x16x128xf32> to vector<1x16x128xf32>
    %sub3A_1966 = vector.broadcast %slice3A_1965 : vector<1x16x128xf32> to vector<4x16x128xf32>
    %sub3A_1967 = arith.subf %sub3A_1966, %transpose3A : vector<4x16x128xf32>
    %max3A_1968 = arith.constant 0.000000e+00 : f32
    %max3A_1969 = vector.broadcast %max3A_1968 : f32 to vector<4x16x128xf32>
    %max3A_1970 = arith.maximumf %sub3A_1967, %max3A_1969 : vector<4x16x128xf32>
    %add3A_1971 = arith.addf %add3A_1961, %max3A_1970 : vector<4x16x128xf32>
    %slice3A_1972 = vector.extract_strided_slice %concatenate3A_1964 {offsets = [1, 0, 0], sizes = [1, 16, 128], strides = [1, 1, 1]} : vector<4x16x128xf32> to vector<1x16x128xf32>
    %sub3A_1973 = vector.broadcast %slice3A_1972 : vector<1x16x128xf32> to vector<4x16x128xf32>
    %sub3A_1974 = arith.subf %sub3A_1973, %transpose3A : vector<4x16x128xf32>
    %max3A_1975 = arith.constant 0.000000e+00 : f32
    %max3A_1976 = vector.broadcast %max3A_1975 : f32 to vector<4x16x128xf32>
    %max3A_1977 = arith.maximumf %sub3A_1974, %max3A_1976 : vector<4x16x128xf32>
    %add3A_1978 = arith.addf %add3A_1971, %max3A_1977 : vector<4x16x128xf32>
    %slice3A_1979 = vector.extract_strided_slice %concatenate3A_1964 {offsets = [2, 0, 0], sizes = [1, 16, 128], strides = [1, 1, 1]} : vector<4x16x128xf32> to vector<1x16x128xf32>
    %sub3A_1980 = vector.broadcast %slice3A_1979 : vector<1x16x128xf32> to vector<4x16x128xf32>
    %sub3A_1981 = arith.subf %sub3A_1980, %transpose3A : vector<4x16x128xf32>
    %max3A_1982 = arith.constant 0.000000e+00 : f32
    %max3A_1983 = vector.broadcast %max3A_1982 : f32 to vector<4x16x128xf32>
    %max3A_1984 = arith.maximumf %sub3A_1981, %max3A_1983 : vector<4x16x128xf32>
    %add3A_1985 = arith.addf %add3A_1978, %max3A_1984 : vector<4x16x128xf32>
    %slice3A_1986 = vector.extract_strided_slice %concatenate3A_1964 {offsets = [3, 0, 0], sizes = [1, 16, 128], strides = [1, 1, 1]} : vector<4x16x128xf32> to vector<1x16x128xf32>
    %sub3A_1987 = vector.broadcast %slice3A_1986 : vector<1x16x128xf32> to vector<4x16x128xf32>
    %sub3A_1988 = arith.subf %sub3A_1987, %transpose3A : vector<4x16x128xf32>
    %max3A_1989 = arith.constant 0.000000e+00 : f32
    %max3A_1990 = vector.broadcast %max3A_1989 : f32 to vector<4x16x128xf32>
    %max3A_1991 = arith.maximumf %sub3A_1988, %max3A_1990 : vector<4x16x128xf32>
    %add3A_1992 = arith.addf %add3A_1985, %max3A_1991 : vector<4x16x128xf32>
    %slice3A_1993 = vector.extract_strided_slice %transpose3A_42 {offsets = [0, 0, 65], sizes = [4, 16, 63], strides = [1, 1, 1]} : vector<4x16x128xf32> to vector<4x16x63xf32>
    %slice3A_1994 = vector.extract_strided_slice %transpose3A_42 {offsets = [0, 0, 0], sizes = [4, 16, 65], strides = [1, 1, 1]} : vector<4x16x128xf32> to vector<4x16x65xf32>
    %concatenate3A_1995 = tpu.concatenate %slice3A_1993, %slice3A_1994 in 2 : vector<4x16x63xf32>, vector<4x16x65xf32> -> vector<4x16x128xf32>
    %slice3A_1996 = vector.extract_strided_slice %concatenate3A_1995 {offsets = [0, 0, 0], sizes = [1, 16, 128], strides = [1, 1, 1]} : vector<4x16x128xf32> to vector<1x16x128xf32>
    %sub3A_1997 = vector.broadcast %slice3A_1996 : vector<1x16x128xf32> to vector<4x16x128xf32>
    %sub3A_1998 = arith.subf %sub3A_1997, %transpose3A : vector<4x16x128xf32>
    %max3A_1999 = arith.constant 0.000000e+00 : f32
    %max3A_2000 = vector.broadcast %max3A_1999 : f32 to vector<4x16x128xf32>
    %max3A_2001 = arith.maximumf %sub3A_1998, %max3A_2000 : vector<4x16x128xf32>
    %add3A_2002 = arith.addf %add3A_1992, %max3A_2001 : vector<4x16x128xf32>
    %slice3A_2003 = vector.extract_strided_slice %concatenate3A_1995 {offsets = [1, 0, 0], sizes = [1, 16, 128], strides = [1, 1, 1]} : vector<4x16x128xf32> to vector<1x16x128xf32>
    %sub3A_2004 = vector.broadcast %slice3A_2003 : vector<1x16x128xf32> to vector<4x16x128xf32>
    %sub3A_2005 = arith.subf %sub3A_2004, %transpose3A : vector<4x16x128xf32>
    %max3A_2006 = arith.constant 0.000000e+00 : f32
    %max3A_2007 = vector.broadcast %max3A_2006 : f32 to vector<4x16x128xf32>
    %max3A_2008 = arith.maximumf %sub3A_2005, %max3A_2007 : vector<4x16x128xf32>
    %add3A_2009 = arith.addf %add3A_2002, %max3A_2008 : vector<4x16x128xf32>
    %slice3A_2010 = vector.extract_strided_slice %concatenate3A_1995 {offsets = [2, 0, 0], sizes = [1, 16, 128], strides = [1, 1, 1]} : vector<4x16x128xf32> to vector<1x16x128xf32>
    %sub3A_2011 = vector.broadcast %slice3A_2010 : vector<1x16x128xf32> to vector<4x16x128xf32>
    %sub3A_2012 = arith.subf %sub3A_2011, %transpose3A : vector<4x16x128xf32>
    %max3A_2013 = arith.constant 0.000000e+00 : f32
    %max3A_2014 = vector.broadcast %max3A_2013 : f32 to vector<4x16x128xf32>
    %max3A_2015 = arith.maximumf %sub3A_2012, %max3A_2014 : vector<4x16x128xf32>
    %add3A_2016 = arith.addf %add3A_2009, %max3A_2015 : vector<4x16x128xf32>
    %slice3A_2017 = vector.extract_strided_slice %concatenate3A_1995 {offsets = [3, 0, 0], sizes = [1, 16, 128], strides = [1, 1, 1]} : vector<4x16x128xf32> to vector<1x16x128xf32>
    %sub3A_2018 = vector.broadcast %slice3A_2017 : vector<1x16x128xf32> to vector<4x16x128xf32>
    %sub3A_2019 = arith.subf %sub3A_2018, %transpose3A : vector<4x16x128xf32>
    %max3A_2020 = arith.constant 0.000000e+00 : f32
    %max3A_2021 = vector.broadcast %max3A_2020 : f32 to vector<4x16x128xf32>
    %max3A_2022 = arith.maximumf %sub3A_2019, %max3A_2021 : vector<4x16x128xf32>
    %add3A_2023 = arith.addf %add3A_2016, %max3A_2022 : vector<4x16x128xf32>
    %slice3A_2024 = vector.extract_strided_slice %transpose3A_42 {offsets = [0, 0, 64], sizes = [4, 16, 64], strides = [1, 1, 1]} : vector<4x16x128xf32> to vector<4x16x64xf32>
    %slice3A_2025 = vector.extract_strided_slice %transpose3A_42 {offsets = [0, 0, 0], sizes = [4, 16, 64], strides = [1, 1, 1]} : vector<4x16x128xf32> to vector<4x16x64xf32>
    %concatenate3A_2026 = tpu.concatenate %slice3A_2024, %slice3A_2025 in 2 : vector<4x16x64xf32>, vector<4x16x64xf32> -> vector<4x16x128xf32>
    %slice3A_2027 = vector.extract_strided_slice %concatenate3A_2026 {offsets = [0, 0, 0], sizes = [1, 16, 128], strides = [1, 1, 1]} : vector<4x16x128xf32> to vector<1x16x128xf32>
    %sub3A_2028 = vector.broadcast %slice3A_2027 : vector<1x16x128xf32> to vector<4x16x128xf32>
    %sub3A_2029 = arith.subf %sub3A_2028, %transpose3A : vector<4x16x128xf32>
    %max3A_2030 = arith.constant 0.000000e+00 : f32
    %max3A_2031 = vector.broadcast %max3A_2030 : f32 to vector<4x16x128xf32>
    %max3A_2032 = arith.maximumf %sub3A_2029, %max3A_2031 : vector<4x16x128xf32>
    %add3A_2033 = arith.addf %add3A_2023, %max3A_2032 : vector<4x16x128xf32>
    %slice3A_2034 = vector.extract_strided_slice %concatenate3A_2026 {offsets = [1, 0, 0], sizes = [1, 16, 128], strides = [1, 1, 1]} : vector<4x16x128xf32> to vector<1x16x128xf32>
    %sub3A_2035 = vector.broadcast %slice3A_2034 : vector<1x16x128xf32> to vector<4x16x128xf32>
    %sub3A_2036 = arith.subf %sub3A_2035, %transpose3A : vector<4x16x128xf32>
    %max3A_2037 = arith.constant 0.000000e+00 : f32
    %max3A_2038 = vector.broadcast %max3A_2037 : f32 to vector<4x16x128xf32>
    %max3A_2039 = arith.maximumf %sub3A_2036, %max3A_2038 : vector<4x16x128xf32>
    %add3A_2040 = arith.addf %add3A_2033, %max3A_2039 : vector<4x16x128xf32>
    %slice3A_2041 = vector.extract_strided_slice %concatenate3A_2026 {offsets = [2, 0, 0], sizes = [1, 16, 128], strides = [1, 1, 1]} : vector<4x16x128xf32> to vector<1x16x128xf32>
    %sub3A_2042 = vector.broadcast %slice3A_2041 : vector<1x16x128xf32> to vector<4x16x128xf32>
    %sub3A_2043 = arith.subf %sub3A_2042, %transpose3A : vector<4x16x128xf32>
    %max3A_2044 = arith.constant 0.000000e+00 : f32
    %max3A_2045 = vector.broadcast %max3A_2044 : f32 to vector<4x16x128xf32>
    %max3A_2046 = arith.maximumf %sub3A_2043, %max3A_2045 : vector<4x16x128xf32>
    %add3A_2047 = arith.addf %add3A_2040, %max3A_2046 : vector<4x16x128xf32>
    %slice3A_2048 = vector.extract_strided_slice %concatenate3A_2026 {offsets = [3, 0, 0], sizes = [1, 16, 128], strides = [1, 1, 1]} : vector<4x16x128xf32> to vector<1x16x128xf32>
    %sub3A_2049 = vector.broadcast %slice3A_2048 : vector<1x16x128xf32> to vector<4x16x128xf32>
    %sub3A_2050 = arith.subf %sub3A_2049, %transpose3A : vector<4x16x128xf32>
    %max3A_2051 = arith.constant 0.000000e+00 : f32
    %max3A_2052 = vector.broadcast %max3A_2051 : f32 to vector<4x16x128xf32>
    %max3A_2053 = arith.maximumf %sub3A_2050, %max3A_2052 : vector<4x16x128xf32>
    %add3A_2054 = arith.addf %add3A_2047, %max3A_2053 : vector<4x16x128xf32>
    %slice3A_2055 = vector.extract_strided_slice %transpose3A_42 {offsets = [0, 0, 63], sizes = [4, 16, 65], strides = [1, 1, 1]} : vector<4x16x128xf32> to vector<4x16x65xf32>
    %slice3A_2056 = vector.extract_strided_slice %transpose3A_42 {offsets = [0, 0, 0], sizes = [4, 16, 63], strides = [1, 1, 1]} : vector<4x16x128xf32> to vector<4x16x63xf32>
    %concatenate3A_2057 = tpu.concatenate %slice3A_2055, %slice3A_2056 in 2 : vector<4x16x65xf32>, vector<4x16x63xf32> -> vector<4x16x128xf32>
    %slice3A_2058 = vector.extract_strided_slice %concatenate3A_2057 {offsets = [0, 0, 0], sizes = [1, 16, 128], strides = [1, 1, 1]} : vector<4x16x128xf32> to vector<1x16x128xf32>
    %sub3A_2059 = vector.broadcast %slice3A_2058 : vector<1x16x128xf32> to vector<4x16x128xf32>
    %sub3A_2060 = arith.subf %sub3A_2059, %transpose3A : vector<4x16x128xf32>
    %max3A_2061 = arith.constant 0.000000e+00 : f32
    %max3A_2062 = vector.broadcast %max3A_2061 : f32 to vector<4x16x128xf32>
    %max3A_2063 = arith.maximumf %sub3A_2060, %max3A_2062 : vector<4x16x128xf32>
    %add3A_2064 = arith.addf %add3A_2054, %max3A_2063 : vector<4x16x128xf32>
    %slice3A_2065 = vector.extract_strided_slice %concatenate3A_2057 {offsets = [1, 0, 0], sizes = [1, 16, 128], strides = [1, 1, 1]} : vector<4x16x128xf32> to vector<1x16x128xf32>
    %sub3A_2066 = vector.broadcast %slice3A_2065 : vector<1x16x128xf32> to vector<4x16x128xf32>
    %sub3A_2067 = arith.subf %sub3A_2066, %transpose3A : vector<4x16x128xf32>
    %max3A_2068 = arith.constant 0.000000e+00 : f32
    %max3A_2069 = vector.broadcast %max3A_2068 : f32 to vector<4x16x128xf32>
    %max3A_2070 = arith.maximumf %sub3A_2067, %max3A_2069 : vector<4x16x128xf32>
    %add3A_2071 = arith.addf %add3A_2064, %max3A_2070 : vector<4x16x128xf32>
    %slice3A_2072 = vector.extract_strided_slice %concatenate3A_2057 {offsets = [2, 0, 0], sizes = [1, 16, 128], strides = [1, 1, 1]} : vector<4x16x128xf32> to vector<1x16x128xf32>
    %sub3A_2073 = vector.broadcast %slice3A_2072 : vector<1x16x128xf32> to vector<4x16x128xf32>
    %sub3A_2074 = arith.subf %sub3A_2073, %transpose3A : vector<4x16x128xf32>
    %max3A_2075 = arith.constant 0.000000e+00 : f32
    %max3A_2076 = vector.broadcast %max3A_2075 : f32 to vector<4x16x128xf32>
    %max3A_2077 = arith.maximumf %sub3A_2074, %max3A_2076 : vector<4x16x128xf32>
    %add3A_2078 = arith.addf %add3A_2071, %max3A_2077 : vector<4x16x128xf32>
    %slice3A_2079 = vector.extract_strided_slice %concatenate3A_2057 {offsets = [3, 0, 0], sizes = [1, 16, 128], strides = [1, 1, 1]} : vector<4x16x128xf32> to vector<1x16x128xf32>
    %sub3A_2080 = vector.broadcast %slice3A_2079 : vector<1x16x128xf32> to vector<4x16x128xf32>
    %sub3A_2081 = arith.subf %sub3A_2080, %transpose3A : vector<4x16x128xf32>
    %max3A_2082 = arith.constant 0.000000e+00 : f32
    %max3A_2083 = vector.broadcast %max3A_2082 : f32 to vector<4x16x128xf32>
    %max3A_2084 = arith.maximumf %sub3A_2081, %max3A_2083 : vector<4x16x128xf32>
    %add3A_2085 = arith.addf %add3A_2078, %max3A_2084 : vector<4x16x128xf32>
    %slice3A_2086 = vector.extract_strided_slice %transpose3A_42 {offsets = [0, 0, 62], sizes = [4, 16, 66], strides = [1, 1, 1]} : vector<4x16x128xf32> to vector<4x16x66xf32>
    %slice3A_2087 = vector.extract_strided_slice %transpose3A_42 {offsets = [0, 0, 0], sizes = [4, 16, 62], strides = [1, 1, 1]} : vector<4x16x128xf32> to vector<4x16x62xf32>
    %concatenate3A_2088 = tpu.concatenate %slice3A_2086, %slice3A_2087 in 2 : vector<4x16x66xf32>, vector<4x16x62xf32> -> vector<4x16x128xf32>
    %slice3A_2089 = vector.extract_strided_slice %concatenate3A_2088 {offsets = [0, 0, 0], sizes = [1, 16, 128], strides = [1, 1, 1]} : vector<4x16x128xf32> to vector<1x16x128xf32>
    %sub3A_2090 = vector.broadcast %slice3A_2089 : vector<1x16x128xf32> to vector<4x16x128xf32>
    %sub3A_2091 = arith.subf %sub3A_2090, %transpose3A : vector<4x16x128xf32>
    %max3A_2092 = arith.constant 0.000000e+00 : f32
    %max3A_2093 = vector.broadcast %max3A_2092 : f32 to vector<4x16x128xf32>
    %max3A_2094 = arith.maximumf %sub3A_2091, %max3A_2093 : vector<4x16x128xf32>
    %add3A_2095 = arith.addf %add3A_2085, %max3A_2094 : vector<4x16x128xf32>
    %slice3A_2096 = vector.extract_strided_slice %concatenate3A_2088 {offsets = [1, 0, 0], sizes = [1, 16, 128], strides = [1, 1, 1]} : vector<4x16x128xf32> to vector<1x16x128xf32>
    %sub3A_2097 = vector.broadcast %slice3A_2096 : vector<1x16x128xf32> to vector<4x16x128xf32>
    %sub3A_2098 = arith.subf %sub3A_2097, %transpose3A : vector<4x16x128xf32>
    %max3A_2099 = arith.constant 0.000000e+00 : f32
    %max3A_2100 = vector.broadcast %max3A_2099 : f32 to vector<4x16x128xf32>
    %max3A_2101 = arith.maximumf %sub3A_2098, %max3A_2100 : vector<4x16x128xf32>
    %add3A_2102 = arith.addf %add3A_2095, %max3A_2101 : vector<4x16x128xf32>
    %slice3A_2103 = vector.extract_strided_slice %concatenate3A_2088 {offsets = [2, 0, 0], sizes = [1, 16, 128], strides = [1, 1, 1]} : vector<4x16x128xf32> to vector<1x16x128xf32>
    %sub3A_2104 = vector.broadcast %slice3A_2103 : vector<1x16x128xf32> to vector<4x16x128xf32>
    %sub3A_2105 = arith.subf %sub3A_2104, %transpose3A : vector<4x16x128xf32>
    %max3A_2106 = arith.constant 0.000000e+00 : f32
    %max3A_2107 = vector.broadcast %max3A_2106 : f32 to vector<4x16x128xf32>
    %max3A_2108 = arith.maximumf %sub3A_2105, %max3A_2107 : vector<4x16x128xf32>
    %add3A_2109 = arith.addf %add3A_2102, %max3A_2108 : vector<4x16x128xf32>
    %slice3A_2110 = vector.extract_strided_slice %concatenate3A_2088 {offsets = [3, 0, 0], sizes = [1, 16, 128], strides = [1, 1, 1]} : vector<4x16x128xf32> to vector<1x16x128xf32>
    %sub3A_2111 = vector.broadcast %slice3A_2110 : vector<1x16x128xf32> to vector<4x16x128xf32>
    %sub3A_2112 = arith.subf %sub3A_2111, %transpose3A : vector<4x16x128xf32>
    %max3A_2113 = arith.constant 0.000000e+00 : f32
    %max3A_2114 = vector.broadcast %max3A_2113 : f32 to vector<4x16x128xf32>
    %max3A_2115 = arith.maximumf %sub3A_2112, %max3A_2114 : vector<4x16x128xf32>
    %add3A_2116 = arith.addf %add3A_2109, %max3A_2115 : vector<4x16x128xf32>
    %slice3A_2117 = vector.extract_strided_slice %transpose3A_42 {offsets = [0, 0, 61], sizes = [4, 16, 67], strides = [1, 1, 1]} : vector<4x16x128xf32> to vector<4x16x67xf32>
    %slice3A_2118 = vector.extract_strided_slice %transpose3A_42 {offsets = [0, 0, 0], sizes = [4, 16, 61], strides = [1, 1, 1]} : vector<4x16x128xf32> to vector<4x16x61xf32>
    %concatenate3A_2119 = tpu.concatenate %slice3A_2117, %slice3A_2118 in 2 : vector<4x16x67xf32>, vector<4x16x61xf32> -> vector<4x16x128xf32>
    %slice3A_2120 = vector.extract_strided_slice %concatenate3A_2119 {offsets = [0, 0, 0], sizes = [1, 16, 128], strides = [1, 1, 1]} : vector<4x16x128xf32> to vector<1x16x128xf32>
    %sub3A_2121 = vector.broadcast %slice3A_2120 : vector<1x16x128xf32> to vector<4x16x128xf32>
    %sub3A_2122 = arith.subf %sub3A_2121, %transpose3A : vector<4x16x128xf32>
    %max3A_2123 = arith.constant 0.000000e+00 : f32
    %max3A_2124 = vector.broadcast %max3A_2123 : f32 to vector<4x16x128xf32>
    %max3A_2125 = arith.maximumf %sub3A_2122, %max3A_2124 : vector<4x16x128xf32>
    %add3A_2126 = arith.addf %add3A_2116, %max3A_2125 : vector<4x16x128xf32>
    %slice3A_2127 = vector.extract_strided_slice %concatenate3A_2119 {offsets = [1, 0, 0], sizes = [1, 16, 128], strides = [1, 1, 1]} : vector<4x16x128xf32> to vector<1x16x128xf32>
    %sub3A_2128 = vector.broadcast %slice3A_2127 : vector<1x16x128xf32> to vector<4x16x128xf32>
    %sub3A_2129 = arith.subf %sub3A_2128, %transpose3A : vector<4x16x128xf32>
    %max3A_2130 = arith.constant 0.000000e+00 : f32
    %max3A_2131 = vector.broadcast %max3A_2130 : f32 to vector<4x16x128xf32>
    %max3A_2132 = arith.maximumf %sub3A_2129, %max3A_2131 : vector<4x16x128xf32>
    %add3A_2133 = arith.addf %add3A_2126, %max3A_2132 : vector<4x16x128xf32>
    %slice3A_2134 = vector.extract_strided_slice %concatenate3A_2119 {offsets = [2, 0, 0], sizes = [1, 16, 128], strides = [1, 1, 1]} : vector<4x16x128xf32> to vector<1x16x128xf32>
    %sub3A_2135 = vector.broadcast %slice3A_2134 : vector<1x16x128xf32> to vector<4x16x128xf32>
    %sub3A_2136 = arith.subf %sub3A_2135, %transpose3A : vector<4x16x128xf32>
    %max3A_2137 = arith.constant 0.000000e+00 : f32
    %max3A_2138 = vector.broadcast %max3A_2137 : f32 to vector<4x16x128xf32>
    %max3A_2139 = arith.maximumf %sub3A_2136, %max3A_2138 : vector<4x16x128xf32>
    %add3A_2140 = arith.addf %add3A_2133, %max3A_2139 : vector<4x16x128xf32>
    %slice3A_2141 = vector.extract_strided_slice %concatenate3A_2119 {offsets = [3, 0, 0], sizes = [1, 16, 128], strides = [1, 1, 1]} : vector<4x16x128xf32> to vector<1x16x128xf32>
    %sub3A_2142 = vector.broadcast %slice3A_2141 : vector<1x16x128xf32> to vector<4x16x128xf32>
    %sub3A_2143 = arith.subf %sub3A_2142, %transpose3A : vector<4x16x128xf32>
    %max3A_2144 = arith.constant 0.000000e+00 : f32
    %max3A_2145 = vector.broadcast %max3A_2144 : f32 to vector<4x16x128xf32>
    %max3A_2146 = arith.maximumf %sub3A_2143, %max3A_2145 : vector<4x16x128xf32>
    %add3A_2147 = arith.addf %add3A_2140, %max3A_2146 : vector<4x16x128xf32>
    %slice3A_2148 = vector.extract_strided_slice %transpose3A_42 {offsets = [0, 0, 60], sizes = [4, 16, 68], strides = [1, 1, 1]} : vector<4x16x128xf32> to vector<4x16x68xf32>
    %slice3A_2149 = vector.extract_strided_slice %transpose3A_42 {offsets = [0, 0, 0], sizes = [4, 16, 60], strides = [1, 1, 1]} : vector<4x16x128xf32> to vector<4x16x60xf32>
    %concatenate3A_2150 = tpu.concatenate %slice3A_2148, %slice3A_2149 in 2 : vector<4x16x68xf32>, vector<4x16x60xf32> -> vector<4x16x128xf32>
    %slice3A_2151 = vector.extract_strided_slice %concatenate3A_2150 {offsets = [0, 0, 0], sizes = [1, 16, 128], strides = [1, 1, 1]} : vector<4x16x128xf32> to vector<1x16x128xf32>
    %sub3A_2152 = vector.broadcast %slice3A_2151 : vector<1x16x128xf32> to vector<4x16x128xf32>
    %sub3A_2153 = arith.subf %sub3A_2152, %transpose3A : vector<4x16x128xf32>
    %max3A_2154 = arith.constant 0.000000e+00 : f32
    %max3A_2155 = vector.broadcast %max3A_2154 : f32 to vector<4x16x128xf32>
    %max3A_2156 = arith.maximumf %sub3A_2153, %max3A_2155 : vector<4x16x128xf32>
    %add3A_2157 = arith.addf %add3A_2147, %max3A_2156 : vector<4x16x128xf32>
    %slice3A_2158 = vector.extract_strided_slice %concatenate3A_2150 {offsets = [1, 0, 0], sizes = [1, 16, 128], strides = [1, 1, 1]} : vector<4x16x128xf32> to vector<1x16x128xf32>
    %sub3A_2159 = vector.broadcast %slice3A_2158 : vector<1x16x128xf32> to vector<4x16x128xf32>
    %sub3A_2160 = arith.subf %sub3A_2159, %transpose3A : vector<4x16x128xf32>
    %max3A_2161 = arith.constant 0.000000e+00 : f32
    %max3A_2162 = vector.broadcast %max3A_2161 : f32 to vector<4x16x128xf32>
    %max3A_2163 = arith.maximumf %sub3A_2160, %max3A_2162 : vector<4x16x128xf32>
    %add3A_2164 = arith.addf %add3A_2157, %max3A_2163 : vector<4x16x128xf32>
    %slice3A_2165 = vector.extract_strided_slice %concatenate3A_2150 {offsets = [2, 0, 0], sizes = [1, 16, 128], strides = [1, 1, 1]} : vector<4x16x128xf32> to vector<1x16x128xf32>
    %sub3A_2166 = vector.broadcast %slice3A_2165 : vector<1x16x128xf32> to vector<4x16x128xf32>
    %sub3A_2167 = arith.subf %sub3A_2166, %transpose3A : vector<4x16x128xf32>
    %max3A_2168 = arith.constant 0.000000e+00 : f32
    %max3A_2169 = vector.broadcast %max3A_2168 : f32 to vector<4x16x128xf32>
    %max3A_2170 = arith.maximumf %sub3A_2167, %max3A_2169 : vector<4x16x128xf32>
    %add3A_2171 = arith.addf %add3A_2164, %max3A_2170 : vector<4x16x128xf32>
    %slice3A_2172 = vector.extract_strided_slice %concatenate3A_2150 {offsets = [3, 0, 0], sizes = [1, 16, 128], strides = [1, 1, 1]} : vector<4x16x128xf32> to vector<1x16x128xf32>
    %sub3A_2173 = vector.broadcast %slice3A_2172 : vector<1x16x128xf32> to vector<4x16x128xf32>
    %sub3A_2174 = arith.subf %sub3A_2173, %transpose3A : vector<4x16x128xf32>
    %max3A_2175 = arith.constant 0.000000e+00 : f32
    %max3A_2176 = vector.broadcast %max3A_2175 : f32 to vector<4x16x128xf32>
    %max3A_2177 = arith.maximumf %sub3A_2174, %max3A_2176 : vector<4x16x128xf32>
    %add3A_2178 = arith.addf %add3A_2171, %max3A_2177 : vector<4x16x128xf32>
    %slice3A_2179 = vector.extract_strided_slice %transpose3A_42 {offsets = [0, 0, 59], sizes = [4, 16, 69], strides = [1, 1, 1]} : vector<4x16x128xf32> to vector<4x16x69xf32>
    %slice3A_2180 = vector.extract_strided_slice %transpose3A_42 {offsets = [0, 0, 0], sizes = [4, 16, 59], strides = [1, 1, 1]} : vector<4x16x128xf32> to vector<4x16x59xf32>
    %concatenate3A_2181 = tpu.concatenate %slice3A_2179, %slice3A_2180 in 2 : vector<4x16x69xf32>, vector<4x16x59xf32> -> vector<4x16x128xf32>
    %slice3A_2182 = vector.extract_strided_slice %concatenate3A_2181 {offsets = [0, 0, 0], sizes = [1, 16, 128], strides = [1, 1, 1]} : vector<4x16x128xf32> to vector<1x16x128xf32>
    %sub3A_2183 = vector.broadcast %slice3A_2182 : vector<1x16x128xf32> to vector<4x16x128xf32>
    %sub3A_2184 = arith.subf %sub3A_2183, %transpose3A : vector<4x16x128xf32>
    %max3A_2185 = arith.constant 0.000000e+00 : f32
    %max3A_2186 = vector.broadcast %max3A_2185 : f32 to vector<4x16x128xf32>
    %max3A_2187 = arith.maximumf %sub3A_2184, %max3A_2186 : vector<4x16x128xf32>
    %add3A_2188 = arith.addf %add3A_2178, %max3A_2187 : vector<4x16x128xf32>
    %slice3A_2189 = vector.extract_strided_slice %concatenate3A_2181 {offsets = [1, 0, 0], sizes = [1, 16, 128], strides = [1, 1, 1]} : vector<4x16x128xf32> to vector<1x16x128xf32>
    %sub3A_2190 = vector.broadcast %slice3A_2189 : vector<1x16x128xf32> to vector<4x16x128xf32>
    %sub3A_2191 = arith.subf %sub3A_2190, %transpose3A : vector<4x16x128xf32>
    %max3A_2192 = arith.constant 0.000000e+00 : f32
    %max3A_2193 = vector.broadcast %max3A_2192 : f32 to vector<4x16x128xf32>
    %max3A_2194 = arith.maximumf %sub3A_2191, %max3A_2193 : vector<4x16x128xf32>
    %add3A_2195 = arith.addf %add3A_2188, %max3A_2194 : vector<4x16x128xf32>
    %slice3A_2196 = vector.extract_strided_slice %concatenate3A_2181 {offsets = [2, 0, 0], sizes = [1, 16, 128], strides = [1, 1, 1]} : vector<4x16x128xf32> to vector<1x16x128xf32>
    %sub3A_2197 = vector.broadcast %slice3A_2196 : vector<1x16x128xf32> to vector<4x16x128xf32>
    %sub3A_2198 = arith.subf %sub3A_2197, %transpose3A : vector<4x16x128xf32>
    %max3A_2199 = arith.constant 0.000000e+00 : f32
    %max3A_2200 = vector.broadcast %max3A_2199 : f32 to vector<4x16x128xf32>
    %max3A_2201 = arith.maximumf %sub3A_2198, %max3A_2200 : vector<4x16x128xf32>
    %add3A_2202 = arith.addf %add3A_2195, %max3A_2201 : vector<4x16x128xf32>
    %slice3A_2203 = vector.extract_strided_slice %concatenate3A_2181 {offsets = [3, 0, 0], sizes = [1, 16, 128], strides = [1, 1, 1]} : vector<4x16x128xf32> to vector<1x16x128xf32>
    %sub3A_2204 = vector.broadcast %slice3A_2203 : vector<1x16x128xf32> to vector<4x16x128xf32>
    %sub3A_2205 = arith.subf %sub3A_2204, %transpose3A : vector<4x16x128xf32>
    %max3A_2206 = arith.constant 0.000000e+00 : f32
    %max3A_2207 = vector.broadcast %max3A_2206 : f32 to vector<4x16x128xf32>
    %max3A_2208 = arith.maximumf %sub3A_2205, %max3A_2207 : vector<4x16x128xf32>
    %add3A_2209 = arith.addf %add3A_2202, %max3A_2208 : vector<4x16x128xf32>
    %slice3A_2210 = vector.extract_strided_slice %transpose3A_42 {offsets = [0, 0, 58], sizes = [4, 16, 70], strides = [1, 1, 1]} : vector<4x16x128xf32> to vector<4x16x70xf32>
    %slice3A_2211 = vector.extract_strided_slice %transpose3A_42 {offsets = [0, 0, 0], sizes = [4, 16, 58], strides = [1, 1, 1]} : vector<4x16x128xf32> to vector<4x16x58xf32>
    %concatenate3A_2212 = tpu.concatenate %slice3A_2210, %slice3A_2211 in 2 : vector<4x16x70xf32>, vector<4x16x58xf32> -> vector<4x16x128xf32>
    %slice3A_2213 = vector.extract_strided_slice %concatenate3A_2212 {offsets = [0, 0, 0], sizes = [1, 16, 128], strides = [1, 1, 1]} : vector<4x16x128xf32> to vector<1x16x128xf32>
    %sub3A_2214 = vector.broadcast %slice3A_2213 : vector<1x16x128xf32> to vector<4x16x128xf32>
    %sub3A_2215 = arith.subf %sub3A_2214, %transpose3A : vector<4x16x128xf32>
    %max3A_2216 = arith.constant 0.000000e+00 : f32
    %max3A_2217 = vector.broadcast %max3A_2216 : f32 to vector<4x16x128xf32>
    %max3A_2218 = arith.maximumf %sub3A_2215, %max3A_2217 : vector<4x16x128xf32>
    %add3A_2219 = arith.addf %add3A_2209, %max3A_2218 : vector<4x16x128xf32>
    %slice3A_2220 = vector.extract_strided_slice %concatenate3A_2212 {offsets = [1, 0, 0], sizes = [1, 16, 128], strides = [1, 1, 1]} : vector<4x16x128xf32> to vector<1x16x128xf32>
    %sub3A_2221 = vector.broadcast %slice3A_2220 : vector<1x16x128xf32> to vector<4x16x128xf32>
    %sub3A_2222 = arith.subf %sub3A_2221, %transpose3A : vector<4x16x128xf32>
    %max3A_2223 = arith.constant 0.000000e+00 : f32
    %max3A_2224 = vector.broadcast %max3A_2223 : f32 to vector<4x16x128xf32>
    %max3A_2225 = arith.maximumf %sub3A_2222, %max3A_2224 : vector<4x16x128xf32>
    %add3A_2226 = arith.addf %add3A_2219, %max3A_2225 : vector<4x16x128xf32>
    %slice3A_2227 = vector.extract_strided_slice %concatenate3A_2212 {offsets = [2, 0, 0], sizes = [1, 16, 128], strides = [1, 1, 1]} : vector<4x16x128xf32> to vector<1x16x128xf32>
    %sub3A_2228 = vector.broadcast %slice3A_2227 : vector<1x16x128xf32> to vector<4x16x128xf32>
    %sub3A_2229 = arith.subf %sub3A_2228, %transpose3A : vector<4x16x128xf32>
    %max3A_2230 = arith.constant 0.000000e+00 : f32
    %max3A_2231 = vector.broadcast %max3A_2230 : f32 to vector<4x16x128xf32>
    %max3A_2232 = arith.maximumf %sub3A_2229, %max3A_2231 : vector<4x16x128xf32>
    %add3A_2233 = arith.addf %add3A_2226, %max3A_2232 : vector<4x16x128xf32>
    %slice3A_2234 = vector.extract_strided_slice %concatenate3A_2212 {offsets = [3, 0, 0], sizes = [1, 16, 128], strides = [1, 1, 1]} : vector<4x16x128xf32> to vector<1x16x128xf32>
    %sub3A_2235 = vector.broadcast %slice3A_2234 : vector<1x16x128xf32> to vector<4x16x128xf32>
    %sub3A_2236 = arith.subf %sub3A_2235, %transpose3A : vector<4x16x128xf32>
    %max3A_2237 = arith.constant 0.000000e+00 : f32
    %max3A_2238 = vector.broadcast %max3A_2237 : f32 to vector<4x16x128xf32>
    %max3A_2239 = arith.maximumf %sub3A_2236, %max3A_2238 : vector<4x16x128xf32>
    %add3A_2240 = arith.addf %add3A_2233, %max3A_2239 : vector<4x16x128xf32>
    %slice3A_2241 = vector.extract_strided_slice %transpose3A_42 {offsets = [0, 0, 57], sizes = [4, 16, 71], strides = [1, 1, 1]} : vector<4x16x128xf32> to vector<4x16x71xf32>
    %slice3A_2242 = vector.extract_strided_slice %transpose3A_42 {offsets = [0, 0, 0], sizes = [4, 16, 57], strides = [1, 1, 1]} : vector<4x16x128xf32> to vector<4x16x57xf32>
    %concatenate3A_2243 = tpu.concatenate %slice3A_2241, %slice3A_2242 in 2 : vector<4x16x71xf32>, vector<4x16x57xf32> -> vector<4x16x128xf32>
    %slice3A_2244 = vector.extract_strided_slice %concatenate3A_2243 {offsets = [0, 0, 0], sizes = [1, 16, 128], strides = [1, 1, 1]} : vector<4x16x128xf32> to vector<1x16x128xf32>
    %sub3A_2245 = vector.broadcast %slice3A_2244 : vector<1x16x128xf32> to vector<4x16x128xf32>
    %sub3A_2246 = arith.subf %sub3A_2245, %transpose3A : vector<4x16x128xf32>
    %max3A_2247 = arith.constant 0.000000e+00 : f32
    %max3A_2248 = vector.broadcast %max3A_2247 : f32 to vector<4x16x128xf32>
    %max3A_2249 = arith.maximumf %sub3A_2246, %max3A_2248 : vector<4x16x128xf32>
    %add3A_2250 = arith.addf %add3A_2240, %max3A_2249 : vector<4x16x128xf32>
    %slice3A_2251 = vector.extract_strided_slice %concatenate3A_2243 {offsets = [1, 0, 0], sizes = [1, 16, 128], strides = [1, 1, 1]} : vector<4x16x128xf32> to vector<1x16x128xf32>
    %sub3A_2252 = vector.broadcast %slice3A_2251 : vector<1x16x128xf32> to vector<4x16x128xf32>
    %sub3A_2253 = arith.subf %sub3A_2252, %transpose3A : vector<4x16x128xf32>
    %max3A_2254 = arith.constant 0.000000e+00 : f32
    %max3A_2255 = vector.broadcast %max3A_2254 : f32 to vector<4x16x128xf32>
    %max3A_2256 = arith.maximumf %sub3A_2253, %max3A_2255 : vector<4x16x128xf32>
    %add3A_2257 = arith.addf %add3A_2250, %max3A_2256 : vector<4x16x128xf32>
    %slice3A_2258 = vector.extract_strided_slice %concatenate3A_2243 {offsets = [2, 0, 0], sizes = [1, 16, 128], strides = [1, 1, 1]} : vector<4x16x128xf32> to vector<1x16x128xf32>
    %sub3A_2259 = vector.broadcast %slice3A_2258 : vector<1x16x128xf32> to vector<4x16x128xf32>
    %sub3A_2260 = arith.subf %sub3A_2259, %transpose3A : vector<4x16x128xf32>
    %max3A_2261 = arith.constant 0.000000e+00 : f32
    %max3A_2262 = vector.broadcast %max3A_2261 : f32 to vector<4x16x128xf32>
    %max3A_2263 = arith.maximumf %sub3A_2260, %max3A_2262 : vector<4x16x128xf32>
    %add3A_2264 = arith.addf %add3A_2257, %max3A_2263 : vector<4x16x128xf32>
    %slice3A_2265 = vector.extract_strided_slice %concatenate3A_2243 {offsets = [3, 0, 0], sizes = [1, 16, 128], strides = [1, 1, 1]} : vector<4x16x128xf32> to vector<1x16x128xf32>
    %sub3A_2266 = vector.broadcast %slice3A_2265 : vector<1x16x128xf32> to vector<4x16x128xf32>
    %sub3A_2267 = arith.subf %sub3A_2266, %transpose3A : vector<4x16x128xf32>
    %max3A_2268 = arith.constant 0.000000e+00 : f32
    %max3A_2269 = vector.broadcast %max3A_2268 : f32 to vector<4x16x128xf32>
    %max3A_2270 = arith.maximumf %sub3A_2267, %max3A_2269 : vector<4x16x128xf32>
    %add3A_2271 = arith.addf %add3A_2264, %max3A_2270 : vector<4x16x128xf32>
    %slice3A_2272 = vector.extract_strided_slice %transpose3A_42 {offsets = [0, 0, 56], sizes = [4, 16, 72], strides = [1, 1, 1]} : vector<4x16x128xf32> to vector<4x16x72xf32>
    %slice3A_2273 = vector.extract_strided_slice %transpose3A_42 {offsets = [0, 0, 0], sizes = [4, 16, 56], strides = [1, 1, 1]} : vector<4x16x128xf32> to vector<4x16x56xf32>
    %concatenate3A_2274 = tpu.concatenate %slice3A_2272, %slice3A_2273 in 2 : vector<4x16x72xf32>, vector<4x16x56xf32> -> vector<4x16x128xf32>
    %slice3A_2275 = vector.extract_strided_slice %concatenate3A_2274 {offsets = [0, 0, 0], sizes = [1, 16, 128], strides = [1, 1, 1]} : vector<4x16x128xf32> to vector<1x16x128xf32>
    %sub3A_2276 = vector.broadcast %slice3A_2275 : vector<1x16x128xf32> to vector<4x16x128xf32>
    %sub3A_2277 = arith.subf %sub3A_2276, %transpose3A : vector<4x16x128xf32>
    %max3A_2278 = arith.constant 0.000000e+00 : f32
    %max3A_2279 = vector.broadcast %max3A_2278 : f32 to vector<4x16x128xf32>
    %max3A_2280 = arith.maximumf %sub3A_2277, %max3A_2279 : vector<4x16x128xf32>
    %add3A_2281 = arith.addf %add3A_2271, %max3A_2280 : vector<4x16x128xf32>
    %slice3A_2282 = vector.extract_strided_slice %concatenate3A_2274 {offsets = [1, 0, 0], sizes = [1, 16, 128], strides = [1, 1, 1]} : vector<4x16x128xf32> to vector<1x16x128xf32>
    %sub3A_2283 = vector.broadcast %slice3A_2282 : vector<1x16x128xf32> to vector<4x16x128xf32>
    %sub3A_2284 = arith.subf %sub3A_2283, %transpose3A : vector<4x16x128xf32>
    %max3A_2285 = arith.constant 0.000000e+00 : f32
    %max3A_2286 = vector.broadcast %max3A_2285 : f32 to vector<4x16x128xf32>
    %max3A_2287 = arith.maximumf %sub3A_2284, %max3A_2286 : vector<4x16x128xf32>
    %add3A_2288 = arith.addf %add3A_2281, %max3A_2287 : vector<4x16x128xf32>
    %slice3A_2289 = vector.extract_strided_slice %concatenate3A_2274 {offsets = [2, 0, 0], sizes = [1, 16, 128], strides = [1, 1, 1]} : vector<4x16x128xf32> to vector<1x16x128xf32>
    %sub3A_2290 = vector.broadcast %slice3A_2289 : vector<1x16x128xf32> to vector<4x16x128xf32>
    %sub3A_2291 = arith.subf %sub3A_2290, %transpose3A : vector<4x16x128xf32>
    %max3A_2292 = arith.constant 0.000000e+00 : f32
    %max3A_2293 = vector.broadcast %max3A_2292 : f32 to vector<4x16x128xf32>
    %max3A_2294 = arith.maximumf %sub3A_2291, %max3A_2293 : vector<4x16x128xf32>
    %add3A_2295 = arith.addf %add3A_2288, %max3A_2294 : vector<4x16x128xf32>
    %slice3A_2296 = vector.extract_strided_slice %concatenate3A_2274 {offsets = [3, 0, 0], sizes = [1, 16, 128], strides = [1, 1, 1]} : vector<4x16x128xf32> to vector<1x16x128xf32>
    %sub3A_2297 = vector.broadcast %slice3A_2296 : vector<1x16x128xf32> to vector<4x16x128xf32>
    %sub3A_2298 = arith.subf %sub3A_2297, %transpose3A : vector<4x16x128xf32>
    %max3A_2299 = arith.constant 0.000000e+00 : f32
    %max3A_2300 = vector.broadcast %max3A_2299 : f32 to vector<4x16x128xf32>
    %max3A_2301 = arith.maximumf %sub3A_2298, %max3A_2300 : vector<4x16x128xf32>
    %add3A_2302 = arith.addf %add3A_2295, %max3A_2301 : vector<4x16x128xf32>
    %slice3A_2303 = vector.extract_strided_slice %transpose3A_42 {offsets = [0, 0, 55], sizes = [4, 16, 73], strides = [1, 1, 1]} : vector<4x16x128xf32> to vector<4x16x73xf32>
    %slice3A_2304 = vector.extract_strided_slice %transpose3A_42 {offsets = [0, 0, 0], sizes = [4, 16, 55], strides = [1, 1, 1]} : vector<4x16x128xf32> to vector<4x16x55xf32>
    %concatenate3A_2305 = tpu.concatenate %slice3A_2303, %slice3A_2304 in 2 : vector<4x16x73xf32>, vector<4x16x55xf32> -> vector<4x16x128xf32>
    %slice3A_2306 = vector.extract_strided_slice %concatenate3A_2305 {offsets = [0, 0, 0], sizes = [1, 16, 128], strides = [1, 1, 1]} : vector<4x16x128xf32> to vector<1x16x128xf32>
    %sub3A_2307 = vector.broadcast %slice3A_2306 : vector<1x16x128xf32> to vector<4x16x128xf32>
    %sub3A_2308 = arith.subf %sub3A_2307, %transpose3A : vector<4x16x128xf32>
    %max3A_2309 = arith.constant 0.000000e+00 : f32
    %max3A_2310 = vector.broadcast %max3A_2309 : f32 to vector<4x16x128xf32>
    %max3A_2311 = arith.maximumf %sub3A_2308, %max3A_2310 : vector<4x16x128xf32>
    %add3A_2312 = arith.addf %add3A_2302, %max3A_2311 : vector<4x16x128xf32>
    %slice3A_2313 = vector.extract_strided_slice %concatenate3A_2305 {offsets = [1, 0, 0], sizes = [1, 16, 128], strides = [1, 1, 1]} : vector<4x16x128xf32> to vector<1x16x128xf32>
    %sub3A_2314 = vector.broadcast %slice3A_2313 : vector<1x16x128xf32> to vector<4x16x128xf32>
    %sub3A_2315 = arith.subf %sub3A_2314, %transpose3A : vector<4x16x128xf32>
    %max3A_2316 = arith.constant 0.000000e+00 : f32
    %max3A_2317 = vector.broadcast %max3A_2316 : f32 to vector<4x16x128xf32>
    %max3A_2318 = arith.maximumf %sub3A_2315, %max3A_2317 : vector<4x16x128xf32>
    %add3A_2319 = arith.addf %add3A_2312, %max3A_2318 : vector<4x16x128xf32>
    %slice3A_2320 = vector.extract_strided_slice %concatenate3A_2305 {offsets = [2, 0, 0], sizes = [1, 16, 128], strides = [1, 1, 1]} : vector<4x16x128xf32> to vector<1x16x128xf32>
    %sub3A_2321 = vector.broadcast %slice3A_2320 : vector<1x16x128xf32> to vector<4x16x128xf32>
    %sub3A_2322 = arith.subf %sub3A_2321, %transpose3A : vector<4x16x128xf32>
    %max3A_2323 = arith.constant 0.000000e+00 : f32
    %max3A_2324 = vector.broadcast %max3A_2323 : f32 to vector<4x16x128xf32>
    %max3A_2325 = arith.maximumf %sub3A_2322, %max3A_2324 : vector<4x16x128xf32>
    %add3A_2326 = arith.addf %add3A_2319, %max3A_2325 : vector<4x16x128xf32>
    %slice3A_2327 = vector.extract_strided_slice %concatenate3A_2305 {offsets = [3, 0, 0], sizes = [1, 16, 128], strides = [1, 1, 1]} : vector<4x16x128xf32> to vector<1x16x128xf32>
    %sub3A_2328 = vector.broadcast %slice3A_2327 : vector<1x16x128xf32> to vector<4x16x128xf32>
    %sub3A_2329 = arith.subf %sub3A_2328, %transpose3A : vector<4x16x128xf32>
    %max3A_2330 = arith.constant 0.000000e+00 : f32
    %max3A_2331 = vector.broadcast %max3A_2330 : f32 to vector<4x16x128xf32>
    %max3A_2332 = arith.maximumf %sub3A_2329, %max3A_2331 : vector<4x16x128xf32>
    %add3A_2333 = arith.addf %add3A_2326, %max3A_2332 : vector<4x16x128xf32>
    %slice3A_2334 = vector.extract_strided_slice %transpose3A_42 {offsets = [0, 0, 54], sizes = [4, 16, 74], strides = [1, 1, 1]} : vector<4x16x128xf32> to vector<4x16x74xf32>
    %slice3A_2335 = vector.extract_strided_slice %transpose3A_42 {offsets = [0, 0, 0], sizes = [4, 16, 54], strides = [1, 1, 1]} : vector<4x16x128xf32> to vector<4x16x54xf32>
    %concatenate3A_2336 = tpu.concatenate %slice3A_2334, %slice3A_2335 in 2 : vector<4x16x74xf32>, vector<4x16x54xf32> -> vector<4x16x128xf32>
    %slice3A_2337 = vector.extract_strided_slice %concatenate3A_2336 {offsets = [0, 0, 0], sizes = [1, 16, 128], strides = [1, 1, 1]} : vector<4x16x128xf32> to vector<1x16x128xf32>
    %sub3A_2338 = vector.broadcast %slice3A_2337 : vector<1x16x128xf32> to vector<4x16x128xf32>
    %sub3A_2339 = arith.subf %sub3A_2338, %transpose3A : vector<4x16x128xf32>
    %max3A_2340 = arith.constant 0.000000e+00 : f32
    %max3A_2341 = vector.broadcast %max3A_2340 : f32 to vector<4x16x128xf32>
    %max3A_2342 = arith.maximumf %sub3A_2339, %max3A_2341 : vector<4x16x128xf32>
    %add3A_2343 = arith.addf %add3A_2333, %max3A_2342 : vector<4x16x128xf32>
    %slice3A_2344 = vector.extract_strided_slice %concatenate3A_2336 {offsets = [1, 0, 0], sizes = [1, 16, 128], strides = [1, 1, 1]} : vector<4x16x128xf32> to vector<1x16x128xf32>
    %sub3A_2345 = vector.broadcast %slice3A_2344 : vector<1x16x128xf32> to vector<4x16x128xf32>
    %sub3A_2346 = arith.subf %sub3A_2345, %transpose3A : vector<4x16x128xf32>
    %max3A_2347 = arith.constant 0.000000e+00 : f32
    %max3A_2348 = vector.broadcast %max3A_2347 : f32 to vector<4x16x128xf32>
    %max3A_2349 = arith.maximumf %sub3A_2346, %max3A_2348 : vector<4x16x128xf32>
    %add3A_2350 = arith.addf %add3A_2343, %max3A_2349 : vector<4x16x128xf32>
    %slice3A_2351 = vector.extract_strided_slice %concatenate3A_2336 {offsets = [2, 0, 0], sizes = [1, 16, 128], strides = [1, 1, 1]} : vector<4x16x128xf32> to vector<1x16x128xf32>
    %sub3A_2352 = vector.broadcast %slice3A_2351 : vector<1x16x128xf32> to vector<4x16x128xf32>
    %sub3A_2353 = arith.subf %sub3A_2352, %transpose3A : vector<4x16x128xf32>
    %max3A_2354 = arith.constant 0.000000e+00 : f32
    %max3A_2355 = vector.broadcast %max3A_2354 : f32 to vector<4x16x128xf32>
    %max3A_2356 = arith.maximumf %sub3A_2353, %max3A_2355 : vector<4x16x128xf32>
    %add3A_2357 = arith.addf %add3A_2350, %max3A_2356 : vector<4x16x128xf32>
    %slice3A_2358 = vector.extract_strided_slice %concatenate3A_2336 {offsets = [3, 0, 0], sizes = [1, 16, 128], strides = [1, 1, 1]} : vector<4x16x128xf32> to vector<1x16x128xf32>
    %sub3A_2359 = vector.broadcast %slice3A_2358 : vector<1x16x128xf32> to vector<4x16x128xf32>
    %sub3A_2360 = arith.subf %sub3A_2359, %transpose3A : vector<4x16x128xf32>
    %max3A_2361 = arith.constant 0.000000e+00 : f32
    %max3A_2362 = vector.broadcast %max3A_2361 : f32 to vector<4x16x128xf32>
    %max3A_2363 = arith.maximumf %sub3A_2360, %max3A_2362 : vector<4x16x128xf32>
    %add3A_2364 = arith.addf %add3A_2357, %max3A_2363 : vector<4x16x128xf32>
    %slice3A_2365 = vector.extract_strided_slice %transpose3A_42 {offsets = [0, 0, 53], sizes = [4, 16, 75], strides = [1, 1, 1]} : vector<4x16x128xf32> to vector<4x16x75xf32>
    %slice3A_2366 = vector.extract_strided_slice %transpose3A_42 {offsets = [0, 0, 0], sizes = [4, 16, 53], strides = [1, 1, 1]} : vector<4x16x128xf32> to vector<4x16x53xf32>
    %concatenate3A_2367 = tpu.concatenate %slice3A_2365, %slice3A_2366 in 2 : vector<4x16x75xf32>, vector<4x16x53xf32> -> vector<4x16x128xf32>
    %slice3A_2368 = vector.extract_strided_slice %concatenate3A_2367 {offsets = [0, 0, 0], sizes = [1, 16, 128], strides = [1, 1, 1]} : vector<4x16x128xf32> to vector<1x16x128xf32>
    %sub3A_2369 = vector.broadcast %slice3A_2368 : vector<1x16x128xf32> to vector<4x16x128xf32>
    %sub3A_2370 = arith.subf %sub3A_2369, %transpose3A : vector<4x16x128xf32>
    %max3A_2371 = arith.constant 0.000000e+00 : f32
    %max3A_2372 = vector.broadcast %max3A_2371 : f32 to vector<4x16x128xf32>
    %max3A_2373 = arith.maximumf %sub3A_2370, %max3A_2372 : vector<4x16x128xf32>
    %add3A_2374 = arith.addf %add3A_2364, %max3A_2373 : vector<4x16x128xf32>
    %slice3A_2375 = vector.extract_strided_slice %concatenate3A_2367 {offsets = [1, 0, 0], sizes = [1, 16, 128], strides = [1, 1, 1]} : vector<4x16x128xf32> to vector<1x16x128xf32>
    %sub3A_2376 = vector.broadcast %slice3A_2375 : vector<1x16x128xf32> to vector<4x16x128xf32>
    %sub3A_2377 = arith.subf %sub3A_2376, %transpose3A : vector<4x16x128xf32>
    %max3A_2378 = arith.constant 0.000000e+00 : f32
    %max3A_2379 = vector.broadcast %max3A_2378 : f32 to vector<4x16x128xf32>
    %max3A_2380 = arith.maximumf %sub3A_2377, %max3A_2379 : vector<4x16x128xf32>
    %add3A_2381 = arith.addf %add3A_2374, %max3A_2380 : vector<4x16x128xf32>
    %slice3A_2382 = vector.extract_strided_slice %concatenate3A_2367 {offsets = [2, 0, 0], sizes = [1, 16, 128], strides = [1, 1, 1]} : vector<4x16x128xf32> to vector<1x16x128xf32>
    %sub3A_2383 = vector.broadcast %slice3A_2382 : vector<1x16x128xf32> to vector<4x16x128xf32>
    %sub3A_2384 = arith.subf %sub3A_2383, %transpose3A : vector<4x16x128xf32>
    %max3A_2385 = arith.constant 0.000000e+00 : f32
    %max3A_2386 = vector.broadcast %max3A_2385 : f32 to vector<4x16x128xf32>
    %max3A_2387 = arith.maximumf %sub3A_2384, %max3A_2386 : vector<4x16x128xf32>
    %add3A_2388 = arith.addf %add3A_2381, %max3A_2387 : vector<4x16x128xf32>
    %slice3A_2389 = vector.extract_strided_slice %concatenate3A_2367 {offsets = [3, 0, 0], sizes = [1, 16, 128], strides = [1, 1, 1]} : vector<4x16x128xf32> to vector<1x16x128xf32>
    %sub3A_2390 = vector.broadcast %slice3A_2389 : vector<1x16x128xf32> to vector<4x16x128xf32>
    %sub3A_2391 = arith.subf %sub3A_2390, %transpose3A : vector<4x16x128xf32>
    %max3A_2392 = arith.constant 0.000000e+00 : f32
    %max3A_2393 = vector.broadcast %max3A_2392 : f32 to vector<4x16x128xf32>
    %max3A_2394 = arith.maximumf %sub3A_2391, %max3A_2393 : vector<4x16x128xf32>
    %add3A_2395 = arith.addf %add3A_2388, %max3A_2394 : vector<4x16x128xf32>
    %slice3A_2396 = vector.extract_strided_slice %transpose3A_42 {offsets = [0, 0, 52], sizes = [4, 16, 76], strides = [1, 1, 1]} : vector<4x16x128xf32> to vector<4x16x76xf32>
    %slice3A_2397 = vector.extract_strided_slice %transpose3A_42 {offsets = [0, 0, 0], sizes = [4, 16, 52], strides = [1, 1, 1]} : vector<4x16x128xf32> to vector<4x16x52xf32>
    %concatenate3A_2398 = tpu.concatenate %slice3A_2396, %slice3A_2397 in 2 : vector<4x16x76xf32>, vector<4x16x52xf32> -> vector<4x16x128xf32>
    %slice3A_2399 = vector.extract_strided_slice %concatenate3A_2398 {offsets = [0, 0, 0], sizes = [1, 16, 128], strides = [1, 1, 1]} : vector<4x16x128xf32> to vector<1x16x128xf32>
    %sub3A_2400 = vector.broadcast %slice3A_2399 : vector<1x16x128xf32> to vector<4x16x128xf32>
    %sub3A_2401 = arith.subf %sub3A_2400, %transpose3A : vector<4x16x128xf32>
    %max3A_2402 = arith.constant 0.000000e+00 : f32
    %max3A_2403 = vector.broadcast %max3A_2402 : f32 to vector<4x16x128xf32>
    %max3A_2404 = arith.maximumf %sub3A_2401, %max3A_2403 : vector<4x16x128xf32>
    %add3A_2405 = arith.addf %add3A_2395, %max3A_2404 : vector<4x16x128xf32>
    %slice3A_2406 = vector.extract_strided_slice %concatenate3A_2398 {offsets = [1, 0, 0], sizes = [1, 16, 128], strides = [1, 1, 1]} : vector<4x16x128xf32> to vector<1x16x128xf32>
    %sub3A_2407 = vector.broadcast %slice3A_2406 : vector<1x16x128xf32> to vector<4x16x128xf32>
    %sub3A_2408 = arith.subf %sub3A_2407, %transpose3A : vector<4x16x128xf32>
    %max3A_2409 = arith.constant 0.000000e+00 : f32
    %max3A_2410 = vector.broadcast %max3A_2409 : f32 to vector<4x16x128xf32>
    %max3A_2411 = arith.maximumf %sub3A_2408, %max3A_2410 : vector<4x16x128xf32>
    %add3A_2412 = arith.addf %add3A_2405, %max3A_2411 : vector<4x16x128xf32>
    %slice3A_2413 = vector.extract_strided_slice %concatenate3A_2398 {offsets = [2, 0, 0], sizes = [1, 16, 128], strides = [1, 1, 1]} : vector<4x16x128xf32> to vector<1x16x128xf32>
    %sub3A_2414 = vector.broadcast %slice3A_2413 : vector<1x16x128xf32> to vector<4x16x128xf32>
    %sub3A_2415 = arith.subf %sub3A_2414, %transpose3A : vector<4x16x128xf32>
    %max3A_2416 = arith.constant 0.000000e+00 : f32
    %max3A_2417 = vector.broadcast %max3A_2416 : f32 to vector<4x16x128xf32>
    %max3A_2418 = arith.maximumf %sub3A_2415, %max3A_2417 : vector<4x16x128xf32>
    %add3A_2419 = arith.addf %add3A_2412, %max3A_2418 : vector<4x16x128xf32>
    %slice3A_2420 = vector.extract_strided_slice %concatenate3A_2398 {offsets = [3, 0, 0], sizes = [1, 16, 128], strides = [1, 1, 1]} : vector<4x16x128xf32> to vector<1x16x128xf32>
    %sub3A_2421 = vector.broadcast %slice3A_2420 : vector<1x16x128xf32> to vector<4x16x128xf32>
    %sub3A_2422 = arith.subf %sub3A_2421, %transpose3A : vector<4x16x128xf32>
    %max3A_2423 = arith.constant 0.000000e+00 : f32
    %max3A_2424 = vector.broadcast %max3A_2423 : f32 to vector<4x16x128xf32>
    %max3A_2425 = arith.maximumf %sub3A_2422, %max3A_2424 : vector<4x16x128xf32>
    %add3A_2426 = arith.addf %add3A_2419, %max3A_2425 : vector<4x16x128xf32>
    %slice3A_2427 = vector.extract_strided_slice %transpose3A_42 {offsets = [0, 0, 51], sizes = [4, 16, 77], strides = [1, 1, 1]} : vector<4x16x128xf32> to vector<4x16x77xf32>
    %slice3A_2428 = vector.extract_strided_slice %transpose3A_42 {offsets = [0, 0, 0], sizes = [4, 16, 51], strides = [1, 1, 1]} : vector<4x16x128xf32> to vector<4x16x51xf32>
    %concatenate3A_2429 = tpu.concatenate %slice3A_2427, %slice3A_2428 in 2 : vector<4x16x77xf32>, vector<4x16x51xf32> -> vector<4x16x128xf32>
    %slice3A_2430 = vector.extract_strided_slice %concatenate3A_2429 {offsets = [0, 0, 0], sizes = [1, 16, 128], strides = [1, 1, 1]} : vector<4x16x128xf32> to vector<1x16x128xf32>
    %sub3A_2431 = vector.broadcast %slice3A_2430 : vector<1x16x128xf32> to vector<4x16x128xf32>
    %sub3A_2432 = arith.subf %sub3A_2431, %transpose3A : vector<4x16x128xf32>
    %max3A_2433 = arith.constant 0.000000e+00 : f32
    %max3A_2434 = vector.broadcast %max3A_2433 : f32 to vector<4x16x128xf32>
    %max3A_2435 = arith.maximumf %sub3A_2432, %max3A_2434 : vector<4x16x128xf32>
    %add3A_2436 = arith.addf %add3A_2426, %max3A_2435 : vector<4x16x128xf32>
    %slice3A_2437 = vector.extract_strided_slice %concatenate3A_2429 {offsets = [1, 0, 0], sizes = [1, 16, 128], strides = [1, 1, 1]} : vector<4x16x128xf32> to vector<1x16x128xf32>
    %sub3A_2438 = vector.broadcast %slice3A_2437 : vector<1x16x128xf32> to vector<4x16x128xf32>
    %sub3A_2439 = arith.subf %sub3A_2438, %transpose3A : vector<4x16x128xf32>
    %max3A_2440 = arith.constant 0.000000e+00 : f32
    %max3A_2441 = vector.broadcast %max3A_2440 : f32 to vector<4x16x128xf32>
    %max3A_2442 = arith.maximumf %sub3A_2439, %max3A_2441 : vector<4x16x128xf32>
    %add3A_2443 = arith.addf %add3A_2436, %max3A_2442 : vector<4x16x128xf32>
    %slice3A_2444 = vector.extract_strided_slice %concatenate3A_2429 {offsets = [2, 0, 0], sizes = [1, 16, 128], strides = [1, 1, 1]} : vector<4x16x128xf32> to vector<1x16x128xf32>
    %sub3A_2445 = vector.broadcast %slice3A_2444 : vector<1x16x128xf32> to vector<4x16x128xf32>
    %sub3A_2446 = arith.subf %sub3A_2445, %transpose3A : vector<4x16x128xf32>
    %max3A_2447 = arith.constant 0.000000e+00 : f32
    %max3A_2448 = vector.broadcast %max3A_2447 : f32 to vector<4x16x128xf32>
    %max3A_2449 = arith.maximumf %sub3A_2446, %max3A_2448 : vector<4x16x128xf32>
    %add3A_2450 = arith.addf %add3A_2443, %max3A_2449 : vector<4x16x128xf32>
    %slice3A_2451 = vector.extract_strided_slice %concatenate3A_2429 {offsets = [3, 0, 0], sizes = [1, 16, 128], strides = [1, 1, 1]} : vector<4x16x128xf32> to vector<1x16x128xf32>
    %sub3A_2452 = vector.broadcast %slice3A_2451 : vector<1x16x128xf32> to vector<4x16x128xf32>
    %sub3A_2453 = arith.subf %sub3A_2452, %transpose3A : vector<4x16x128xf32>
    %max3A_2454 = arith.constant 0.000000e+00 : f32
    %max3A_2455 = vector.broadcast %max3A_2454 : f32 to vector<4x16x128xf32>
    %max3A_2456 = arith.maximumf %sub3A_2453, %max3A_2455 : vector<4x16x128xf32>
    %add3A_2457 = arith.addf %add3A_2450, %max3A_2456 : vector<4x16x128xf32>
    %slice3A_2458 = vector.extract_strided_slice %transpose3A_42 {offsets = [0, 0, 50], sizes = [4, 16, 78], strides = [1, 1, 1]} : vector<4x16x128xf32> to vector<4x16x78xf32>
    %slice3A_2459 = vector.extract_strided_slice %transpose3A_42 {offsets = [0, 0, 0], sizes = [4, 16, 50], strides = [1, 1, 1]} : vector<4x16x128xf32> to vector<4x16x50xf32>
    %concatenate3A_2460 = tpu.concatenate %slice3A_2458, %slice3A_2459 in 2 : vector<4x16x78xf32>, vector<4x16x50xf32> -> vector<4x16x128xf32>
    %slice3A_2461 = vector.extract_strided_slice %concatenate3A_2460 {offsets = [0, 0, 0], sizes = [1, 16, 128], strides = [1, 1, 1]} : vector<4x16x128xf32> to vector<1x16x128xf32>
    %sub3A_2462 = vector.broadcast %slice3A_2461 : vector<1x16x128xf32> to vector<4x16x128xf32>
    %sub3A_2463 = arith.subf %sub3A_2462, %transpose3A : vector<4x16x128xf32>
    %max3A_2464 = arith.constant 0.000000e+00 : f32
    %max3A_2465 = vector.broadcast %max3A_2464 : f32 to vector<4x16x128xf32>
    %max3A_2466 = arith.maximumf %sub3A_2463, %max3A_2465 : vector<4x16x128xf32>
    %add3A_2467 = arith.addf %add3A_2457, %max3A_2466 : vector<4x16x128xf32>
    %slice3A_2468 = vector.extract_strided_slice %concatenate3A_2460 {offsets = [1, 0, 0], sizes = [1, 16, 128], strides = [1, 1, 1]} : vector<4x16x128xf32> to vector<1x16x128xf32>
    %sub3A_2469 = vector.broadcast %slice3A_2468 : vector<1x16x128xf32> to vector<4x16x128xf32>
    %sub3A_2470 = arith.subf %sub3A_2469, %transpose3A : vector<4x16x128xf32>
    %max3A_2471 = arith.constant 0.000000e+00 : f32
    %max3A_2472 = vector.broadcast %max3A_2471 : f32 to vector<4x16x128xf32>
    %max3A_2473 = arith.maximumf %sub3A_2470, %max3A_2472 : vector<4x16x128xf32>
    %add3A_2474 = arith.addf %add3A_2467, %max3A_2473 : vector<4x16x128xf32>
    %slice3A_2475 = vector.extract_strided_slice %concatenate3A_2460 {offsets = [2, 0, 0], sizes = [1, 16, 128], strides = [1, 1, 1]} : vector<4x16x128xf32> to vector<1x16x128xf32>
    %sub3A_2476 = vector.broadcast %slice3A_2475 : vector<1x16x128xf32> to vector<4x16x128xf32>
    %sub3A_2477 = arith.subf %sub3A_2476, %transpose3A : vector<4x16x128xf32>
    %max3A_2478 = arith.constant 0.000000e+00 : f32
    %max3A_2479 = vector.broadcast %max3A_2478 : f32 to vector<4x16x128xf32>
    %max3A_2480 = arith.maximumf %sub3A_2477, %max3A_2479 : vector<4x16x128xf32>
    %add3A_2481 = arith.addf %add3A_2474, %max3A_2480 : vector<4x16x128xf32>
    %slice3A_2482 = vector.extract_strided_slice %concatenate3A_2460 {offsets = [3, 0, 0], sizes = [1, 16, 128], strides = [1, 1, 1]} : vector<4x16x128xf32> to vector<1x16x128xf32>
    %sub3A_2483 = vector.broadcast %slice3A_2482 : vector<1x16x128xf32> to vector<4x16x128xf32>
    %sub3A_2484 = arith.subf %sub3A_2483, %transpose3A : vector<4x16x128xf32>
    %max3A_2485 = arith.constant 0.000000e+00 : f32
    %max3A_2486 = vector.broadcast %max3A_2485 : f32 to vector<4x16x128xf32>
    %max3A_2487 = arith.maximumf %sub3A_2484, %max3A_2486 : vector<4x16x128xf32>
    %add3A_2488 = arith.addf %add3A_2481, %max3A_2487 : vector<4x16x128xf32>
    %slice3A_2489 = vector.extract_strided_slice %transpose3A_42 {offsets = [0, 0, 49], sizes = [4, 16, 79], strides = [1, 1, 1]} : vector<4x16x128xf32> to vector<4x16x79xf32>
    %slice3A_2490 = vector.extract_strided_slice %transpose3A_42 {offsets = [0, 0, 0], sizes = [4, 16, 49], strides = [1, 1, 1]} : vector<4x16x128xf32> to vector<4x16x49xf32>
    %concatenate3A_2491 = tpu.concatenate %slice3A_2489, %slice3A_2490 in 2 : vector<4x16x79xf32>, vector<4x16x49xf32> -> vector<4x16x128xf32>
    %slice3A_2492 = vector.extract_strided_slice %concatenate3A_2491 {offsets = [0, 0, 0], sizes = [1, 16, 128], strides = [1, 1, 1]} : vector<4x16x128xf32> to vector<1x16x128xf32>
    %sub3A_2493 = vector.broadcast %slice3A_2492 : vector<1x16x128xf32> to vector<4x16x128xf32>
    %sub3A_2494 = arith.subf %sub3A_2493, %transpose3A : vector<4x16x128xf32>
    %max3A_2495 = arith.constant 0.000000e+00 : f32
    %max3A_2496 = vector.broadcast %max3A_2495 : f32 to vector<4x16x128xf32>
    %max3A_2497 = arith.maximumf %sub3A_2494, %max3A_2496 : vector<4x16x128xf32>
    %add3A_2498 = arith.addf %add3A_2488, %max3A_2497 : vector<4x16x128xf32>
    %slice3A_2499 = vector.extract_strided_slice %concatenate3A_2491 {offsets = [1, 0, 0], sizes = [1, 16, 128], strides = [1, 1, 1]} : vector<4x16x128xf32> to vector<1x16x128xf32>
    %sub3A_2500 = vector.broadcast %slice3A_2499 : vector<1x16x128xf32> to vector<4x16x128xf32>
    %sub3A_2501 = arith.subf %sub3A_2500, %transpose3A : vector<4x16x128xf32>
    %max3A_2502 = arith.constant 0.000000e+00 : f32
    %max3A_2503 = vector.broadcast %max3A_2502 : f32 to vector<4x16x128xf32>
    %max3A_2504 = arith.maximumf %sub3A_2501, %max3A_2503 : vector<4x16x128xf32>
    %add3A_2505 = arith.addf %add3A_2498, %max3A_2504 : vector<4x16x128xf32>
    %slice3A_2506 = vector.extract_strided_slice %concatenate3A_2491 {offsets = [2, 0, 0], sizes = [1, 16, 128], strides = [1, 1, 1]} : vector<4x16x128xf32> to vector<1x16x128xf32>
    %sub3A_2507 = vector.broadcast %slice3A_2506 : vector<1x16x128xf32> to vector<4x16x128xf32>
    %sub3A_2508 = arith.subf %sub3A_2507, %transpose3A : vector<4x16x128xf32>
    %max3A_2509 = arith.constant 0.000000e+00 : f32
    %max3A_2510 = vector.broadcast %max3A_2509 : f32 to vector<4x16x128xf32>
    %max3A_2511 = arith.maximumf %sub3A_2508, %max3A_2510 : vector<4x16x128xf32>
    %add3A_2512 = arith.addf %add3A_2505, %max3A_2511 : vector<4x16x128xf32>
    %slice3A_2513 = vector.extract_strided_slice %concatenate3A_2491 {offsets = [3, 0, 0], sizes = [1, 16, 128], strides = [1, 1, 1]} : vector<4x16x128xf32> to vector<1x16x128xf32>
    %sub3A_2514 = vector.broadcast %slice3A_2513 : vector<1x16x128xf32> to vector<4x16x128xf32>
    %sub3A_2515 = arith.subf %sub3A_2514, %transpose3A : vector<4x16x128xf32>
    %max3A_2516 = arith.constant 0.000000e+00 : f32
    %max3A_2517 = vector.broadcast %max3A_2516 : f32 to vector<4x16x128xf32>
    %max3A_2518 = arith.maximumf %sub3A_2515, %max3A_2517 : vector<4x16x128xf32>
    %add3A_2519 = arith.addf %add3A_2512, %max3A_2518 : vector<4x16x128xf32>
    %slice3A_2520 = vector.extract_strided_slice %transpose3A_42 {offsets = [0, 0, 48], sizes = [4, 16, 80], strides = [1, 1, 1]} : vector<4x16x128xf32> to vector<4x16x80xf32>
    %slice3A_2521 = vector.extract_strided_slice %transpose3A_42 {offsets = [0, 0, 0], sizes = [4, 16, 48], strides = [1, 1, 1]} : vector<4x16x128xf32> to vector<4x16x48xf32>
    %concatenate3A_2522 = tpu.concatenate %slice3A_2520, %slice3A_2521 in 2 : vector<4x16x80xf32>, vector<4x16x48xf32> -> vector<4x16x128xf32>
    %slice3A_2523 = vector.extract_strided_slice %concatenate3A_2522 {offsets = [0, 0, 0], sizes = [1, 16, 128], strides = [1, 1, 1]} : vector<4x16x128xf32> to vector<1x16x128xf32>
    %sub3A_2524 = vector.broadcast %slice3A_2523 : vector<1x16x128xf32> to vector<4x16x128xf32>
    %sub3A_2525 = arith.subf %sub3A_2524, %transpose3A : vector<4x16x128xf32>
    %max3A_2526 = arith.constant 0.000000e+00 : f32
    %max3A_2527 = vector.broadcast %max3A_2526 : f32 to vector<4x16x128xf32>
    %max3A_2528 = arith.maximumf %sub3A_2525, %max3A_2527 : vector<4x16x128xf32>
    %add3A_2529 = arith.addf %add3A_2519, %max3A_2528 : vector<4x16x128xf32>
    %slice3A_2530 = vector.extract_strided_slice %concatenate3A_2522 {offsets = [1, 0, 0], sizes = [1, 16, 128], strides = [1, 1, 1]} : vector<4x16x128xf32> to vector<1x16x128xf32>
    %sub3A_2531 = vector.broadcast %slice3A_2530 : vector<1x16x128xf32> to vector<4x16x128xf32>
    %sub3A_2532 = arith.subf %sub3A_2531, %transpose3A : vector<4x16x128xf32>
    %max3A_2533 = arith.constant 0.000000e+00 : f32
    %max3A_2534 = vector.broadcast %max3A_2533 : f32 to vector<4x16x128xf32>
    %max3A_2535 = arith.maximumf %sub3A_2532, %max3A_2534 : vector<4x16x128xf32>
    %add3A_2536 = arith.addf %add3A_2529, %max3A_2535 : vector<4x16x128xf32>
    %slice3A_2537 = vector.extract_strided_slice %concatenate3A_2522 {offsets = [2, 0, 0], sizes = [1, 16, 128], strides = [1, 1, 1]} : vector<4x16x128xf32> to vector<1x16x128xf32>
    %sub3A_2538 = vector.broadcast %slice3A_2537 : vector<1x16x128xf32> to vector<4x16x128xf32>
    %sub3A_2539 = arith.subf %sub3A_2538, %transpose3A : vector<4x16x128xf32>
    %max3A_2540 = arith.constant 0.000000e+00 : f32
    %max3A_2541 = vector.broadcast %max3A_2540 : f32 to vector<4x16x128xf32>
    %max3A_2542 = arith.maximumf %sub3A_2539, %max3A_2541 : vector<4x16x128xf32>
    %add3A_2543 = arith.addf %add3A_2536, %max3A_2542 : vector<4x16x128xf32>
    %slice3A_2544 = vector.extract_strided_slice %concatenate3A_2522 {offsets = [3, 0, 0], sizes = [1, 16, 128], strides = [1, 1, 1]} : vector<4x16x128xf32> to vector<1x16x128xf32>
    %sub3A_2545 = vector.broadcast %slice3A_2544 : vector<1x16x128xf32> to vector<4x16x128xf32>
    %sub3A_2546 = arith.subf %sub3A_2545, %transpose3A : vector<4x16x128xf32>
    %max3A_2547 = arith.constant 0.000000e+00 : f32
    %max3A_2548 = vector.broadcast %max3A_2547 : f32 to vector<4x16x128xf32>
    %max3A_2549 = arith.maximumf %sub3A_2546, %max3A_2548 : vector<4x16x128xf32>
    %add3A_2550 = arith.addf %add3A_2543, %max3A_2549 : vector<4x16x128xf32>
    %slice3A_2551 = vector.extract_strided_slice %transpose3A_42 {offsets = [0, 0, 47], sizes = [4, 16, 81], strides = [1, 1, 1]} : vector<4x16x128xf32> to vector<4x16x81xf32>
    %slice3A_2552 = vector.extract_strided_slice %transpose3A_42 {offsets = [0, 0, 0], sizes = [4, 16, 47], strides = [1, 1, 1]} : vector<4x16x128xf32> to vector<4x16x47xf32>
    %concatenate3A_2553 = tpu.concatenate %slice3A_2551, %slice3A_2552 in 2 : vector<4x16x81xf32>, vector<4x16x47xf32> -> vector<4x16x128xf32>
    %slice3A_2554 = vector.extract_strided_slice %concatenate3A_2553 {offsets = [0, 0, 0], sizes = [1, 16, 128], strides = [1, 1, 1]} : vector<4x16x128xf32> to vector<1x16x128xf32>
    %sub3A_2555 = vector.broadcast %slice3A_2554 : vector<1x16x128xf32> to vector<4x16x128xf32>
    %sub3A_2556 = arith.subf %sub3A_2555, %transpose3A : vector<4x16x128xf32>
    %max3A_2557 = arith.constant 0.000000e+00 : f32
    %max3A_2558 = vector.broadcast %max3A_2557 : f32 to vector<4x16x128xf32>
    %max3A_2559 = arith.maximumf %sub3A_2556, %max3A_2558 : vector<4x16x128xf32>
    %add3A_2560 = arith.addf %add3A_2550, %max3A_2559 : vector<4x16x128xf32>
    %slice3A_2561 = vector.extract_strided_slice %concatenate3A_2553 {offsets = [1, 0, 0], sizes = [1, 16, 128], strides = [1, 1, 1]} : vector<4x16x128xf32> to vector<1x16x128xf32>
    %sub3A_2562 = vector.broadcast %slice3A_2561 : vector<1x16x128xf32> to vector<4x16x128xf32>
    %sub3A_2563 = arith.subf %sub3A_2562, %transpose3A : vector<4x16x128xf32>
    %max3A_2564 = arith.constant 0.000000e+00 : f32
    %max3A_2565 = vector.broadcast %max3A_2564 : f32 to vector<4x16x128xf32>
    %max3A_2566 = arith.maximumf %sub3A_2563, %max3A_2565 : vector<4x16x128xf32>
    %add3A_2567 = arith.addf %add3A_2560, %max3A_2566 : vector<4x16x128xf32>
    %slice3A_2568 = vector.extract_strided_slice %concatenate3A_2553 {offsets = [2, 0, 0], sizes = [1, 16, 128], strides = [1, 1, 1]} : vector<4x16x128xf32> to vector<1x16x128xf32>
    %sub3A_2569 = vector.broadcast %slice3A_2568 : vector<1x16x128xf32> to vector<4x16x128xf32>
    %sub3A_2570 = arith.subf %sub3A_2569, %transpose3A : vector<4x16x128xf32>
    %max3A_2571 = arith.constant 0.000000e+00 : f32
    %max3A_2572 = vector.broadcast %max3A_2571 : f32 to vector<4x16x128xf32>
    %max3A_2573 = arith.maximumf %sub3A_2570, %max3A_2572 : vector<4x16x128xf32>
    %add3A_2574 = arith.addf %add3A_2567, %max3A_2573 : vector<4x16x128xf32>
    %slice3A_2575 = vector.extract_strided_slice %concatenate3A_2553 {offsets = [3, 0, 0], sizes = [1, 16, 128], strides = [1, 1, 1]} : vector<4x16x128xf32> to vector<1x16x128xf32>
    %sub3A_2576 = vector.broadcast %slice3A_2575 : vector<1x16x128xf32> to vector<4x16x128xf32>
    %sub3A_2577 = arith.subf %sub3A_2576, %transpose3A : vector<4x16x128xf32>
    %max3A_2578 = arith.constant 0.000000e+00 : f32
    %max3A_2579 = vector.broadcast %max3A_2578 : f32 to vector<4x16x128xf32>
    %max3A_2580 = arith.maximumf %sub3A_2577, %max3A_2579 : vector<4x16x128xf32>
    %add3A_2581 = arith.addf %add3A_2574, %max3A_2580 : vector<4x16x128xf32>
    %slice3A_2582 = vector.extract_strided_slice %transpose3A_42 {offsets = [0, 0, 46], sizes = [4, 16, 82], strides = [1, 1, 1]} : vector<4x16x128xf32> to vector<4x16x82xf32>
    %slice3A_2583 = vector.extract_strided_slice %transpose3A_42 {offsets = [0, 0, 0], sizes = [4, 16, 46], strides = [1, 1, 1]} : vector<4x16x128xf32> to vector<4x16x46xf32>
    %concatenate3A_2584 = tpu.concatenate %slice3A_2582, %slice3A_2583 in 2 : vector<4x16x82xf32>, vector<4x16x46xf32> -> vector<4x16x128xf32>
    %slice3A_2585 = vector.extract_strided_slice %concatenate3A_2584 {offsets = [0, 0, 0], sizes = [1, 16, 128], strides = [1, 1, 1]} : vector<4x16x128xf32> to vector<1x16x128xf32>
    %sub3A_2586 = vector.broadcast %slice3A_2585 : vector<1x16x128xf32> to vector<4x16x128xf32>
    %sub3A_2587 = arith.subf %sub3A_2586, %transpose3A : vector<4x16x128xf32>
    %max3A_2588 = arith.constant 0.000000e+00 : f32
    %max3A_2589 = vector.broadcast %max3A_2588 : f32 to vector<4x16x128xf32>
    %max3A_2590 = arith.maximumf %sub3A_2587, %max3A_2589 : vector<4x16x128xf32>
    %add3A_2591 = arith.addf %add3A_2581, %max3A_2590 : vector<4x16x128xf32>
    %slice3A_2592 = vector.extract_strided_slice %concatenate3A_2584 {offsets = [1, 0, 0], sizes = [1, 16, 128], strides = [1, 1, 1]} : vector<4x16x128xf32> to vector<1x16x128xf32>
    %sub3A_2593 = vector.broadcast %slice3A_2592 : vector<1x16x128xf32> to vector<4x16x128xf32>
    %sub3A_2594 = arith.subf %sub3A_2593, %transpose3A : vector<4x16x128xf32>
    %max3A_2595 = arith.constant 0.000000e+00 : f32
    %max3A_2596 = vector.broadcast %max3A_2595 : f32 to vector<4x16x128xf32>
    %max3A_2597 = arith.maximumf %sub3A_2594, %max3A_2596 : vector<4x16x128xf32>
    %add3A_2598 = arith.addf %add3A_2591, %max3A_2597 : vector<4x16x128xf32>
    %slice3A_2599 = vector.extract_strided_slice %concatenate3A_2584 {offsets = [2, 0, 0], sizes = [1, 16, 128], strides = [1, 1, 1]} : vector<4x16x128xf32> to vector<1x16x128xf32>
    %sub3A_2600 = vector.broadcast %slice3A_2599 : vector<1x16x128xf32> to vector<4x16x128xf32>
    %sub3A_2601 = arith.subf %sub3A_2600, %transpose3A : vector<4x16x128xf32>
    %max3A_2602 = arith.constant 0.000000e+00 : f32
    %max3A_2603 = vector.broadcast %max3A_2602 : f32 to vector<4x16x128xf32>
    %max3A_2604 = arith.maximumf %sub3A_2601, %max3A_2603 : vector<4x16x128xf32>
    %add3A_2605 = arith.addf %add3A_2598, %max3A_2604 : vector<4x16x128xf32>
    %slice3A_2606 = vector.extract_strided_slice %concatenate3A_2584 {offsets = [3, 0, 0], sizes = [1, 16, 128], strides = [1, 1, 1]} : vector<4x16x128xf32> to vector<1x16x128xf32>
    %sub3A_2607 = vector.broadcast %slice3A_2606 : vector<1x16x128xf32> to vector<4x16x128xf32>
    %sub3A_2608 = arith.subf %sub3A_2607, %transpose3A : vector<4x16x128xf32>
    %max3A_2609 = arith.constant 0.000000e+00 : f32
    %max3A_2610 = vector.broadcast %max3A_2609 : f32 to vector<4x16x128xf32>
    %max3A_2611 = arith.maximumf %sub3A_2608, %max3A_2610 : vector<4x16x128xf32>
    %add3A_2612 = arith.addf %add3A_2605, %max3A_2611 : vector<4x16x128xf32>
    %slice3A_2613 = vector.extract_strided_slice %transpose3A_42 {offsets = [0, 0, 45], sizes = [4, 16, 83], strides = [1, 1, 1]} : vector<4x16x128xf32> to vector<4x16x83xf32>
    %slice3A_2614 = vector.extract_strided_slice %transpose3A_42 {offsets = [0, 0, 0], sizes = [4, 16, 45], strides = [1, 1, 1]} : vector<4x16x128xf32> to vector<4x16x45xf32>
    %concatenate3A_2615 = tpu.concatenate %slice3A_2613, %slice3A_2614 in 2 : vector<4x16x83xf32>, vector<4x16x45xf32> -> vector<4x16x128xf32>
    %slice3A_2616 = vector.extract_strided_slice %concatenate3A_2615 {offsets = [0, 0, 0], sizes = [1, 16, 128], strides = [1, 1, 1]} : vector<4x16x128xf32> to vector<1x16x128xf32>
    %sub3A_2617 = vector.broadcast %slice3A_2616 : vector<1x16x128xf32> to vector<4x16x128xf32>
    %sub3A_2618 = arith.subf %sub3A_2617, %transpose3A : vector<4x16x128xf32>
    %max3A_2619 = arith.constant 0.000000e+00 : f32
    %max3A_2620 = vector.broadcast %max3A_2619 : f32 to vector<4x16x128xf32>
    %max3A_2621 = arith.maximumf %sub3A_2618, %max3A_2620 : vector<4x16x128xf32>
    %add3A_2622 = arith.addf %add3A_2612, %max3A_2621 : vector<4x16x128xf32>
    %slice3A_2623 = vector.extract_strided_slice %concatenate3A_2615 {offsets = [1, 0, 0], sizes = [1, 16, 128], strides = [1, 1, 1]} : vector<4x16x128xf32> to vector<1x16x128xf32>
    %sub3A_2624 = vector.broadcast %slice3A_2623 : vector<1x16x128xf32> to vector<4x16x128xf32>
    %sub3A_2625 = arith.subf %sub3A_2624, %transpose3A : vector<4x16x128xf32>
    %max3A_2626 = arith.constant 0.000000e+00 : f32
    %max3A_2627 = vector.broadcast %max3A_2626 : f32 to vector<4x16x128xf32>
    %max3A_2628 = arith.maximumf %sub3A_2625, %max3A_2627 : vector<4x16x128xf32>
    %add3A_2629 = arith.addf %add3A_2622, %max3A_2628 : vector<4x16x128xf32>
    %slice3A_2630 = vector.extract_strided_slice %concatenate3A_2615 {offsets = [2, 0, 0], sizes = [1, 16, 128], strides = [1, 1, 1]} : vector<4x16x128xf32> to vector<1x16x128xf32>
    %sub3A_2631 = vector.broadcast %slice3A_2630 : vector<1x16x128xf32> to vector<4x16x128xf32>
    %sub3A_2632 = arith.subf %sub3A_2631, %transpose3A : vector<4x16x128xf32>
    %max3A_2633 = arith.constant 0.000000e+00 : f32
    %max3A_2634 = vector.broadcast %max3A_2633 : f32 to vector<4x16x128xf32>
    %max3A_2635 = arith.maximumf %sub3A_2632, %max3A_2634 : vector<4x16x128xf32>
    %add3A_2636 = arith.addf %add3A_2629, %max3A_2635 : vector<4x16x128xf32>
    %slice3A_2637 = vector.extract_strided_slice %concatenate3A_2615 {offsets = [3, 0, 0], sizes = [1, 16, 128], strides = [1, 1, 1]} : vector<4x16x128xf32> to vector<1x16x128xf32>
    %sub3A_2638 = vector.broadcast %slice3A_2637 : vector<1x16x128xf32> to vector<4x16x128xf32>
    %sub3A_2639 = arith.subf %sub3A_2638, %transpose3A : vector<4x16x128xf32>
    %max3A_2640 = arith.constant 0.000000e+00 : f32
    %max3A_2641 = vector.broadcast %max3A_2640 : f32 to vector<4x16x128xf32>
    %max3A_2642 = arith.maximumf %sub3A_2639, %max3A_2641 : vector<4x16x128xf32>
    %add3A_2643 = arith.addf %add3A_2636, %max3A_2642 : vector<4x16x128xf32>
    %slice3A_2644 = vector.extract_strided_slice %transpose3A_42 {offsets = [0, 0, 44], sizes = [4, 16, 84], strides = [1, 1, 1]} : vector<4x16x128xf32> to vector<4x16x84xf32>
    %slice3A_2645 = vector.extract_strided_slice %transpose3A_42 {offsets = [0, 0, 0], sizes = [4, 16, 44], strides = [1, 1, 1]} : vector<4x16x128xf32> to vector<4x16x44xf32>
    %concatenate3A_2646 = tpu.concatenate %slice3A_2644, %slice3A_2645 in 2 : vector<4x16x84xf32>, vector<4x16x44xf32> -> vector<4x16x128xf32>
    %slice3A_2647 = vector.extract_strided_slice %concatenate3A_2646 {offsets = [0, 0, 0], sizes = [1, 16, 128], strides = [1, 1, 1]} : vector<4x16x128xf32> to vector<1x16x128xf32>
    %sub3A_2648 = vector.broadcast %slice3A_2647 : vector<1x16x128xf32> to vector<4x16x128xf32>
    %sub3A_2649 = arith.subf %sub3A_2648, %transpose3A : vector<4x16x128xf32>
    %max3A_2650 = arith.constant 0.000000e+00 : f32
    %max3A_2651 = vector.broadcast %max3A_2650 : f32 to vector<4x16x128xf32>
    %max3A_2652 = arith.maximumf %sub3A_2649, %max3A_2651 : vector<4x16x128xf32>
    %add3A_2653 = arith.addf %add3A_2643, %max3A_2652 : vector<4x16x128xf32>
    %slice3A_2654 = vector.extract_strided_slice %concatenate3A_2646 {offsets = [1, 0, 0], sizes = [1, 16, 128], strides = [1, 1, 1]} : vector<4x16x128xf32> to vector<1x16x128xf32>
    %sub3A_2655 = vector.broadcast %slice3A_2654 : vector<1x16x128xf32> to vector<4x16x128xf32>
    %sub3A_2656 = arith.subf %sub3A_2655, %transpose3A : vector<4x16x128xf32>
    %max3A_2657 = arith.constant 0.000000e+00 : f32
    %max3A_2658 = vector.broadcast %max3A_2657 : f32 to vector<4x16x128xf32>
    %max3A_2659 = arith.maximumf %sub3A_2656, %max3A_2658 : vector<4x16x128xf32>
    %add3A_2660 = arith.addf %add3A_2653, %max3A_2659 : vector<4x16x128xf32>
    %slice3A_2661 = vector.extract_strided_slice %concatenate3A_2646 {offsets = [2, 0, 0], sizes = [1, 16, 128], strides = [1, 1, 1]} : vector<4x16x128xf32> to vector<1x16x128xf32>
    %sub3A_2662 = vector.broadcast %slice3A_2661 : vector<1x16x128xf32> to vector<4x16x128xf32>
    %sub3A_2663 = arith.subf %sub3A_2662, %transpose3A : vector<4x16x128xf32>
    %max3A_2664 = arith.constant 0.000000e+00 : f32
    %max3A_2665 = vector.broadcast %max3A_2664 : f32 to vector<4x16x128xf32>
    %max3A_2666 = arith.maximumf %sub3A_2663, %max3A_2665 : vector<4x16x128xf32>
    %add3A_2667 = arith.addf %add3A_2660, %max3A_2666 : vector<4x16x128xf32>
    %slice3A_2668 = vector.extract_strided_slice %concatenate3A_2646 {offsets = [3, 0, 0], sizes = [1, 16, 128], strides = [1, 1, 1]} : vector<4x16x128xf32> to vector<1x16x128xf32>
    %sub3A_2669 = vector.broadcast %slice3A_2668 : vector<1x16x128xf32> to vector<4x16x128xf32>
    %sub3A_2670 = arith.subf %sub3A_2669, %transpose3A : vector<4x16x128xf32>
    %max3A_2671 = arith.constant 0.000000e+00 : f32
    %max3A_2672 = vector.broadcast %max3A_2671 : f32 to vector<4x16x128xf32>
    %max3A_2673 = arith.maximumf %sub3A_2670, %max3A_2672 : vector<4x16x128xf32>
    %add3A_2674 = arith.addf %add3A_2667, %max3A_2673 : vector<4x16x128xf32>
    %slice3A_2675 = vector.extract_strided_slice %transpose3A_42 {offsets = [0, 0, 43], sizes = [4, 16, 85], strides = [1, 1, 1]} : vector<4x16x128xf32> to vector<4x16x85xf32>
    %slice3A_2676 = vector.extract_strided_slice %transpose3A_42 {offsets = [0, 0, 0], sizes = [4, 16, 43], strides = [1, 1, 1]} : vector<4x16x128xf32> to vector<4x16x43xf32>
    %concatenate3A_2677 = tpu.concatenate %slice3A_2675, %slice3A_2676 in 2 : vector<4x16x85xf32>, vector<4x16x43xf32> -> vector<4x16x128xf32>
    %slice3A_2678 = vector.extract_strided_slice %concatenate3A_2677 {offsets = [0, 0, 0], sizes = [1, 16, 128], strides = [1, 1, 1]} : vector<4x16x128xf32> to vector<1x16x128xf32>
    %sub3A_2679 = vector.broadcast %slice3A_2678 : vector<1x16x128xf32> to vector<4x16x128xf32>
    %sub3A_2680 = arith.subf %sub3A_2679, %transpose3A : vector<4x16x128xf32>
    %max3A_2681 = arith.constant 0.000000e+00 : f32
    %max3A_2682 = vector.broadcast %max3A_2681 : f32 to vector<4x16x128xf32>
    %max3A_2683 = arith.maximumf %sub3A_2680, %max3A_2682 : vector<4x16x128xf32>
    %add3A_2684 = arith.addf %add3A_2674, %max3A_2683 : vector<4x16x128xf32>
    %slice3A_2685 = vector.extract_strided_slice %concatenate3A_2677 {offsets = [1, 0, 0], sizes = [1, 16, 128], strides = [1, 1, 1]} : vector<4x16x128xf32> to vector<1x16x128xf32>
    %sub3A_2686 = vector.broadcast %slice3A_2685 : vector<1x16x128xf32> to vector<4x16x128xf32>
    %sub3A_2687 = arith.subf %sub3A_2686, %transpose3A : vector<4x16x128xf32>
    %max3A_2688 = arith.constant 0.000000e+00 : f32
    %max3A_2689 = vector.broadcast %max3A_2688 : f32 to vector<4x16x128xf32>
    %max3A_2690 = arith.maximumf %sub3A_2687, %max3A_2689 : vector<4x16x128xf32>
    %add3A_2691 = arith.addf %add3A_2684, %max3A_2690 : vector<4x16x128xf32>
    %slice3A_2692 = vector.extract_strided_slice %concatenate3A_2677 {offsets = [2, 0, 0], sizes = [1, 16, 128], strides = [1, 1, 1]} : vector<4x16x128xf32> to vector<1x16x128xf32>
    %sub3A_2693 = vector.broadcast %slice3A_2692 : vector<1x16x128xf32> to vector<4x16x128xf32>
    %sub3A_2694 = arith.subf %sub3A_2693, %transpose3A : vector<4x16x128xf32>
    %max3A_2695 = arith.constant 0.000000e+00 : f32
    %max3A_2696 = vector.broadcast %max3A_2695 : f32 to vector<4x16x128xf32>
    %max3A_2697 = arith.maximumf %sub3A_2694, %max3A_2696 : vector<4x16x128xf32>
    %add3A_2698 = arith.addf %add3A_2691, %max3A_2697 : vector<4x16x128xf32>
    %slice3A_2699 = vector.extract_strided_slice %concatenate3A_2677 {offsets = [3, 0, 0], sizes = [1, 16, 128], strides = [1, 1, 1]} : vector<4x16x128xf32> to vector<1x16x128xf32>
    %sub3A_2700 = vector.broadcast %slice3A_2699 : vector<1x16x128xf32> to vector<4x16x128xf32>
    %sub3A_2701 = arith.subf %sub3A_2700, %transpose3A : vector<4x16x128xf32>
    %max3A_2702 = arith.constant 0.000000e+00 : f32
    %max3A_2703 = vector.broadcast %max3A_2702 : f32 to vector<4x16x128xf32>
    %max3A_2704 = arith.maximumf %sub3A_2701, %max3A_2703 : vector<4x16x128xf32>
    %add3A_2705 = arith.addf %add3A_2698, %max3A_2704 : vector<4x16x128xf32>
    %slice3A_2706 = vector.extract_strided_slice %transpose3A_42 {offsets = [0, 0, 42], sizes = [4, 16, 86], strides = [1, 1, 1]} : vector<4x16x128xf32> to vector<4x16x86xf32>
    %slice3A_2707 = vector.extract_strided_slice %transpose3A_42 {offsets = [0, 0, 0], sizes = [4, 16, 42], strides = [1, 1, 1]} : vector<4x16x128xf32> to vector<4x16x42xf32>
    %concatenate3A_2708 = tpu.concatenate %slice3A_2706, %slice3A_2707 in 2 : vector<4x16x86xf32>, vector<4x16x42xf32> -> vector<4x16x128xf32>
    %slice3A_2709 = vector.extract_strided_slice %concatenate3A_2708 {offsets = [0, 0, 0], sizes = [1, 16, 128], strides = [1, 1, 1]} : vector<4x16x128xf32> to vector<1x16x128xf32>
    %sub3A_2710 = vector.broadcast %slice3A_2709 : vector<1x16x128xf32> to vector<4x16x128xf32>
    %sub3A_2711 = arith.subf %sub3A_2710, %transpose3A : vector<4x16x128xf32>
    %max3A_2712 = arith.constant 0.000000e+00 : f32
    %max3A_2713 = vector.broadcast %max3A_2712 : f32 to vector<4x16x128xf32>
    %max3A_2714 = arith.maximumf %sub3A_2711, %max3A_2713 : vector<4x16x128xf32>
    %add3A_2715 = arith.addf %add3A_2705, %max3A_2714 : vector<4x16x128xf32>
    %slice3A_2716 = vector.extract_strided_slice %concatenate3A_2708 {offsets = [1, 0, 0], sizes = [1, 16, 128], strides = [1, 1, 1]} : vector<4x16x128xf32> to vector<1x16x128xf32>
    %sub3A_2717 = vector.broadcast %slice3A_2716 : vector<1x16x128xf32> to vector<4x16x128xf32>
    %sub3A_2718 = arith.subf %sub3A_2717, %transpose3A : vector<4x16x128xf32>
    %max3A_2719 = arith.constant 0.000000e+00 : f32
    %max3A_2720 = vector.broadcast %max3A_2719 : f32 to vector<4x16x128xf32>
    %max3A_2721 = arith.maximumf %sub3A_2718, %max3A_2720 : vector<4x16x128xf32>
    %add3A_2722 = arith.addf %add3A_2715, %max3A_2721 : vector<4x16x128xf32>
    %slice3A_2723 = vector.extract_strided_slice %concatenate3A_2708 {offsets = [2, 0, 0], sizes = [1, 16, 128], strides = [1, 1, 1]} : vector<4x16x128xf32> to vector<1x16x128xf32>
    %sub3A_2724 = vector.broadcast %slice3A_2723 : vector<1x16x128xf32> to vector<4x16x128xf32>
    %sub3A_2725 = arith.subf %sub3A_2724, %transpose3A : vector<4x16x128xf32>
    %max3A_2726 = arith.constant 0.000000e+00 : f32
    %max3A_2727 = vector.broadcast %max3A_2726 : f32 to vector<4x16x128xf32>
    %max3A_2728 = arith.maximumf %sub3A_2725, %max3A_2727 : vector<4x16x128xf32>
    %add3A_2729 = arith.addf %add3A_2722, %max3A_2728 : vector<4x16x128xf32>
    %slice3A_2730 = vector.extract_strided_slice %concatenate3A_2708 {offsets = [3, 0, 0], sizes = [1, 16, 128], strides = [1, 1, 1]} : vector<4x16x128xf32> to vector<1x16x128xf32>
    %sub3A_2731 = vector.broadcast %slice3A_2730 : vector<1x16x128xf32> to vector<4x16x128xf32>
    %sub3A_2732 = arith.subf %sub3A_2731, %transpose3A : vector<4x16x128xf32>
    %max3A_2733 = arith.constant 0.000000e+00 : f32
    %max3A_2734 = vector.broadcast %max3A_2733 : f32 to vector<4x16x128xf32>
    %max3A_2735 = arith.maximumf %sub3A_2732, %max3A_2734 : vector<4x16x128xf32>
    %add3A_2736 = arith.addf %add3A_2729, %max3A_2735 : vector<4x16x128xf32>
    %slice3A_2737 = vector.extract_strided_slice %transpose3A_42 {offsets = [0, 0, 41], sizes = [4, 16, 87], strides = [1, 1, 1]} : vector<4x16x128xf32> to vector<4x16x87xf32>
    %slice3A_2738 = vector.extract_strided_slice %transpose3A_42 {offsets = [0, 0, 0], sizes = [4, 16, 41], strides = [1, 1, 1]} : vector<4x16x128xf32> to vector<4x16x41xf32>
    %concatenate3A_2739 = tpu.concatenate %slice3A_2737, %slice3A_2738 in 2 : vector<4x16x87xf32>, vector<4x16x41xf32> -> vector<4x16x128xf32>
    %slice3A_2740 = vector.extract_strided_slice %concatenate3A_2739 {offsets = [0, 0, 0], sizes = [1, 16, 128], strides = [1, 1, 1]} : vector<4x16x128xf32> to vector<1x16x128xf32>
    %sub3A_2741 = vector.broadcast %slice3A_2740 : vector<1x16x128xf32> to vector<4x16x128xf32>
    %sub3A_2742 = arith.subf %sub3A_2741, %transpose3A : vector<4x16x128xf32>
    %max3A_2743 = arith.constant 0.000000e+00 : f32
    %max3A_2744 = vector.broadcast %max3A_2743 : f32 to vector<4x16x128xf32>
    %max3A_2745 = arith.maximumf %sub3A_2742, %max3A_2744 : vector<4x16x128xf32>
    %add3A_2746 = arith.addf %add3A_2736, %max3A_2745 : vector<4x16x128xf32>
    %slice3A_2747 = vector.extract_strided_slice %concatenate3A_2739 {offsets = [1, 0, 0], sizes = [1, 16, 128], strides = [1, 1, 1]} : vector<4x16x128xf32> to vector<1x16x128xf32>
    %sub3A_2748 = vector.broadcast %slice3A_2747 : vector<1x16x128xf32> to vector<4x16x128xf32>
    %sub3A_2749 = arith.subf %sub3A_2748, %transpose3A : vector<4x16x128xf32>
    %max3A_2750 = arith.constant 0.000000e+00 : f32
    %max3A_2751 = vector.broadcast %max3A_2750 : f32 to vector<4x16x128xf32>
    %max3A_2752 = arith.maximumf %sub3A_2749, %max3A_2751 : vector<4x16x128xf32>
    %add3A_2753 = arith.addf %add3A_2746, %max3A_2752 : vector<4x16x128xf32>
    %slice3A_2754 = vector.extract_strided_slice %concatenate3A_2739 {offsets = [2, 0, 0], sizes = [1, 16, 128], strides = [1, 1, 1]} : vector<4x16x128xf32> to vector<1x16x128xf32>
    %sub3A_2755 = vector.broadcast %slice3A_2754 : vector<1x16x128xf32> to vector<4x16x128xf32>
    %sub3A_2756 = arith.subf %sub3A_2755, %transpose3A : vector<4x16x128xf32>
    %max3A_2757 = arith.constant 0.000000e+00 : f32
    %max3A_2758 = vector.broadcast %max3A_2757 : f32 to vector<4x16x128xf32>
    %max3A_2759 = arith.maximumf %sub3A_2756, %max3A_2758 : vector<4x16x128xf32>
    %add3A_2760 = arith.addf %add3A_2753, %max3A_2759 : vector<4x16x128xf32>
    %slice3A_2761 = vector.extract_strided_slice %concatenate3A_2739 {offsets = [3, 0, 0], sizes = [1, 16, 128], strides = [1, 1, 1]} : vector<4x16x128xf32> to vector<1x16x128xf32>
    %sub3A_2762 = vector.broadcast %slice3A_2761 : vector<1x16x128xf32> to vector<4x16x128xf32>
    %sub3A_2763 = arith.subf %sub3A_2762, %transpose3A : vector<4x16x128xf32>
    %max3A_2764 = arith.constant 0.000000e+00 : f32
    %max3A_2765 = vector.broadcast %max3A_2764 : f32 to vector<4x16x128xf32>
    %max3A_2766 = arith.maximumf %sub3A_2763, %max3A_2765 : vector<4x16x128xf32>
    %add3A_2767 = arith.addf %add3A_2760, %max3A_2766 : vector<4x16x128xf32>
    %slice3A_2768 = vector.extract_strided_slice %transpose3A_42 {offsets = [0, 0, 40], sizes = [4, 16, 88], strides = [1, 1, 1]} : vector<4x16x128xf32> to vector<4x16x88xf32>
    %slice3A_2769 = vector.extract_strided_slice %transpose3A_42 {offsets = [0, 0, 0], sizes = [4, 16, 40], strides = [1, 1, 1]} : vector<4x16x128xf32> to vector<4x16x40xf32>
    %concatenate3A_2770 = tpu.concatenate %slice3A_2768, %slice3A_2769 in 2 : vector<4x16x88xf32>, vector<4x16x40xf32> -> vector<4x16x128xf32>
    %slice3A_2771 = vector.extract_strided_slice %concatenate3A_2770 {offsets = [0, 0, 0], sizes = [1, 16, 128], strides = [1, 1, 1]} : vector<4x16x128xf32> to vector<1x16x128xf32>
    %sub3A_2772 = vector.broadcast %slice3A_2771 : vector<1x16x128xf32> to vector<4x16x128xf32>
    %sub3A_2773 = arith.subf %sub3A_2772, %transpose3A : vector<4x16x128xf32>
    %max3A_2774 = arith.constant 0.000000e+00 : f32
    %max3A_2775 = vector.broadcast %max3A_2774 : f32 to vector<4x16x128xf32>
    %max3A_2776 = arith.maximumf %sub3A_2773, %max3A_2775 : vector<4x16x128xf32>
    %add3A_2777 = arith.addf %add3A_2767, %max3A_2776 : vector<4x16x128xf32>
    %slice3A_2778 = vector.extract_strided_slice %concatenate3A_2770 {offsets = [1, 0, 0], sizes = [1, 16, 128], strides = [1, 1, 1]} : vector<4x16x128xf32> to vector<1x16x128xf32>
    %sub3A_2779 = vector.broadcast %slice3A_2778 : vector<1x16x128xf32> to vector<4x16x128xf32>
    %sub3A_2780 = arith.subf %sub3A_2779, %transpose3A : vector<4x16x128xf32>
    %max3A_2781 = arith.constant 0.000000e+00 : f32
    %max3A_2782 = vector.broadcast %max3A_2781 : f32 to vector<4x16x128xf32>
    %max3A_2783 = arith.maximumf %sub3A_2780, %max3A_2782 : vector<4x16x128xf32>
    %add3A_2784 = arith.addf %add3A_2777, %max3A_2783 : vector<4x16x128xf32>
    %slice3A_2785 = vector.extract_strided_slice %concatenate3A_2770 {offsets = [2, 0, 0], sizes = [1, 16, 128], strides = [1, 1, 1]} : vector<4x16x128xf32> to vector<1x16x128xf32>
    %sub3A_2786 = vector.broadcast %slice3A_2785 : vector<1x16x128xf32> to vector<4x16x128xf32>
    %sub3A_2787 = arith.subf %sub3A_2786, %transpose3A : vector<4x16x128xf32>
    %max3A_2788 = arith.constant 0.000000e+00 : f32
    %max3A_2789 = vector.broadcast %max3A_2788 : f32 to vector<4x16x128xf32>
    %max3A_2790 = arith.maximumf %sub3A_2787, %max3A_2789 : vector<4x16x128xf32>
    %add3A_2791 = arith.addf %add3A_2784, %max3A_2790 : vector<4x16x128xf32>
    %slice3A_2792 = vector.extract_strided_slice %concatenate3A_2770 {offsets = [3, 0, 0], sizes = [1, 16, 128], strides = [1, 1, 1]} : vector<4x16x128xf32> to vector<1x16x128xf32>
    %sub3A_2793 = vector.broadcast %slice3A_2792 : vector<1x16x128xf32> to vector<4x16x128xf32>
    %sub3A_2794 = arith.subf %sub3A_2793, %transpose3A : vector<4x16x128xf32>
    %max3A_2795 = arith.constant 0.000000e+00 : f32
    %max3A_2796 = vector.broadcast %max3A_2795 : f32 to vector<4x16x128xf32>
    %max3A_2797 = arith.maximumf %sub3A_2794, %max3A_2796 : vector<4x16x128xf32>
    %add3A_2798 = arith.addf %add3A_2791, %max3A_2797 : vector<4x16x128xf32>
    %slice3A_2799 = vector.extract_strided_slice %transpose3A_42 {offsets = [0, 0, 39], sizes = [4, 16, 89], strides = [1, 1, 1]} : vector<4x16x128xf32> to vector<4x16x89xf32>
    %slice3A_2800 = vector.extract_strided_slice %transpose3A_42 {offsets = [0, 0, 0], sizes = [4, 16, 39], strides = [1, 1, 1]} : vector<4x16x128xf32> to vector<4x16x39xf32>
    %concatenate3A_2801 = tpu.concatenate %slice3A_2799, %slice3A_2800 in 2 : vector<4x16x89xf32>, vector<4x16x39xf32> -> vector<4x16x128xf32>
    %slice3A_2802 = vector.extract_strided_slice %concatenate3A_2801 {offsets = [0, 0, 0], sizes = [1, 16, 128], strides = [1, 1, 1]} : vector<4x16x128xf32> to vector<1x16x128xf32>
    %sub3A_2803 = vector.broadcast %slice3A_2802 : vector<1x16x128xf32> to vector<4x16x128xf32>
    %sub3A_2804 = arith.subf %sub3A_2803, %transpose3A : vector<4x16x128xf32>
    %max3A_2805 = arith.constant 0.000000e+00 : f32
    %max3A_2806 = vector.broadcast %max3A_2805 : f32 to vector<4x16x128xf32>
    %max3A_2807 = arith.maximumf %sub3A_2804, %max3A_2806 : vector<4x16x128xf32>
    %add3A_2808 = arith.addf %add3A_2798, %max3A_2807 : vector<4x16x128xf32>
    %slice3A_2809 = vector.extract_strided_slice %concatenate3A_2801 {offsets = [1, 0, 0], sizes = [1, 16, 128], strides = [1, 1, 1]} : vector<4x16x128xf32> to vector<1x16x128xf32>
    %sub3A_2810 = vector.broadcast %slice3A_2809 : vector<1x16x128xf32> to vector<4x16x128xf32>
    %sub3A_2811 = arith.subf %sub3A_2810, %transpose3A : vector<4x16x128xf32>
    %max3A_2812 = arith.constant 0.000000e+00 : f32
    %max3A_2813 = vector.broadcast %max3A_2812 : f32 to vector<4x16x128xf32>
    %max3A_2814 = arith.maximumf %sub3A_2811, %max3A_2813 : vector<4x16x128xf32>
    %add3A_2815 = arith.addf %add3A_2808, %max3A_2814 : vector<4x16x128xf32>
    %slice3A_2816 = vector.extract_strided_slice %concatenate3A_2801 {offsets = [2, 0, 0], sizes = [1, 16, 128], strides = [1, 1, 1]} : vector<4x16x128xf32> to vector<1x16x128xf32>
    %sub3A_2817 = vector.broadcast %slice3A_2816 : vector<1x16x128xf32> to vector<4x16x128xf32>
    %sub3A_2818 = arith.subf %sub3A_2817, %transpose3A : vector<4x16x128xf32>
    %max3A_2819 = arith.constant 0.000000e+00 : f32
    %max3A_2820 = vector.broadcast %max3A_2819 : f32 to vector<4x16x128xf32>
    %max3A_2821 = arith.maximumf %sub3A_2818, %max3A_2820 : vector<4x16x128xf32>
    %add3A_2822 = arith.addf %add3A_2815, %max3A_2821 : vector<4x16x128xf32>
    %slice3A_2823 = vector.extract_strided_slice %concatenate3A_2801 {offsets = [3, 0, 0], sizes = [1, 16, 128], strides = [1, 1, 1]} : vector<4x16x128xf32> to vector<1x16x128xf32>
    %sub3A_2824 = vector.broadcast %slice3A_2823 : vector<1x16x128xf32> to vector<4x16x128xf32>
    %sub3A_2825 = arith.subf %sub3A_2824, %transpose3A : vector<4x16x128xf32>
    %max3A_2826 = arith.constant 0.000000e+00 : f32
    %max3A_2827 = vector.broadcast %max3A_2826 : f32 to vector<4x16x128xf32>
    %max3A_2828 = arith.maximumf %sub3A_2825, %max3A_2827 : vector<4x16x128xf32>
    %add3A_2829 = arith.addf %add3A_2822, %max3A_2828 : vector<4x16x128xf32>
    %slice3A_2830 = vector.extract_strided_slice %transpose3A_42 {offsets = [0, 0, 38], sizes = [4, 16, 90], strides = [1, 1, 1]} : vector<4x16x128xf32> to vector<4x16x90xf32>
    %slice3A_2831 = vector.extract_strided_slice %transpose3A_42 {offsets = [0, 0, 0], sizes = [4, 16, 38], strides = [1, 1, 1]} : vector<4x16x128xf32> to vector<4x16x38xf32>
    %concatenate3A_2832 = tpu.concatenate %slice3A_2830, %slice3A_2831 in 2 : vector<4x16x90xf32>, vector<4x16x38xf32> -> vector<4x16x128xf32>
    %slice3A_2833 = vector.extract_strided_slice %concatenate3A_2832 {offsets = [0, 0, 0], sizes = [1, 16, 128], strides = [1, 1, 1]} : vector<4x16x128xf32> to vector<1x16x128xf32>
    %sub3A_2834 = vector.broadcast %slice3A_2833 : vector<1x16x128xf32> to vector<4x16x128xf32>
    %sub3A_2835 = arith.subf %sub3A_2834, %transpose3A : vector<4x16x128xf32>
    %max3A_2836 = arith.constant 0.000000e+00 : f32
    %max3A_2837 = vector.broadcast %max3A_2836 : f32 to vector<4x16x128xf32>
    %max3A_2838 = arith.maximumf %sub3A_2835, %max3A_2837 : vector<4x16x128xf32>
    %add3A_2839 = arith.addf %add3A_2829, %max3A_2838 : vector<4x16x128xf32>
    %slice3A_2840 = vector.extract_strided_slice %concatenate3A_2832 {offsets = [1, 0, 0], sizes = [1, 16, 128], strides = [1, 1, 1]} : vector<4x16x128xf32> to vector<1x16x128xf32>
    %sub3A_2841 = vector.broadcast %slice3A_2840 : vector<1x16x128xf32> to vector<4x16x128xf32>
    %sub3A_2842 = arith.subf %sub3A_2841, %transpose3A : vector<4x16x128xf32>
    %max3A_2843 = arith.constant 0.000000e+00 : f32
    %max3A_2844 = vector.broadcast %max3A_2843 : f32 to vector<4x16x128xf32>
    %max3A_2845 = arith.maximumf %sub3A_2842, %max3A_2844 : vector<4x16x128xf32>
    %add3A_2846 = arith.addf %add3A_2839, %max3A_2845 : vector<4x16x128xf32>
    %slice3A_2847 = vector.extract_strided_slice %concatenate3A_2832 {offsets = [2, 0, 0], sizes = [1, 16, 128], strides = [1, 1, 1]} : vector<4x16x128xf32> to vector<1x16x128xf32>
    %sub3A_2848 = vector.broadcast %slice3A_2847 : vector<1x16x128xf32> to vector<4x16x128xf32>
    %sub3A_2849 = arith.subf %sub3A_2848, %transpose3A : vector<4x16x128xf32>
    %max3A_2850 = arith.constant 0.000000e+00 : f32
    %max3A_2851 = vector.broadcast %max3A_2850 : f32 to vector<4x16x128xf32>
    %max3A_2852 = arith.maximumf %sub3A_2849, %max3A_2851 : vector<4x16x128xf32>
    %add3A_2853 = arith.addf %add3A_2846, %max3A_2852 : vector<4x16x128xf32>
    %slice3A_2854 = vector.extract_strided_slice %concatenate3A_2832 {offsets = [3, 0, 0], sizes = [1, 16, 128], strides = [1, 1, 1]} : vector<4x16x128xf32> to vector<1x16x128xf32>
    %sub3A_2855 = vector.broadcast %slice3A_2854 : vector<1x16x128xf32> to vector<4x16x128xf32>
    %sub3A_2856 = arith.subf %sub3A_2855, %transpose3A : vector<4x16x128xf32>
    %max3A_2857 = arith.constant 0.000000e+00 : f32
    %max3A_2858 = vector.broadcast %max3A_2857 : f32 to vector<4x16x128xf32>
    %max3A_2859 = arith.maximumf %sub3A_2856, %max3A_2858 : vector<4x16x128xf32>
    %add3A_2860 = arith.addf %add3A_2853, %max3A_2859 : vector<4x16x128xf32>
    %slice3A_2861 = vector.extract_strided_slice %transpose3A_42 {offsets = [0, 0, 37], sizes = [4, 16, 91], strides = [1, 1, 1]} : vector<4x16x128xf32> to vector<4x16x91xf32>
    %slice3A_2862 = vector.extract_strided_slice %transpose3A_42 {offsets = [0, 0, 0], sizes = [4, 16, 37], strides = [1, 1, 1]} : vector<4x16x128xf32> to vector<4x16x37xf32>
    %concatenate3A_2863 = tpu.concatenate %slice3A_2861, %slice3A_2862 in 2 : vector<4x16x91xf32>, vector<4x16x37xf32> -> vector<4x16x128xf32>
    %slice3A_2864 = vector.extract_strided_slice %concatenate3A_2863 {offsets = [0, 0, 0], sizes = [1, 16, 128], strides = [1, 1, 1]} : vector<4x16x128xf32> to vector<1x16x128xf32>
    %sub3A_2865 = vector.broadcast %slice3A_2864 : vector<1x16x128xf32> to vector<4x16x128xf32>
    %sub3A_2866 = arith.subf %sub3A_2865, %transpose3A : vector<4x16x128xf32>
    %max3A_2867 = arith.constant 0.000000e+00 : f32
    %max3A_2868 = vector.broadcast %max3A_2867 : f32 to vector<4x16x128xf32>
    %max3A_2869 = arith.maximumf %sub3A_2866, %max3A_2868 : vector<4x16x128xf32>
    %add3A_2870 = arith.addf %add3A_2860, %max3A_2869 : vector<4x16x128xf32>
    %slice3A_2871 = vector.extract_strided_slice %concatenate3A_2863 {offsets = [1, 0, 0], sizes = [1, 16, 128], strides = [1, 1, 1]} : vector<4x16x128xf32> to vector<1x16x128xf32>
    %sub3A_2872 = vector.broadcast %slice3A_2871 : vector<1x16x128xf32> to vector<4x16x128xf32>
    %sub3A_2873 = arith.subf %sub3A_2872, %transpose3A : vector<4x16x128xf32>
    %max3A_2874 = arith.constant 0.000000e+00 : f32
    %max3A_2875 = vector.broadcast %max3A_2874 : f32 to vector<4x16x128xf32>
    %max3A_2876 = arith.maximumf %sub3A_2873, %max3A_2875 : vector<4x16x128xf32>
    %add3A_2877 = arith.addf %add3A_2870, %max3A_2876 : vector<4x16x128xf32>
    %slice3A_2878 = vector.extract_strided_slice %concatenate3A_2863 {offsets = [2, 0, 0], sizes = [1, 16, 128], strides = [1, 1, 1]} : vector<4x16x128xf32> to vector<1x16x128xf32>
    %sub3A_2879 = vector.broadcast %slice3A_2878 : vector<1x16x128xf32> to vector<4x16x128xf32>
    %sub3A_2880 = arith.subf %sub3A_2879, %transpose3A : vector<4x16x128xf32>
    %max3A_2881 = arith.constant 0.000000e+00 : f32
    %max3A_2882 = vector.broadcast %max3A_2881 : f32 to vector<4x16x128xf32>
    %max3A_2883 = arith.maximumf %sub3A_2880, %max3A_2882 : vector<4x16x128xf32>
    %add3A_2884 = arith.addf %add3A_2877, %max3A_2883 : vector<4x16x128xf32>
    %slice3A_2885 = vector.extract_strided_slice %concatenate3A_2863 {offsets = [3, 0, 0], sizes = [1, 16, 128], strides = [1, 1, 1]} : vector<4x16x128xf32> to vector<1x16x128xf32>
    %sub3A_2886 = vector.broadcast %slice3A_2885 : vector<1x16x128xf32> to vector<4x16x128xf32>
    %sub3A_2887 = arith.subf %sub3A_2886, %transpose3A : vector<4x16x128xf32>
    %max3A_2888 = arith.constant 0.000000e+00 : f32
    %max3A_2889 = vector.broadcast %max3A_2888 : f32 to vector<4x16x128xf32>
    %max3A_2890 = arith.maximumf %sub3A_2887, %max3A_2889 : vector<4x16x128xf32>
    %add3A_2891 = arith.addf %add3A_2884, %max3A_2890 : vector<4x16x128xf32>
    %slice3A_2892 = vector.extract_strided_slice %transpose3A_42 {offsets = [0, 0, 36], sizes = [4, 16, 92], strides = [1, 1, 1]} : vector<4x16x128xf32> to vector<4x16x92xf32>
    %slice3A_2893 = vector.extract_strided_slice %transpose3A_42 {offsets = [0, 0, 0], sizes = [4, 16, 36], strides = [1, 1, 1]} : vector<4x16x128xf32> to vector<4x16x36xf32>
    %concatenate3A_2894 = tpu.concatenate %slice3A_2892, %slice3A_2893 in 2 : vector<4x16x92xf32>, vector<4x16x36xf32> -> vector<4x16x128xf32>
    %slice3A_2895 = vector.extract_strided_slice %concatenate3A_2894 {offsets = [0, 0, 0], sizes = [1, 16, 128], strides = [1, 1, 1]} : vector<4x16x128xf32> to vector<1x16x128xf32>
    %sub3A_2896 = vector.broadcast %slice3A_2895 : vector<1x16x128xf32> to vector<4x16x128xf32>
    %sub3A_2897 = arith.subf %sub3A_2896, %transpose3A : vector<4x16x128xf32>
    %max3A_2898 = arith.constant 0.000000e+00 : f32
    %max3A_2899 = vector.broadcast %max3A_2898 : f32 to vector<4x16x128xf32>
    %max3A_2900 = arith.maximumf %sub3A_2897, %max3A_2899 : vector<4x16x128xf32>
    %add3A_2901 = arith.addf %add3A_2891, %max3A_2900 : vector<4x16x128xf32>
    %slice3A_2902 = vector.extract_strided_slice %concatenate3A_2894 {offsets = [1, 0, 0], sizes = [1, 16, 128], strides = [1, 1, 1]} : vector<4x16x128xf32> to vector<1x16x128xf32>
    %sub3A_2903 = vector.broadcast %slice3A_2902 : vector<1x16x128xf32> to vector<4x16x128xf32>
    %sub3A_2904 = arith.subf %sub3A_2903, %transpose3A : vector<4x16x128xf32>
    %max3A_2905 = arith.constant 0.000000e+00 : f32
    %max3A_2906 = vector.broadcast %max3A_2905 : f32 to vector<4x16x128xf32>
    %max3A_2907 = arith.maximumf %sub3A_2904, %max3A_2906 : vector<4x16x128xf32>
    %add3A_2908 = arith.addf %add3A_2901, %max3A_2907 : vector<4x16x128xf32>
    %slice3A_2909 = vector.extract_strided_slice %concatenate3A_2894 {offsets = [2, 0, 0], sizes = [1, 16, 128], strides = [1, 1, 1]} : vector<4x16x128xf32> to vector<1x16x128xf32>
    %sub3A_2910 = vector.broadcast %slice3A_2909 : vector<1x16x128xf32> to vector<4x16x128xf32>
    %sub3A_2911 = arith.subf %sub3A_2910, %transpose3A : vector<4x16x128xf32>
    %max3A_2912 = arith.constant 0.000000e+00 : f32
    %max3A_2913 = vector.broadcast %max3A_2912 : f32 to vector<4x16x128xf32>
    %max3A_2914 = arith.maximumf %sub3A_2911, %max3A_2913 : vector<4x16x128xf32>
    %add3A_2915 = arith.addf %add3A_2908, %max3A_2914 : vector<4x16x128xf32>
    %slice3A_2916 = vector.extract_strided_slice %concatenate3A_2894 {offsets = [3, 0, 0], sizes = [1, 16, 128], strides = [1, 1, 1]} : vector<4x16x128xf32> to vector<1x16x128xf32>
    %sub3A_2917 = vector.broadcast %slice3A_2916 : vector<1x16x128xf32> to vector<4x16x128xf32>
    %sub3A_2918 = arith.subf %sub3A_2917, %transpose3A : vector<4x16x128xf32>
    %max3A_2919 = arith.constant 0.000000e+00 : f32
    %max3A_2920 = vector.broadcast %max3A_2919 : f32 to vector<4x16x128xf32>
    %max3A_2921 = arith.maximumf %sub3A_2918, %max3A_2920 : vector<4x16x128xf32>
    %add3A_2922 = arith.addf %add3A_2915, %max3A_2921 : vector<4x16x128xf32>
    %slice3A_2923 = vector.extract_strided_slice %transpose3A_42 {offsets = [0, 0, 35], sizes = [4, 16, 93], strides = [1, 1, 1]} : vector<4x16x128xf32> to vector<4x16x93xf32>
    %slice3A_2924 = vector.extract_strided_slice %transpose3A_42 {offsets = [0, 0, 0], sizes = [4, 16, 35], strides = [1, 1, 1]} : vector<4x16x128xf32> to vector<4x16x35xf32>
    %concatenate3A_2925 = tpu.concatenate %slice3A_2923, %slice3A_2924 in 2 : vector<4x16x93xf32>, vector<4x16x35xf32> -> vector<4x16x128xf32>
    %slice3A_2926 = vector.extract_strided_slice %concatenate3A_2925 {offsets = [0, 0, 0], sizes = [1, 16, 128], strides = [1, 1, 1]} : vector<4x16x128xf32> to vector<1x16x128xf32>
    %sub3A_2927 = vector.broadcast %slice3A_2926 : vector<1x16x128xf32> to vector<4x16x128xf32>
    %sub3A_2928 = arith.subf %sub3A_2927, %transpose3A : vector<4x16x128xf32>
    %max3A_2929 = arith.constant 0.000000e+00 : f32
    %max3A_2930 = vector.broadcast %max3A_2929 : f32 to vector<4x16x128xf32>
    %max3A_2931 = arith.maximumf %sub3A_2928, %max3A_2930 : vector<4x16x128xf32>
    %add3A_2932 = arith.addf %add3A_2922, %max3A_2931 : vector<4x16x128xf32>
    %slice3A_2933 = vector.extract_strided_slice %concatenate3A_2925 {offsets = [1, 0, 0], sizes = [1, 16, 128], strides = [1, 1, 1]} : vector<4x16x128xf32> to vector<1x16x128xf32>
    %sub3A_2934 = vector.broadcast %slice3A_2933 : vector<1x16x128xf32> to vector<4x16x128xf32>
    %sub3A_2935 = arith.subf %sub3A_2934, %transpose3A : vector<4x16x128xf32>
    %max3A_2936 = arith.constant 0.000000e+00 : f32
    %max3A_2937 = vector.broadcast %max3A_2936 : f32 to vector<4x16x128xf32>
    %max3A_2938 = arith.maximumf %sub3A_2935, %max3A_2937 : vector<4x16x128xf32>
    %add3A_2939 = arith.addf %add3A_2932, %max3A_2938 : vector<4x16x128xf32>
    %slice3A_2940 = vector.extract_strided_slice %concatenate3A_2925 {offsets = [2, 0, 0], sizes = [1, 16, 128], strides = [1, 1, 1]} : vector<4x16x128xf32> to vector<1x16x128xf32>
    %sub3A_2941 = vector.broadcast %slice3A_2940 : vector<1x16x128xf32> to vector<4x16x128xf32>
    %sub3A_2942 = arith.subf %sub3A_2941, %transpose3A : vector<4x16x128xf32>
    %max3A_2943 = arith.constant 0.000000e+00 : f32
    %max3A_2944 = vector.broadcast %max3A_2943 : f32 to vector<4x16x128xf32>
    %max3A_2945 = arith.maximumf %sub3A_2942, %max3A_2944 : vector<4x16x128xf32>
    %add3A_2946 = arith.addf %add3A_2939, %max3A_2945 : vector<4x16x128xf32>
    %slice3A_2947 = vector.extract_strided_slice %concatenate3A_2925 {offsets = [3, 0, 0], sizes = [1, 16, 128], strides = [1, 1, 1]} : vector<4x16x128xf32> to vector<1x16x128xf32>
    %sub3A_2948 = vector.broadcast %slice3A_2947 : vector<1x16x128xf32> to vector<4x16x128xf32>
    %sub3A_2949 = arith.subf %sub3A_2948, %transpose3A : vector<4x16x128xf32>
    %max3A_2950 = arith.constant 0.000000e+00 : f32
    %max3A_2951 = vector.broadcast %max3A_2950 : f32 to vector<4x16x128xf32>
    %max3A_2952 = arith.maximumf %sub3A_2949, %max3A_2951 : vector<4x16x128xf32>
    %add3A_2953 = arith.addf %add3A_2946, %max3A_2952 : vector<4x16x128xf32>
    %slice3A_2954 = vector.extract_strided_slice %transpose3A_42 {offsets = [0, 0, 34], sizes = [4, 16, 94], strides = [1, 1, 1]} : vector<4x16x128xf32> to vector<4x16x94xf32>
    %slice3A_2955 = vector.extract_strided_slice %transpose3A_42 {offsets = [0, 0, 0], sizes = [4, 16, 34], strides = [1, 1, 1]} : vector<4x16x128xf32> to vector<4x16x34xf32>
    %concatenate3A_2956 = tpu.concatenate %slice3A_2954, %slice3A_2955 in 2 : vector<4x16x94xf32>, vector<4x16x34xf32> -> vector<4x16x128xf32>
    %slice3A_2957 = vector.extract_strided_slice %concatenate3A_2956 {offsets = [0, 0, 0], sizes = [1, 16, 128], strides = [1, 1, 1]} : vector<4x16x128xf32> to vector<1x16x128xf32>
    %sub3A_2958 = vector.broadcast %slice3A_2957 : vector<1x16x128xf32> to vector<4x16x128xf32>
    %sub3A_2959 = arith.subf %sub3A_2958, %transpose3A : vector<4x16x128xf32>
    %max3A_2960 = arith.constant 0.000000e+00 : f32
    %max3A_2961 = vector.broadcast %max3A_2960 : f32 to vector<4x16x128xf32>
    %max3A_2962 = arith.maximumf %sub3A_2959, %max3A_2961 : vector<4x16x128xf32>
    %add3A_2963 = arith.addf %add3A_2953, %max3A_2962 : vector<4x16x128xf32>
    %slice3A_2964 = vector.extract_strided_slice %concatenate3A_2956 {offsets = [1, 0, 0], sizes = [1, 16, 128], strides = [1, 1, 1]} : vector<4x16x128xf32> to vector<1x16x128xf32>
    %sub3A_2965 = vector.broadcast %slice3A_2964 : vector<1x16x128xf32> to vector<4x16x128xf32>
    %sub3A_2966 = arith.subf %sub3A_2965, %transpose3A : vector<4x16x128xf32>
    %max3A_2967 = arith.constant 0.000000e+00 : f32
    %max3A_2968 = vector.broadcast %max3A_2967 : f32 to vector<4x16x128xf32>
    %max3A_2969 = arith.maximumf %sub3A_2966, %max3A_2968 : vector<4x16x128xf32>
    %add3A_2970 = arith.addf %add3A_2963, %max3A_2969 : vector<4x16x128xf32>
    %slice3A_2971 = vector.extract_strided_slice %concatenate3A_2956 {offsets = [2, 0, 0], sizes = [1, 16, 128], strides = [1, 1, 1]} : vector<4x16x128xf32> to vector<1x16x128xf32>
    %sub3A_2972 = vector.broadcast %slice3A_2971 : vector<1x16x128xf32> to vector<4x16x128xf32>
    %sub3A_2973 = arith.subf %sub3A_2972, %transpose3A : vector<4x16x128xf32>
    %max3A_2974 = arith.constant 0.000000e+00 : f32
    %max3A_2975 = vector.broadcast %max3A_2974 : f32 to vector<4x16x128xf32>
    %max3A_2976 = arith.maximumf %sub3A_2973, %max3A_2975 : vector<4x16x128xf32>
    %add3A_2977 = arith.addf %add3A_2970, %max3A_2976 : vector<4x16x128xf32>
    %slice3A_2978 = vector.extract_strided_slice %concatenate3A_2956 {offsets = [3, 0, 0], sizes = [1, 16, 128], strides = [1, 1, 1]} : vector<4x16x128xf32> to vector<1x16x128xf32>
    %sub3A_2979 = vector.broadcast %slice3A_2978 : vector<1x16x128xf32> to vector<4x16x128xf32>
    %sub3A_2980 = arith.subf %sub3A_2979, %transpose3A : vector<4x16x128xf32>
    %max3A_2981 = arith.constant 0.000000e+00 : f32
    %max3A_2982 = vector.broadcast %max3A_2981 : f32 to vector<4x16x128xf32>
    %max3A_2983 = arith.maximumf %sub3A_2980, %max3A_2982 : vector<4x16x128xf32>
    %add3A_2984 = arith.addf %add3A_2977, %max3A_2983 : vector<4x16x128xf32>
    %slice3A_2985 = vector.extract_strided_slice %transpose3A_42 {offsets = [0, 0, 33], sizes = [4, 16, 95], strides = [1, 1, 1]} : vector<4x16x128xf32> to vector<4x16x95xf32>
    %slice3A_2986 = vector.extract_strided_slice %transpose3A_42 {offsets = [0, 0, 0], sizes = [4, 16, 33], strides = [1, 1, 1]} : vector<4x16x128xf32> to vector<4x16x33xf32>
    %concatenate3A_2987 = tpu.concatenate %slice3A_2985, %slice3A_2986 in 2 : vector<4x16x95xf32>, vector<4x16x33xf32> -> vector<4x16x128xf32>
    %slice3A_2988 = vector.extract_strided_slice %concatenate3A_2987 {offsets = [0, 0, 0], sizes = [1, 16, 128], strides = [1, 1, 1]} : vector<4x16x128xf32> to vector<1x16x128xf32>
    %sub3A_2989 = vector.broadcast %slice3A_2988 : vector<1x16x128xf32> to vector<4x16x128xf32>
    %sub3A_2990 = arith.subf %sub3A_2989, %transpose3A : vector<4x16x128xf32>
    %max3A_2991 = arith.constant 0.000000e+00 : f32
    %max3A_2992 = vector.broadcast %max3A_2991 : f32 to vector<4x16x128xf32>
    %max3A_2993 = arith.maximumf %sub3A_2990, %max3A_2992 : vector<4x16x128xf32>
    %add3A_2994 = arith.addf %add3A_2984, %max3A_2993 : vector<4x16x128xf32>
    %slice3A_2995 = vector.extract_strided_slice %concatenate3A_2987 {offsets = [1, 0, 0], sizes = [1, 16, 128], strides = [1, 1, 1]} : vector<4x16x128xf32> to vector<1x16x128xf32>
    %sub3A_2996 = vector.broadcast %slice3A_2995 : vector<1x16x128xf32> to vector<4x16x128xf32>
    %sub3A_2997 = arith.subf %sub3A_2996, %transpose3A : vector<4x16x128xf32>
    %max3A_2998 = arith.constant 0.000000e+00 : f32
    %max3A_2999 = vector.broadcast %max3A_2998 : f32 to vector<4x16x128xf32>
    %max3A_3000 = arith.maximumf %sub3A_2997, %max3A_2999 : vector<4x16x128xf32>
    %add3A_3001 = arith.addf %add3A_2994, %max3A_3000 : vector<4x16x128xf32>
    %slice3A_3002 = vector.extract_strided_slice %concatenate3A_2987 {offsets = [2, 0, 0], sizes = [1, 16, 128], strides = [1, 1, 1]} : vector<4x16x128xf32> to vector<1x16x128xf32>
    %sub3A_3003 = vector.broadcast %slice3A_3002 : vector<1x16x128xf32> to vector<4x16x128xf32>
    %sub3A_3004 = arith.subf %sub3A_3003, %transpose3A : vector<4x16x128xf32>
    %max3A_3005 = arith.constant 0.000000e+00 : f32
    %max3A_3006 = vector.broadcast %max3A_3005 : f32 to vector<4x16x128xf32>
    %max3A_3007 = arith.maximumf %sub3A_3004, %max3A_3006 : vector<4x16x128xf32>
    %add3A_3008 = arith.addf %add3A_3001, %max3A_3007 : vector<4x16x128xf32>
    %slice3A_3009 = vector.extract_strided_slice %concatenate3A_2987 {offsets = [3, 0, 0], sizes = [1, 16, 128], strides = [1, 1, 1]} : vector<4x16x128xf32> to vector<1x16x128xf32>
    %sub3A_3010 = vector.broadcast %slice3A_3009 : vector<1x16x128xf32> to vector<4x16x128xf32>
    %sub3A_3011 = arith.subf %sub3A_3010, %transpose3A : vector<4x16x128xf32>
    %max3A_3012 = arith.constant 0.000000e+00 : f32
    %max3A_3013 = vector.broadcast %max3A_3012 : f32 to vector<4x16x128xf32>
    %max3A_3014 = arith.maximumf %sub3A_3011, %max3A_3013 : vector<4x16x128xf32>
    %add3A_3015 = arith.addf %add3A_3008, %max3A_3014 : vector<4x16x128xf32>
    %slice3A_3016 = vector.extract_strided_slice %transpose3A_42 {offsets = [0, 0, 32], sizes = [4, 16, 96], strides = [1, 1, 1]} : vector<4x16x128xf32> to vector<4x16x96xf32>
    %slice3A_3017 = vector.extract_strided_slice %transpose3A_42 {offsets = [0, 0, 0], sizes = [4, 16, 32], strides = [1, 1, 1]} : vector<4x16x128xf32> to vector<4x16x32xf32>
    %concatenate3A_3018 = tpu.concatenate %slice3A_3016, %slice3A_3017 in 2 : vector<4x16x96xf32>, vector<4x16x32xf32> -> vector<4x16x128xf32>
    %slice3A_3019 = vector.extract_strided_slice %concatenate3A_3018 {offsets = [0, 0, 0], sizes = [1, 16, 128], strides = [1, 1, 1]} : vector<4x16x128xf32> to vector<1x16x128xf32>
    %sub3A_3020 = vector.broadcast %slice3A_3019 : vector<1x16x128xf32> to vector<4x16x128xf32>
    %sub3A_3021 = arith.subf %sub3A_3020, %transpose3A : vector<4x16x128xf32>
    %max3A_3022 = arith.constant 0.000000e+00 : f32
    %max3A_3023 = vector.broadcast %max3A_3022 : f32 to vector<4x16x128xf32>
    %max3A_3024 = arith.maximumf %sub3A_3021, %max3A_3023 : vector<4x16x128xf32>
    %add3A_3025 = arith.addf %add3A_3015, %max3A_3024 : vector<4x16x128xf32>
    %slice3A_3026 = vector.extract_strided_slice %concatenate3A_3018 {offsets = [1, 0, 0], sizes = [1, 16, 128], strides = [1, 1, 1]} : vector<4x16x128xf32> to vector<1x16x128xf32>
    %sub3A_3027 = vector.broadcast %slice3A_3026 : vector<1x16x128xf32> to vector<4x16x128xf32>
    %sub3A_3028 = arith.subf %sub3A_3027, %transpose3A : vector<4x16x128xf32>
    %max3A_3029 = arith.constant 0.000000e+00 : f32
    %max3A_3030 = vector.broadcast %max3A_3029 : f32 to vector<4x16x128xf32>
    %max3A_3031 = arith.maximumf %sub3A_3028, %max3A_3030 : vector<4x16x128xf32>
    %add3A_3032 = arith.addf %add3A_3025, %max3A_3031 : vector<4x16x128xf32>
    %slice3A_3033 = vector.extract_strided_slice %concatenate3A_3018 {offsets = [2, 0, 0], sizes = [1, 16, 128], strides = [1, 1, 1]} : vector<4x16x128xf32> to vector<1x16x128xf32>
    %sub3A_3034 = vector.broadcast %slice3A_3033 : vector<1x16x128xf32> to vector<4x16x128xf32>
    %sub3A_3035 = arith.subf %sub3A_3034, %transpose3A : vector<4x16x128xf32>
    %max3A_3036 = arith.constant 0.000000e+00 : f32
    %max3A_3037 = vector.broadcast %max3A_3036 : f32 to vector<4x16x128xf32>
    %max3A_3038 = arith.maximumf %sub3A_3035, %max3A_3037 : vector<4x16x128xf32>
    %add3A_3039 = arith.addf %add3A_3032, %max3A_3038 : vector<4x16x128xf32>
    %slice3A_3040 = vector.extract_strided_slice %concatenate3A_3018 {offsets = [3, 0, 0], sizes = [1, 16, 128], strides = [1, 1, 1]} : vector<4x16x128xf32> to vector<1x16x128xf32>
    %sub3A_3041 = vector.broadcast %slice3A_3040 : vector<1x16x128xf32> to vector<4x16x128xf32>
    %sub3A_3042 = arith.subf %sub3A_3041, %transpose3A : vector<4x16x128xf32>
    %max3A_3043 = arith.constant 0.000000e+00 : f32
    %max3A_3044 = vector.broadcast %max3A_3043 : f32 to vector<4x16x128xf32>
    %max3A_3045 = arith.maximumf %sub3A_3042, %max3A_3044 : vector<4x16x128xf32>
    %add3A_3046 = arith.addf %add3A_3039, %max3A_3045 : vector<4x16x128xf32>
    %slice3A_3047 = vector.extract_strided_slice %transpose3A_42 {offsets = [0, 0, 31], sizes = [4, 16, 97], strides = [1, 1, 1]} : vector<4x16x128xf32> to vector<4x16x97xf32>
    %slice3A_3048 = vector.extract_strided_slice %transpose3A_42 {offsets = [0, 0, 0], sizes = [4, 16, 31], strides = [1, 1, 1]} : vector<4x16x128xf32> to vector<4x16x31xf32>
    %concatenate3A_3049 = tpu.concatenate %slice3A_3047, %slice3A_3048 in 2 : vector<4x16x97xf32>, vector<4x16x31xf32> -> vector<4x16x128xf32>
    %slice3A_3050 = vector.extract_strided_slice %concatenate3A_3049 {offsets = [0, 0, 0], sizes = [1, 16, 128], strides = [1, 1, 1]} : vector<4x16x128xf32> to vector<1x16x128xf32>
    %sub3A_3051 = vector.broadcast %slice3A_3050 : vector<1x16x128xf32> to vector<4x16x128xf32>
    %sub3A_3052 = arith.subf %sub3A_3051, %transpose3A : vector<4x16x128xf32>
    %max3A_3053 = arith.constant 0.000000e+00 : f32
    %max3A_3054 = vector.broadcast %max3A_3053 : f32 to vector<4x16x128xf32>
    %max3A_3055 = arith.maximumf %sub3A_3052, %max3A_3054 : vector<4x16x128xf32>
    %add3A_3056 = arith.addf %add3A_3046, %max3A_3055 : vector<4x16x128xf32>
    %slice3A_3057 = vector.extract_strided_slice %concatenate3A_3049 {offsets = [1, 0, 0], sizes = [1, 16, 128], strides = [1, 1, 1]} : vector<4x16x128xf32> to vector<1x16x128xf32>
    %sub3A_3058 = vector.broadcast %slice3A_3057 : vector<1x16x128xf32> to vector<4x16x128xf32>
    %sub3A_3059 = arith.subf %sub3A_3058, %transpose3A : vector<4x16x128xf32>
    %max3A_3060 = arith.constant 0.000000e+00 : f32
    %max3A_3061 = vector.broadcast %max3A_3060 : f32 to vector<4x16x128xf32>
    %max3A_3062 = arith.maximumf %sub3A_3059, %max3A_3061 : vector<4x16x128xf32>
    %add3A_3063 = arith.addf %add3A_3056, %max3A_3062 : vector<4x16x128xf32>
    %slice3A_3064 = vector.extract_strided_slice %concatenate3A_3049 {offsets = [2, 0, 0], sizes = [1, 16, 128], strides = [1, 1, 1]} : vector<4x16x128xf32> to vector<1x16x128xf32>
    %sub3A_3065 = vector.broadcast %slice3A_3064 : vector<1x16x128xf32> to vector<4x16x128xf32>
    %sub3A_3066 = arith.subf %sub3A_3065, %transpose3A : vector<4x16x128xf32>
    %max3A_3067 = arith.constant 0.000000e+00 : f32
    %max3A_3068 = vector.broadcast %max3A_3067 : f32 to vector<4x16x128xf32>
    %max3A_3069 = arith.maximumf %sub3A_3066, %max3A_3068 : vector<4x16x128xf32>
    %add3A_3070 = arith.addf %add3A_3063, %max3A_3069 : vector<4x16x128xf32>
    %slice3A_3071 = vector.extract_strided_slice %concatenate3A_3049 {offsets = [3, 0, 0], sizes = [1, 16, 128], strides = [1, 1, 1]} : vector<4x16x128xf32> to vector<1x16x128xf32>
    %sub3A_3072 = vector.broadcast %slice3A_3071 : vector<1x16x128xf32> to vector<4x16x128xf32>
    %sub3A_3073 = arith.subf %sub3A_3072, %transpose3A : vector<4x16x128xf32>
    %max3A_3074 = arith.constant 0.000000e+00 : f32
    %max3A_3075 = vector.broadcast %max3A_3074 : f32 to vector<4x16x128xf32>
    %max3A_3076 = arith.maximumf %sub3A_3073, %max3A_3075 : vector<4x16x128xf32>
    %add3A_3077 = arith.addf %add3A_3070, %max3A_3076 : vector<4x16x128xf32>
    %slice3A_3078 = vector.extract_strided_slice %transpose3A_42 {offsets = [0, 0, 30], sizes = [4, 16, 98], strides = [1, 1, 1]} : vector<4x16x128xf32> to vector<4x16x98xf32>
    %slice3A_3079 = vector.extract_strided_slice %transpose3A_42 {offsets = [0, 0, 0], sizes = [4, 16, 30], strides = [1, 1, 1]} : vector<4x16x128xf32> to vector<4x16x30xf32>
    %concatenate3A_3080 = tpu.concatenate %slice3A_3078, %slice3A_3079 in 2 : vector<4x16x98xf32>, vector<4x16x30xf32> -> vector<4x16x128xf32>
    %slice3A_3081 = vector.extract_strided_slice %concatenate3A_3080 {offsets = [0, 0, 0], sizes = [1, 16, 128], strides = [1, 1, 1]} : vector<4x16x128xf32> to vector<1x16x128xf32>
    %sub3A_3082 = vector.broadcast %slice3A_3081 : vector<1x16x128xf32> to vector<4x16x128xf32>
    %sub3A_3083 = arith.subf %sub3A_3082, %transpose3A : vector<4x16x128xf32>
    %max3A_3084 = arith.constant 0.000000e+00 : f32
    %max3A_3085 = vector.broadcast %max3A_3084 : f32 to vector<4x16x128xf32>
    %max3A_3086 = arith.maximumf %sub3A_3083, %max3A_3085 : vector<4x16x128xf32>
    %add3A_3087 = arith.addf %add3A_3077, %max3A_3086 : vector<4x16x128xf32>
    %slice3A_3088 = vector.extract_strided_slice %concatenate3A_3080 {offsets = [1, 0, 0], sizes = [1, 16, 128], strides = [1, 1, 1]} : vector<4x16x128xf32> to vector<1x16x128xf32>
    %sub3A_3089 = vector.broadcast %slice3A_3088 : vector<1x16x128xf32> to vector<4x16x128xf32>
    %sub3A_3090 = arith.subf %sub3A_3089, %transpose3A : vector<4x16x128xf32>
    %max3A_3091 = arith.constant 0.000000e+00 : f32
    %max3A_3092 = vector.broadcast %max3A_3091 : f32 to vector<4x16x128xf32>
    %max3A_3093 = arith.maximumf %sub3A_3090, %max3A_3092 : vector<4x16x128xf32>
    %add3A_3094 = arith.addf %add3A_3087, %max3A_3093 : vector<4x16x128xf32>
    %slice3A_3095 = vector.extract_strided_slice %concatenate3A_3080 {offsets = [2, 0, 0], sizes = [1, 16, 128], strides = [1, 1, 1]} : vector<4x16x128xf32> to vector<1x16x128xf32>
    %sub3A_3096 = vector.broadcast %slice3A_3095 : vector<1x16x128xf32> to vector<4x16x128xf32>
    %sub3A_3097 = arith.subf %sub3A_3096, %transpose3A : vector<4x16x128xf32>
    %max3A_3098 = arith.constant 0.000000e+00 : f32
    %max3A_3099 = vector.broadcast %max3A_3098 : f32 to vector<4x16x128xf32>
    %max3A_3100 = arith.maximumf %sub3A_3097, %max3A_3099 : vector<4x16x128xf32>
    %add3A_3101 = arith.addf %add3A_3094, %max3A_3100 : vector<4x16x128xf32>
    %slice3A_3102 = vector.extract_strided_slice %concatenate3A_3080 {offsets = [3, 0, 0], sizes = [1, 16, 128], strides = [1, 1, 1]} : vector<4x16x128xf32> to vector<1x16x128xf32>
    %sub3A_3103 = vector.broadcast %slice3A_3102 : vector<1x16x128xf32> to vector<4x16x128xf32>
    %sub3A_3104 = arith.subf %sub3A_3103, %transpose3A : vector<4x16x128xf32>
    %max3A_3105 = arith.constant 0.000000e+00 : f32
    %max3A_3106 = vector.broadcast %max3A_3105 : f32 to vector<4x16x128xf32>
    %max3A_3107 = arith.maximumf %sub3A_3104, %max3A_3106 : vector<4x16x128xf32>
    %add3A_3108 = arith.addf %add3A_3101, %max3A_3107 : vector<4x16x128xf32>
    %slice3A_3109 = vector.extract_strided_slice %transpose3A_42 {offsets = [0, 0, 29], sizes = [4, 16, 99], strides = [1, 1, 1]} : vector<4x16x128xf32> to vector<4x16x99xf32>
    %slice3A_3110 = vector.extract_strided_slice %transpose3A_42 {offsets = [0, 0, 0], sizes = [4, 16, 29], strides = [1, 1, 1]} : vector<4x16x128xf32> to vector<4x16x29xf32>
    %concatenate3A_3111 = tpu.concatenate %slice3A_3109, %slice3A_3110 in 2 : vector<4x16x99xf32>, vector<4x16x29xf32> -> vector<4x16x128xf32>
    %slice3A_3112 = vector.extract_strided_slice %concatenate3A_3111 {offsets = [0, 0, 0], sizes = [1, 16, 128], strides = [1, 1, 1]} : vector<4x16x128xf32> to vector<1x16x128xf32>
    %sub3A_3113 = vector.broadcast %slice3A_3112 : vector<1x16x128xf32> to vector<4x16x128xf32>
    %sub3A_3114 = arith.subf %sub3A_3113, %transpose3A : vector<4x16x128xf32>
    %max3A_3115 = arith.constant 0.000000e+00 : f32
    %max3A_3116 = vector.broadcast %max3A_3115 : f32 to vector<4x16x128xf32>
    %max3A_3117 = arith.maximumf %sub3A_3114, %max3A_3116 : vector<4x16x128xf32>
    %add3A_3118 = arith.addf %add3A_3108, %max3A_3117 : vector<4x16x128xf32>
    %slice3A_3119 = vector.extract_strided_slice %concatenate3A_3111 {offsets = [1, 0, 0], sizes = [1, 16, 128], strides = [1, 1, 1]} : vector<4x16x128xf32> to vector<1x16x128xf32>
    %sub3A_3120 = vector.broadcast %slice3A_3119 : vector<1x16x128xf32> to vector<4x16x128xf32>
    %sub3A_3121 = arith.subf %sub3A_3120, %transpose3A : vector<4x16x128xf32>
    %max3A_3122 = arith.constant 0.000000e+00 : f32
    %max3A_3123 = vector.broadcast %max3A_3122 : f32 to vector<4x16x128xf32>
    %max3A_3124 = arith.maximumf %sub3A_3121, %max3A_3123 : vector<4x16x128xf32>
    %add3A_3125 = arith.addf %add3A_3118, %max3A_3124 : vector<4x16x128xf32>
    %slice3A_3126 = vector.extract_strided_slice %concatenate3A_3111 {offsets = [2, 0, 0], sizes = [1, 16, 128], strides = [1, 1, 1]} : vector<4x16x128xf32> to vector<1x16x128xf32>
    %sub3A_3127 = vector.broadcast %slice3A_3126 : vector<1x16x128xf32> to vector<4x16x128xf32>
    %sub3A_3128 = arith.subf %sub3A_3127, %transpose3A : vector<4x16x128xf32>
    %max3A_3129 = arith.constant 0.000000e+00 : f32
    %max3A_3130 = vector.broadcast %max3A_3129 : f32 to vector<4x16x128xf32>
    %max3A_3131 = arith.maximumf %sub3A_3128, %max3A_3130 : vector<4x16x128xf32>
    %add3A_3132 = arith.addf %add3A_3125, %max3A_3131 : vector<4x16x128xf32>
    %slice3A_3133 = vector.extract_strided_slice %concatenate3A_3111 {offsets = [3, 0, 0], sizes = [1, 16, 128], strides = [1, 1, 1]} : vector<4x16x128xf32> to vector<1x16x128xf32>
    %sub3A_3134 = vector.broadcast %slice3A_3133 : vector<1x16x128xf32> to vector<4x16x128xf32>
    %sub3A_3135 = arith.subf %sub3A_3134, %transpose3A : vector<4x16x128xf32>
    %max3A_3136 = arith.constant 0.000000e+00 : f32
    %max3A_3137 = vector.broadcast %max3A_3136 : f32 to vector<4x16x128xf32>
    %max3A_3138 = arith.maximumf %sub3A_3135, %max3A_3137 : vector<4x16x128xf32>
    %add3A_3139 = arith.addf %add3A_3132, %max3A_3138 : vector<4x16x128xf32>
    %slice3A_3140 = vector.extract_strided_slice %transpose3A_42 {offsets = [0, 0, 28], sizes = [4, 16, 100], strides = [1, 1, 1]} : vector<4x16x128xf32> to vector<4x16x100xf32>
    %slice3A_3141 = vector.extract_strided_slice %transpose3A_42 {offsets = [0, 0, 0], sizes = [4, 16, 28], strides = [1, 1, 1]} : vector<4x16x128xf32> to vector<4x16x28xf32>
    %concatenate3A_3142 = tpu.concatenate %slice3A_3140, %slice3A_3141 in 2 : vector<4x16x100xf32>, vector<4x16x28xf32> -> vector<4x16x128xf32>
    %slice3A_3143 = vector.extract_strided_slice %concatenate3A_3142 {offsets = [0, 0, 0], sizes = [1, 16, 128], strides = [1, 1, 1]} : vector<4x16x128xf32> to vector<1x16x128xf32>
    %sub3A_3144 = vector.broadcast %slice3A_3143 : vector<1x16x128xf32> to vector<4x16x128xf32>
    %sub3A_3145 = arith.subf %sub3A_3144, %transpose3A : vector<4x16x128xf32>
    %max3A_3146 = arith.constant 0.000000e+00 : f32
    %max3A_3147 = vector.broadcast %max3A_3146 : f32 to vector<4x16x128xf32>
    %max3A_3148 = arith.maximumf %sub3A_3145, %max3A_3147 : vector<4x16x128xf32>
    %add3A_3149 = arith.addf %add3A_3139, %max3A_3148 : vector<4x16x128xf32>
    %slice3A_3150 = vector.extract_strided_slice %concatenate3A_3142 {offsets = [1, 0, 0], sizes = [1, 16, 128], strides = [1, 1, 1]} : vector<4x16x128xf32> to vector<1x16x128xf32>
    %sub3A_3151 = vector.broadcast %slice3A_3150 : vector<1x16x128xf32> to vector<4x16x128xf32>
    %sub3A_3152 = arith.subf %sub3A_3151, %transpose3A : vector<4x16x128xf32>
    %max3A_3153 = arith.constant 0.000000e+00 : f32
    %max3A_3154 = vector.broadcast %max3A_3153 : f32 to vector<4x16x128xf32>
    %max3A_3155 = arith.maximumf %sub3A_3152, %max3A_3154 : vector<4x16x128xf32>
    %add3A_3156 = arith.addf %add3A_3149, %max3A_3155 : vector<4x16x128xf32>
    %slice3A_3157 = vector.extract_strided_slice %concatenate3A_3142 {offsets = [2, 0, 0], sizes = [1, 16, 128], strides = [1, 1, 1]} : vector<4x16x128xf32> to vector<1x16x128xf32>
    %sub3A_3158 = vector.broadcast %slice3A_3157 : vector<1x16x128xf32> to vector<4x16x128xf32>
    %sub3A_3159 = arith.subf %sub3A_3158, %transpose3A : vector<4x16x128xf32>
    %max3A_3160 = arith.constant 0.000000e+00 : f32
    %max3A_3161 = vector.broadcast %max3A_3160 : f32 to vector<4x16x128xf32>
    %max3A_3162 = arith.maximumf %sub3A_3159, %max3A_3161 : vector<4x16x128xf32>
    %add3A_3163 = arith.addf %add3A_3156, %max3A_3162 : vector<4x16x128xf32>
    %slice3A_3164 = vector.extract_strided_slice %concatenate3A_3142 {offsets = [3, 0, 0], sizes = [1, 16, 128], strides = [1, 1, 1]} : vector<4x16x128xf32> to vector<1x16x128xf32>
    %sub3A_3165 = vector.broadcast %slice3A_3164 : vector<1x16x128xf32> to vector<4x16x128xf32>
    %sub3A_3166 = arith.subf %sub3A_3165, %transpose3A : vector<4x16x128xf32>
    %max3A_3167 = arith.constant 0.000000e+00 : f32
    %max3A_3168 = vector.broadcast %max3A_3167 : f32 to vector<4x16x128xf32>
    %max3A_3169 = arith.maximumf %sub3A_3166, %max3A_3168 : vector<4x16x128xf32>
    %add3A_3170 = arith.addf %add3A_3163, %max3A_3169 : vector<4x16x128xf32>
    %slice3A_3171 = vector.extract_strided_slice %transpose3A_42 {offsets = [0, 0, 27], sizes = [4, 16, 101], strides = [1, 1, 1]} : vector<4x16x128xf32> to vector<4x16x101xf32>
    %slice3A_3172 = vector.extract_strided_slice %transpose3A_42 {offsets = [0, 0, 0], sizes = [4, 16, 27], strides = [1, 1, 1]} : vector<4x16x128xf32> to vector<4x16x27xf32>
    %concatenate3A_3173 = tpu.concatenate %slice3A_3171, %slice3A_3172 in 2 : vector<4x16x101xf32>, vector<4x16x27xf32> -> vector<4x16x128xf32>
    %slice3A_3174 = vector.extract_strided_slice %concatenate3A_3173 {offsets = [0, 0, 0], sizes = [1, 16, 128], strides = [1, 1, 1]} : vector<4x16x128xf32> to vector<1x16x128xf32>
    %sub3A_3175 = vector.broadcast %slice3A_3174 : vector<1x16x128xf32> to vector<4x16x128xf32>
    %sub3A_3176 = arith.subf %sub3A_3175, %transpose3A : vector<4x16x128xf32>
    %max3A_3177 = arith.constant 0.000000e+00 : f32
    %max3A_3178 = vector.broadcast %max3A_3177 : f32 to vector<4x16x128xf32>
    %max3A_3179 = arith.maximumf %sub3A_3176, %max3A_3178 : vector<4x16x128xf32>
    %add3A_3180 = arith.addf %add3A_3170, %max3A_3179 : vector<4x16x128xf32>
    %slice3A_3181 = vector.extract_strided_slice %concatenate3A_3173 {offsets = [1, 0, 0], sizes = [1, 16, 128], strides = [1, 1, 1]} : vector<4x16x128xf32> to vector<1x16x128xf32>
    %sub3A_3182 = vector.broadcast %slice3A_3181 : vector<1x16x128xf32> to vector<4x16x128xf32>
    %sub3A_3183 = arith.subf %sub3A_3182, %transpose3A : vector<4x16x128xf32>
    %max3A_3184 = arith.constant 0.000000e+00 : f32
    %max3A_3185 = vector.broadcast %max3A_3184 : f32 to vector<4x16x128xf32>
    %max3A_3186 = arith.maximumf %sub3A_3183, %max3A_3185 : vector<4x16x128xf32>
    %add3A_3187 = arith.addf %add3A_3180, %max3A_3186 : vector<4x16x128xf32>
    %slice3A_3188 = vector.extract_strided_slice %concatenate3A_3173 {offsets = [2, 0, 0], sizes = [1, 16, 128], strides = [1, 1, 1]} : vector<4x16x128xf32> to vector<1x16x128xf32>
    %sub3A_3189 = vector.broadcast %slice3A_3188 : vector<1x16x128xf32> to vector<4x16x128xf32>
    %sub3A_3190 = arith.subf %sub3A_3189, %transpose3A : vector<4x16x128xf32>
    %max3A_3191 = arith.constant 0.000000e+00 : f32
    %max3A_3192 = vector.broadcast %max3A_3191 : f32 to vector<4x16x128xf32>
    %max3A_3193 = arith.maximumf %sub3A_3190, %max3A_3192 : vector<4x16x128xf32>
    %add3A_3194 = arith.addf %add3A_3187, %max3A_3193 : vector<4x16x128xf32>
    %slice3A_3195 = vector.extract_strided_slice %concatenate3A_3173 {offsets = [3, 0, 0], sizes = [1, 16, 128], strides = [1, 1, 1]} : vector<4x16x128xf32> to vector<1x16x128xf32>
    %sub3A_3196 = vector.broadcast %slice3A_3195 : vector<1x16x128xf32> to vector<4x16x128xf32>
    %sub3A_3197 = arith.subf %sub3A_3196, %transpose3A : vector<4x16x128xf32>
    %max3A_3198 = arith.constant 0.000000e+00 : f32
    %max3A_3199 = vector.broadcast %max3A_3198 : f32 to vector<4x16x128xf32>
    %max3A_3200 = arith.maximumf %sub3A_3197, %max3A_3199 : vector<4x16x128xf32>
    %add3A_3201 = arith.addf %add3A_3194, %max3A_3200 : vector<4x16x128xf32>
    %slice3A_3202 = vector.extract_strided_slice %transpose3A_42 {offsets = [0, 0, 26], sizes = [4, 16, 102], strides = [1, 1, 1]} : vector<4x16x128xf32> to vector<4x16x102xf32>
    %slice3A_3203 = vector.extract_strided_slice %transpose3A_42 {offsets = [0, 0, 0], sizes = [4, 16, 26], strides = [1, 1, 1]} : vector<4x16x128xf32> to vector<4x16x26xf32>
    %concatenate3A_3204 = tpu.concatenate %slice3A_3202, %slice3A_3203 in 2 : vector<4x16x102xf32>, vector<4x16x26xf32> -> vector<4x16x128xf32>
    %slice3A_3205 = vector.extract_strided_slice %concatenate3A_3204 {offsets = [0, 0, 0], sizes = [1, 16, 128], strides = [1, 1, 1]} : vector<4x16x128xf32> to vector<1x16x128xf32>
    %sub3A_3206 = vector.broadcast %slice3A_3205 : vector<1x16x128xf32> to vector<4x16x128xf32>
    %sub3A_3207 = arith.subf %sub3A_3206, %transpose3A : vector<4x16x128xf32>
    %max3A_3208 = arith.constant 0.000000e+00 : f32
    %max3A_3209 = vector.broadcast %max3A_3208 : f32 to vector<4x16x128xf32>
    %max3A_3210 = arith.maximumf %sub3A_3207, %max3A_3209 : vector<4x16x128xf32>
    %add3A_3211 = arith.addf %add3A_3201, %max3A_3210 : vector<4x16x128xf32>
    %slice3A_3212 = vector.extract_strided_slice %concatenate3A_3204 {offsets = [1, 0, 0], sizes = [1, 16, 128], strides = [1, 1, 1]} : vector<4x16x128xf32> to vector<1x16x128xf32>
    %sub3A_3213 = vector.broadcast %slice3A_3212 : vector<1x16x128xf32> to vector<4x16x128xf32>
    %sub3A_3214 = arith.subf %sub3A_3213, %transpose3A : vector<4x16x128xf32>
    %max3A_3215 = arith.constant 0.000000e+00 : f32
    %max3A_3216 = vector.broadcast %max3A_3215 : f32 to vector<4x16x128xf32>
    %max3A_3217 = arith.maximumf %sub3A_3214, %max3A_3216 : vector<4x16x128xf32>
    %add3A_3218 = arith.addf %add3A_3211, %max3A_3217 : vector<4x16x128xf32>
    %slice3A_3219 = vector.extract_strided_slice %concatenate3A_3204 {offsets = [2, 0, 0], sizes = [1, 16, 128], strides = [1, 1, 1]} : vector<4x16x128xf32> to vector<1x16x128xf32>
    %sub3A_3220 = vector.broadcast %slice3A_3219 : vector<1x16x128xf32> to vector<4x16x128xf32>
    %sub3A_3221 = arith.subf %sub3A_3220, %transpose3A : vector<4x16x128xf32>
    %max3A_3222 = arith.constant 0.000000e+00 : f32
    %max3A_3223 = vector.broadcast %max3A_3222 : f32 to vector<4x16x128xf32>
    %max3A_3224 = arith.maximumf %sub3A_3221, %max3A_3223 : vector<4x16x128xf32>
    %add3A_3225 = arith.addf %add3A_3218, %max3A_3224 : vector<4x16x128xf32>
    %slice3A_3226 = vector.extract_strided_slice %concatenate3A_3204 {offsets = [3, 0, 0], sizes = [1, 16, 128], strides = [1, 1, 1]} : vector<4x16x128xf32> to vector<1x16x128xf32>
    %sub3A_3227 = vector.broadcast %slice3A_3226 : vector<1x16x128xf32> to vector<4x16x128xf32>
    %sub3A_3228 = arith.subf %sub3A_3227, %transpose3A : vector<4x16x128xf32>
    %max3A_3229 = arith.constant 0.000000e+00 : f32
    %max3A_3230 = vector.broadcast %max3A_3229 : f32 to vector<4x16x128xf32>
    %max3A_3231 = arith.maximumf %sub3A_3228, %max3A_3230 : vector<4x16x128xf32>
    %add3A_3232 = arith.addf %add3A_3225, %max3A_3231 : vector<4x16x128xf32>
    %slice3A_3233 = vector.extract_strided_slice %transpose3A_42 {offsets = [0, 0, 25], sizes = [4, 16, 103], strides = [1, 1, 1]} : vector<4x16x128xf32> to vector<4x16x103xf32>
    %slice3A_3234 = vector.extract_strided_slice %transpose3A_42 {offsets = [0, 0, 0], sizes = [4, 16, 25], strides = [1, 1, 1]} : vector<4x16x128xf32> to vector<4x16x25xf32>
    %concatenate3A_3235 = tpu.concatenate %slice3A_3233, %slice3A_3234 in 2 : vector<4x16x103xf32>, vector<4x16x25xf32> -> vector<4x16x128xf32>
    %slice3A_3236 = vector.extract_strided_slice %concatenate3A_3235 {offsets = [0, 0, 0], sizes = [1, 16, 128], strides = [1, 1, 1]} : vector<4x16x128xf32> to vector<1x16x128xf32>
    %sub3A_3237 = vector.broadcast %slice3A_3236 : vector<1x16x128xf32> to vector<4x16x128xf32>
    %sub3A_3238 = arith.subf %sub3A_3237, %transpose3A : vector<4x16x128xf32>
    %max3A_3239 = arith.constant 0.000000e+00 : f32
    %max3A_3240 = vector.broadcast %max3A_3239 : f32 to vector<4x16x128xf32>
    %max3A_3241 = arith.maximumf %sub3A_3238, %max3A_3240 : vector<4x16x128xf32>
    %add3A_3242 = arith.addf %add3A_3232, %max3A_3241 : vector<4x16x128xf32>
    %slice3A_3243 = vector.extract_strided_slice %concatenate3A_3235 {offsets = [1, 0, 0], sizes = [1, 16, 128], strides = [1, 1, 1]} : vector<4x16x128xf32> to vector<1x16x128xf32>
    %sub3A_3244 = vector.broadcast %slice3A_3243 : vector<1x16x128xf32> to vector<4x16x128xf32>
    %sub3A_3245 = arith.subf %sub3A_3244, %transpose3A : vector<4x16x128xf32>
    %max3A_3246 = arith.constant 0.000000e+00 : f32
    %max3A_3247 = vector.broadcast %max3A_3246 : f32 to vector<4x16x128xf32>
    %max3A_3248 = arith.maximumf %sub3A_3245, %max3A_3247 : vector<4x16x128xf32>
    %add3A_3249 = arith.addf %add3A_3242, %max3A_3248 : vector<4x16x128xf32>
    %slice3A_3250 = vector.extract_strided_slice %concatenate3A_3235 {offsets = [2, 0, 0], sizes = [1, 16, 128], strides = [1, 1, 1]} : vector<4x16x128xf32> to vector<1x16x128xf32>
    %sub3A_3251 = vector.broadcast %slice3A_3250 : vector<1x16x128xf32> to vector<4x16x128xf32>
    %sub3A_3252 = arith.subf %sub3A_3251, %transpose3A : vector<4x16x128xf32>
    %max3A_3253 = arith.constant 0.000000e+00 : f32
    %max3A_3254 = vector.broadcast %max3A_3253 : f32 to vector<4x16x128xf32>
    %max3A_3255 = arith.maximumf %sub3A_3252, %max3A_3254 : vector<4x16x128xf32>
    %add3A_3256 = arith.addf %add3A_3249, %max3A_3255 : vector<4x16x128xf32>
    %slice3A_3257 = vector.extract_strided_slice %concatenate3A_3235 {offsets = [3, 0, 0], sizes = [1, 16, 128], strides = [1, 1, 1]} : vector<4x16x128xf32> to vector<1x16x128xf32>
    %sub3A_3258 = vector.broadcast %slice3A_3257 : vector<1x16x128xf32> to vector<4x16x128xf32>
    %sub3A_3259 = arith.subf %sub3A_3258, %transpose3A : vector<4x16x128xf32>
    %max3A_3260 = arith.constant 0.000000e+00 : f32
    %max3A_3261 = vector.broadcast %max3A_3260 : f32 to vector<4x16x128xf32>
    %max3A_3262 = arith.maximumf %sub3A_3259, %max3A_3261 : vector<4x16x128xf32>
    %add3A_3263 = arith.addf %add3A_3256, %max3A_3262 : vector<4x16x128xf32>
    %slice3A_3264 = vector.extract_strided_slice %transpose3A_42 {offsets = [0, 0, 24], sizes = [4, 16, 104], strides = [1, 1, 1]} : vector<4x16x128xf32> to vector<4x16x104xf32>
    %slice3A_3265 = vector.extract_strided_slice %transpose3A_42 {offsets = [0, 0, 0], sizes = [4, 16, 24], strides = [1, 1, 1]} : vector<4x16x128xf32> to vector<4x16x24xf32>
    %concatenate3A_3266 = tpu.concatenate %slice3A_3264, %slice3A_3265 in 2 : vector<4x16x104xf32>, vector<4x16x24xf32> -> vector<4x16x128xf32>
    %slice3A_3267 = vector.extract_strided_slice %concatenate3A_3266 {offsets = [0, 0, 0], sizes = [1, 16, 128], strides = [1, 1, 1]} : vector<4x16x128xf32> to vector<1x16x128xf32>
    %sub3A_3268 = vector.broadcast %slice3A_3267 : vector<1x16x128xf32> to vector<4x16x128xf32>
    %sub3A_3269 = arith.subf %sub3A_3268, %transpose3A : vector<4x16x128xf32>
    %max3A_3270 = arith.constant 0.000000e+00 : f32
    %max3A_3271 = vector.broadcast %max3A_3270 : f32 to vector<4x16x128xf32>
    %max3A_3272 = arith.maximumf %sub3A_3269, %max3A_3271 : vector<4x16x128xf32>
    %add3A_3273 = arith.addf %add3A_3263, %max3A_3272 : vector<4x16x128xf32>
    %slice3A_3274 = vector.extract_strided_slice %concatenate3A_3266 {offsets = [1, 0, 0], sizes = [1, 16, 128], strides = [1, 1, 1]} : vector<4x16x128xf32> to vector<1x16x128xf32>
    %sub3A_3275 = vector.broadcast %slice3A_3274 : vector<1x16x128xf32> to vector<4x16x128xf32>
    %sub3A_3276 = arith.subf %sub3A_3275, %transpose3A : vector<4x16x128xf32>
    %max3A_3277 = arith.constant 0.000000e+00 : f32
    %max3A_3278 = vector.broadcast %max3A_3277 : f32 to vector<4x16x128xf32>
    %max3A_3279 = arith.maximumf %sub3A_3276, %max3A_3278 : vector<4x16x128xf32>
    %add3A_3280 = arith.addf %add3A_3273, %max3A_3279 : vector<4x16x128xf32>
    %slice3A_3281 = vector.extract_strided_slice %concatenate3A_3266 {offsets = [2, 0, 0], sizes = [1, 16, 128], strides = [1, 1, 1]} : vector<4x16x128xf32> to vector<1x16x128xf32>
    %sub3A_3282 = vector.broadcast %slice3A_3281 : vector<1x16x128xf32> to vector<4x16x128xf32>
    %sub3A_3283 = arith.subf %sub3A_3282, %transpose3A : vector<4x16x128xf32>
    %max3A_3284 = arith.constant 0.000000e+00 : f32
    %max3A_3285 = vector.broadcast %max3A_3284 : f32 to vector<4x16x128xf32>
    %max3A_3286 = arith.maximumf %sub3A_3283, %max3A_3285 : vector<4x16x128xf32>
    %add3A_3287 = arith.addf %add3A_3280, %max3A_3286 : vector<4x16x128xf32>
    %slice3A_3288 = vector.extract_strided_slice %concatenate3A_3266 {offsets = [3, 0, 0], sizes = [1, 16, 128], strides = [1, 1, 1]} : vector<4x16x128xf32> to vector<1x16x128xf32>
    %sub3A_3289 = vector.broadcast %slice3A_3288 : vector<1x16x128xf32> to vector<4x16x128xf32>
    %sub3A_3290 = arith.subf %sub3A_3289, %transpose3A : vector<4x16x128xf32>
    %max3A_3291 = arith.constant 0.000000e+00 : f32
    %max3A_3292 = vector.broadcast %max3A_3291 : f32 to vector<4x16x128xf32>
    %max3A_3293 = arith.maximumf %sub3A_3290, %max3A_3292 : vector<4x16x128xf32>
    %add3A_3294 = arith.addf %add3A_3287, %max3A_3293 : vector<4x16x128xf32>
    %slice3A_3295 = vector.extract_strided_slice %transpose3A_42 {offsets = [0, 0, 23], sizes = [4, 16, 105], strides = [1, 1, 1]} : vector<4x16x128xf32> to vector<4x16x105xf32>
    %slice3A_3296 = vector.extract_strided_slice %transpose3A_42 {offsets = [0, 0, 0], sizes = [4, 16, 23], strides = [1, 1, 1]} : vector<4x16x128xf32> to vector<4x16x23xf32>
    %concatenate3A_3297 = tpu.concatenate %slice3A_3295, %slice3A_3296 in 2 : vector<4x16x105xf32>, vector<4x16x23xf32> -> vector<4x16x128xf32>
    %slice3A_3298 = vector.extract_strided_slice %concatenate3A_3297 {offsets = [0, 0, 0], sizes = [1, 16, 128], strides = [1, 1, 1]} : vector<4x16x128xf32> to vector<1x16x128xf32>
    %sub3A_3299 = vector.broadcast %slice3A_3298 : vector<1x16x128xf32> to vector<4x16x128xf32>
    %sub3A_3300 = arith.subf %sub3A_3299, %transpose3A : vector<4x16x128xf32>
    %max3A_3301 = arith.constant 0.000000e+00 : f32
    %max3A_3302 = vector.broadcast %max3A_3301 : f32 to vector<4x16x128xf32>
    %max3A_3303 = arith.maximumf %sub3A_3300, %max3A_3302 : vector<4x16x128xf32>
    %add3A_3304 = arith.addf %add3A_3294, %max3A_3303 : vector<4x16x128xf32>
    %slice3A_3305 = vector.extract_strided_slice %concatenate3A_3297 {offsets = [1, 0, 0], sizes = [1, 16, 128], strides = [1, 1, 1]} : vector<4x16x128xf32> to vector<1x16x128xf32>
    %sub3A_3306 = vector.broadcast %slice3A_3305 : vector<1x16x128xf32> to vector<4x16x128xf32>
    %sub3A_3307 = arith.subf %sub3A_3306, %transpose3A : vector<4x16x128xf32>
    %max3A_3308 = arith.constant 0.000000e+00 : f32
    %max3A_3309 = vector.broadcast %max3A_3308 : f32 to vector<4x16x128xf32>
    %max3A_3310 = arith.maximumf %sub3A_3307, %max3A_3309 : vector<4x16x128xf32>
    %add3A_3311 = arith.addf %add3A_3304, %max3A_3310 : vector<4x16x128xf32>
    %slice3A_3312 = vector.extract_strided_slice %concatenate3A_3297 {offsets = [2, 0, 0], sizes = [1, 16, 128], strides = [1, 1, 1]} : vector<4x16x128xf32> to vector<1x16x128xf32>
    %sub3A_3313 = vector.broadcast %slice3A_3312 : vector<1x16x128xf32> to vector<4x16x128xf32>
    %sub3A_3314 = arith.subf %sub3A_3313, %transpose3A : vector<4x16x128xf32>
    %max3A_3315 = arith.constant 0.000000e+00 : f32
    %max3A_3316 = vector.broadcast %max3A_3315 : f32 to vector<4x16x128xf32>
    %max3A_3317 = arith.maximumf %sub3A_3314, %max3A_3316 : vector<4x16x128xf32>
    %add3A_3318 = arith.addf %add3A_3311, %max3A_3317 : vector<4x16x128xf32>
    %slice3A_3319 = vector.extract_strided_slice %concatenate3A_3297 {offsets = [3, 0, 0], sizes = [1, 16, 128], strides = [1, 1, 1]} : vector<4x16x128xf32> to vector<1x16x128xf32>
    %sub3A_3320 = vector.broadcast %slice3A_3319 : vector<1x16x128xf32> to vector<4x16x128xf32>
    %sub3A_3321 = arith.subf %sub3A_3320, %transpose3A : vector<4x16x128xf32>
    %max3A_3322 = arith.constant 0.000000e+00 : f32
    %max3A_3323 = vector.broadcast %max3A_3322 : f32 to vector<4x16x128xf32>
    %max3A_3324 = arith.maximumf %sub3A_3321, %max3A_3323 : vector<4x16x128xf32>
    %add3A_3325 = arith.addf %add3A_3318, %max3A_3324 : vector<4x16x128xf32>
    %slice3A_3326 = vector.extract_strided_slice %transpose3A_42 {offsets = [0, 0, 22], sizes = [4, 16, 106], strides = [1, 1, 1]} : vector<4x16x128xf32> to vector<4x16x106xf32>
    %slice3A_3327 = vector.extract_strided_slice %transpose3A_42 {offsets = [0, 0, 0], sizes = [4, 16, 22], strides = [1, 1, 1]} : vector<4x16x128xf32> to vector<4x16x22xf32>
    %concatenate3A_3328 = tpu.concatenate %slice3A_3326, %slice3A_3327 in 2 : vector<4x16x106xf32>, vector<4x16x22xf32> -> vector<4x16x128xf32>
    %slice3A_3329 = vector.extract_strided_slice %concatenate3A_3328 {offsets = [0, 0, 0], sizes = [1, 16, 128], strides = [1, 1, 1]} : vector<4x16x128xf32> to vector<1x16x128xf32>
    %sub3A_3330 = vector.broadcast %slice3A_3329 : vector<1x16x128xf32> to vector<4x16x128xf32>
    %sub3A_3331 = arith.subf %sub3A_3330, %transpose3A : vector<4x16x128xf32>
    %max3A_3332 = arith.constant 0.000000e+00 : f32
    %max3A_3333 = vector.broadcast %max3A_3332 : f32 to vector<4x16x128xf32>
    %max3A_3334 = arith.maximumf %sub3A_3331, %max3A_3333 : vector<4x16x128xf32>
    %add3A_3335 = arith.addf %add3A_3325, %max3A_3334 : vector<4x16x128xf32>
    %slice3A_3336 = vector.extract_strided_slice %concatenate3A_3328 {offsets = [1, 0, 0], sizes = [1, 16, 128], strides = [1, 1, 1]} : vector<4x16x128xf32> to vector<1x16x128xf32>
    %sub3A_3337 = vector.broadcast %slice3A_3336 : vector<1x16x128xf32> to vector<4x16x128xf32>
    %sub3A_3338 = arith.subf %sub3A_3337, %transpose3A : vector<4x16x128xf32>
    %max3A_3339 = arith.constant 0.000000e+00 : f32
    %max3A_3340 = vector.broadcast %max3A_3339 : f32 to vector<4x16x128xf32>
    %max3A_3341 = arith.maximumf %sub3A_3338, %max3A_3340 : vector<4x16x128xf32>
    %add3A_3342 = arith.addf %add3A_3335, %max3A_3341 : vector<4x16x128xf32>
    %slice3A_3343 = vector.extract_strided_slice %concatenate3A_3328 {offsets = [2, 0, 0], sizes = [1, 16, 128], strides = [1, 1, 1]} : vector<4x16x128xf32> to vector<1x16x128xf32>
    %sub3A_3344 = vector.broadcast %slice3A_3343 : vector<1x16x128xf32> to vector<4x16x128xf32>
    %sub3A_3345 = arith.subf %sub3A_3344, %transpose3A : vector<4x16x128xf32>
    %max3A_3346 = arith.constant 0.000000e+00 : f32
    %max3A_3347 = vector.broadcast %max3A_3346 : f32 to vector<4x16x128xf32>
    %max3A_3348 = arith.maximumf %sub3A_3345, %max3A_3347 : vector<4x16x128xf32>
    %add3A_3349 = arith.addf %add3A_3342, %max3A_3348 : vector<4x16x128xf32>
    %slice3A_3350 = vector.extract_strided_slice %concatenate3A_3328 {offsets = [3, 0, 0], sizes = [1, 16, 128], strides = [1, 1, 1]} : vector<4x16x128xf32> to vector<1x16x128xf32>
    %sub3A_3351 = vector.broadcast %slice3A_3350 : vector<1x16x128xf32> to vector<4x16x128xf32>
    %sub3A_3352 = arith.subf %sub3A_3351, %transpose3A : vector<4x16x128xf32>
    %max3A_3353 = arith.constant 0.000000e+00 : f32
    %max3A_3354 = vector.broadcast %max3A_3353 : f32 to vector<4x16x128xf32>
    %max3A_3355 = arith.maximumf %sub3A_3352, %max3A_3354 : vector<4x16x128xf32>
    %add3A_3356 = arith.addf %add3A_3349, %max3A_3355 : vector<4x16x128xf32>
    %slice3A_3357 = vector.extract_strided_slice %transpose3A_42 {offsets = [0, 0, 21], sizes = [4, 16, 107], strides = [1, 1, 1]} : vector<4x16x128xf32> to vector<4x16x107xf32>
    %slice3A_3358 = vector.extract_strided_slice %transpose3A_42 {offsets = [0, 0, 0], sizes = [4, 16, 21], strides = [1, 1, 1]} : vector<4x16x128xf32> to vector<4x16x21xf32>
    %concatenate3A_3359 = tpu.concatenate %slice3A_3357, %slice3A_3358 in 2 : vector<4x16x107xf32>, vector<4x16x21xf32> -> vector<4x16x128xf32>
    %slice3A_3360 = vector.extract_strided_slice %concatenate3A_3359 {offsets = [0, 0, 0], sizes = [1, 16, 128], strides = [1, 1, 1]} : vector<4x16x128xf32> to vector<1x16x128xf32>
    %sub3A_3361 = vector.broadcast %slice3A_3360 : vector<1x16x128xf32> to vector<4x16x128xf32>
    %sub3A_3362 = arith.subf %sub3A_3361, %transpose3A : vector<4x16x128xf32>
    %max3A_3363 = arith.constant 0.000000e+00 : f32
    %max3A_3364 = vector.broadcast %max3A_3363 : f32 to vector<4x16x128xf32>
    %max3A_3365 = arith.maximumf %sub3A_3362, %max3A_3364 : vector<4x16x128xf32>
    %add3A_3366 = arith.addf %add3A_3356, %max3A_3365 : vector<4x16x128xf32>
    %slice3A_3367 = vector.extract_strided_slice %concatenate3A_3359 {offsets = [1, 0, 0], sizes = [1, 16, 128], strides = [1, 1, 1]} : vector<4x16x128xf32> to vector<1x16x128xf32>
    %sub3A_3368 = vector.broadcast %slice3A_3367 : vector<1x16x128xf32> to vector<4x16x128xf32>
    %sub3A_3369 = arith.subf %sub3A_3368, %transpose3A : vector<4x16x128xf32>
    %max3A_3370 = arith.constant 0.000000e+00 : f32
    %max3A_3371 = vector.broadcast %max3A_3370 : f32 to vector<4x16x128xf32>
    %max3A_3372 = arith.maximumf %sub3A_3369, %max3A_3371 : vector<4x16x128xf32>
    %add3A_3373 = arith.addf %add3A_3366, %max3A_3372 : vector<4x16x128xf32>
    %slice3A_3374 = vector.extract_strided_slice %concatenate3A_3359 {offsets = [2, 0, 0], sizes = [1, 16, 128], strides = [1, 1, 1]} : vector<4x16x128xf32> to vector<1x16x128xf32>
    %sub3A_3375 = vector.broadcast %slice3A_3374 : vector<1x16x128xf32> to vector<4x16x128xf32>
    %sub3A_3376 = arith.subf %sub3A_3375, %transpose3A : vector<4x16x128xf32>
    %max3A_3377 = arith.constant 0.000000e+00 : f32
    %max3A_3378 = vector.broadcast %max3A_3377 : f32 to vector<4x16x128xf32>
    %max3A_3379 = arith.maximumf %sub3A_3376, %max3A_3378 : vector<4x16x128xf32>
    %add3A_3380 = arith.addf %add3A_3373, %max3A_3379 : vector<4x16x128xf32>
    %slice3A_3381 = vector.extract_strided_slice %concatenate3A_3359 {offsets = [3, 0, 0], sizes = [1, 16, 128], strides = [1, 1, 1]} : vector<4x16x128xf32> to vector<1x16x128xf32>
    %sub3A_3382 = vector.broadcast %slice3A_3381 : vector<1x16x128xf32> to vector<4x16x128xf32>
    %sub3A_3383 = arith.subf %sub3A_3382, %transpose3A : vector<4x16x128xf32>
    %max3A_3384 = arith.constant 0.000000e+00 : f32
    %max3A_3385 = vector.broadcast %max3A_3384 : f32 to vector<4x16x128xf32>
    %max3A_3386 = arith.maximumf %sub3A_3383, %max3A_3385 : vector<4x16x128xf32>
    %add3A_3387 = arith.addf %add3A_3380, %max3A_3386 : vector<4x16x128xf32>
    %slice3A_3388 = vector.extract_strided_slice %transpose3A_42 {offsets = [0, 0, 20], sizes = [4, 16, 108], strides = [1, 1, 1]} : vector<4x16x128xf32> to vector<4x16x108xf32>
    %slice3A_3389 = vector.extract_strided_slice %transpose3A_42 {offsets = [0, 0, 0], sizes = [4, 16, 20], strides = [1, 1, 1]} : vector<4x16x128xf32> to vector<4x16x20xf32>
    %concatenate3A_3390 = tpu.concatenate %slice3A_3388, %slice3A_3389 in 2 : vector<4x16x108xf32>, vector<4x16x20xf32> -> vector<4x16x128xf32>
    %slice3A_3391 = vector.extract_strided_slice %concatenate3A_3390 {offsets = [0, 0, 0], sizes = [1, 16, 128], strides = [1, 1, 1]} : vector<4x16x128xf32> to vector<1x16x128xf32>
    %sub3A_3392 = vector.broadcast %slice3A_3391 : vector<1x16x128xf32> to vector<4x16x128xf32>
    %sub3A_3393 = arith.subf %sub3A_3392, %transpose3A : vector<4x16x128xf32>
    %max3A_3394 = arith.constant 0.000000e+00 : f32
    %max3A_3395 = vector.broadcast %max3A_3394 : f32 to vector<4x16x128xf32>
    %max3A_3396 = arith.maximumf %sub3A_3393, %max3A_3395 : vector<4x16x128xf32>
    %add3A_3397 = arith.addf %add3A_3387, %max3A_3396 : vector<4x16x128xf32>
    %slice3A_3398 = vector.extract_strided_slice %concatenate3A_3390 {offsets = [1, 0, 0], sizes = [1, 16, 128], strides = [1, 1, 1]} : vector<4x16x128xf32> to vector<1x16x128xf32>
    %sub3A_3399 = vector.broadcast %slice3A_3398 : vector<1x16x128xf32> to vector<4x16x128xf32>
    %sub3A_3400 = arith.subf %sub3A_3399, %transpose3A : vector<4x16x128xf32>
    %max3A_3401 = arith.constant 0.000000e+00 : f32
    %max3A_3402 = vector.broadcast %max3A_3401 : f32 to vector<4x16x128xf32>
    %max3A_3403 = arith.maximumf %sub3A_3400, %max3A_3402 : vector<4x16x128xf32>
    %add3A_3404 = arith.addf %add3A_3397, %max3A_3403 : vector<4x16x128xf32>
    %slice3A_3405 = vector.extract_strided_slice %concatenate3A_3390 {offsets = [2, 0, 0], sizes = [1, 16, 128], strides = [1, 1, 1]} : vector<4x16x128xf32> to vector<1x16x128xf32>
    %sub3A_3406 = vector.broadcast %slice3A_3405 : vector<1x16x128xf32> to vector<4x16x128xf32>
    %sub3A_3407 = arith.subf %sub3A_3406, %transpose3A : vector<4x16x128xf32>
    %max3A_3408 = arith.constant 0.000000e+00 : f32
    %max3A_3409 = vector.broadcast %max3A_3408 : f32 to vector<4x16x128xf32>
    %max3A_3410 = arith.maximumf %sub3A_3407, %max3A_3409 : vector<4x16x128xf32>
    %add3A_3411 = arith.addf %add3A_3404, %max3A_3410 : vector<4x16x128xf32>
    %slice3A_3412 = vector.extract_strided_slice %concatenate3A_3390 {offsets = [3, 0, 0], sizes = [1, 16, 128], strides = [1, 1, 1]} : vector<4x16x128xf32> to vector<1x16x128xf32>
    %sub3A_3413 = vector.broadcast %slice3A_3412 : vector<1x16x128xf32> to vector<4x16x128xf32>
    %sub3A_3414 = arith.subf %sub3A_3413, %transpose3A : vector<4x16x128xf32>
    %max3A_3415 = arith.constant 0.000000e+00 : f32
    %max3A_3416 = vector.broadcast %max3A_3415 : f32 to vector<4x16x128xf32>
    %max3A_3417 = arith.maximumf %sub3A_3414, %max3A_3416 : vector<4x16x128xf32>
    %add3A_3418 = arith.addf %add3A_3411, %max3A_3417 : vector<4x16x128xf32>
    %slice3A_3419 = vector.extract_strided_slice %transpose3A_42 {offsets = [0, 0, 19], sizes = [4, 16, 109], strides = [1, 1, 1]} : vector<4x16x128xf32> to vector<4x16x109xf32>
    %slice3A_3420 = vector.extract_strided_slice %transpose3A_42 {offsets = [0, 0, 0], sizes = [4, 16, 19], strides = [1, 1, 1]} : vector<4x16x128xf32> to vector<4x16x19xf32>
    %concatenate3A_3421 = tpu.concatenate %slice3A_3419, %slice3A_3420 in 2 : vector<4x16x109xf32>, vector<4x16x19xf32> -> vector<4x16x128xf32>
    %slice3A_3422 = vector.extract_strided_slice %concatenate3A_3421 {offsets = [0, 0, 0], sizes = [1, 16, 128], strides = [1, 1, 1]} : vector<4x16x128xf32> to vector<1x16x128xf32>
    %sub3A_3423 = vector.broadcast %slice3A_3422 : vector<1x16x128xf32> to vector<4x16x128xf32>
    %sub3A_3424 = arith.subf %sub3A_3423, %transpose3A : vector<4x16x128xf32>
    %max3A_3425 = arith.constant 0.000000e+00 : f32
    %max3A_3426 = vector.broadcast %max3A_3425 : f32 to vector<4x16x128xf32>
    %max3A_3427 = arith.maximumf %sub3A_3424, %max3A_3426 : vector<4x16x128xf32>
    %add3A_3428 = arith.addf %add3A_3418, %max3A_3427 : vector<4x16x128xf32>
    %slice3A_3429 = vector.extract_strided_slice %concatenate3A_3421 {offsets = [1, 0, 0], sizes = [1, 16, 128], strides = [1, 1, 1]} : vector<4x16x128xf32> to vector<1x16x128xf32>
    %sub3A_3430 = vector.broadcast %slice3A_3429 : vector<1x16x128xf32> to vector<4x16x128xf32>
    %sub3A_3431 = arith.subf %sub3A_3430, %transpose3A : vector<4x16x128xf32>
    %max3A_3432 = arith.constant 0.000000e+00 : f32
    %max3A_3433 = vector.broadcast %max3A_3432 : f32 to vector<4x16x128xf32>
    %max3A_3434 = arith.maximumf %sub3A_3431, %max3A_3433 : vector<4x16x128xf32>
    %add3A_3435 = arith.addf %add3A_3428, %max3A_3434 : vector<4x16x128xf32>
    %slice3A_3436 = vector.extract_strided_slice %concatenate3A_3421 {offsets = [2, 0, 0], sizes = [1, 16, 128], strides = [1, 1, 1]} : vector<4x16x128xf32> to vector<1x16x128xf32>
    %sub3A_3437 = vector.broadcast %slice3A_3436 : vector<1x16x128xf32> to vector<4x16x128xf32>
    %sub3A_3438 = arith.subf %sub3A_3437, %transpose3A : vector<4x16x128xf32>
    %max3A_3439 = arith.constant 0.000000e+00 : f32
    %max3A_3440 = vector.broadcast %max3A_3439 : f32 to vector<4x16x128xf32>
    %max3A_3441 = arith.maximumf %sub3A_3438, %max3A_3440 : vector<4x16x128xf32>
    %add3A_3442 = arith.addf %add3A_3435, %max3A_3441 : vector<4x16x128xf32>
    %slice3A_3443 = vector.extract_strided_slice %concatenate3A_3421 {offsets = [3, 0, 0], sizes = [1, 16, 128], strides = [1, 1, 1]} : vector<4x16x128xf32> to vector<1x16x128xf32>
    %sub3A_3444 = vector.broadcast %slice3A_3443 : vector<1x16x128xf32> to vector<4x16x128xf32>
    %sub3A_3445 = arith.subf %sub3A_3444, %transpose3A : vector<4x16x128xf32>
    %max3A_3446 = arith.constant 0.000000e+00 : f32
    %max3A_3447 = vector.broadcast %max3A_3446 : f32 to vector<4x16x128xf32>
    %max3A_3448 = arith.maximumf %sub3A_3445, %max3A_3447 : vector<4x16x128xf32>
    %add3A_3449 = arith.addf %add3A_3442, %max3A_3448 : vector<4x16x128xf32>
    %slice3A_3450 = vector.extract_strided_slice %transpose3A_42 {offsets = [0, 0, 18], sizes = [4, 16, 110], strides = [1, 1, 1]} : vector<4x16x128xf32> to vector<4x16x110xf32>
    %slice3A_3451 = vector.extract_strided_slice %transpose3A_42 {offsets = [0, 0, 0], sizes = [4, 16, 18], strides = [1, 1, 1]} : vector<4x16x128xf32> to vector<4x16x18xf32>
    %concatenate3A_3452 = tpu.concatenate %slice3A_3450, %slice3A_3451 in 2 : vector<4x16x110xf32>, vector<4x16x18xf32> -> vector<4x16x128xf32>
    %slice3A_3453 = vector.extract_strided_slice %concatenate3A_3452 {offsets = [0, 0, 0], sizes = [1, 16, 128], strides = [1, 1, 1]} : vector<4x16x128xf32> to vector<1x16x128xf32>
    %sub3A_3454 = vector.broadcast %slice3A_3453 : vector<1x16x128xf32> to vector<4x16x128xf32>
    %sub3A_3455 = arith.subf %sub3A_3454, %transpose3A : vector<4x16x128xf32>
    %max3A_3456 = arith.constant 0.000000e+00 : f32
    %max3A_3457 = vector.broadcast %max3A_3456 : f32 to vector<4x16x128xf32>
    %max3A_3458 = arith.maximumf %sub3A_3455, %max3A_3457 : vector<4x16x128xf32>
    %add3A_3459 = arith.addf %add3A_3449, %max3A_3458 : vector<4x16x128xf32>
    %slice3A_3460 = vector.extract_strided_slice %concatenate3A_3452 {offsets = [1, 0, 0], sizes = [1, 16, 128], strides = [1, 1, 1]} : vector<4x16x128xf32> to vector<1x16x128xf32>
    %sub3A_3461 = vector.broadcast %slice3A_3460 : vector<1x16x128xf32> to vector<4x16x128xf32>
    %sub3A_3462 = arith.subf %sub3A_3461, %transpose3A : vector<4x16x128xf32>
    %max3A_3463 = arith.constant 0.000000e+00 : f32
    %max3A_3464 = vector.broadcast %max3A_3463 : f32 to vector<4x16x128xf32>
    %max3A_3465 = arith.maximumf %sub3A_3462, %max3A_3464 : vector<4x16x128xf32>
    %add3A_3466 = arith.addf %add3A_3459, %max3A_3465 : vector<4x16x128xf32>
    %slice3A_3467 = vector.extract_strided_slice %concatenate3A_3452 {offsets = [2, 0, 0], sizes = [1, 16, 128], strides = [1, 1, 1]} : vector<4x16x128xf32> to vector<1x16x128xf32>
    %sub3A_3468 = vector.broadcast %slice3A_3467 : vector<1x16x128xf32> to vector<4x16x128xf32>
    %sub3A_3469 = arith.subf %sub3A_3468, %transpose3A : vector<4x16x128xf32>
    %max3A_3470 = arith.constant 0.000000e+00 : f32
    %max3A_3471 = vector.broadcast %max3A_3470 : f32 to vector<4x16x128xf32>
    %max3A_3472 = arith.maximumf %sub3A_3469, %max3A_3471 : vector<4x16x128xf32>
    %add3A_3473 = arith.addf %add3A_3466, %max3A_3472 : vector<4x16x128xf32>
    %slice3A_3474 = vector.extract_strided_slice %concatenate3A_3452 {offsets = [3, 0, 0], sizes = [1, 16, 128], strides = [1, 1, 1]} : vector<4x16x128xf32> to vector<1x16x128xf32>
    %sub3A_3475 = vector.broadcast %slice3A_3474 : vector<1x16x128xf32> to vector<4x16x128xf32>
    %sub3A_3476 = arith.subf %sub3A_3475, %transpose3A : vector<4x16x128xf32>
    %max3A_3477 = arith.constant 0.000000e+00 : f32
    %max3A_3478 = vector.broadcast %max3A_3477 : f32 to vector<4x16x128xf32>
    %max3A_3479 = arith.maximumf %sub3A_3476, %max3A_3478 : vector<4x16x128xf32>
    %add3A_3480 = arith.addf %add3A_3473, %max3A_3479 : vector<4x16x128xf32>
    %slice3A_3481 = vector.extract_strided_slice %transpose3A_42 {offsets = [0, 0, 17], sizes = [4, 16, 111], strides = [1, 1, 1]} : vector<4x16x128xf32> to vector<4x16x111xf32>
    %slice3A_3482 = vector.extract_strided_slice %transpose3A_42 {offsets = [0, 0, 0], sizes = [4, 16, 17], strides = [1, 1, 1]} : vector<4x16x128xf32> to vector<4x16x17xf32>
    %concatenate3A_3483 = tpu.concatenate %slice3A_3481, %slice3A_3482 in 2 : vector<4x16x111xf32>, vector<4x16x17xf32> -> vector<4x16x128xf32>
    %slice3A_3484 = vector.extract_strided_slice %concatenate3A_3483 {offsets = [0, 0, 0], sizes = [1, 16, 128], strides = [1, 1, 1]} : vector<4x16x128xf32> to vector<1x16x128xf32>
    %sub3A_3485 = vector.broadcast %slice3A_3484 : vector<1x16x128xf32> to vector<4x16x128xf32>
    %sub3A_3486 = arith.subf %sub3A_3485, %transpose3A : vector<4x16x128xf32>
    %max3A_3487 = arith.constant 0.000000e+00 : f32
    %max3A_3488 = vector.broadcast %max3A_3487 : f32 to vector<4x16x128xf32>
    %max3A_3489 = arith.maximumf %sub3A_3486, %max3A_3488 : vector<4x16x128xf32>
    %add3A_3490 = arith.addf %add3A_3480, %max3A_3489 : vector<4x16x128xf32>
    %slice3A_3491 = vector.extract_strided_slice %concatenate3A_3483 {offsets = [1, 0, 0], sizes = [1, 16, 128], strides = [1, 1, 1]} : vector<4x16x128xf32> to vector<1x16x128xf32>
    %sub3A_3492 = vector.broadcast %slice3A_3491 : vector<1x16x128xf32> to vector<4x16x128xf32>
    %sub3A_3493 = arith.subf %sub3A_3492, %transpose3A : vector<4x16x128xf32>
    %max3A_3494 = arith.constant 0.000000e+00 : f32
    %max3A_3495 = vector.broadcast %max3A_3494 : f32 to vector<4x16x128xf32>
    %max3A_3496 = arith.maximumf %sub3A_3493, %max3A_3495 : vector<4x16x128xf32>
    %add3A_3497 = arith.addf %add3A_3490, %max3A_3496 : vector<4x16x128xf32>
    %slice3A_3498 = vector.extract_strided_slice %concatenate3A_3483 {offsets = [2, 0, 0], sizes = [1, 16, 128], strides = [1, 1, 1]} : vector<4x16x128xf32> to vector<1x16x128xf32>
    %sub3A_3499 = vector.broadcast %slice3A_3498 : vector<1x16x128xf32> to vector<4x16x128xf32>
    %sub3A_3500 = arith.subf %sub3A_3499, %transpose3A : vector<4x16x128xf32>
    %max3A_3501 = arith.constant 0.000000e+00 : f32
    %max3A_3502 = vector.broadcast %max3A_3501 : f32 to vector<4x16x128xf32>
    %max3A_3503 = arith.maximumf %sub3A_3500, %max3A_3502 : vector<4x16x128xf32>
    %add3A_3504 = arith.addf %add3A_3497, %max3A_3503 : vector<4x16x128xf32>
    %slice3A_3505 = vector.extract_strided_slice %concatenate3A_3483 {offsets = [3, 0, 0], sizes = [1, 16, 128], strides = [1, 1, 1]} : vector<4x16x128xf32> to vector<1x16x128xf32>
    %sub3A_3506 = vector.broadcast %slice3A_3505 : vector<1x16x128xf32> to vector<4x16x128xf32>
    %sub3A_3507 = arith.subf %sub3A_3506, %transpose3A : vector<4x16x128xf32>
    %max3A_3508 = arith.constant 0.000000e+00 : f32
    %max3A_3509 = vector.broadcast %max3A_3508 : f32 to vector<4x16x128xf32>
    %max3A_3510 = arith.maximumf %sub3A_3507, %max3A_3509 : vector<4x16x128xf32>
    %add3A_3511 = arith.addf %add3A_3504, %max3A_3510 : vector<4x16x128xf32>
    %slice3A_3512 = vector.extract_strided_slice %transpose3A_42 {offsets = [0, 0, 16], sizes = [4, 16, 112], strides = [1, 1, 1]} : vector<4x16x128xf32> to vector<4x16x112xf32>
    %slice3A_3513 = vector.extract_strided_slice %transpose3A_42 {offsets = [0, 0, 0], sizes = [4, 16, 16], strides = [1, 1, 1]} : vector<4x16x128xf32> to vector<4x16x16xf32>
    %concatenate3A_3514 = tpu.concatenate %slice3A_3512, %slice3A_3513 in 2 : vector<4x16x112xf32>, vector<4x16x16xf32> -> vector<4x16x128xf32>
    %slice3A_3515 = vector.extract_strided_slice %concatenate3A_3514 {offsets = [0, 0, 0], sizes = [1, 16, 128], strides = [1, 1, 1]} : vector<4x16x128xf32> to vector<1x16x128xf32>
    %sub3A_3516 = vector.broadcast %slice3A_3515 : vector<1x16x128xf32> to vector<4x16x128xf32>
    %sub3A_3517 = arith.subf %sub3A_3516, %transpose3A : vector<4x16x128xf32>
    %max3A_3518 = arith.constant 0.000000e+00 : f32
    %max3A_3519 = vector.broadcast %max3A_3518 : f32 to vector<4x16x128xf32>
    %max3A_3520 = arith.maximumf %sub3A_3517, %max3A_3519 : vector<4x16x128xf32>
    %add3A_3521 = arith.addf %add3A_3511, %max3A_3520 : vector<4x16x128xf32>
    %slice3A_3522 = vector.extract_strided_slice %concatenate3A_3514 {offsets = [1, 0, 0], sizes = [1, 16, 128], strides = [1, 1, 1]} : vector<4x16x128xf32> to vector<1x16x128xf32>
    %sub3A_3523 = vector.broadcast %slice3A_3522 : vector<1x16x128xf32> to vector<4x16x128xf32>
    %sub3A_3524 = arith.subf %sub3A_3523, %transpose3A : vector<4x16x128xf32>
    %max3A_3525 = arith.constant 0.000000e+00 : f32
    %max3A_3526 = vector.broadcast %max3A_3525 : f32 to vector<4x16x128xf32>
    %max3A_3527 = arith.maximumf %sub3A_3524, %max3A_3526 : vector<4x16x128xf32>
    %add3A_3528 = arith.addf %add3A_3521, %max3A_3527 : vector<4x16x128xf32>
    %slice3A_3529 = vector.extract_strided_slice %concatenate3A_3514 {offsets = [2, 0, 0], sizes = [1, 16, 128], strides = [1, 1, 1]} : vector<4x16x128xf32> to vector<1x16x128xf32>
    %sub3A_3530 = vector.broadcast %slice3A_3529 : vector<1x16x128xf32> to vector<4x16x128xf32>
    %sub3A_3531 = arith.subf %sub3A_3530, %transpose3A : vector<4x16x128xf32>
    %max3A_3532 = arith.constant 0.000000e+00 : f32
    %max3A_3533 = vector.broadcast %max3A_3532 : f32 to vector<4x16x128xf32>
    %max3A_3534 = arith.maximumf %sub3A_3531, %max3A_3533 : vector<4x16x128xf32>
    %add3A_3535 = arith.addf %add3A_3528, %max3A_3534 : vector<4x16x128xf32>
    %slice3A_3536 = vector.extract_strided_slice %concatenate3A_3514 {offsets = [3, 0, 0], sizes = [1, 16, 128], strides = [1, 1, 1]} : vector<4x16x128xf32> to vector<1x16x128xf32>
    %sub3A_3537 = vector.broadcast %slice3A_3536 : vector<1x16x128xf32> to vector<4x16x128xf32>
    %sub3A_3538 = arith.subf %sub3A_3537, %transpose3A : vector<4x16x128xf32>
    %max3A_3539 = arith.constant 0.000000e+00 : f32
    %max3A_3540 = vector.broadcast %max3A_3539 : f32 to vector<4x16x128xf32>
    %max3A_3541 = arith.maximumf %sub3A_3538, %max3A_3540 : vector<4x16x128xf32>
    %add3A_3542 = arith.addf %add3A_3535, %max3A_3541 : vector<4x16x128xf32>
    %slice3A_3543 = vector.extract_strided_slice %transpose3A_42 {offsets = [0, 0, 15], sizes = [4, 16, 113], strides = [1, 1, 1]} : vector<4x16x128xf32> to vector<4x16x113xf32>
    %slice3A_3544 = vector.extract_strided_slice %transpose3A_42 {offsets = [0, 0, 0], sizes = [4, 16, 15], strides = [1, 1, 1]} : vector<4x16x128xf32> to vector<4x16x15xf32>
    %concatenate3A_3545 = tpu.concatenate %slice3A_3543, %slice3A_3544 in 2 : vector<4x16x113xf32>, vector<4x16x15xf32> -> vector<4x16x128xf32>
    %slice3A_3546 = vector.extract_strided_slice %concatenate3A_3545 {offsets = [0, 0, 0], sizes = [1, 16, 128], strides = [1, 1, 1]} : vector<4x16x128xf32> to vector<1x16x128xf32>
    %sub3A_3547 = vector.broadcast %slice3A_3546 : vector<1x16x128xf32> to vector<4x16x128xf32>
    %sub3A_3548 = arith.subf %sub3A_3547, %transpose3A : vector<4x16x128xf32>
    %max3A_3549 = arith.constant 0.000000e+00 : f32
    %max3A_3550 = vector.broadcast %max3A_3549 : f32 to vector<4x16x128xf32>
    %max3A_3551 = arith.maximumf %sub3A_3548, %max3A_3550 : vector<4x16x128xf32>
    %add3A_3552 = arith.addf %add3A_3542, %max3A_3551 : vector<4x16x128xf32>
    %slice3A_3553 = vector.extract_strided_slice %concatenate3A_3545 {offsets = [1, 0, 0], sizes = [1, 16, 128], strides = [1, 1, 1]} : vector<4x16x128xf32> to vector<1x16x128xf32>
    %sub3A_3554 = vector.broadcast %slice3A_3553 : vector<1x16x128xf32> to vector<4x16x128xf32>
    %sub3A_3555 = arith.subf %sub3A_3554, %transpose3A : vector<4x16x128xf32>
    %max3A_3556 = arith.constant 0.000000e+00 : f32
    %max3A_3557 = vector.broadcast %max3A_3556 : f32 to vector<4x16x128xf32>
    %max3A_3558 = arith.maximumf %sub3A_3555, %max3A_3557 : vector<4x16x128xf32>
    %add3A_3559 = arith.addf %add3A_3552, %max3A_3558 : vector<4x16x128xf32>
    %slice3A_3560 = vector.extract_strided_slice %concatenate3A_3545 {offsets = [2, 0, 0], sizes = [1, 16, 128], strides = [1, 1, 1]} : vector<4x16x128xf32> to vector<1x16x128xf32>
    %sub3A_3561 = vector.broadcast %slice3A_3560 : vector<1x16x128xf32> to vector<4x16x128xf32>
    %sub3A_3562 = arith.subf %sub3A_3561, %transpose3A : vector<4x16x128xf32>
    %max3A_3563 = arith.constant 0.000000e+00 : f32
    %max3A_3564 = vector.broadcast %max3A_3563 : f32 to vector<4x16x128xf32>
    %max3A_3565 = arith.maximumf %sub3A_3562, %max3A_3564 : vector<4x16x128xf32>
    %add3A_3566 = arith.addf %add3A_3559, %max3A_3565 : vector<4x16x128xf32>
    %slice3A_3567 = vector.extract_strided_slice %concatenate3A_3545 {offsets = [3, 0, 0], sizes = [1, 16, 128], strides = [1, 1, 1]} : vector<4x16x128xf32> to vector<1x16x128xf32>
    %sub3A_3568 = vector.broadcast %slice3A_3567 : vector<1x16x128xf32> to vector<4x16x128xf32>
    %sub3A_3569 = arith.subf %sub3A_3568, %transpose3A : vector<4x16x128xf32>
    %max3A_3570 = arith.constant 0.000000e+00 : f32
    %max3A_3571 = vector.broadcast %max3A_3570 : f32 to vector<4x16x128xf32>
    %max3A_3572 = arith.maximumf %sub3A_3569, %max3A_3571 : vector<4x16x128xf32>
    %add3A_3573 = arith.addf %add3A_3566, %max3A_3572 : vector<4x16x128xf32>
    %slice3A_3574 = vector.extract_strided_slice %transpose3A_42 {offsets = [0, 0, 14], sizes = [4, 16, 114], strides = [1, 1, 1]} : vector<4x16x128xf32> to vector<4x16x114xf32>
    %slice3A_3575 = vector.extract_strided_slice %transpose3A_42 {offsets = [0, 0, 0], sizes = [4, 16, 14], strides = [1, 1, 1]} : vector<4x16x128xf32> to vector<4x16x14xf32>
    %concatenate3A_3576 = tpu.concatenate %slice3A_3574, %slice3A_3575 in 2 : vector<4x16x114xf32>, vector<4x16x14xf32> -> vector<4x16x128xf32>
    %slice3A_3577 = vector.extract_strided_slice %concatenate3A_3576 {offsets = [0, 0, 0], sizes = [1, 16, 128], strides = [1, 1, 1]} : vector<4x16x128xf32> to vector<1x16x128xf32>
    %sub3A_3578 = vector.broadcast %slice3A_3577 : vector<1x16x128xf32> to vector<4x16x128xf32>
    %sub3A_3579 = arith.subf %sub3A_3578, %transpose3A : vector<4x16x128xf32>
    %max3A_3580 = arith.constant 0.000000e+00 : f32
    %max3A_3581 = vector.broadcast %max3A_3580 : f32 to vector<4x16x128xf32>
    %max3A_3582 = arith.maximumf %sub3A_3579, %max3A_3581 : vector<4x16x128xf32>
    %add3A_3583 = arith.addf %add3A_3573, %max3A_3582 : vector<4x16x128xf32>
    %slice3A_3584 = vector.extract_strided_slice %concatenate3A_3576 {offsets = [1, 0, 0], sizes = [1, 16, 128], strides = [1, 1, 1]} : vector<4x16x128xf32> to vector<1x16x128xf32>
    %sub3A_3585 = vector.broadcast %slice3A_3584 : vector<1x16x128xf32> to vector<4x16x128xf32>
    %sub3A_3586 = arith.subf %sub3A_3585, %transpose3A : vector<4x16x128xf32>
    %max3A_3587 = arith.constant 0.000000e+00 : f32
    %max3A_3588 = vector.broadcast %max3A_3587 : f32 to vector<4x16x128xf32>
    %max3A_3589 = arith.maximumf %sub3A_3586, %max3A_3588 : vector<4x16x128xf32>
    %add3A_3590 = arith.addf %add3A_3583, %max3A_3589 : vector<4x16x128xf32>
    %slice3A_3591 = vector.extract_strided_slice %concatenate3A_3576 {offsets = [2, 0, 0], sizes = [1, 16, 128], strides = [1, 1, 1]} : vector<4x16x128xf32> to vector<1x16x128xf32>
    %sub3A_3592 = vector.broadcast %slice3A_3591 : vector<1x16x128xf32> to vector<4x16x128xf32>
    %sub3A_3593 = arith.subf %sub3A_3592, %transpose3A : vector<4x16x128xf32>
    %max3A_3594 = arith.constant 0.000000e+00 : f32
    %max3A_3595 = vector.broadcast %max3A_3594 : f32 to vector<4x16x128xf32>
    %max3A_3596 = arith.maximumf %sub3A_3593, %max3A_3595 : vector<4x16x128xf32>
    %add3A_3597 = arith.addf %add3A_3590, %max3A_3596 : vector<4x16x128xf32>
    %slice3A_3598 = vector.extract_strided_slice %concatenate3A_3576 {offsets = [3, 0, 0], sizes = [1, 16, 128], strides = [1, 1, 1]} : vector<4x16x128xf32> to vector<1x16x128xf32>
    %sub3A_3599 = vector.broadcast %slice3A_3598 : vector<1x16x128xf32> to vector<4x16x128xf32>
    %sub3A_3600 = arith.subf %sub3A_3599, %transpose3A : vector<4x16x128xf32>
    %max3A_3601 = arith.constant 0.000000e+00 : f32
    %max3A_3602 = vector.broadcast %max3A_3601 : f32 to vector<4x16x128xf32>
    %max3A_3603 = arith.maximumf %sub3A_3600, %max3A_3602 : vector<4x16x128xf32>
    %add3A_3604 = arith.addf %add3A_3597, %max3A_3603 : vector<4x16x128xf32>
    %slice3A_3605 = vector.extract_strided_slice %transpose3A_42 {offsets = [0, 0, 13], sizes = [4, 16, 115], strides = [1, 1, 1]} : vector<4x16x128xf32> to vector<4x16x115xf32>
    %slice3A_3606 = vector.extract_strided_slice %transpose3A_42 {offsets = [0, 0, 0], sizes = [4, 16, 13], strides = [1, 1, 1]} : vector<4x16x128xf32> to vector<4x16x13xf32>
    %concatenate3A_3607 = tpu.concatenate %slice3A_3605, %slice3A_3606 in 2 : vector<4x16x115xf32>, vector<4x16x13xf32> -> vector<4x16x128xf32>
    %slice3A_3608 = vector.extract_strided_slice %concatenate3A_3607 {offsets = [0, 0, 0], sizes = [1, 16, 128], strides = [1, 1, 1]} : vector<4x16x128xf32> to vector<1x16x128xf32>
    %sub3A_3609 = vector.broadcast %slice3A_3608 : vector<1x16x128xf32> to vector<4x16x128xf32>
    %sub3A_3610 = arith.subf %sub3A_3609, %transpose3A : vector<4x16x128xf32>
    %max3A_3611 = arith.constant 0.000000e+00 : f32
    %max3A_3612 = vector.broadcast %max3A_3611 : f32 to vector<4x16x128xf32>
    %max3A_3613 = arith.maximumf %sub3A_3610, %max3A_3612 : vector<4x16x128xf32>
    %add3A_3614 = arith.addf %add3A_3604, %max3A_3613 : vector<4x16x128xf32>
    %slice3A_3615 = vector.extract_strided_slice %concatenate3A_3607 {offsets = [1, 0, 0], sizes = [1, 16, 128], strides = [1, 1, 1]} : vector<4x16x128xf32> to vector<1x16x128xf32>
    %sub3A_3616 = vector.broadcast %slice3A_3615 : vector<1x16x128xf32> to vector<4x16x128xf32>
    %sub3A_3617 = arith.subf %sub3A_3616, %transpose3A : vector<4x16x128xf32>
    %max3A_3618 = arith.constant 0.000000e+00 : f32
    %max3A_3619 = vector.broadcast %max3A_3618 : f32 to vector<4x16x128xf32>
    %max3A_3620 = arith.maximumf %sub3A_3617, %max3A_3619 : vector<4x16x128xf32>
    %add3A_3621 = arith.addf %add3A_3614, %max3A_3620 : vector<4x16x128xf32>
    %slice3A_3622 = vector.extract_strided_slice %concatenate3A_3607 {offsets = [2, 0, 0], sizes = [1, 16, 128], strides = [1, 1, 1]} : vector<4x16x128xf32> to vector<1x16x128xf32>
    %sub3A_3623 = vector.broadcast %slice3A_3622 : vector<1x16x128xf32> to vector<4x16x128xf32>
    %sub3A_3624 = arith.subf %sub3A_3623, %transpose3A : vector<4x16x128xf32>
    %max3A_3625 = arith.constant 0.000000e+00 : f32
    %max3A_3626 = vector.broadcast %max3A_3625 : f32 to vector<4x16x128xf32>
    %max3A_3627 = arith.maximumf %sub3A_3624, %max3A_3626 : vector<4x16x128xf32>
    %add3A_3628 = arith.addf %add3A_3621, %max3A_3627 : vector<4x16x128xf32>
    %slice3A_3629 = vector.extract_strided_slice %concatenate3A_3607 {offsets = [3, 0, 0], sizes = [1, 16, 128], strides = [1, 1, 1]} : vector<4x16x128xf32> to vector<1x16x128xf32>
    %sub3A_3630 = vector.broadcast %slice3A_3629 : vector<1x16x128xf32> to vector<4x16x128xf32>
    %sub3A_3631 = arith.subf %sub3A_3630, %transpose3A : vector<4x16x128xf32>
    %max3A_3632 = arith.constant 0.000000e+00 : f32
    %max3A_3633 = vector.broadcast %max3A_3632 : f32 to vector<4x16x128xf32>
    %max3A_3634 = arith.maximumf %sub3A_3631, %max3A_3633 : vector<4x16x128xf32>
    %add3A_3635 = arith.addf %add3A_3628, %max3A_3634 : vector<4x16x128xf32>
    %slice3A_3636 = vector.extract_strided_slice %transpose3A_42 {offsets = [0, 0, 12], sizes = [4, 16, 116], strides = [1, 1, 1]} : vector<4x16x128xf32> to vector<4x16x116xf32>
    %slice3A_3637 = vector.extract_strided_slice %transpose3A_42 {offsets = [0, 0, 0], sizes = [4, 16, 12], strides = [1, 1, 1]} : vector<4x16x128xf32> to vector<4x16x12xf32>
    %concatenate3A_3638 = tpu.concatenate %slice3A_3636, %slice3A_3637 in 2 : vector<4x16x116xf32>, vector<4x16x12xf32> -> vector<4x16x128xf32>
    %slice3A_3639 = vector.extract_strided_slice %concatenate3A_3638 {offsets = [0, 0, 0], sizes = [1, 16, 128], strides = [1, 1, 1]} : vector<4x16x128xf32> to vector<1x16x128xf32>
    %sub3A_3640 = vector.broadcast %slice3A_3639 : vector<1x16x128xf32> to vector<4x16x128xf32>
    %sub3A_3641 = arith.subf %sub3A_3640, %transpose3A : vector<4x16x128xf32>
    %max3A_3642 = arith.constant 0.000000e+00 : f32
    %max3A_3643 = vector.broadcast %max3A_3642 : f32 to vector<4x16x128xf32>
    %max3A_3644 = arith.maximumf %sub3A_3641, %max3A_3643 : vector<4x16x128xf32>
    %add3A_3645 = arith.addf %add3A_3635, %max3A_3644 : vector<4x16x128xf32>
    %slice3A_3646 = vector.extract_strided_slice %concatenate3A_3638 {offsets = [1, 0, 0], sizes = [1, 16, 128], strides = [1, 1, 1]} : vector<4x16x128xf32> to vector<1x16x128xf32>
    %sub3A_3647 = vector.broadcast %slice3A_3646 : vector<1x16x128xf32> to vector<4x16x128xf32>
    %sub3A_3648 = arith.subf %sub3A_3647, %transpose3A : vector<4x16x128xf32>
    %max3A_3649 = arith.constant 0.000000e+00 : f32
    %max3A_3650 = vector.broadcast %max3A_3649 : f32 to vector<4x16x128xf32>
    %max3A_3651 = arith.maximumf %sub3A_3648, %max3A_3650 : vector<4x16x128xf32>
    %add3A_3652 = arith.addf %add3A_3645, %max3A_3651 : vector<4x16x128xf32>
    %slice3A_3653 = vector.extract_strided_slice %concatenate3A_3638 {offsets = [2, 0, 0], sizes = [1, 16, 128], strides = [1, 1, 1]} : vector<4x16x128xf32> to vector<1x16x128xf32>
    %sub3A_3654 = vector.broadcast %slice3A_3653 : vector<1x16x128xf32> to vector<4x16x128xf32>
    %sub3A_3655 = arith.subf %sub3A_3654, %transpose3A : vector<4x16x128xf32>
    %max3A_3656 = arith.constant 0.000000e+00 : f32
    %max3A_3657 = vector.broadcast %max3A_3656 : f32 to vector<4x16x128xf32>
    %max3A_3658 = arith.maximumf %sub3A_3655, %max3A_3657 : vector<4x16x128xf32>
    %add3A_3659 = arith.addf %add3A_3652, %max3A_3658 : vector<4x16x128xf32>
    %slice3A_3660 = vector.extract_strided_slice %concatenate3A_3638 {offsets = [3, 0, 0], sizes = [1, 16, 128], strides = [1, 1, 1]} : vector<4x16x128xf32> to vector<1x16x128xf32>
    %sub3A_3661 = vector.broadcast %slice3A_3660 : vector<1x16x128xf32> to vector<4x16x128xf32>
    %sub3A_3662 = arith.subf %sub3A_3661, %transpose3A : vector<4x16x128xf32>
    %max3A_3663 = arith.constant 0.000000e+00 : f32
    %max3A_3664 = vector.broadcast %max3A_3663 : f32 to vector<4x16x128xf32>
    %max3A_3665 = arith.maximumf %sub3A_3662, %max3A_3664 : vector<4x16x128xf32>
    %add3A_3666 = arith.addf %add3A_3659, %max3A_3665 : vector<4x16x128xf32>
    %slice3A_3667 = vector.extract_strided_slice %transpose3A_42 {offsets = [0, 0, 11], sizes = [4, 16, 117], strides = [1, 1, 1]} : vector<4x16x128xf32> to vector<4x16x117xf32>
    %slice3A_3668 = vector.extract_strided_slice %transpose3A_42 {offsets = [0, 0, 0], sizes = [4, 16, 11], strides = [1, 1, 1]} : vector<4x16x128xf32> to vector<4x16x11xf32>
    %concatenate3A_3669 = tpu.concatenate %slice3A_3667, %slice3A_3668 in 2 : vector<4x16x117xf32>, vector<4x16x11xf32> -> vector<4x16x128xf32>
    %slice3A_3670 = vector.extract_strided_slice %concatenate3A_3669 {offsets = [0, 0, 0], sizes = [1, 16, 128], strides = [1, 1, 1]} : vector<4x16x128xf32> to vector<1x16x128xf32>
    %sub3A_3671 = vector.broadcast %slice3A_3670 : vector<1x16x128xf32> to vector<4x16x128xf32>
    %sub3A_3672 = arith.subf %sub3A_3671, %transpose3A : vector<4x16x128xf32>
    %max3A_3673 = arith.constant 0.000000e+00 : f32
    %max3A_3674 = vector.broadcast %max3A_3673 : f32 to vector<4x16x128xf32>
    %max3A_3675 = arith.maximumf %sub3A_3672, %max3A_3674 : vector<4x16x128xf32>
    %add3A_3676 = arith.addf %add3A_3666, %max3A_3675 : vector<4x16x128xf32>
    %slice3A_3677 = vector.extract_strided_slice %concatenate3A_3669 {offsets = [1, 0, 0], sizes = [1, 16, 128], strides = [1, 1, 1]} : vector<4x16x128xf32> to vector<1x16x128xf32>
    %sub3A_3678 = vector.broadcast %slice3A_3677 : vector<1x16x128xf32> to vector<4x16x128xf32>
    %sub3A_3679 = arith.subf %sub3A_3678, %transpose3A : vector<4x16x128xf32>
    %max3A_3680 = arith.constant 0.000000e+00 : f32
    %max3A_3681 = vector.broadcast %max3A_3680 : f32 to vector<4x16x128xf32>
    %max3A_3682 = arith.maximumf %sub3A_3679, %max3A_3681 : vector<4x16x128xf32>
    %add3A_3683 = arith.addf %add3A_3676, %max3A_3682 : vector<4x16x128xf32>
    %slice3A_3684 = vector.extract_strided_slice %concatenate3A_3669 {offsets = [2, 0, 0], sizes = [1, 16, 128], strides = [1, 1, 1]} : vector<4x16x128xf32> to vector<1x16x128xf32>
    %sub3A_3685 = vector.broadcast %slice3A_3684 : vector<1x16x128xf32> to vector<4x16x128xf32>
    %sub3A_3686 = arith.subf %sub3A_3685, %transpose3A : vector<4x16x128xf32>
    %max3A_3687 = arith.constant 0.000000e+00 : f32
    %max3A_3688 = vector.broadcast %max3A_3687 : f32 to vector<4x16x128xf32>
    %max3A_3689 = arith.maximumf %sub3A_3686, %max3A_3688 : vector<4x16x128xf32>
    %add3A_3690 = arith.addf %add3A_3683, %max3A_3689 : vector<4x16x128xf32>
    %slice3A_3691 = vector.extract_strided_slice %concatenate3A_3669 {offsets = [3, 0, 0], sizes = [1, 16, 128], strides = [1, 1, 1]} : vector<4x16x128xf32> to vector<1x16x128xf32>
    %sub3A_3692 = vector.broadcast %slice3A_3691 : vector<1x16x128xf32> to vector<4x16x128xf32>
    %sub3A_3693 = arith.subf %sub3A_3692, %transpose3A : vector<4x16x128xf32>
    %max3A_3694 = arith.constant 0.000000e+00 : f32
    %max3A_3695 = vector.broadcast %max3A_3694 : f32 to vector<4x16x128xf32>
    %max3A_3696 = arith.maximumf %sub3A_3693, %max3A_3695 : vector<4x16x128xf32>
    %add3A_3697 = arith.addf %add3A_3690, %max3A_3696 : vector<4x16x128xf32>
    %slice3A_3698 = vector.extract_strided_slice %transpose3A_42 {offsets = [0, 0, 10], sizes = [4, 16, 118], strides = [1, 1, 1]} : vector<4x16x128xf32> to vector<4x16x118xf32>
    %slice3A_3699 = vector.extract_strided_slice %transpose3A_42 {offsets = [0, 0, 0], sizes = [4, 16, 10], strides = [1, 1, 1]} : vector<4x16x128xf32> to vector<4x16x10xf32>
    %concatenate3A_3700 = tpu.concatenate %slice3A_3698, %slice3A_3699 in 2 : vector<4x16x118xf32>, vector<4x16x10xf32> -> vector<4x16x128xf32>
    %slice3A_3701 = vector.extract_strided_slice %concatenate3A_3700 {offsets = [0, 0, 0], sizes = [1, 16, 128], strides = [1, 1, 1]} : vector<4x16x128xf32> to vector<1x16x128xf32>
    %sub3A_3702 = vector.broadcast %slice3A_3701 : vector<1x16x128xf32> to vector<4x16x128xf32>
    %sub3A_3703 = arith.subf %sub3A_3702, %transpose3A : vector<4x16x128xf32>
    %max3A_3704 = arith.constant 0.000000e+00 : f32
    %max3A_3705 = vector.broadcast %max3A_3704 : f32 to vector<4x16x128xf32>
    %max3A_3706 = arith.maximumf %sub3A_3703, %max3A_3705 : vector<4x16x128xf32>
    %add3A_3707 = arith.addf %add3A_3697, %max3A_3706 : vector<4x16x128xf32>
    %slice3A_3708 = vector.extract_strided_slice %concatenate3A_3700 {offsets = [1, 0, 0], sizes = [1, 16, 128], strides = [1, 1, 1]} : vector<4x16x128xf32> to vector<1x16x128xf32>
    %sub3A_3709 = vector.broadcast %slice3A_3708 : vector<1x16x128xf32> to vector<4x16x128xf32>
    %sub3A_3710 = arith.subf %sub3A_3709, %transpose3A : vector<4x16x128xf32>
    %max3A_3711 = arith.constant 0.000000e+00 : f32
    %max3A_3712 = vector.broadcast %max3A_3711 : f32 to vector<4x16x128xf32>
    %max3A_3713 = arith.maximumf %sub3A_3710, %max3A_3712 : vector<4x16x128xf32>
    %add3A_3714 = arith.addf %add3A_3707, %max3A_3713 : vector<4x16x128xf32>
    %slice3A_3715 = vector.extract_strided_slice %concatenate3A_3700 {offsets = [2, 0, 0], sizes = [1, 16, 128], strides = [1, 1, 1]} : vector<4x16x128xf32> to vector<1x16x128xf32>
    %sub3A_3716 = vector.broadcast %slice3A_3715 : vector<1x16x128xf32> to vector<4x16x128xf32>
    %sub3A_3717 = arith.subf %sub3A_3716, %transpose3A : vector<4x16x128xf32>
    %max3A_3718 = arith.constant 0.000000e+00 : f32
    %max3A_3719 = vector.broadcast %max3A_3718 : f32 to vector<4x16x128xf32>
    %max3A_3720 = arith.maximumf %sub3A_3717, %max3A_3719 : vector<4x16x128xf32>
    %add3A_3721 = arith.addf %add3A_3714, %max3A_3720 : vector<4x16x128xf32>
    %slice3A_3722 = vector.extract_strided_slice %concatenate3A_3700 {offsets = [3, 0, 0], sizes = [1, 16, 128], strides = [1, 1, 1]} : vector<4x16x128xf32> to vector<1x16x128xf32>
    %sub3A_3723 = vector.broadcast %slice3A_3722 : vector<1x16x128xf32> to vector<4x16x128xf32>
    %sub3A_3724 = arith.subf %sub3A_3723, %transpose3A : vector<4x16x128xf32>
    %max3A_3725 = arith.constant 0.000000e+00 : f32
    %max3A_3726 = vector.broadcast %max3A_3725 : f32 to vector<4x16x128xf32>
    %max3A_3727 = arith.maximumf %sub3A_3724, %max3A_3726 : vector<4x16x128xf32>
    %add3A_3728 = arith.addf %add3A_3721, %max3A_3727 : vector<4x16x128xf32>
    %slice3A_3729 = vector.extract_strided_slice %transpose3A_42 {offsets = [0, 0, 9], sizes = [4, 16, 119], strides = [1, 1, 1]} : vector<4x16x128xf32> to vector<4x16x119xf32>
    %slice3A_3730 = vector.extract_strided_slice %transpose3A_42 {offsets = [0, 0, 0], sizes = [4, 16, 9], strides = [1, 1, 1]} : vector<4x16x128xf32> to vector<4x16x9xf32>
    %concatenate3A_3731 = tpu.concatenate %slice3A_3729, %slice3A_3730 in 2 : vector<4x16x119xf32>, vector<4x16x9xf32> -> vector<4x16x128xf32>
    %slice3A_3732 = vector.extract_strided_slice %concatenate3A_3731 {offsets = [0, 0, 0], sizes = [1, 16, 128], strides = [1, 1, 1]} : vector<4x16x128xf32> to vector<1x16x128xf32>
    %sub3A_3733 = vector.broadcast %slice3A_3732 : vector<1x16x128xf32> to vector<4x16x128xf32>
    %sub3A_3734 = arith.subf %sub3A_3733, %transpose3A : vector<4x16x128xf32>
    %max3A_3735 = arith.constant 0.000000e+00 : f32
    %max3A_3736 = vector.broadcast %max3A_3735 : f32 to vector<4x16x128xf32>
    %max3A_3737 = arith.maximumf %sub3A_3734, %max3A_3736 : vector<4x16x128xf32>
    %add3A_3738 = arith.addf %add3A_3728, %max3A_3737 : vector<4x16x128xf32>
    %slice3A_3739 = vector.extract_strided_slice %concatenate3A_3731 {offsets = [1, 0, 0], sizes = [1, 16, 128], strides = [1, 1, 1]} : vector<4x16x128xf32> to vector<1x16x128xf32>
    %sub3A_3740 = vector.broadcast %slice3A_3739 : vector<1x16x128xf32> to vector<4x16x128xf32>
    %sub3A_3741 = arith.subf %sub3A_3740, %transpose3A : vector<4x16x128xf32>
    %max3A_3742 = arith.constant 0.000000e+00 : f32
    %max3A_3743 = vector.broadcast %max3A_3742 : f32 to vector<4x16x128xf32>
    %max3A_3744 = arith.maximumf %sub3A_3741, %max3A_3743 : vector<4x16x128xf32>
    %add3A_3745 = arith.addf %add3A_3738, %max3A_3744 : vector<4x16x128xf32>
    %slice3A_3746 = vector.extract_strided_slice %concatenate3A_3731 {offsets = [2, 0, 0], sizes = [1, 16, 128], strides = [1, 1, 1]} : vector<4x16x128xf32> to vector<1x16x128xf32>
    %sub3A_3747 = vector.broadcast %slice3A_3746 : vector<1x16x128xf32> to vector<4x16x128xf32>
    %sub3A_3748 = arith.subf %sub3A_3747, %transpose3A : vector<4x16x128xf32>
    %max3A_3749 = arith.constant 0.000000e+00 : f32
    %max3A_3750 = vector.broadcast %max3A_3749 : f32 to vector<4x16x128xf32>
    %max3A_3751 = arith.maximumf %sub3A_3748, %max3A_3750 : vector<4x16x128xf32>
    %add3A_3752 = arith.addf %add3A_3745, %max3A_3751 : vector<4x16x128xf32>
    %slice3A_3753 = vector.extract_strided_slice %concatenate3A_3731 {offsets = [3, 0, 0], sizes = [1, 16, 128], strides = [1, 1, 1]} : vector<4x16x128xf32> to vector<1x16x128xf32>
    %sub3A_3754 = vector.broadcast %slice3A_3753 : vector<1x16x128xf32> to vector<4x16x128xf32>
    %sub3A_3755 = arith.subf %sub3A_3754, %transpose3A : vector<4x16x128xf32>
    %max3A_3756 = arith.constant 0.000000e+00 : f32
    %max3A_3757 = vector.broadcast %max3A_3756 : f32 to vector<4x16x128xf32>
    %max3A_3758 = arith.maximumf %sub3A_3755, %max3A_3757 : vector<4x16x128xf32>
    %add3A_3759 = arith.addf %add3A_3752, %max3A_3758 : vector<4x16x128xf32>
    %slice3A_3760 = vector.extract_strided_slice %transpose3A_42 {offsets = [0, 0, 8], sizes = [4, 16, 120], strides = [1, 1, 1]} : vector<4x16x128xf32> to vector<4x16x120xf32>
    %slice3A_3761 = vector.extract_strided_slice %transpose3A_42 {offsets = [0, 0, 0], sizes = [4, 16, 8], strides = [1, 1, 1]} : vector<4x16x128xf32> to vector<4x16x8xf32>
    %concatenate3A_3762 = tpu.concatenate %slice3A_3760, %slice3A_3761 in 2 : vector<4x16x120xf32>, vector<4x16x8xf32> -> vector<4x16x128xf32>
    %slice3A_3763 = vector.extract_strided_slice %concatenate3A_3762 {offsets = [0, 0, 0], sizes = [1, 16, 128], strides = [1, 1, 1]} : vector<4x16x128xf32> to vector<1x16x128xf32>
    %sub3A_3764 = vector.broadcast %slice3A_3763 : vector<1x16x128xf32> to vector<4x16x128xf32>
    %sub3A_3765 = arith.subf %sub3A_3764, %transpose3A : vector<4x16x128xf32>
    %max3A_3766 = arith.constant 0.000000e+00 : f32
    %max3A_3767 = vector.broadcast %max3A_3766 : f32 to vector<4x16x128xf32>
    %max3A_3768 = arith.maximumf %sub3A_3765, %max3A_3767 : vector<4x16x128xf32>
    %add3A_3769 = arith.addf %add3A_3759, %max3A_3768 : vector<4x16x128xf32>
    %slice3A_3770 = vector.extract_strided_slice %concatenate3A_3762 {offsets = [1, 0, 0], sizes = [1, 16, 128], strides = [1, 1, 1]} : vector<4x16x128xf32> to vector<1x16x128xf32>
    %sub3A_3771 = vector.broadcast %slice3A_3770 : vector<1x16x128xf32> to vector<4x16x128xf32>
    %sub3A_3772 = arith.subf %sub3A_3771, %transpose3A : vector<4x16x128xf32>
    %max3A_3773 = arith.constant 0.000000e+00 : f32
    %max3A_3774 = vector.broadcast %max3A_3773 : f32 to vector<4x16x128xf32>
    %max3A_3775 = arith.maximumf %sub3A_3772, %max3A_3774 : vector<4x16x128xf32>
    %add3A_3776 = arith.addf %add3A_3769, %max3A_3775 : vector<4x16x128xf32>
    %slice3A_3777 = vector.extract_strided_slice %concatenate3A_3762 {offsets = [2, 0, 0], sizes = [1, 16, 128], strides = [1, 1, 1]} : vector<4x16x128xf32> to vector<1x16x128xf32>
    %sub3A_3778 = vector.broadcast %slice3A_3777 : vector<1x16x128xf32> to vector<4x16x128xf32>
    %sub3A_3779 = arith.subf %sub3A_3778, %transpose3A : vector<4x16x128xf32>
    %max3A_3780 = arith.constant 0.000000e+00 : f32
    %max3A_3781 = vector.broadcast %max3A_3780 : f32 to vector<4x16x128xf32>
    %max3A_3782 = arith.maximumf %sub3A_3779, %max3A_3781 : vector<4x16x128xf32>
    %add3A_3783 = arith.addf %add3A_3776, %max3A_3782 : vector<4x16x128xf32>
    %slice3A_3784 = vector.extract_strided_slice %concatenate3A_3762 {offsets = [3, 0, 0], sizes = [1, 16, 128], strides = [1, 1, 1]} : vector<4x16x128xf32> to vector<1x16x128xf32>
    %sub3A_3785 = vector.broadcast %slice3A_3784 : vector<1x16x128xf32> to vector<4x16x128xf32>
    %sub3A_3786 = arith.subf %sub3A_3785, %transpose3A : vector<4x16x128xf32>
    %max3A_3787 = arith.constant 0.000000e+00 : f32
    %max3A_3788 = vector.broadcast %max3A_3787 : f32 to vector<4x16x128xf32>
    %max3A_3789 = arith.maximumf %sub3A_3786, %max3A_3788 : vector<4x16x128xf32>
    %add3A_3790 = arith.addf %add3A_3783, %max3A_3789 : vector<4x16x128xf32>
    %slice3A_3791 = vector.extract_strided_slice %transpose3A_42 {offsets = [0, 0, 7], sizes = [4, 16, 121], strides = [1, 1, 1]} : vector<4x16x128xf32> to vector<4x16x121xf32>
    %slice3A_3792 = vector.extract_strided_slice %transpose3A_42 {offsets = [0, 0, 0], sizes = [4, 16, 7], strides = [1, 1, 1]} : vector<4x16x128xf32> to vector<4x16x7xf32>
    %concatenate3A_3793 = tpu.concatenate %slice3A_3791, %slice3A_3792 in 2 : vector<4x16x121xf32>, vector<4x16x7xf32> -> vector<4x16x128xf32>
    %slice3A_3794 = vector.extract_strided_slice %concatenate3A_3793 {offsets = [0, 0, 0], sizes = [1, 16, 128], strides = [1, 1, 1]} : vector<4x16x128xf32> to vector<1x16x128xf32>
    %sub3A_3795 = vector.broadcast %slice3A_3794 : vector<1x16x128xf32> to vector<4x16x128xf32>
    %sub3A_3796 = arith.subf %sub3A_3795, %transpose3A : vector<4x16x128xf32>
    %max3A_3797 = arith.constant 0.000000e+00 : f32
    %max3A_3798 = vector.broadcast %max3A_3797 : f32 to vector<4x16x128xf32>
    %max3A_3799 = arith.maximumf %sub3A_3796, %max3A_3798 : vector<4x16x128xf32>
    %add3A_3800 = arith.addf %add3A_3790, %max3A_3799 : vector<4x16x128xf32>
    %slice3A_3801 = vector.extract_strided_slice %concatenate3A_3793 {offsets = [1, 0, 0], sizes = [1, 16, 128], strides = [1, 1, 1]} : vector<4x16x128xf32> to vector<1x16x128xf32>
    %sub3A_3802 = vector.broadcast %slice3A_3801 : vector<1x16x128xf32> to vector<4x16x128xf32>
    %sub3A_3803 = arith.subf %sub3A_3802, %transpose3A : vector<4x16x128xf32>
    %max3A_3804 = arith.constant 0.000000e+00 : f32
    %max3A_3805 = vector.broadcast %max3A_3804 : f32 to vector<4x16x128xf32>
    %max3A_3806 = arith.maximumf %sub3A_3803, %max3A_3805 : vector<4x16x128xf32>
    %add3A_3807 = arith.addf %add3A_3800, %max3A_3806 : vector<4x16x128xf32>
    %slice3A_3808 = vector.extract_strided_slice %concatenate3A_3793 {offsets = [2, 0, 0], sizes = [1, 16, 128], strides = [1, 1, 1]} : vector<4x16x128xf32> to vector<1x16x128xf32>
    %sub3A_3809 = vector.broadcast %slice3A_3808 : vector<1x16x128xf32> to vector<4x16x128xf32>
    %sub3A_3810 = arith.subf %sub3A_3809, %transpose3A : vector<4x16x128xf32>
    %max3A_3811 = arith.constant 0.000000e+00 : f32
    %max3A_3812 = vector.broadcast %max3A_3811 : f32 to vector<4x16x128xf32>
    %max3A_3813 = arith.maximumf %sub3A_3810, %max3A_3812 : vector<4x16x128xf32>
    %add3A_3814 = arith.addf %add3A_3807, %max3A_3813 : vector<4x16x128xf32>
    %slice3A_3815 = vector.extract_strided_slice %concatenate3A_3793 {offsets = [3, 0, 0], sizes = [1, 16, 128], strides = [1, 1, 1]} : vector<4x16x128xf32> to vector<1x16x128xf32>
    %sub3A_3816 = vector.broadcast %slice3A_3815 : vector<1x16x128xf32> to vector<4x16x128xf32>
    %sub3A_3817 = arith.subf %sub3A_3816, %transpose3A : vector<4x16x128xf32>
    %max3A_3818 = arith.constant 0.000000e+00 : f32
    %max3A_3819 = vector.broadcast %max3A_3818 : f32 to vector<4x16x128xf32>
    %max3A_3820 = arith.maximumf %sub3A_3817, %max3A_3819 : vector<4x16x128xf32>
    %add3A_3821 = arith.addf %add3A_3814, %max3A_3820 : vector<4x16x128xf32>
    %slice3A_3822 = vector.extract_strided_slice %transpose3A_42 {offsets = [0, 0, 6], sizes = [4, 16, 122], strides = [1, 1, 1]} : vector<4x16x128xf32> to vector<4x16x122xf32>
    %slice3A_3823 = vector.extract_strided_slice %transpose3A_42 {offsets = [0, 0, 0], sizes = [4, 16, 6], strides = [1, 1, 1]} : vector<4x16x128xf32> to vector<4x16x6xf32>
    %concatenate3A_3824 = tpu.concatenate %slice3A_3822, %slice3A_3823 in 2 : vector<4x16x122xf32>, vector<4x16x6xf32> -> vector<4x16x128xf32>
    %slice3A_3825 = vector.extract_strided_slice %concatenate3A_3824 {offsets = [0, 0, 0], sizes = [1, 16, 128], strides = [1, 1, 1]} : vector<4x16x128xf32> to vector<1x16x128xf32>
    %sub3A_3826 = vector.broadcast %slice3A_3825 : vector<1x16x128xf32> to vector<4x16x128xf32>
    %sub3A_3827 = arith.subf %sub3A_3826, %transpose3A : vector<4x16x128xf32>
    %max3A_3828 = arith.constant 0.000000e+00 : f32
    %max3A_3829 = vector.broadcast %max3A_3828 : f32 to vector<4x16x128xf32>
    %max3A_3830 = arith.maximumf %sub3A_3827, %max3A_3829 : vector<4x16x128xf32>
    %add3A_3831 = arith.addf %add3A_3821, %max3A_3830 : vector<4x16x128xf32>
    %slice3A_3832 = vector.extract_strided_slice %concatenate3A_3824 {offsets = [1, 0, 0], sizes = [1, 16, 128], strides = [1, 1, 1]} : vector<4x16x128xf32> to vector<1x16x128xf32>
    %sub3A_3833 = vector.broadcast %slice3A_3832 : vector<1x16x128xf32> to vector<4x16x128xf32>
    %sub3A_3834 = arith.subf %sub3A_3833, %transpose3A : vector<4x16x128xf32>
    %max3A_3835 = arith.constant 0.000000e+00 : f32
    %max3A_3836 = vector.broadcast %max3A_3835 : f32 to vector<4x16x128xf32>
    %max3A_3837 = arith.maximumf %sub3A_3834, %max3A_3836 : vector<4x16x128xf32>
    %add3A_3838 = arith.addf %add3A_3831, %max3A_3837 : vector<4x16x128xf32>
    %slice3A_3839 = vector.extract_strided_slice %concatenate3A_3824 {offsets = [2, 0, 0], sizes = [1, 16, 128], strides = [1, 1, 1]} : vector<4x16x128xf32> to vector<1x16x128xf32>
    %sub3A_3840 = vector.broadcast %slice3A_3839 : vector<1x16x128xf32> to vector<4x16x128xf32>
    %sub3A_3841 = arith.subf %sub3A_3840, %transpose3A : vector<4x16x128xf32>
    %max3A_3842 = arith.constant 0.000000e+00 : f32
    %max3A_3843 = vector.broadcast %max3A_3842 : f32 to vector<4x16x128xf32>
    %max3A_3844 = arith.maximumf %sub3A_3841, %max3A_3843 : vector<4x16x128xf32>
    %add3A_3845 = arith.addf %add3A_3838, %max3A_3844 : vector<4x16x128xf32>
    %slice3A_3846 = vector.extract_strided_slice %concatenate3A_3824 {offsets = [3, 0, 0], sizes = [1, 16, 128], strides = [1, 1, 1]} : vector<4x16x128xf32> to vector<1x16x128xf32>
    %sub3A_3847 = vector.broadcast %slice3A_3846 : vector<1x16x128xf32> to vector<4x16x128xf32>
    %sub3A_3848 = arith.subf %sub3A_3847, %transpose3A : vector<4x16x128xf32>
    %max3A_3849 = arith.constant 0.000000e+00 : f32
    %max3A_3850 = vector.broadcast %max3A_3849 : f32 to vector<4x16x128xf32>
    %max3A_3851 = arith.maximumf %sub3A_3848, %max3A_3850 : vector<4x16x128xf32>
    %add3A_3852 = arith.addf %add3A_3845, %max3A_3851 : vector<4x16x128xf32>
    %slice3A_3853 = vector.extract_strided_slice %transpose3A_42 {offsets = [0, 0, 5], sizes = [4, 16, 123], strides = [1, 1, 1]} : vector<4x16x128xf32> to vector<4x16x123xf32>
    %slice3A_3854 = vector.extract_strided_slice %transpose3A_42 {offsets = [0, 0, 0], sizes = [4, 16, 5], strides = [1, 1, 1]} : vector<4x16x128xf32> to vector<4x16x5xf32>
    %concatenate3A_3855 = tpu.concatenate %slice3A_3853, %slice3A_3854 in 2 : vector<4x16x123xf32>, vector<4x16x5xf32> -> vector<4x16x128xf32>
    %slice3A_3856 = vector.extract_strided_slice %concatenate3A_3855 {offsets = [0, 0, 0], sizes = [1, 16, 128], strides = [1, 1, 1]} : vector<4x16x128xf32> to vector<1x16x128xf32>
    %sub3A_3857 = vector.broadcast %slice3A_3856 : vector<1x16x128xf32> to vector<4x16x128xf32>
    %sub3A_3858 = arith.subf %sub3A_3857, %transpose3A : vector<4x16x128xf32>
    %max3A_3859 = arith.constant 0.000000e+00 : f32
    %max3A_3860 = vector.broadcast %max3A_3859 : f32 to vector<4x16x128xf32>
    %max3A_3861 = arith.maximumf %sub3A_3858, %max3A_3860 : vector<4x16x128xf32>
    %add3A_3862 = arith.addf %add3A_3852, %max3A_3861 : vector<4x16x128xf32>
    %slice3A_3863 = vector.extract_strided_slice %concatenate3A_3855 {offsets = [1, 0, 0], sizes = [1, 16, 128], strides = [1, 1, 1]} : vector<4x16x128xf32> to vector<1x16x128xf32>
    %sub3A_3864 = vector.broadcast %slice3A_3863 : vector<1x16x128xf32> to vector<4x16x128xf32>
    %sub3A_3865 = arith.subf %sub3A_3864, %transpose3A : vector<4x16x128xf32>
    %max3A_3866 = arith.constant 0.000000e+00 : f32
    %max3A_3867 = vector.broadcast %max3A_3866 : f32 to vector<4x16x128xf32>
    %max3A_3868 = arith.maximumf %sub3A_3865, %max3A_3867 : vector<4x16x128xf32>
    %add3A_3869 = arith.addf %add3A_3862, %max3A_3868 : vector<4x16x128xf32>
    %slice3A_3870 = vector.extract_strided_slice %concatenate3A_3855 {offsets = [2, 0, 0], sizes = [1, 16, 128], strides = [1, 1, 1]} : vector<4x16x128xf32> to vector<1x16x128xf32>
    %sub3A_3871 = vector.broadcast %slice3A_3870 : vector<1x16x128xf32> to vector<4x16x128xf32>
    %sub3A_3872 = arith.subf %sub3A_3871, %transpose3A : vector<4x16x128xf32>
    %max3A_3873 = arith.constant 0.000000e+00 : f32
    %max3A_3874 = vector.broadcast %max3A_3873 : f32 to vector<4x16x128xf32>
    %max3A_3875 = arith.maximumf %sub3A_3872, %max3A_3874 : vector<4x16x128xf32>
    %add3A_3876 = arith.addf %add3A_3869, %max3A_3875 : vector<4x16x128xf32>
    %slice3A_3877 = vector.extract_strided_slice %concatenate3A_3855 {offsets = [3, 0, 0], sizes = [1, 16, 128], strides = [1, 1, 1]} : vector<4x16x128xf32> to vector<1x16x128xf32>
    %sub3A_3878 = vector.broadcast %slice3A_3877 : vector<1x16x128xf32> to vector<4x16x128xf32>
    %sub3A_3879 = arith.subf %sub3A_3878, %transpose3A : vector<4x16x128xf32>
    %max3A_3880 = arith.constant 0.000000e+00 : f32
    %max3A_3881 = vector.broadcast %max3A_3880 : f32 to vector<4x16x128xf32>
    %max3A_3882 = arith.maximumf %sub3A_3879, %max3A_3881 : vector<4x16x128xf32>
    %add3A_3883 = arith.addf %add3A_3876, %max3A_3882 : vector<4x16x128xf32>
    %slice3A_3884 = vector.extract_strided_slice %transpose3A_42 {offsets = [0, 0, 4], sizes = [4, 16, 124], strides = [1, 1, 1]} : vector<4x16x128xf32> to vector<4x16x124xf32>
    %slice3A_3885 = vector.extract_strided_slice %transpose3A_42 {offsets = [0, 0, 0], sizes = [4, 16, 4], strides = [1, 1, 1]} : vector<4x16x128xf32> to vector<4x16x4xf32>
    %concatenate3A_3886 = tpu.concatenate %slice3A_3884, %slice3A_3885 in 2 : vector<4x16x124xf32>, vector<4x16x4xf32> -> vector<4x16x128xf32>
    %slice3A_3887 = vector.extract_strided_slice %concatenate3A_3886 {offsets = [0, 0, 0], sizes = [1, 16, 128], strides = [1, 1, 1]} : vector<4x16x128xf32> to vector<1x16x128xf32>
    %sub3A_3888 = vector.broadcast %slice3A_3887 : vector<1x16x128xf32> to vector<4x16x128xf32>
    %sub3A_3889 = arith.subf %sub3A_3888, %transpose3A : vector<4x16x128xf32>
    %max3A_3890 = arith.constant 0.000000e+00 : f32
    %max3A_3891 = vector.broadcast %max3A_3890 : f32 to vector<4x16x128xf32>
    %max3A_3892 = arith.maximumf %sub3A_3889, %max3A_3891 : vector<4x16x128xf32>
    %add3A_3893 = arith.addf %add3A_3883, %max3A_3892 : vector<4x16x128xf32>
    %slice3A_3894 = vector.extract_strided_slice %concatenate3A_3886 {offsets = [1, 0, 0], sizes = [1, 16, 128], strides = [1, 1, 1]} : vector<4x16x128xf32> to vector<1x16x128xf32>
    %sub3A_3895 = vector.broadcast %slice3A_3894 : vector<1x16x128xf32> to vector<4x16x128xf32>
    %sub3A_3896 = arith.subf %sub3A_3895, %transpose3A : vector<4x16x128xf32>
    %max3A_3897 = arith.constant 0.000000e+00 : f32
    %max3A_3898 = vector.broadcast %max3A_3897 : f32 to vector<4x16x128xf32>
    %max3A_3899 = arith.maximumf %sub3A_3896, %max3A_3898 : vector<4x16x128xf32>
    %add3A_3900 = arith.addf %add3A_3893, %max3A_3899 : vector<4x16x128xf32>
    %slice3A_3901 = vector.extract_strided_slice %concatenate3A_3886 {offsets = [2, 0, 0], sizes = [1, 16, 128], strides = [1, 1, 1]} : vector<4x16x128xf32> to vector<1x16x128xf32>
    %sub3A_3902 = vector.broadcast %slice3A_3901 : vector<1x16x128xf32> to vector<4x16x128xf32>
    %sub3A_3903 = arith.subf %sub3A_3902, %transpose3A : vector<4x16x128xf32>
    %max3A_3904 = arith.constant 0.000000e+00 : f32
    %max3A_3905 = vector.broadcast %max3A_3904 : f32 to vector<4x16x128xf32>
    %max3A_3906 = arith.maximumf %sub3A_3903, %max3A_3905 : vector<4x16x128xf32>
    %add3A_3907 = arith.addf %add3A_3900, %max3A_3906 : vector<4x16x128xf32>
    %slice3A_3908 = vector.extract_strided_slice %concatenate3A_3886 {offsets = [3, 0, 0], sizes = [1, 16, 128], strides = [1, 1, 1]} : vector<4x16x128xf32> to vector<1x16x128xf32>
    %sub3A_3909 = vector.broadcast %slice3A_3908 : vector<1x16x128xf32> to vector<4x16x128xf32>
    %sub3A_3910 = arith.subf %sub3A_3909, %transpose3A : vector<4x16x128xf32>
    %max3A_3911 = arith.constant 0.000000e+00 : f32
    %max3A_3912 = vector.broadcast %max3A_3911 : f32 to vector<4x16x128xf32>
    %max3A_3913 = arith.maximumf %sub3A_3910, %max3A_3912 : vector<4x16x128xf32>
    %add3A_3914 = arith.addf %add3A_3907, %max3A_3913 : vector<4x16x128xf32>
    %slice3A_3915 = vector.extract_strided_slice %transpose3A_42 {offsets = [0, 0, 3], sizes = [4, 16, 125], strides = [1, 1, 1]} : vector<4x16x128xf32> to vector<4x16x125xf32>
    %slice3A_3916 = vector.extract_strided_slice %transpose3A_42 {offsets = [0, 0, 0], sizes = [4, 16, 3], strides = [1, 1, 1]} : vector<4x16x128xf32> to vector<4x16x3xf32>
    %concatenate3A_3917 = tpu.concatenate %slice3A_3915, %slice3A_3916 in 2 : vector<4x16x125xf32>, vector<4x16x3xf32> -> vector<4x16x128xf32>
    %slice3A_3918 = vector.extract_strided_slice %concatenate3A_3917 {offsets = [0, 0, 0], sizes = [1, 16, 128], strides = [1, 1, 1]} : vector<4x16x128xf32> to vector<1x16x128xf32>
    %sub3A_3919 = vector.broadcast %slice3A_3918 : vector<1x16x128xf32> to vector<4x16x128xf32>
    %sub3A_3920 = arith.subf %sub3A_3919, %transpose3A : vector<4x16x128xf32>
    %max3A_3921 = arith.constant 0.000000e+00 : f32
    %max3A_3922 = vector.broadcast %max3A_3921 : f32 to vector<4x16x128xf32>
    %max3A_3923 = arith.maximumf %sub3A_3920, %max3A_3922 : vector<4x16x128xf32>
    %add3A_3924 = arith.addf %add3A_3914, %max3A_3923 : vector<4x16x128xf32>
    %slice3A_3925 = vector.extract_strided_slice %concatenate3A_3917 {offsets = [1, 0, 0], sizes = [1, 16, 128], strides = [1, 1, 1]} : vector<4x16x128xf32> to vector<1x16x128xf32>
    %sub3A_3926 = vector.broadcast %slice3A_3925 : vector<1x16x128xf32> to vector<4x16x128xf32>
    %sub3A_3927 = arith.subf %sub3A_3926, %transpose3A : vector<4x16x128xf32>
    %max3A_3928 = arith.constant 0.000000e+00 : f32
    %max3A_3929 = vector.broadcast %max3A_3928 : f32 to vector<4x16x128xf32>
    %max3A_3930 = arith.maximumf %sub3A_3927, %max3A_3929 : vector<4x16x128xf32>
    %add3A_3931 = arith.addf %add3A_3924, %max3A_3930 : vector<4x16x128xf32>
    %slice3A_3932 = vector.extract_strided_slice %concatenate3A_3917 {offsets = [2, 0, 0], sizes = [1, 16, 128], strides = [1, 1, 1]} : vector<4x16x128xf32> to vector<1x16x128xf32>
    %sub3A_3933 = vector.broadcast %slice3A_3932 : vector<1x16x128xf32> to vector<4x16x128xf32>
    %sub3A_3934 = arith.subf %sub3A_3933, %transpose3A : vector<4x16x128xf32>
    %max3A_3935 = arith.constant 0.000000e+00 : f32
    %max3A_3936 = vector.broadcast %max3A_3935 : f32 to vector<4x16x128xf32>
    %max3A_3937 = arith.maximumf %sub3A_3934, %max3A_3936 : vector<4x16x128xf32>
    %add3A_3938 = arith.addf %add3A_3931, %max3A_3937 : vector<4x16x128xf32>
    %slice3A_3939 = vector.extract_strided_slice %concatenate3A_3917 {offsets = [3, 0, 0], sizes = [1, 16, 128], strides = [1, 1, 1]} : vector<4x16x128xf32> to vector<1x16x128xf32>
    %sub3A_3940 = vector.broadcast %slice3A_3939 : vector<1x16x128xf32> to vector<4x16x128xf32>
    %sub3A_3941 = arith.subf %sub3A_3940, %transpose3A : vector<4x16x128xf32>
    %max3A_3942 = arith.constant 0.000000e+00 : f32
    %max3A_3943 = vector.broadcast %max3A_3942 : f32 to vector<4x16x128xf32>
    %max3A_3944 = arith.maximumf %sub3A_3941, %max3A_3943 : vector<4x16x128xf32>
    %add3A_3945 = arith.addf %add3A_3938, %max3A_3944 : vector<4x16x128xf32>
    %slice3A_3946 = vector.extract_strided_slice %transpose3A_42 {offsets = [0, 0, 2], sizes = [4, 16, 126], strides = [1, 1, 1]} : vector<4x16x128xf32> to vector<4x16x126xf32>
    %slice3A_3947 = vector.extract_strided_slice %transpose3A_42 {offsets = [0, 0, 0], sizes = [4, 16, 2], strides = [1, 1, 1]} : vector<4x16x128xf32> to vector<4x16x2xf32>
    %concatenate3A_3948 = tpu.concatenate %slice3A_3946, %slice3A_3947 in 2 : vector<4x16x126xf32>, vector<4x16x2xf32> -> vector<4x16x128xf32>
    %slice3A_3949 = vector.extract_strided_slice %concatenate3A_3948 {offsets = [0, 0, 0], sizes = [1, 16, 128], strides = [1, 1, 1]} : vector<4x16x128xf32> to vector<1x16x128xf32>
    %sub3A_3950 = vector.broadcast %slice3A_3949 : vector<1x16x128xf32> to vector<4x16x128xf32>
    %sub3A_3951 = arith.subf %sub3A_3950, %transpose3A : vector<4x16x128xf32>
    %max3A_3952 = arith.constant 0.000000e+00 : f32
    %max3A_3953 = vector.broadcast %max3A_3952 : f32 to vector<4x16x128xf32>
    %max3A_3954 = arith.maximumf %sub3A_3951, %max3A_3953 : vector<4x16x128xf32>
    %add3A_3955 = arith.addf %add3A_3945, %max3A_3954 : vector<4x16x128xf32>
    %slice3A_3956 = vector.extract_strided_slice %concatenate3A_3948 {offsets = [1, 0, 0], sizes = [1, 16, 128], strides = [1, 1, 1]} : vector<4x16x128xf32> to vector<1x16x128xf32>
    %sub3A_3957 = vector.broadcast %slice3A_3956 : vector<1x16x128xf32> to vector<4x16x128xf32>
    %sub3A_3958 = arith.subf %sub3A_3957, %transpose3A : vector<4x16x128xf32>
    %max3A_3959 = arith.constant 0.000000e+00 : f32
    %max3A_3960 = vector.broadcast %max3A_3959 : f32 to vector<4x16x128xf32>
    %max3A_3961 = arith.maximumf %sub3A_3958, %max3A_3960 : vector<4x16x128xf32>
    %add3A_3962 = arith.addf %add3A_3955, %max3A_3961 : vector<4x16x128xf32>
    %slice3A_3963 = vector.extract_strided_slice %concatenate3A_3948 {offsets = [2, 0, 0], sizes = [1, 16, 128], strides = [1, 1, 1]} : vector<4x16x128xf32> to vector<1x16x128xf32>
    %sub3A_3964 = vector.broadcast %slice3A_3963 : vector<1x16x128xf32> to vector<4x16x128xf32>
    %sub3A_3965 = arith.subf %sub3A_3964, %transpose3A : vector<4x16x128xf32>
    %max3A_3966 = arith.constant 0.000000e+00 : f32
    %max3A_3967 = vector.broadcast %max3A_3966 : f32 to vector<4x16x128xf32>
    %max3A_3968 = arith.maximumf %sub3A_3965, %max3A_3967 : vector<4x16x128xf32>
    %add3A_3969 = arith.addf %add3A_3962, %max3A_3968 : vector<4x16x128xf32>
    %slice3A_3970 = vector.extract_strided_slice %concatenate3A_3948 {offsets = [3, 0, 0], sizes = [1, 16, 128], strides = [1, 1, 1]} : vector<4x16x128xf32> to vector<1x16x128xf32>
    %sub3A_3971 = vector.broadcast %slice3A_3970 : vector<1x16x128xf32> to vector<4x16x128xf32>
    %sub3A_3972 = arith.subf %sub3A_3971, %transpose3A : vector<4x16x128xf32>
    %max3A_3973 = arith.constant 0.000000e+00 : f32
    %max3A_3974 = vector.broadcast %max3A_3973 : f32 to vector<4x16x128xf32>
    %max3A_3975 = arith.maximumf %sub3A_3972, %max3A_3974 : vector<4x16x128xf32>
    %add3A_3976 = arith.addf %add3A_3969, %max3A_3975 : vector<4x16x128xf32>
    %slice3A_3977 = vector.extract_strided_slice %transpose3A_42 {offsets = [0, 0, 1], sizes = [4, 16, 127], strides = [1, 1, 1]} : vector<4x16x128xf32> to vector<4x16x127xf32>
    %slice3A_3978 = vector.extract_strided_slice %transpose3A_42 {offsets = [0, 0, 0], sizes = [4, 16, 1], strides = [1, 1, 1]} : vector<4x16x128xf32> to vector<4x16x1xf32>
    %concatenate3A_3979 = tpu.concatenate %slice3A_3977, %slice3A_3978 in 2 : vector<4x16x127xf32>, vector<4x16x1xf32> -> vector<4x16x128xf32>
    %slice3A_3980 = vector.extract_strided_slice %concatenate3A_3979 {offsets = [0, 0, 0], sizes = [1, 16, 128], strides = [1, 1, 1]} : vector<4x16x128xf32> to vector<1x16x128xf32>
    %sub3A_3981 = vector.broadcast %slice3A_3980 : vector<1x16x128xf32> to vector<4x16x128xf32>
    %sub3A_3982 = arith.subf %sub3A_3981, %transpose3A : vector<4x16x128xf32>
    %max3A_3983 = arith.constant 0.000000e+00 : f32
    %max3A_3984 = vector.broadcast %max3A_3983 : f32 to vector<4x16x128xf32>
    %max3A_3985 = arith.maximumf %sub3A_3982, %max3A_3984 : vector<4x16x128xf32>
    %add3A_3986 = arith.addf %add3A_3976, %max3A_3985 : vector<4x16x128xf32>
    %slice3A_3987 = vector.extract_strided_slice %concatenate3A_3979 {offsets = [1, 0, 0], sizes = [1, 16, 128], strides = [1, 1, 1]} : vector<4x16x128xf32> to vector<1x16x128xf32>
    %sub3A_3988 = vector.broadcast %slice3A_3987 : vector<1x16x128xf32> to vector<4x16x128xf32>
    %sub3A_3989 = arith.subf %sub3A_3988, %transpose3A : vector<4x16x128xf32>
    %max3A_3990 = arith.constant 0.000000e+00 : f32
    %max3A_3991 = vector.broadcast %max3A_3990 : f32 to vector<4x16x128xf32>
    %max3A_3992 = arith.maximumf %sub3A_3989, %max3A_3991 : vector<4x16x128xf32>
    %add3A_3993 = arith.addf %add3A_3986, %max3A_3992 : vector<4x16x128xf32>
    %slice3A_3994 = vector.extract_strided_slice %concatenate3A_3979 {offsets = [2, 0, 0], sizes = [1, 16, 128], strides = [1, 1, 1]} : vector<4x16x128xf32> to vector<1x16x128xf32>
    %sub3A_3995 = vector.broadcast %slice3A_3994 : vector<1x16x128xf32> to vector<4x16x128xf32>
    %sub3A_3996 = arith.subf %sub3A_3995, %transpose3A : vector<4x16x128xf32>
    %max3A_3997 = arith.constant 0.000000e+00 : f32
    %max3A_3998 = vector.broadcast %max3A_3997 : f32 to vector<4x16x128xf32>
    %max3A_3999 = arith.maximumf %sub3A_3996, %max3A_3998 : vector<4x16x128xf32>
    %add3A_4000 = arith.addf %add3A_3993, %max3A_3999 : vector<4x16x128xf32>
    %slice3A_4001 = vector.extract_strided_slice %concatenate3A_3979 {offsets = [3, 0, 0], sizes = [1, 16, 128], strides = [1, 1, 1]} : vector<4x16x128xf32> to vector<1x16x128xf32>
    %sub3A_4002 = vector.broadcast %slice3A_4001 : vector<1x16x128xf32> to vector<4x16x128xf32>
    %sub3A_4003 = arith.subf %sub3A_4002, %transpose3A : vector<4x16x128xf32>
    %max3A_4004 = arith.constant 0.000000e+00 : f32
    %max3A_4005 = vector.broadcast %max3A_4004 : f32 to vector<4x16x128xf32>
    %max3A_4006 = arith.maximumf %sub3A_4003, %max3A_4005 : vector<4x16x128xf32>
    %add3A_4007 = arith.addf %add3A_4000, %max3A_4006 : vector<4x16x128xf32>
    %get3A_4008 = arith.constant 0 : index
    %get3A_4009 = arith.constant 0 : index
    %get3A_4010 = vector.load %arg7[%get3A_4008, %get3A_4009] : memref<1x1xf32, #tpu.memory_space<vmem>>, vector<1x1xf32>
    %mul3A_4011 = arith.mulf %add3A_4007, %transpose3A_44 : vector<4x16x128xf32>
    %reduce_sum3A_4012 = vector.shape_cast %mul3A_4011 : vector<4x16x128xf32> to vector<1x4x16x128xf32>
    %reduce_sum3A_4013 = arith.constant dense<0.000000e+00> : vector<1xf32>
    %reduce_sum3A_4014 = vector.multi_reduction <add>, %reduce_sum3A_4012, %reduce_sum3A_4013 [1, 2, 3] : vector<1x4x16x128xf32> to vector<1xf32>
    %reduce_sum3A_4015 = vector.shape_cast %reduce_sum3A_4014 : vector<1xf32> to vector<1x1x1x1xf32>
    %reduce_sum3A_4016 = vector.extract %reduce_sum3A_4015[0, 0, 0, 0] : f32 from vector<1x1x1x1xf32>
    %broadcast_in_dim3A_4017 = vector.broadcast %reduce_sum3A_4016 : f32 to vector<1x1x1xf32>
    %reshape3A_4018 = vector.shape_cast %broadcast_in_dim3A_4017 : vector<1x1x1xf32> to vector<1x1xf32>
    %add3A_4019 = arith.addf %get3A_4010, %reshape3A_4018 : vector<1x1xf32>
    %swap3A_4020 = arith.constant 0 : index
    %swap3A_4021 = arith.constant 0 : index
    %swap3A_4022 = vector.load %arg7[%swap3A_4020, %swap3A_4021] : memref<1x1xf32, #tpu.memory_space<vmem>>, vector<1x1xf32>
    tpu.vector_store %arg7[%swap3A_4020, %swap3A_4021], %add3A_4019 {strides = array<i32>} : memref<1x1xf32, #tpu.memory_space<vmem>>, vector<1x1xf32>,
    return
  }
  func.func @transform_0(%arg0: i32) -> (i32, i32) {
    %c0_i32 = arith.constant 0 : i32
    %c0_i32_0 = arith.constant 0 : i32
    return %arg0, %c0_i32 : i32, i32
  }
  func.func @transform_1(%arg0: i32) -> (i32, i32) {
    %c0_i32 = arith.constant 0 : i32
    %c0_i32_0 = arith.constant 0 : i32
    return %arg0, %c0_i32 : i32, i32
  }
  func.func @transform_2(%arg0: i32) -> (i32, i32) {
    %c0_i32 = arith.constant 0 : i32
    %c0_i32_0 = arith.constant 0 : i32
    return %arg0, %c0_i32 : i32, i32
  }
  func.func @transform_3(%arg0: i32) -> (i32, i32) {
    %c0_i32 = arith.constant 0 : i32
    %c0_i32_0 = arith.constant 0 : i32
    return %arg0, %c0_i32 : i32, i32
  }
  func.func @transform_4(%arg0: i32) -> (i32, i32) {
    %jit3A = arith.constant 4 : i32
    %eq3A = arith.constant 0 : i32
    %eq3A_0 = arith.cmpi eq, %jit3A, %eq3A : i32
    %jit3A_1 = arith.constant 1 : i32
    %select_n3A = arith.select %eq3A_0, %jit3A_1, %jit3A : i32
    %rem3A = arith.remsi %arg0, %select_n3A : i32
    %ne3A = arith.constant 0 : i32
    %ne3A_2 = arith.cmpi ne, %rem3A, %ne3A : i32
    %lt3A = arith.constant 0 : i32
    %lt3A_3 = arith.cmpi slt, %rem3A, %lt3A : i32
    %lt3A_4 = arith.constant 0 : i32
    %lt3A_5 = arith.cmpi slt, %select_n3A, %lt3A_4 : i32
    %ne3A_6 = arith.xori %lt3A_3, %lt3A_5 : i1
    %and3A = arith.andi %ne3A_6, %ne3A_2 : i1
    %add3A = arith.addi %rem3A, %select_n3A : i32
    %select_n3A_7 = arith.select %and3A, %add3A, %rem3A : i32
    %c0_i32 = arith.constant 0 : i32
    %c0_i32_8 = arith.constant 0 : i32
    return %select_n3A_7, %c0_i32 : i32, i32
  }
  func.func @transform_5(%arg0: i32) -> (i32, i32) {
    %c0_i32 = arith.constant 0 : i32
    %c0_i32_0 = arith.constant 0 : i32
    %c0_i32_1 = arith.constant 0 : i32
    return %c0_i32, %c0_i32_0 : i32, i32
  }
  func.func @transform_6(%arg0: i32) -> (i32, i32) {
    %c0_i32 = arith.constant 0 : i32
    %c0_i32_0 = arith.constant 0 : i32
    %c0_i32_1 = arith.constant 0 : i32
    return %c0_i32, %c0_i32_0 : i32, i32
  }
}

</mosaic_0001>

<sc_bundles>
// kernel: kernel.4.cloned.1.call-start
scs
__scs_entry_jumppad:
0x0: {  	(pc) =	sbr.rel $0x88, $3  }
0x1: {  	(tag) =	ssettag $0x0;
	lr =	simm.s32 $0x1  }
0x2: {  	[smem:$0x3F9B] =	sst lr;
	_ =	strace $0xD0000000  }
0x3: {  	_ = 	snop  }
0x4: {  	_ = 	snop  }
0x5: {  	_ = 	snop  }
0x6: {  	_ = 	snop  }
0x7: {  	_ = 	snop  }
__scs_overlays_trampoline_lowered:
0x8: {  	[smem:$0x3FAA] =	sst s0  }
0x9: {  	[smem:$0x3FAB] =	sst s1  }
0xa: {  	[smem:$0x3FAC] =	sst s2  }
0xb: {  	[smem:$0x3FAD] =	sst s3  }
0xc: {  	[smem:$0x3FAE] =	sst s4  }
0xd: {  	[smem:$0x3FAF] =	sst s5  }
0xe: {  	[smem:$0x3FB0] =	sst s6  }
0xf: {  	[smem:$0x3FB1] =	sst s7  }
0x10: {  	[smem:$0x3FB2] =	sst s8  }
0x11: {  	[smem:$0x3FB3] =	sst s9;
	s0 =	simm.s32 @!p0 $0x0  }
0x12: {  	s1 =	sld [smem:$0x3F99];
	s0 =	simm.s32 @p0 $0x1  }
0x13: {  	[smem:$0x3FB4] =	sst s0;
	s0 =	simm.s32 @!p1 $0x0  }
0x14: {  	s2 =	sld [smem:$0x3F98];
	s0 =	simm.s32 @p1 $0x1  }
0x15: {  	[smem:$0x3FB5] =	sst s0;
	s0 =	simm.s32 @!p2 $0x0  }
0x16: {  	s3 =	sld [smem:$0x3FDB];
	s0 =	simm.s32 @p2 $0x1  }
0x17: {  	s4 =	simm.s32 $0x1BF5;
	[smem:$0x3FB7] =	sst s0  }
0x18: {  	s0 =	sld [smem:$0x3F9A];
	_ =	swait.ge [sflag:s4], $0x0  }
0x19: {  	s7 =	sld [smem:$0x3F9B]  }
0x1a: {  	s8 =	sadd.s32 $0xFFFFE003, lr  }
0x1b: {  	s9 =	sadd.s32 $0xFFFFFEF7, lr;
	s5 =	simm.s32 $0xFFFFFFFF;
	p2 =	slt.u32 s8, $0xFFFFF086  }
0x1c: {  	p1 =	slt.u32 s9, $0xF7A;
	s5 =	simm.s32 @!p2 $0x0  }
0x1d: {  	s5 =	simm.s32 @p1 $0x1;
	p0 =	seq.s32 s7, s2  }
0x1e: {  	s7 =	smul.u32 @!p0 $0xF7A, s2;
	p2 =	seq.s32 @!p0 s5, $0x0  }
0x1f: {  	s9 =	smul.u32 $0xF7A, s1;
	s8 =	simm.s32 @!p0 $0x1BF5;
	p2 =	por !p2, p0  }
0x20: {  	[sflag:s8] =	ssyncset.s32 @!p0 $0xFFFFF086;
	s6 =	sadd.s32 @!p0 s3, s7;
	s7 =	simm.s32 @!p0 $0x108  }
0x21: {  	s3 =	sadd.s32 s3, s9;
	s6 =	sadd.s32 @!p0 $0x88, s6;
	s7 =	simm.s32 @p2 $0x1082  }
0x22: {  	[simem:s7], [sflag:s8] =	dma.local @!p0 [hbm:s6], $0xF7A  }
0x23: {  	s9 =	sor.u32 $0xD0000000, s2;
	s6 =	simm.s32 $0x108;
	_ =	swait.ge @!p0 [sflag:s8], $0x0  }
0x24: {  	s3 =	sadd.s32 $0x88, s3;
	s6 =	simm.s32 @!p1 $0x1082;
	[sflag:s4] =	ssyncset.s32 $0xFFFFF086  }
0x25: {  	[simem:s6], [sflag:s4] =	dma.local [hbm:s3], $0xF7A  }
0x26: {  	[smem:$0x3F9B] =	sst s1;
	(tag) =	ssettag s2;
	_ =	strace s9  }
0x27: {  	s1 =	sld [smem:$0x3FAB]  }
0x28: {  	s2 =	sld [smem:$0x3FAC]  }
0x29: {  	s4 =	sld [smem:$0x3FAE]  }
0x2a: {  	p0 =	seq.s32 s5, $0x0;
	s5 =	sld [smem:$0x3FAF]  }
0x2b: {  	s6 =	sld [smem:$0x3FB0]  }
0x2c: {  	s7 =	sld [smem:$0x3FB1]  }
0x2d: {  	s3 =	simm.s32 $0x108;
	s8 =	sld [smem:$0x3FB2]  }
0x2e: {  	s3 =	simm.s32 @!p0 $0x1082;
	s9 =	sld [smem:$0x3FB3]  }
0x2f: {  	lr =	sadd.s32 s0, s3;
	s0 =	sld [smem:$0x3FAA]  }
0x30: {  	s3 =	sld [smem:$0x3FAD]  }
0x31: {  	[smem:$0x3FB6] =	sst s10  }
0x32: {  	s10 =	sld [smem:$0x3FB4];
	_ =	sdelay $0x3  }
0x33: {  	p0 =	seq.s32 s10, $0x1;
	s10 =	sld [smem:$0x3FB6];
	_ =	sdelay $0x3  }
0x34: {  	[smem:$0x3FB6] =	sst s10  }
0x35: {  	s10 =	sld [smem:$0x3FB5];
	_ =	sdelay $0x3  }
0x36: {  	p1 =	seq.s32 s10, $0x1;
	s10 =	sld [smem:$0x3FB6];
	_ =	sdelay $0x3  }
0x37: {  	[smem:$0x3FB6] =	sst s10  }
0x38: {  	s10 =	sld [smem:$0x3FB7]  }
0x39: {  	_ = 	snop;
	(pc) =	sbr.ind lr, $3  }
0x3a: {  	_ = 	snop  }
0x3b: {  	_ = 	snop  }
0x3c: {  	p2 =	seq.s32 s10, $0x1;
	s10 =	sld [smem:$0x3FB6]  }
0x3d: {  	_ =	shalt  }
0x3e: {  	_ =	shalt  }
0x3f: {  	_ =	shalt  }
0x40: {  	_ =	shalt  }
0x41: {  	_ =	shalt  }
0x42: {  	_ =	shalt  }
0x43: {  	_ =	shalt  }
0x44: {  	_ =	shalt  }
0x45: {  	_ =	shalt  }
0x46: {  	_ =	shalt  }
0x47: {  	_ =	shalt  }
0x48: {  	_ =	shalt  }
0x49: {  	_ =	shalt  }
0x4a: {  	_ =	shalt  }
0x4b: {  	_ =	shalt  }
0x4c: {  	_ =	shalt  }
0x4d: {  	_ =	shalt  }
0x4e: {  	_ =	shalt  }
0x4f: {  	_ =	shalt  }
0x50: {  	_ =	shalt  }
0x51: {  	_ =	shalt  }
0x52: {  	_ =	shalt  }
0x53: {  	_ =	shalt  }
0x54: {  	_ =	shalt  }
0x55: {  	_ =	shalt  }
0x56: {  	_ =	shalt  }
0x57: {  	_ =	shalt  }
0x58: {  	_ =	shalt  }
0x59: {  	_ =	shalt  }
0x5a: {  	_ =	shalt  }
0x5b: {  	_ =	shalt  }
0x5c: {  	_ =	shalt  }
0x5d: {  	_ =	shalt  }
0x5e: {  	_ =	shalt  }
0x5f: {  	_ =	shalt  }
0x60: {  	_ =	shalt  }
0x61: {  	_ =	shalt  }
0x62: {  	_ =	shalt  }
0x63: {  	_ =	shalt  }
0x64: {  	_ =	shalt  }
0x65: {  	_ =	shalt  }
0x66: {  	_ =	shalt  }
0x67: {  	_ =	shalt  }
0x68: {  	_ =	shalt  }
0x69: {  	_ =	shalt  }
0x6a: {  	_ =	shalt  }
0x6b: {  	_ =	shalt  }
0x6c: {  	_ =	shalt  }
0x6d: {  	_ =	shalt  }
0x6e: {  	_ =	shalt  }
0x6f: {  	_ =	shalt  }
0x70: {  	_ =	shalt  }
0x71: {  	_ =	shalt  }
0x72: {  	_ =	shalt  }
0x73: {  	_ =	shalt  }
0x74: {  	_ =	shalt  }
0x75: {  	_ =	shalt  }
0x76: {  	_ =	shalt  }
0x77: {  	_ =	shalt  }
0x78: {  	_ =	shalt  }
0x79: {  	_ =	shalt  }
0x7a: {  	_ =	shalt  }
0x7b: {  	_ =	shalt  }
0x7c: {  	_ =	shalt  }
0x7d: {  	_ =	shalt  }
0x7e: {  	_ =	shalt  }
0x7f: {  	_ =	shalt  }
0x80: {  	_ =	shalt  }
0x81: {  	_ =	shalt  }
0x82: {  	_ =	shalt  }
0x83: {  	_ =	shalt  }
0x84: {  	_ =	shalt  }
0x85: {  	_ =	shalt  }
0x86: {  	_ =	shalt  }
0x87: {  	_ =	shalt  }
.Lfunc_end0:
.L_simem_size_0:
called_computation_lowered:
.L_overlay_start_0:
0x88: {  	s2 =	sld [smem:$0x3FD9]  }
0x89: {  	s3 =	sld [smem:$0x3FFE];
	_ =	sdelay $0x1  }
0x8a: {  	s1 =	srdreg.scid  }
0x8b: {  	s0 =	sand.u32 $0x1, s1  }
0x8c: {  	s16 =	sshll.u32 s0, $0xA;
	s2 =	sadd.s32 s3, s2  }
0x8d: {  	s2 =	sadd.s32 s2, s16  }
0x8e: {  	[smem:$0x3FC2] =	sst s2  }
0x8f: {  	_ = 	snop  }
0x90: {  	(tm) =	ssettm $0x1  }
0x91: {  	s17 =	sld [smem:$0x3FFB];
	_ =	sdelay $0x3  }
0x92: {  	_ =	strace s17  }
0x93: {  	s2 =	sld [smem:$0x3FFC];
	_ =	sdelay $0x3  }
0x94: {  	_ =	strace s2  }
0x95: {  	s2 =	sld [smem:$0x3FFD];
	_ =	sdelay $0x3  }
0x96: {  	_ =	strace s2  }
0x97: {  	_ =	strace $0x8FFFFFFF  }
0x98: {  	s18 =	sld [smem:$0x3FDB];
	_ =	sdelay $0x1  }
0x99: {  	s19 =	simm.s32 $_scs_section_size  }
0x9a: {  	s4 =	simm.s32 $_size__tile_overlayer_lowered;
	s5 =	simm.s32 $_tile_overlayer_lowered  }
0x9b: {  	s22 =	simm.s32 $0x1BFF;
	s21 =	sshll.u32 s5, $0x1;
	s2 =	sadd.s32 s19, s18  }
0x9c: {  	s6 =	simm.s32 $0x0;
	s20 =	sshll.u32 s4, $0x1;
	s4 =	sadd.s32 s21, s2  }
0x9d: {  	[timem:s6], [sflag:s22] =	dma.local [hbm:s4], s20  }
0x9e: {  	_ =	swait.ge [sflag:s22], s20  }
0x9f: {  	s3 =	ssub.s32 $0x0, s20;
	[sflag:s22] =	ssyncset.done $0x0  }
0xa0: {  	[sflag:s22] =	ssyncadd.s32 s3;
	_ =	sdelay $0x1  }
0xa1: {  	s23 =	simm.s32 $0x1B8B  }
0xa2: {  	_ =	swait.ge [sflag:s23], $0x1  }
0xa3: {  	[sflag:s23] =	ssyncset.done $0x0  }
0xa4: {  	s25 =	simm.s32 $0x1B8E;
	s24 =	sld [smem:$0x3FFE];
	[sflag:s23] =	ssyncadd.s32 $0xFFFFFFFF  }
0xa5: {  	s26 =	simm.s32 $execute0_lowered;
	[smem:$0x3FD2] =	sst s25  }
0xa6: {  	s4 =	sshll.u32 s26, $0x1;
	_ =	strace $0x80000046;
	[dreg:$0x1] =	wrdreg $0xFFFFFFFF  }
0xa7: {  	s28 =	simm.s32 $_size_execute0_lowered;
	s2 =	sadd.s32 s2, s4;
	[dreg:$0x0] =	wrdreg $0x0  }
0xa8: {  	s4 =	sshll.u32 s28, $0x1;
	[dreg:$0x2] =	wrdreg s2  }
0xa9: {  	[dreg:$0x3] =	wrdreg s4  }
0xaa: {  	[dreg:$0x4] =	wrdreg $0xC0  }
0xab: {  	_ =	task [dreg:s6], $0x5FFFF  }
0xac: {  	[dreg:$0x1] =	wrdreg $0xFFFFFFFF  }
0xad: {  	[dreg:$0x0] =	wrdreg $0x60  }
0xae: {  	[dreg:$0x2] =	wrdreg s24  }
0xaf: {  	[dreg:$0x3] =	wrdreg $0x9  }
0xb0: {  	_ =	task.clear_ibuf [dreg:s6], $0x4FFFF;
	_ =	strace $0x90000046  }
0xb1: {  	s29 =	simm.s32 $0x9;
	_ =	strace $0x80000048  }
0xb2: {  	_ =	swait.ge [sflag:s29], $0x1  }
0xb3: {  	[sflag:s29] =	ssyncadd.s32 $0xFFFFFFFF  }
0xb4: {  	_ =	strace $0x90000048  }
0xb5: {  	_ =	sfence  }
0xb6: {  	s30 =	sld [smem:$0x0];
	_ =	sdelay $0x2  }
0xb7: {  	s31 =	sshll.u32 s1, $0xD;
	s1 =	sshrl.u32 s1, $0x2  }
0xb8: {  	s3 =	sand.u32 $0x4000, s31;
	s1 =	sadd.s32 s1, s30  }
0xb9: {  	s0 =	sor.u32 s3, s0;
	s1 =	sshll.u32 s1, $0x11  }
0xba: {  	s0 =	sor.u32 s1, s0  }
0xbb: {  	s0 =	sadd.s32 $0x8F2B, s0  }
0xbc: {  	[sflag:s0] =	ssyncadd.remote.s32 $0x1  }
0xbd: {  	_ =	sfence.sel $0xFFFF  }
0xbe: {  	[dreg:$0x0] =	wrdreg $0xFFFFFFFF;
	(pc) =	sbr.abs _section_cstart, $3  }
0xbf: {  	[dreg:$0x1] =	wrdreg $0xFFFFFFFF  }
0xc0: {  	_ =	task.clear_ibuf [dreg:s6], $0x2FFFF;
	_ =	strace $0x9FFFFFFF  }
0xc1: {  	(tm) =	ssettm $0x7FFFFFFF  }
tec
execute0_lowered:
.L_overlay_start_1:
0x0: {  	(tag) =	ssettag $0x1  }
0x1: {  	s1 =	srdreg.scid;
	s0 =	stileid.u32  }
0x2: {  	s5 =	sand.u32 $0x1, s1;
	s3 =	sshll.u32 s0, $0x1  }
0x3: {  	s4 =	rddreg [dreg:$0x0];
	s2 =	simm.s32 $0x0;
	s6 =	sor.u32 s5, s3  }
0x4: {  	s11 =	simm.s32 $0x800;
	s12 =	simm.s32 $0x40;
	s7 =	sshll.u32 s6, $0x6  }
0x5: {  	s13 =	simm.s32 $0x880;
	s14 =	simm.s32 $0x900;
	v0 =	vmov s7;
	s8 =	sor.u32 $0x10, s7  }
0x6: {  	[smem:$0x7FF] =	sst s2;
	s9 =	sor.u32 $0x20, s7;
	s7 =	sor.u32 $0x30, s7;
	v0 =	vmul.u32 $0x2710, v0;
	v1 =	vmov s8  }
0x7: {  	s15 =	simm.s32 $0x1;
	s1 =	rddreg [dreg:$0x1];
	_ =	strace $0x80000047;
	v2 =	vmov s9;
	v3 =	vmov s7;
	v1 =	vmul.u32 $0x2710, v1  }
0x8: {  	v4 =	vlaneseq.u32;
	s3 =	sadd.s32 $0x1200, s4;
	s5 =	ssub.s32 $0x2, s5;
	s10 =	sshll.u32 s6, $0x7;
	v2 =	vmul.u32 $0x2710, v2;
	v3 =	vmul.u32 $0x2710, v3  }
0x9: {  	v4 =	vmul.u32 $0x2710, v4;
	s6 =	sshll.u32 s6, $0x3;
	s30 =	sshrl.u32 s5, $0x1;
	s28 =	sadd.s32 s10, s4;
	v0 =	vbroadcast v0, $0x0;
	v1 =	vbroadcast v1, $0x0  }
0xa: {  	s29 =	sadd.s32 s6, s4;
	s10 =	simm.s32 $0x400;
	s4 =	sadd.s32 $0x272200, s28;
	v2 =	vbroadcast v2, $0x0;
	v3 =	vbroadcast v3, $0x0  }
0xb: {  	v5 =	vimm.f32 $1.000000000e+00;
	s31 =	ssub.s32 s5, s30;
	s5 =	sadd.s32 $0x273600, s28;
	s6 =	sadd.s32 $0x273200, s29;
	v0 =	vadd.s32 v4, v0;
	v1 =	vadd.s32 v4, v1  }
0xc: {  	s7 =	sadd.s32 $0x273400, s29;
	s8 =	smax.u32 s31, $0x1;
	s9 =	simm.s32 $0x2;
	v2 =	vadd.s32 v4, v2;
	v3 =	vadd.s32 v4, v3;
	v4 =	vimm.f32 $0.0e+00  }
.LBB2_1:
0xd: {  	[tilespmem:s2], [sflag:$0x2] =	stream.linear.gather [hbm4b:s4+s2], $0x400, $0x38;
	[tilespmem:$0x980] =	vst v63  }
0xe: {  	_ =	swait.ge [sflag:s9], $0x400  }
0xf: {  	[sflag:s9] =	ssyncset.done $0x0  }
0x10: {  	[sflag:s9] =	ssyncadd.s32 $0xFFFFFC00  }
0x11: {  	[tilespmem:$0x400] =	vst v4  }
0x12: {  	[tilespmem:$0x410] =	vst v4  }
0x13: {  	[tilespmem:$0x420] =	vst v4  }
0x14: {  	[tilespmem:$0x430] =	vst v4  }
0x15: {  	[tilespmem:$0x440] =	vst v4  }
0x16: {  	[tilespmem:$0x450] =	vst v4  }
0x17: {  	[tilespmem:$0x460] =	vst v4  }
0x18: {  	[tilespmem:$0x470] =	vst v4  }
0x19: {  	[tilespmem:$0x480] =	vst v4  }
0x1a: {  	[tilespmem:$0x490] =	vst v4  }
0x1b: {  	[tilespmem:$0x4A0] =	vst v4  }
0x1c: {  	[tilespmem:$0x4B0] =	vst v4  }
0x1d: {  	[tilespmem:$0x4C0] =	vst v4  }
0x1e: {  	[tilespmem:$0x4D0] =	vst v4  }
0x1f: {  	[tilespmem:$0x4E0] =	vst v4  }
0x20: {  	[tilespmem:$0x4F0] =	vst v4  }
0x21: {  	[tilespmem:$0x500] =	vst v4  }
0x22: {  	[tilespmem:$0x510] =	vst v4  }
0x23: {  	[tilespmem:$0x520] =	vst v4  }
0x24: {  	[tilespmem:$0x530] =	vst v4  }
0x25: {  	[tilespmem:$0x540] =	vst v4  }
0x26: {  	[tilespmem:$0x550] =	vst v4  }
0x27: {  	[tilespmem:$0x560] =	vst v4  }
0x28: {  	[tilespmem:$0x570] =	vst v4  }
0x29: {  	[tilespmem:$0x580] =	vst v4  }
0x2a: {  	[tilespmem:$0x590] =	vst v4  }
0x2b: {  	[tilespmem:$0x5A0] =	vst v4  }
0x2c: {  	[tilespmem:$0x5B0] =	vst v4  }
0x2d: {  	[tilespmem:$0x5C0] =	vst v4  }
0x2e: {  	[tilespmem:$0x5D0] =	vst v4  }
0x2f: {  	[tilespmem:$0x5E0] =	vst v4  }
0x30: {  	[tilespmem:$0x5F0] =	vst v4  }
0x31: {  	[tilespmem:$0x600] =	vst v4  }
0x32: {  	[tilespmem:$0x610] =	vst v4  }
0x33: {  	[tilespmem:$0x620] =	vst v4  }
0x34: {  	[tilespmem:$0x630] =	vst v4  }
0x35: {  	[tilespmem:$0x640] =	vst v4  }
0x36: {  	[tilespmem:$0x650] =	vst v4  }
0x37: {  	[tilespmem:$0x660] =	vst v4  }
0x38: {  	[tilespmem:$0x670] =	vst v4  }
0x39: {  	[tilespmem:$0x680] =	vst v4  }
0x3a: {  	[tilespmem:$0x690] =	vst v4  }
0x3b: {  	[tilespmem:$0x6A0] =	vst v4  }
0x3c: {  	[tilespmem:$0x6B0] =	vst v4  }
0x3d: {  	[tilespmem:$0x6C0] =	vst v4  }
0x3e: {  	[tilespmem:$0x6D0] =	vst v4  }
0x3f: {  	[tilespmem:$0x6E0] =	vst v4  }
0x40: {  	[tilespmem:$0x6F0] =	vst v4  }
0x41: {  	[tilespmem:$0x700] =	vst v4  }
0x42: {  	[tilespmem:$0x710] =	vst v4  }
0x43: {  	[tilespmem:$0x720] =	vst v4  }
0x44: {  	[tilespmem:$0x730] =	vst v4  }
0x45: {  	[tilespmem:$0x740] =	vst v4  }
0x46: {  	[tilespmem:$0x750] =	vst v4  }
0x47: {  	[tilespmem:$0x760] =	vst v4  }
0x48: {  	[tilespmem:$0x770] =	vst v4  }
0x49: {  	[tilespmem:$0x780] =	vst v4;
	v6 =	vld [tilespmem:$0x0]  }
0x4a: {  	[tilespmem:$0x790] =	vst v4  }
0x4b: {  	[tilespmem:$0x7A0] =	vst v4  }
0x4c: {  	[tilespmem:$0x7B0] =	vst v4  }
0x4d: {  	[tilespmem:$0x7C0] =	vst v4  }
0x4e: {  	[tilespmem:$0x7D0] =	vst v4  }
0x4f: {  	[tilespmem:$0x7E0] =	vst v4  }
0x50: {  	[tilespmem:$0x7F0] =	vst v4  }
0x51: {  	[tilespmem:v6+s10+$0x0] =	vst.idx.add.f32.msk $0xffff, v5  }
0x52: {  	v6 =	vld [tilespmem:$0x10];
	_ =	sdelay $0x7  }
0x53: {  	[tilespmem:v6+s10+$0x0] =	vst.idx.add.f32.msk $0xffff, v5  }
0x54: {  	v6 =	vld [tilespmem:$0x20];
	_ =	sdelay $0x7  }
0x55: {  	[tilespmem:v6+s10+$0x0] =	vst.idx.add.f32.msk $0xffff, v5  }
0x56: {  	v6 =	vld [tilespmem:$0x30];
	_ =	sdelay $0x7  }
0x57: {  	[tilespmem:v6+s10+$0x0] =	vst.idx.add.f32.msk $0xffff, v5  }
0x58: {  	v6 =	vld [tilespmem:$0x40];
	_ =	sdelay $0x7  }
0x59: {  	[tilespmem:v6+s10+$0x0] =	vst.idx.add.f32.msk $0xffff, v5  }
0x5a: {  	v6 =	vld [tilespmem:$0x50];
	_ =	sdelay $0x7  }
0x5b: {  	[tilespmem:v6+s10+$0x0] =	vst.idx.add.f32.msk $0xffff, v5  }
0x5c: {  	v6 =	vld [tilespmem:$0x60];
	_ =	sdelay $0x7  }
0x5d: {  	[tilespmem:v6+s10+$0x0] =	vst.idx.add.f32.msk $0xffff, v5  }
0x5e: {  	v6 =	vld [tilespmem:$0x70];
	_ =	sdelay $0x7  }
0x5f: {  	[tilespmem:v6+s10+$0x0] =	vst.idx.add.f32.msk $0xffff, v5  }
0x60: {  	v6 =	vld [tilespmem:$0x80];
	_ =	sdelay $0x7  }
0x61: {  	[tilespmem:v6+s10+$0x0] =	vst.idx.add.f32.msk $0xffff, v5  }
0x62: {  	v6 =	vld [tilespmem:$0x90];
	_ =	sdelay $0x7  }
0x63: {  	[tilespmem:v6+s10+$0x0] =	vst.idx.add.f32.msk $0xffff, v5  }
0x64: {  	v6 =	vld [tilespmem:$0xA0];
	_ =	sdelay $0x7  }
0x65: {  	[tilespmem:v6+s10+$0x0] =	vst.idx.add.f32.msk $0xffff, v5  }
0x66: {  	v6 =	vld [tilespmem:$0xB0];
	_ =	sdelay $0x7  }
0x67: {  	[tilespmem:v6+s10+$0x0] =	vst.idx.add.f32.msk $0xffff, v5  }
0x68: {  	v6 =	vld [tilespmem:$0xC0];
	_ =	sdelay $0x7  }
0x69: {  	[tilespmem:v6+s10+$0x0] =	vst.idx.add.f32.msk $0xffff, v5  }
0x6a: {  	v6 =	vld [tilespmem:$0xD0];
	_ =	sdelay $0x7  }
0x6b: {  	[tilespmem:v6+s10+$0x0] =	vst.idx.add.f32.msk $0xffff, v5  }
0x6c: {  	v6 =	vld [tilespmem:$0xE0];
	_ =	sdelay $0x7  }
0x6d: {  	[tilespmem:v6+s10+$0x0] =	vst.idx.add.f32.msk $0xffff, v5  }
0x6e: {  	v6 =	vld [tilespmem:$0xF0];
	_ =	sdelay $0x7  }
0x6f: {  	[tilespmem:v6+s10+$0x0] =	vst.idx.add.f32.msk $0xffff, v5  }
0x70: {  	v6 =	vld [tilespmem:$0x100];
	_ =	sdelay $0x7  }
0x71: {  	[tilespmem:v6+s10+$0x0] =	vst.idx.add.f32.msk $0xffff, v5  }
0x72: {  	v6 =	vld [tilespmem:$0x110];
	_ =	sdelay $0x7  }
0x73: {  	[tilespmem:v6+s10+$0x0] =	vst.idx.add.f32.msk $0xffff, v5  }
0x74: {  	v6 =	vld [tilespmem:$0x120];
	_ =	sdelay $0x7  }
0x75: {  	[tilespmem:v6+s10+$0x0] =	vst.idx.add.f32.msk $0xffff, v5  }
0x76: {  	v6 =	vld [tilespmem:$0x130];
	_ =	sdelay $0x7  }
0x77: {  	[tilespmem:v6+s10+$0x0] =	vst.idx.add.f32.msk $0xffff, v5  }
0x78: {  	v6 =	vld [tilespmem:$0x140];
	_ =	sdelay $0x7  }
0x79: {  	[tilespmem:v6+s10+$0x0] =	vst.idx.add.f32.msk $0xffff, v5  }
0x7a: {  	v6 =	vld [tilespmem:$0x150];
	_ =	sdelay $0x7  }
0x7b: {  	[tilespmem:v6+s10+$0x0] =	vst.idx.add.f32.msk $0xffff, v5  }
0x7c: {  	v6 =	vld [tilespmem:$0x160];
	_ =	sdelay $0x7  }
0x7d: {  	[tilespmem:v6+s10+$0x0] =	vst.idx.add.f32.msk $0xffff, v5  }
0x7e: {  	v6 =	vld [tilespmem:$0x170];
	_ =	sdelay $0x7  }
0x7f: {  	[tilespmem:v6+s10+$0x0] =	vst.idx.add.f32.msk $0xffff, v5  }
0x80: {  	v6 =	vld [tilespmem:$0x180];
	_ =	sdelay $0x7  }
0x81: {  	[tilespmem:v6+s10+$0x0] =	vst.idx.add.f32.msk $0xffff, v5  }
0x82: {  	v6 =	vld [tilespmem:$0x190];
	_ =	sdelay $0x7  }
0x83: {  	[tilespmem:v6+s10+$0x0] =	vst.idx.add.f32.msk $0xffff, v5  }
0x84: {  	v6 =	vld [tilespmem:$0x1A0];
	_ =	sdelay $0x7  }
0x85: {  	[tilespmem:v6+s10+$0x0] =	vst.idx.add.f32.msk $0xffff, v5  }
0x86: {  	v6 =	vld [tilespmem:$0x1B0];
	_ =	sdelay $0x7  }
0x87: {  	[tilespmem:v6+s10+$0x0] =	vst.idx.add.f32.msk $0xffff, v5  }
0x88: {  	v6 =	vld [tilespmem:$0x1C0];
	_ =	sdelay $0x7  }
0x89: {  	[tilespmem:v6+s10+$0x0] =	vst.idx.add.f32.msk $0xffff, v5  }
0x8a: {  	v6 =	vld [tilespmem:$0x1D0];
	_ =	sdelay $0x7  }
0x8b: {  	[tilespmem:v6+s10+$0x0] =	vst.idx.add.f32.msk $0xffff, v5  }
0x8c: {  	v6 =	vld [tilespmem:$0x1E0];
	_ =	sdelay $0x7  }
0x8d: {  	[tilespmem:v6+s10+$0x0] =	vst.idx.add.f32.msk $0xffff, v5  }
0x8e: {  	v6 =	vld [tilespmem:$0x1F0];
	_ =	sdelay $0x7  }
0x8f: {  	[tilespmem:v6+s10+$0x0] =	vst.idx.add.f32.msk $0xffff, v5  }
0x90: {  	v6 =	vld [tilespmem:$0x200];
	_ =	sdelay $0x4  }
0x91: {  	v6 =	vadd.s32 $0x200, v6;
	_ =	sdelay $0x4  }
0x92: {  	[tilespmem:v6+s10+$0x0] =	vst.idx.add.f32.msk $0xffff, v5  }
0x93: {  	v6 =	vld [tilespmem:$0x210];
	_ =	sdelay $0x4  }
0x94: {  	v6 =	vadd.s32 $0x200, v6;
	_ =	sdelay $0x4  }
0x95: {  	[tilespmem:v6+s10+$0x0] =	vst.idx.add.f32.msk $0xffff, v5  }
0x96: {  	v6 =	vld [tilespmem:$0x220];
	_ =	sdelay $0x4  }
0x97: {  	v6 =	vadd.s32 $0x200, v6;
	_ =	sdelay $0x4  }
0x98: {  	[tilespmem:v6+s10+$0x0] =	vst.idx.add.f32.msk $0xffff, v5  }
0x99: {  	v6 =	vld [tilespmem:$0x230];
	_ =	sdelay $0x4  }
0x9a: {  	v6 =	vadd.s32 $0x200, v6;
	_ =	sdelay $0x4  }
0x9b: {  	[tilespmem:v6+s10+$0x0] =	vst.idx.add.f32.msk $0xffff, v5  }
0x9c: {  	v6 =	vld [tilespmem:$0x240];
	_ =	sdelay $0x4  }
0x9d: {  	v6 =	vadd.s32 $0x200, v6;
	_ =	sdelay $0x4  }
0x9e: {  	[tilespmem:v6+s10+$0x0] =	vst.idx.add.f32.msk $0xffff, v5  }
0x9f: {  	v6 =	vld [tilespmem:$0x250];
	_ =	sdelay $0x4  }
0xa0: {  	v6 =	vadd.s32 $0x200, v6;
	_ =	sdelay $0x4  }
0xa1: {  	[tilespmem:v6+s10+$0x0] =	vst.idx.add.f32.msk $0xffff, v5  }
0xa2: {  	v6 =	vld [tilespmem:$0x260];
	_ =	sdelay $0x4  }
0xa3: {  	v6 =	vadd.s32 $0x200, v6;
	_ =	sdelay $0x4  }
0xa4: {  	[tilespmem:v6+s10+$0x0] =	vst.idx.add.f32.msk $0xffff, v5  }
0xa5: {  	v6 =	vld [tilespmem:$0x270];
	_ =	sdelay $0x4  }
0xa6: {  	v6 =	vadd.s32 $0x200, v6;
	_ =	sdelay $0x4  }
0xa7: {  	[tilespmem:v6+s10+$0x0] =	vst.idx.add.f32.msk $0xffff, v5  }
0xa8: {  	v6 =	vld [tilespmem:$0x280];
	_ =	sdelay $0x4  }
0xa9: {  	v6 =	vadd.s32 $0x200, v6;
	_ =	sdelay $0x4  }
0xaa: {  	[tilespmem:v6+s10+$0x0] =	vst.idx.add.f32.msk $0xffff, v5  }
0xab: {  	v6 =	vld [tilespmem:$0x290];
	_ =	sdelay $0x4  }
0xac: {  	v6 =	vadd.s32 $0x200, v6;
	_ =	sdelay $0x4  }
0xad: {  	[tilespmem:v6+s10+$0x0] =	vst.idx.add.f32.msk $0xffff, v5  }
0xae: {  	v6 =	vld [tilespmem:$0x2A0];
	_ =	sdelay $0x4  }
0xaf: {  	v6 =	vadd.s32 $0x200, v6;
	_ =	sdelay $0x4  }
0xb0: {  	[tilespmem:v6+s10+$0x0] =	vst.idx.add.f32.msk $0xffff, v5  }
0xb1: {  	v6 =	vld [tilespmem:$0x2B0];
	_ =	sdelay $0x4  }
0xb2: {  	v6 =	vadd.s32 $0x200, v6;
	_ =	sdelay $0x4  }
0xb3: {  	[tilespmem:v6+s10+$0x0] =	vst.idx.add.f32.msk $0xffff, v5  }
0xb4: {  	v6 =	vld [tilespmem:$0x2C0];
	_ =	sdelay $0x4  }
0xb5: {  	v6 =	vadd.s32 $0x200, v6;
	_ =	sdelay $0x4  }
0xb6: {  	[tilespmem:v6+s10+$0x0] =	vst.idx.add.f32.msk $0xffff, v5  }
0xb7: {  	v6 =	vld [tilespmem:$0x2D0];
	_ =	sdelay $0x4  }
0xb8: {  	v6 =	vadd.s32 $0x200, v6;
	_ =	sdelay $0x4  }
0xb9: {  	[tilespmem:v6+s10+$0x0] =	vst.idx.add.f32.msk $0xffff, v5  }
0xba: {  	v6 =	vld [tilespmem:$0x2E0];
	_ =	sdelay $0x4  }
0xbb: {  	v6 =	vadd.s32 $0x200, v6;
	_ =	sdelay $0x4  }
0xbc: {  	[tilespmem:v6+s10+$0x0] =	vst.idx.add.f32.msk $0xffff, v5  }
0xbd: {  	v6 =	vld [tilespmem:$0x2F0];
	_ =	sdelay $0x4  }
0xbe: {  	v6 =	vadd.s32 $0x200, v6;
	_ =	sdelay $0x4  }
0xbf: {  	[tilespmem:v6+s10+$0x0] =	vst.idx.add.f32.msk $0xffff, v5  }
0xc0: {  	v6 =	vld [tilespmem:$0x300];
	_ =	sdelay $0x4  }
0xc1: {  	v6 =	vadd.s32 $0x200, v6;
	_ =	sdelay $0x4  }
0xc2: {  	[tilespmem:v6+s10+$0x0] =	vst.idx.add.f32.msk $0xffff, v5  }
0xc3: {  	v6 =	vld [tilespmem:$0x310];
	_ =	sdelay $0x4  }
0xc4: {  	v6 =	vadd.s32 $0x200, v6;
	_ =	sdelay $0x4  }
0xc5: {  	[tilespmem:v6+s10+$0x0] =	vst.idx.add.f32.msk $0xffff, v5  }
0xc6: {  	v6 =	vld [tilespmem:$0x320];
	_ =	sdelay $0x4  }
0xc7: {  	v6 =	vadd.s32 $0x200, v6;
	_ =	sdelay $0x4  }
0xc8: {  	[tilespmem:v6+s10+$0x0] =	vst.idx.add.f32.msk $0xffff, v5  }
0xc9: {  	v6 =	vld [tilespmem:$0x330];
	_ =	sdelay $0x4  }
0xca: {  	v6 =	vadd.s32 $0x200, v6;
	_ =	sdelay $0x4  }
0xcb: {  	[tilespmem:v6+s10+$0x0] =	vst.idx.add.f32.msk $0xffff, v5  }
0xcc: {  	v6 =	vld [tilespmem:$0x340];
	_ =	sdelay $0x4  }
0xcd: {  	v6 =	vadd.s32 $0x200, v6;
	_ =	sdelay $0x4  }
0xce: {  	[tilespmem:v6+s10+$0x0] =	vst.idx.add.f32.msk $0xffff, v5  }
0xcf: {  	v6 =	vld [tilespmem:$0x350];
	_ =	sdelay $0x4  }
0xd0: {  	v6 =	vadd.s32 $0x200, v6;
	_ =	sdelay $0x4  }
0xd1: {  	[tilespmem:v6+s10+$0x0] =	vst.idx.add.f32.msk $0xffff, v5  }
0xd2: {  	v6 =	vld [tilespmem:$0x360];
	_ =	sdelay $0x4  }
0xd3: {  	v6 =	vadd.s32 $0x200, v6;
	_ =	sdelay $0x4  }
0xd4: {  	[tilespmem:v6+s10+$0x0] =	vst.idx.add.f32.msk $0xffff, v5  }
0xd5: {  	v6 =	vld [tilespmem:$0x370];
	_ =	sdelay $0x4  }
0xd6: {  	v6 =	vadd.s32 $0x200, v6;
	_ =	sdelay $0x4  }
0xd7: {  	[tilespmem:v6+s10+$0x0] =	vst.idx.add.f32.msk $0xffff, v5  }
0xd8: {  	v6 =	vld [tilespmem:$0x380];
	_ =	sdelay $0x4  }
0xd9: {  	v6 =	vadd.s32 $0x200, v6;
	_ =	sdelay $0x4  }
0xda: {  	[tilespmem:v6+s10+$0x0] =	vst.idx.add.f32.msk $0xffff, v5  }
0xdb: {  	v6 =	vld [tilespmem:$0x390];
	_ =	sdelay $0x4  }
0xdc: {  	v6 =	vadd.s32 $0x200, v6;
	_ =	sdelay $0x4  }
0xdd: {  	[tilespmem:v6+s10+$0x0] =	vst.idx.add.f32.msk $0xffff, v5  }
0xde: {  	v6 =	vld [tilespmem:$0x3A0];
	_ =	sdelay $0x4  }
0xdf: {  	v6 =	vadd.s32 $0x200, v6;
	_ =	sdelay $0x4  }
0xe0: {  	[tilespmem:v6+s10+$0x0] =	vst.idx.add.f32.msk $0xffff, v5  }
0xe1: {  	v6 =	vld [tilespmem:$0x3B0];
	_ =	sdelay $0x4  }
0xe2: {  	v6 =	vadd.s32 $0x200, v6;
	_ =	sdelay $0x4  }
0xe3: {  	[tilespmem:v6+s10+$0x0] =	vst.idx.add.f32.msk $0xffff, v5  }
0xe4: {  	v6 =	vld [tilespmem:$0x3C0];
	_ =	sdelay $0x4  }
0xe5: {  	v6 =	vadd.s32 $0x200, v6;
	_ =	sdelay $0x4  }
0xe6: {  	[tilespmem:v6+s10+$0x0] =	vst.idx.add.f32.msk $0xffff, v5  }
0xe7: {  	v6 =	vld [tilespmem:$0x3D0];
	_ =	sdelay $0x4  }
0xe8: {  	v6 =	vadd.s32 $0x200, v6;
	_ =	sdelay $0x4  }
0xe9: {  	[tilespmem:v6+s10+$0x0] =	vst.idx.add.f32.msk $0xffff, v5  }
0xea: {  	v6 =	vld [tilespmem:$0x3E0];
	_ =	sdelay $0x4  }
0xeb: {  	v6 =	vadd.s32 $0x200, v6;
	_ =	sdelay $0x4  }
0xec: {  	[tilespmem:v6+s10+$0x0] =	vst.idx.add.f32.msk $0xffff, v5  }
0xed: {  	v6 =	vld [tilespmem:$0x3F0];
	_ =	sdelay $0x4  }
0xee: {  	v6 =	vadd.s32 $0x200, v6;
	_ =	sdelay $0x4  }
0xef: {  	[tilespmem:v6+s10+$0x0] =	vst.idx.add.f32.msk $0xffff, v5  }
0xf0: {  	[hbm4b:s5+s2] =	stream.linear.scatter [tilespmem:s10], [sflag:$0x2], $0x400, $0x38;
	[tilespmem:$0x980] =	vst v63  }
0xf1: {  	_ =	swait.ge [sflag:s9], $0x400  }
0xf2: {  	[sflag:s9] =	ssyncset.done $0x0  }
0xf3: {  	[sflag:s9] =	ssyncadd.s32 $0xFFFFFC00  }
0xf4: {  	[tilespmem:s11], [sflag:$0x2] =	stream.linear.gather [hbm4b:s6+s2], $0x40, $0x38;
	[tilespmem:$0x980] =	vst v63  }
0xf5: {  	_ =	swait.ge [sflag:s9], $0x40  }
0xf6: {  	[sflag:s9] =	ssyncset.done $0x0  }
0xf7: {  	[sflag:s9] =	ssyncadd.s32 $0xFFFFFFC0  }
0xf8: {  	v6 =	vld [tilespmem:$0x800]  }
0xf9: {  	v7 =	vld [tilespmem:$0x810]  }
0xfa: {  	v8 =	vld [tilespmem:$0x820]  }
0xfb: {  	v9 =	vld [tilespmem:$0x830];
	_ =	sdelay $0x1  }
0xfc: {  	v6 =	vadd.s32 v6, v0  }
0xfd: {  	[tilespmem:$0x880] =	vst v6;
	v6 =	vadd.s32 v7, v1  }
0xfe: {  	[tilespmem:$0x890] =	vst v6;
	v6 =	vadd.s32 v8, v2  }
0xff: {  	[tilespmem:$0x8A0] =	vst v6;
	v6 =	vadd.s32 v9, v3  }
0x100: {  	[tilespmem:$0x8B0] =	vst v6  }
0x101: {  	[tilespmem:s14], [sflag:$0x1] =	stream.indirect.gather [hbm4b:s3+s12], $0x1, s13, s12, $0xb8;
	[tilespmem:$0x980] =	vst v63  }
0x102: {  	_ =	swait.ge [sflag:s15], $0x40  }
0x103: {  	p0 =	sne.s32 s8, $0x1;
	[sflag:s15] =	ssyncset.done $0x0  }
.Ltmp0:
0x104: {  	[sflag:s15] =	ssyncadd.s32 $0xFFFFFFC0;
	(pc) =	sbr.rel @p0 .LBB2_1-.Ltmp0, $4  }
0x105: {  	[hbm4b:s7+s2] =	stream.linear.scatter [tilespmem:s14], [sflag:$0x2], $0x40, $0x38;
	[tilespmem:$0x980] =	vst v63  }
0x106: {  	_ =	swait.ge [sflag:s9], $0x40  }
0x107: {  	[sflag:s9] =	ssyncset.done $0x0  }
0x108: {  	s8 =	sadd.s32 $0xFFFFFFFF, s8;
	[sflag:s9] =	ssyncadd.s32 $0xFFFFFFC0  }
0x109: {  	_ =	sfence.sel $0x180000  }
0x10a: {  	[bflag:$0x0] =	sbarrier.arrive $0xFFFF  }
0x10b: {  	p0 =	sne.s32 s0, $0x0;
	_ =	strace $0x90000047  }
0x10c: {  	s0 =	sadd.s32 @!p0 $0x100000, s1;
	[bflag:$0x2] =	sbarrier.arrive $0xFFFF  }
0x10d: {  	[sflag:s0] =	ssyncadd.tile.s32 @!p0 $0x1;
	_ =	shalt  }
.Lfunc_end2:
_tile_overlayer_lowered:
.L_overlay_start_2:
0x10e: {  	(tag) =	ssettag $0x2  }
0x10f: {  	s0 =	rddreg [dreg:$0x0];
	s2 =	stileid.u32  }
0x110: {  	s1 =	rddreg [dreg:$0x1];
	p0 =	sne.s32 s2, $0x0  }
0x111: {  	s3 =	rddreg [dreg:$0x2];
	[bflag:$0x3] =	sbarrier.arrive $0xFFFF;
	s2 =	simm.s32 @!p0 $0x1C02  }
0x112: {  	[timem:s3], [sflag:s2] =	dma.local @!p0 [hbm:s0], s1  }
0x113: {  	s0 =	simm.s32 @!p0 $0x2  }
0x114: {  	_ =	swait.ge @!p0 [sflag:s0], s1  }
0x115: {  	s1 =	ssub.s32 @!p0 $0x0, s1;
	[sflag:s0] =	ssyncset.done @!p0 $0x0  }
0x116: {  	[sflag:s0] =	ssyncadd.s32 @!p0 s1  }
0x117: {  	[bflag:$0x3] =	sbarrier.arrive $0xFFFF  }
0x118: {  	_ =	shalt  }

</sc_bundles>
